<compile_context>
chip_gen: v7x
topology: tpu7x:2x2x1
jax: 0.10.2.dev20260603
libtpu: 0.0.44.dev20260713+nightly
codegen_flags: <defaults>
</compile_context>

<pallas_src>
import jax
import jax.numpy as jnp
from jax import lax
from jax.experimental import pallas as pl
from jax.experimental.pallas import tpu as pltpu
from jax.experimental.pallas import tpu_sc as plsc

_N = 100000
_D = 128
_B = 64
_G = 8

_L = 16
_NW = 32
_RPW = 3200
_TAIL = _N - (_NW - 1) * _RPW
_BR = 128
_BL = _BR * _G
_NB = _RPW // _BR
_DEPTH = 3


def _sc_body(gran_hbm, batch_hbm, state_hbm, pae_hbm, nac_hbm,
             batch_v, state_v, slab_r, pae_v, nac_v, *sems):
    cid = lax.axis_index("c")
    sid = lax.axis_index("s")
    wid = sid * 2 + cid
    base = wid * _RPW
    is_tail = wid == _NW - 1

    pltpu.sync_copy(state_hbm, state_v)

    @pl.when(jnp.logical_not(is_tail))
    def _():
        pltpu.sync_copy(batch_hbm.at[pl.ds(base, _RPW)], batch_v)

    @pl.when(is_tail)
    def _():
        pltpu.sync_copy(batch_hbm.at[pl.ds(base, _TAIL)],
                        batch_v.at[pl.ds(0, _TAIL)])

    def fire(g):
        slot = g % _DEPTH
        src = jnp.minimum((base + g * _BR) * _G, _N * _G - _BL)
        return pltpu.async_copy(gran_hbm.at[pl.ds(src, _BL)],
                                slab_r.at[slot], sems[slot])

    def consume(g, h):
        slot = g % _DEPTH
        h.wait()
        delta = (base + g * _BR) * _G - jnp.minimum(
            (base + g * _BR) * _G, _N * _G - _BL)

        def extract(k, carry):
            lanes = lax.broadcasted_iota(jnp.int32, (_L,), 0)
            r_ib = k * _L + lanes
            r_loc = g * _BR + r_ib
            line = jnp.minimum(r_ib * _G + delta, _BL - _G)
            b = jnp.clip(batch_v[pl.ds(g * _BR + k * _L, _L)], 0, _B - 1)
            c = plsc.load_gather(state_v, [b])
            pae_v[pl.ds(g * _BR + k * _L, _L)] = plsc.load_gather(
                slab_r.at[slot], [line + (c >> 4), c & (_L - 1)])
            for j in range(3):
                vj = plsc.load_gather(slab_r.at[slot],
                                      [line, lanes * 0 + (2 + j)])
                plsc.store_scatter(nac_v, [r_loc, lanes * 0 + j], vj)
            return carry

        lax.fori_loop(0, _BR // _L, extract, 0)

    inflight = []
    for g in range(_NB):
        inflight.append(fire(g))
        if g >= _DEPTH - 1:
            gc = g - (_DEPTH - 1)
            consume(gc, inflight[gc])
    for gc in range(_NB - _DEPTH + 1, _NB):
        consume(gc, inflight[gc])

    @pl.when(jnp.logical_not(is_tail))
    def _():
        pltpu.sync_copy(pae_v, pae_hbm.at[pl.ds(base, _RPW)])
        pltpu.sync_copy(nac_v, nac_hbm.at[pl.ds(base, _RPW), :])

    @pl.when(is_tail)
    def _():
        pltpu.sync_copy(pae_v.at[pl.ds(0, _TAIL)],
                        pae_hbm.at[pl.ds(base, _TAIL)])
        pltpu.sync_copy(nac_v.at[pl.ds(0, _TAIL), :],
                        nac_hbm.at[pl.ds(base, _TAIL), :])


def _make_sc_call():
    mesh = plsc.VectorSubcoreMesh(core_axis_name="c", subcore_axis_name="s")
    return pl.kernel(
        _sc_body,
        mesh=mesh,
        compiler_params=pltpu.CompilerParams(
            needs_layout_passes=False, use_tc_tiling_on_sc=False,
            skip_device_barrier=True, disable_bounds_checks=True,
            disable_semaphore_checks=True),
        out_type=(
            jax.ShapeDtypeStruct((_N,), jnp.float32),
            jax.ShapeDtypeStruct((_N, 3), jnp.float32),
        ),
        scratch_types=[
            pltpu.VMEM((_RPW,), jnp.int32),
            pltpu.VMEM((128,), jnp.int32),
            pltpu.VMEM((_DEPTH, _BL, _L), jnp.float32),
            pltpu.VMEM((_RPW,), jnp.float32),
            pltpu.VMEM((_RPW, 3), jnp.float32),
        ] + [pltpu.SemaphoreType.DMA] * _DEPTH,
    )


def kernel(node_features, batch, state):
    gran = node_features.reshape(_N * _G, _L)
    batch_i = batch.astype(jnp.int32)
    state_pad = jnp.concatenate(
        [state.astype(jnp.int32), jnp.zeros((128 - _B,), jnp.int32)])
    pae, nac = _make_sc_call()(gran, batch_i, state_pad)
    return (pae.reshape(_N, 1), nac)

# --- scband reference (transcript-rebuilt; emitter-appended) ---
"""Pipeline reference for scband-nacprocessor-39092792328355 (READ-ONLY COPY).

The authoritative reference and input builder live on the scoring server;
editing this copy changes nothing except your own understanding.
"""

import jax, jax.numpy as jnp
import numpy as np

N = 100000
D = 128
B = 64

def setup_inputs(seed: int = 0) -> dict:
    key = jax.random.key(seed)
    k1, k2, k3 = jax.random.split(key, 3)
    node_features = jax.random.normal(k1, (N, D), dtype=jnp.float32)
    batch = jnp.sort(jax.random.randint(k2, (N,), 0, B, dtype=jnp.int64))
    state = jax.random.randint(k3, (B,), 0, D, dtype=jnp.int64)
    return {"node_features": node_features, "batch": batch, "state": state}

def reference(node_features, batch, state):
    # state_idx = torch.index_select(state, 0, batch)
    state_idx = jnp.take(state, batch, axis=0)
    # per_atom_energy = torch.gather(features, -1, state_idx.unsqueeze(-1))
    per_atom_energy = jnp.take_along_axis(node_features, state_idx[:, None], axis=-1)
    # nac = torch.narrow(features, -1, 2, 3)
    nac = jax.lax.dynamic_slice_in_dim(node_features, 2, 3, axis=-1)
    return (per_atom_energy, nac)

if __name__ == "__main__":
    import jax
    _d = setup_inputs()
    print(jax.jit(kernel)(*tuple(_d.values())))

</pallas_src>

<mosaic_0001>
#map = affine_map<(d0, d1) -> (0, 0)>
#map1 = affine_map<(d0, d1) -> (0)>
module attributes {stable_mosaic.version = 14 : i64} {
  func.func @_sc_body(%arg0: i32, %arg1: i32, %arg2: memref<800000x16xf32, #tpu.memory_space<hbm>>, %arg3: memref<100000xi32, #tpu.memory_space<hbm>>, %arg4: memref<128xi32, #tpu.memory_space<hbm>>, %arg5: memref<100000xf32, #tpu.memory_space<hbm>>, %arg6: memref<100000x3xf32, #tpu.memory_space<hbm>>, %arg7: memref<3200xi32, #tpu.memory_space<vmem>>, %arg8: memref<128xi32, #tpu.memory_space<vmem>>, %arg9: memref<3x1024x16xf32, #tpu.memory_space<vmem>>, %arg10: memref<3200xf32, #tpu.memory_space<vmem>>, %arg11: memref<3200x3xf32, #tpu.memory_space<vmem>>, %arg12: memref<!tpu.dma_semaphore, #tpu.memory_space<semaphore_mem>>, %arg13: memref<!tpu.dma_semaphore, #tpu.memory_space<semaphore_mem>>, %arg14: memref<!tpu.dma_semaphore, #tpu.memory_space<semaphore_mem>>) attributes {dimension_semantics = [#tpu.dimension_semantics<core_parallel>, #tpu.dimension_semantics<subcore_parallel>], iteration_bounds = array<i64: 2, 16>, scalar_prefetch = 0 : i64, scratch_operands = 8 : i64, tpu.core_type = #tpu.core_type<sc_vector_subcore>, window_params = [{transform_indices = #map}, {transform_indices = #map1}, {transform_indices = #map1}, {transform_indices = #map1}, {transform_indices = #map}]} {
    %mul3A = arith.constant 2 : i32
    %mul3A_0 = arith.muli %arg1, %mul3A : i32
    %add3A = arith.addi %mul3A_0, %arg0 : i32
    %mul3A_1 = arith.constant 3200 : i32
    %mul3A_2 = arith.muli %add3A, %mul3A_1 : i32
    %eq3A = arith.constant 31 : i32
    %eq3A_3 = arith.cmpi eq, %add3A, %eq3A : i32
    "tpu.region"() ({
      %run_scoped3A = tpu.sem_alloc : memref<!tpu.dma_semaphore, #tpu.memory_space<semaphore_mem>>
      tpu.enqueue_dma source(%arg4 : memref<128xi32, #tpu.memory_space<hbm>>) target(%arg8 : memref<128xi32, #tpu.memory_space<vmem>>) target_semaphore(%run_scoped3A : memref<!tpu.dma_semaphore, #tpu.memory_space<semaphore_mem>>)
      tpu.wait_dma2 semaphore(%run_scoped3A : memref<!tpu.dma_semaphore, #tpu.memory_space<semaphore_mem>>) src(%arg4 : memref<128xi32, #tpu.memory_space<hbm>>) dst(%arg8 : memref<128xi32, #tpu.memory_space<vmem>>)
      tpu.yield
    }) : () -> ()
    %not3A = arith.constant true
    %not3A_4 = arith.xori %eq3A_3, %not3A : i1
    %convert_element_type3A = arith.extui %not3A_4 : i1 to i32
    %cond3A = arith.constant 0 : i32
    %cond3A_5 = arith.cmpi ne, %convert_element_type3A, %cond3A : i32
    scf.if %cond3A_5 {
      "tpu.region"() ({
        %run_scoped3A = tpu.sem_alloc : memref<!tpu.dma_semaphore, #tpu.memory_space<semaphore_mem>>
        %dma_start3A_1237 = tpu.memref_slice %arg3[%mul3A_2] : memref<100000xi32, #tpu.memory_space<hbm>> -> memref<3200xi32, #tpu.memory_space<hbm>>
        %dma_start3A_1238 = tpu.memref_slice %arg3[%mul3A_2] : memref<100000xi32, #tpu.memory_space<hbm>> -> memref<3200xi32, #tpu.memory_space<hbm>>
        tpu.enqueue_dma source(%dma_start3A_1238 : memref<3200xi32, #tpu.memory_space<hbm>>) target(%arg7 : memref<3200xi32, #tpu.memory_space<vmem>>) target_semaphore(%run_scoped3A : memref<!tpu.dma_semaphore, #tpu.memory_space<semaphore_mem>>)
        %dma_wait3A_1239 = tpu.memref_slice %arg3[%mul3A_2] : memref<100000xi32, #tpu.memory_space<hbm>> -> memref<3200xi32, #tpu.memory_space<hbm>>
        %dma_wait3A_1240 = tpu.memref_slice %arg3[%mul3A_2] : memref<100000xi32, #tpu.memory_space<hbm>> -> memref<3200xi32, #tpu.memory_space<hbm>>
        tpu.wait_dma2 semaphore(%run_scoped3A : memref<!tpu.dma_semaphore, #tpu.memory_space<semaphore_mem>>) src(%dma_wait3A_1240 : memref<3200xi32, #tpu.memory_space<hbm>>) dst(%arg7 : memref<3200xi32, #tpu.memory_space<vmem>>)
        tpu.yield
      }) : () -> ()
    } else {
    }
    %convert_element_type3A_6 = arith.extui %eq3A_3 : i1 to i32
    %cond3A_7 = arith.constant 0 : i32
    %cond3A_8 = arith.cmpi ne, %convert_element_type3A_6, %cond3A_7 : i32
    scf.if %cond3A_8 {
      "tpu.region"() ({
        %run_scoped3A = tpu.sem_alloc : memref<!tpu.dma_semaphore, #tpu.memory_space<semaphore_mem>>
        %dma_start3A_1237 = arith.constant 0 : i32
        %dma_start3A_1238 = tpu.memref_slice %arg7[%dma_start3A_1237] : memref<3200xi32, #tpu.memory_space<vmem>> -> memref<800xi32, #tpu.memory_space<vmem>>
        %dma_start3A_1239 = tpu.memref_slice %arg3[%mul3A_2] : memref<100000xi32, #tpu.memory_space<hbm>> -> memref<800xi32, #tpu.memory_space<hbm>>
        %dma_start3A_1240 = arith.constant 0 : i32
        %dma_start3A_1241 = tpu.memref_slice %arg7[%dma_start3A_1240] : memref<3200xi32, #tpu.memory_space<vmem>> -> memref<800xi32, #tpu.memory_space<vmem>>
        %dma_start3A_1242 = tpu.memref_slice %arg3[%mul3A_2] : memref<100000xi32, #tpu.memory_space<hbm>> -> memref<800xi32, #tpu.memory_space<hbm>>
        tpu.enqueue_dma source(%dma_start3A_1242 : memref<800xi32, #tpu.memory_space<hbm>>) target(%dma_start3A_1241 : memref<800xi32, #tpu.memory_space<vmem>>) target_semaphore(%run_scoped3A : memref<!tpu.dma_semaphore, #tpu.memory_space<semaphore_mem>>)
        %dma_wait3A_1243 = arith.constant 0 : i32
        %dma_wait3A_1244 = tpu.memref_slice %arg7[%dma_wait3A_1243] : memref<3200xi32, #tpu.memory_space<vmem>> -> memref<800xi32, #tpu.memory_space<vmem>>
        %dma_wait3A_1245 = tpu.memref_slice %arg3[%mul3A_2] : memref<100000xi32, #tpu.memory_space<hbm>> -> memref<800xi32, #tpu.memory_space<hbm>>
        %dma_wait3A_1246 = arith.constant 0 : i32
        %dma_wait3A_1247 = tpu.memref_slice %arg7[%dma_wait3A_1246] : memref<3200xi32, #tpu.memory_space<vmem>> -> memref<800xi32, #tpu.memory_space<vmem>>
        %dma_wait3A_1248 = tpu.memref_slice %arg3[%mul3A_2] : memref<100000xi32, #tpu.memory_space<hbm>> -> memref<800xi32, #tpu.memory_space<hbm>>
        tpu.wait_dma2 semaphore(%run_scoped3A : memref<!tpu.dma_semaphore, #tpu.memory_space<semaphore_mem>>) src(%dma_wait3A_1248 : memref<800xi32, #tpu.memory_space<hbm>>) dst(%dma_wait3A_1247 : memref<800xi32, #tpu.memory_space<vmem>>)
        tpu.yield
      }) : () -> ()
    } else {
    }
    %add3A_9 = arith.constant 0 : i32
    %add3A_10 = arith.addi %mul3A_2, %add3A_9 : i32
    %mul3A_11 = arith.constant 8 : i32
    %mul3A_12 = arith.muli %add3A_10, %mul3A_11 : i32
    %min3A = arith.constant 798976 : i32
    %min3A_13 = arith.minsi %mul3A_12, %min3A : i32
    %dma_start3A = arith.constant 0 : i32
    %dma_start3A_14 = arith.constant 0 : i32
    %dma_start3A_15 = arith.constant 0 : i32
    %dma_start3A_16 = tpu.memref_slice %arg9[%dma_start3A, %dma_start3A_14, %dma_start3A_15] : memref<3x1024x16xf32, #tpu.memory_space<vmem>> -> memref<1x1024x16xf32, #tpu.memory_space<vmem>>
    %dma_start3A_17 = tpu.memref_squeeze %dma_start3A_16 : memref<1x1024x16xf32, #tpu.memory_space<vmem>> -> memref<1024x16xf32, #tpu.memory_space<vmem>>
    %dma_start3A_18 = arith.constant 0 : i32
    %dma_start3A_19 = tpu.memref_slice %arg2[%min3A_13, %dma_start3A_18] : memref<800000x16xf32, #tpu.memory_space<hbm>> -> memref<1024x16xf32, #tpu.memory_space<hbm>>
    %dma_start3A_20 = arith.constant 0 : i32
    %dma_start3A_21 = arith.constant 0 : i32
    %dma_start3A_22 = tpu.memref_slice %arg9[%dma_start3A, %dma_start3A_20, %dma_start3A_21] : memref<3x1024x16xf32, #tpu.memory_space<vmem>> -> memref<1x1024x16xf32, #tpu.memory_space<vmem>>
    %dma_start3A_23 = tpu.memref_squeeze %dma_start3A_22 : memref<1x1024x16xf32, #tpu.memory_space<vmem>> -> memref<1024x16xf32, #tpu.memory_space<vmem>>
    %dma_start3A_24 = arith.constant 0 : i32
    %dma_start3A_25 = tpu.memref_slice %arg2[%min3A_13, %dma_start3A_24] : memref<800000x16xf32, #tpu.memory_space<hbm>> -> memref<1024x16xf32, #tpu.memory_space<hbm>>
    tpu.enqueue_dma source(%dma_start3A_25 : memref<1024x16xf32, #tpu.memory_space<hbm>>) target(%dma_start3A_23 : memref<1024x16xf32, #tpu.memory_space<vmem>>) target_semaphore(%arg12 : memref<!tpu.dma_semaphore, #tpu.memory_space<semaphore_mem>>)
    %add3A_26 = arith.constant 128 : i32
    %add3A_27 = arith.addi %mul3A_2, %add3A_26 : i32
    %mul3A_28 = arith.constant 8 : i32
    %mul3A_29 = arith.muli %add3A_27, %mul3A_28 : i32
    %min3A_30 = arith.constant 798976 : i32
    %min3A_31 = arith.minsi %mul3A_29, %min3A_30 : i32
    %dma_start3A_32 = arith.constant 1 : i32
    %dma_start3A_33 = arith.constant 0 : i32
    %dma_start3A_34 = arith.constant 0 : i32
    %dma_start3A_35 = tpu.memref_slice %arg9[%dma_start3A_32, %dma_start3A_33, %dma_start3A_34] : memref<3x1024x16xf32, #tpu.memory_space<vmem>> -> memref<1x1024x16xf32, #tpu.memory_space<vmem>>
    %dma_start3A_36 = tpu.memref_squeeze %dma_start3A_35 : memref<1x1024x16xf32, #tpu.memory_space<vmem>> -> memref<1024x16xf32, #tpu.memory_space<vmem>>
    %dma_start3A_37 = arith.constant 0 : i32
    %dma_start3A_38 = tpu.memref_slice %arg2[%min3A_31, %dma_start3A_37] : memref<800000x16xf32, #tpu.memory_space<hbm>> -> memref<1024x16xf32, #tpu.memory_space<hbm>>
    %dma_start3A_39 = arith.constant 0 : i32
    %dma_start3A_40 = arith.constant 0 : i32
    %dma_start3A_41 = tpu.memref_slice %arg9[%dma_start3A_32, %dma_start3A_39, %dma_start3A_40] : memref<3x1024x16xf32, #tpu.memory_space<vmem>> -> memref<1x1024x16xf32, #tpu.memory_space<vmem>>
    %dma_start3A_42 = tpu.memref_squeeze %dma_start3A_41 : memref<1x1024x16xf32, #tpu.memory_space<vmem>> -> memref<1024x16xf32, #tpu.memory_space<vmem>>
    %dma_start3A_43 = arith.constant 0 : i32
    %dma_start3A_44 = tpu.memref_slice %arg2[%min3A_31, %dma_start3A_43] : memref<800000x16xf32, #tpu.memory_space<hbm>> -> memref<1024x16xf32, #tpu.memory_space<hbm>>
    tpu.enqueue_dma source(%dma_start3A_44 : memref<1024x16xf32, #tpu.memory_space<hbm>>) target(%dma_start3A_42 : memref<1024x16xf32, #tpu.memory_space<vmem>>) target_semaphore(%arg13 : memref<!tpu.dma_semaphore, #tpu.memory_space<semaphore_mem>>)
    %add3A_45 = arith.constant 256 : i32
    %add3A_46 = arith.addi %mul3A_2, %add3A_45 : i32
    %mul3A_47 = arith.constant 8 : i32
    %mul3A_48 = arith.muli %add3A_46, %mul3A_47 : i32
    %min3A_49 = arith.constant 798976 : i32
    %min3A_50 = arith.minsi %mul3A_48, %min3A_49 : i32
    %dma_start3A_51 = arith.constant 2 : i32
    %dma_start3A_52 = arith.constant 0 : i32
    %dma_start3A_53 = arith.constant 0 : i32
    %dma_start3A_54 = tpu.memref_slice %arg9[%dma_start3A_51, %dma_start3A_52, %dma_start3A_53] : memref<3x1024x16xf32, #tpu.memory_space<vmem>> -> memref<1x1024x16xf32, #tpu.memory_space<vmem>>
    %dma_start3A_55 = tpu.memref_squeeze %dma_start3A_54 : memref<1x1024x16xf32, #tpu.memory_space<vmem>> -> memref<1024x16xf32, #tpu.memory_space<vmem>>
    %dma_start3A_56 = arith.constant 0 : i32
    %dma_start3A_57 = tpu.memref_slice %arg2[%min3A_50, %dma_start3A_56] : memref<800000x16xf32, #tpu.memory_space<hbm>> -> memref<1024x16xf32, #tpu.memory_space<hbm>>
    %dma_start3A_58 = arith.constant 0 : i32
    %dma_start3A_59 = arith.constant 0 : i32
    %dma_start3A_60 = tpu.memref_slice %arg9[%dma_start3A_51, %dma_start3A_58, %dma_start3A_59] : memref<3x1024x16xf32, #tpu.memory_space<vmem>> -> memref<1x1024x16xf32, #tpu.memory_space<vmem>>
    %dma_start3A_61 = tpu.memref_squeeze %dma_start3A_60 : memref<1x1024x16xf32, #tpu.memory_space<vmem>> -> memref<1024x16xf32, #tpu.memory_space<vmem>>
    %dma_start3A_62 = arith.constant 0 : i32
    %dma_start3A_63 = tpu.memref_slice %arg2[%min3A_50, %dma_start3A_62] : memref<800000x16xf32, #tpu.memory_space<hbm>> -> memref<1024x16xf32, #tpu.memory_space<hbm>>
    tpu.enqueue_dma source(%dma_start3A_63 : memref<1024x16xf32, #tpu.memory_space<hbm>>) target(%dma_start3A_61 : memref<1024x16xf32, #tpu.memory_space<vmem>>) target_semaphore(%arg14 : memref<!tpu.dma_semaphore, #tpu.memory_space<semaphore_mem>>)
    %dma_wait3A = arith.constant 0 : i32
    %dma_wait3A_64 = arith.constant 0 : i32
    %dma_wait3A_65 = arith.constant 0 : i32
    %dma_wait3A_66 = tpu.memref_slice %arg9[%dma_wait3A, %dma_wait3A_64, %dma_wait3A_65] : memref<3x1024x16xf32, #tpu.memory_space<vmem>> -> memref<1x1024x16xf32, #tpu.memory_space<vmem>>
    %dma_wait3A_67 = tpu.memref_squeeze %dma_wait3A_66 : memref<1x1024x16xf32, #tpu.memory_space<vmem>> -> memref<1024x16xf32, #tpu.memory_space<vmem>>
    %dma_wait3A_68 = arith.constant 0 : i32
    %dma_wait3A_69 = tpu.memref_slice %arg2[%min3A_13, %dma_wait3A_68] : memref<800000x16xf32, #tpu.memory_space<hbm>> -> memref<1024x16xf32, #tpu.memory_space<hbm>>
    %dma_wait3A_70 = arith.constant 0 : i32
    %dma_wait3A_71 = arith.constant 0 : i32
    %dma_wait3A_72 = tpu.memref_slice %arg9[%dma_wait3A, %dma_wait3A_70, %dma_wait3A_71] : memref<3x1024x16xf32, #tpu.memory_space<vmem>> -> memref<1x1024x16xf32, #tpu.memory_space<vmem>>
    %dma_wait3A_73 = tpu.memref_squeeze %dma_wait3A_72 : memref<1x1024x16xf32, #tpu.memory_space<vmem>> -> memref<1024x16xf32, #tpu.memory_space<vmem>>
    %dma_wait3A_74 = arith.constant 0 : i32
    %dma_wait3A_75 = tpu.memref_slice %arg2[%min3A_13, %dma_wait3A_74] : memref<800000x16xf32, #tpu.memory_space<hbm>> -> memref<1024x16xf32, #tpu.memory_space<hbm>>
    tpu.wait_dma2 semaphore(%arg12 : memref<!tpu.dma_semaphore, #tpu.memory_space<semaphore_mem>>) src(%dma_wait3A_75 : memref<1024x16xf32, #tpu.memory_space<hbm>>) dst(%dma_wait3A_73 : memref<1024x16xf32, #tpu.memory_space<vmem>>)
    %add3A_76 = arith.constant 0 : i32
    %add3A_77 = arith.addi %mul3A_2, %add3A_76 : i32
    %mul3A_78 = arith.constant 8 : i32
    %mul3A_79 = arith.muli %add3A_77, %mul3A_78 : i32
    %add3A_80 = arith.constant 0 : i32
    %add3A_81 = arith.addi %mul3A_2, %add3A_80 : i32
    %mul3A_82 = arith.constant 8 : i32
    %mul3A_83 = arith.muli %add3A_81, %mul3A_82 : i32
    %min3A_84 = arith.constant 798976 : i32
    %min3A_85 = arith.minsi %mul3A_83, %min3A_84 : i32
    %sub3A = arith.subi %mul3A_79, %min3A_85 : i32
    %scan3A = arith.constant 0 : i32
    %scan3A_86 = arith.constant 0 : i32
    %scan3A_87 = arith.constant 8 : i32
    %scan3A_88 = arith.addi %scan3A_86, %scan3A_87 : i32
    %scan3A_89 = arith.constant 1 : i32
    scf.for %scan3A_1237 = %scan3A_86 to %scan3A_88 step %scan3A_89  : i32 {
      %iota3A = tpu.iota {dimensions = array<i32: 0>} : vector<16xi32>
      %mul3A_1238 = arith.constant 16 : i32
      %mul3A_1239 = arith.muli %scan3A_1237, %mul3A_1238 : i32
      %add3A_1240 = vector.broadcast %mul3A_1239 : i32 to vector<16xi32>
      %add3A_1241 = arith.addi %add3A_1240, %iota3A : vector<16xi32>
      %add3A_1242 = arith.constant 0 : i32
      %add3A_1243 = vector.broadcast %add3A_1242 : i32 to vector<16xi32>
      %add3A_1244 = arith.addi %add3A_1243, %add3A_1241 : vector<16xi32>
      %mul3A_1245 = arith.constant 8 : i32
      %mul3A_1246 = vector.broadcast %mul3A_1245 : i32 to vector<16xi32>
      %mul3A_1247 = arith.muli %add3A_1241, %mul3A_1246 : vector<16xi32>
      %add3A_1248 = vector.broadcast %sub3A : i32 to vector<16xi32>
      %add3A_1249 = arith.addi %mul3A_1247, %add3A_1248 : vector<16xi32>
      %min3A_1250 = arith.constant 1016 : i32
      %min3A_1251 = vector.broadcast %min3A_1250 : i32 to vector<16xi32>
      %min3A_1252 = arith.minsi %add3A_1249, %min3A_1251 : vector<16xi32>
      %mul3A_1253 = arith.constant 16 : i32
      %mul3A_1254 = arith.muli %scan3A_1237, %mul3A_1253 : i32
      %add3A_1255 = arith.constant 0 : i32
      %add3A_1256 = arith.addi %add3A_1255, %mul3A_1254 : i32
      %get3A = arith.index_cast %add3A_1256 : i32 to index
      %get3A_1257 = tpu.vector_load %arg7[%get3A] {strides = array<i32>} : memref<3200xi32, #tpu.memory_space<vmem>>, vector<16xi32>,
      %jit3A = arith.constant 0 : i32
      %jit3A_1258 = arith.constant 63 : i32
      %max3A = vector.broadcast %jit3A : i32 to vector<16xi32>
      %max3A_1259 = arith.maxsi %max3A, %get3A_1257 : vector<16xi32>
      %min3A_1260 = vector.broadcast %jit3A_1258 : i32 to vector<16xi32>
      %min3A_1261 = arith.minsi %min3A_1260, %max3A_1259 : vector<16xi32>
      %gather3A = tpu.vector_load_idx %arg8[%min3A_1261] : memref<128xi32, #tpu.memory_space<vmem>>[vector<16xi32>], vector<16xi32>,
      %shift_right_arithmetic3A = arith.constant 4 : i32
      %shift_right_arithmetic3A_1262 = vector.broadcast %shift_right_arithmetic3A : i32 to vector<16xi32>
      %shift_right_arithmetic3A_1263 = arith.shrsi %gather3A, %shift_right_arithmetic3A_1262 : vector<16xi32>
      %add3A_1264 = arith.addi %min3A_1252, %shift_right_arithmetic3A_1263 : vector<16xi32>
      %and3A = arith.constant 15 : i32
      %and3A_1265 = vector.broadcast %and3A : i32 to vector<16xi32>
      %and3A_1266 = arith.andi %gather3A, %and3A_1265 : vector<16xi32>
      %gather3A_1267 = arith.constant 0 : i32
      %gather3A_1268 = arith.constant 0 : i32
      %gather3A_1269 = arith.constant 0 : i32
      %gather3A_1270 = tpu.memref_slice %arg9[%gather3A_1267, %gather3A_1268, %gather3A_1269] : memref<3x1024x16xf32, #tpu.memory_space<vmem>> -> memref<1x1024x16xf32, #tpu.memory_space<vmem>>
      %gather3A_1271 = tpu.memref_squeeze %gather3A_1270 : memref<1x1024x16xf32, #tpu.memory_space<vmem>> -> memref<1024x16xf32, #tpu.memory_space<vmem>>
      %gather3A_1272 = tpu.vector_load_idx %gather3A_1271[%add3A_1264, %and3A_1266] : memref<1024x16xf32, #tpu.memory_space<vmem>>[vector<16xi32>, vector<16xi32>], vector<16xf32>,
      %mul3A_1273 = arith.constant 16 : i32
      %mul3A_1274 = arith.muli %scan3A_1237, %mul3A_1273 : i32
      %add3A_1275 = arith.constant 0 : i32
      %add3A_1276 = arith.addi %add3A_1275, %mul3A_1274 : i32
      %swap3A = arith.index_cast %add3A_1276 : i32 to index
      %swap3A_1277 = tpu.vector_load %arg10[%swap3A] {strides = array<i32>} : memref<3200xf32, #tpu.memory_space<vmem>>, vector<16xf32>,
      tpu.vector_store %arg10[%swap3A], %gather3A_1272 {strides = array<i32>} : memref<3200xf32, #tpu.memory_space<vmem>>, vector<16xf32>,
      %mul3A_1278 = arith.constant 0 : i32
      %mul3A_1279 = vector.broadcast %mul3A_1278 : i32 to vector<16xi32>
      %mul3A_1280 = arith.muli %iota3A, %mul3A_1279 : vector<16xi32>
      %add3A_1281 = arith.constant 2 : i32
      %add3A_1282 = vector.broadcast %add3A_1281 : i32 to vector<16xi32>
      %add3A_1283 = arith.addi %mul3A_1280, %add3A_1282 : vector<16xi32>
      %gather3A_1284 = arith.constant 0 : i32
      %gather3A_1285 = arith.constant 0 : i32
      %gather3A_1286 = arith.constant 0 : i32
      %gather3A_1287 = tpu.memref_slice %arg9[%gather3A_1284, %gather3A_1285, %gather3A_1286] : memref<3x1024x16xf32, #tpu.memory_space<vmem>> -> memref<1x1024x16xf32, #tpu.memory_space<vmem>>
      %gather3A_1288 = tpu.memref_squeeze %gather3A_1287 : memref<1x1024x16xf32, #tpu.memory_space<vmem>> -> memref<1024x16xf32, #tpu.memory_space<vmem>>
      %gather3A_1289 = tpu.vector_load_idx %gather3A_1288[%min3A_1252, %add3A_1283] : memref<1024x16xf32, #tpu.memory_space<vmem>>[vector<16xi32>, vector<16xi32>], vector<16xf32>,
      %mul3A_1290 = arith.constant 0 : i32
      %mul3A_1291 = vector.broadcast %mul3A_1290 : i32 to vector<16xi32>
      %mul3A_1292 = arith.muli %iota3A, %mul3A_1291 : vector<16xi32>
      %add3A_1293 = arith.constant 0 : i32
      %add3A_1294 = vector.broadcast %add3A_1293 : i32 to vector<16xi32>
      %add3A_1295 = arith.addi %mul3A_1292, %add3A_1294 : vector<16xi32>
      tpu.vector_store_idx %arg11[%add3A_1244, %add3A_1295], %gather3A_1289 : memref<3200x3xf32, #tpu.memory_space<vmem>>[vector<16xi32>, vector<16xi32>], vector<16xf32>,
      %mul3A_1296 = arith.constant 0 : i32
      %mul3A_1297 = vector.broadcast %mul3A_1296 : i32 to vector<16xi32>
      %mul3A_1298 = arith.muli %iota3A, %mul3A_1297 : vector<16xi32>
      %add3A_1299 = arith.constant 3 : i32
      %add3A_1300 = vector.broadcast %add3A_1299 : i32 to vector<16xi32>
      %add3A_1301 = arith.addi %mul3A_1298, %add3A_1300 : vector<16xi32>
      %gather3A_1302 = arith.constant 0 : i32
      %gather3A_1303 = arith.constant 0 : i32
      %gather3A_1304 = arith.constant 0 : i32
      %gather3A_1305 = tpu.memref_slice %arg9[%gather3A_1302, %gather3A_1303, %gather3A_1304] : memref<3x1024x16xf32, #tpu.memory_space<vmem>> -> memref<1x1024x16xf32, #tpu.memory_space<vmem>>
      %gather3A_1306 = tpu.memref_squeeze %gather3A_1305 : memref<1x1024x16xf32, #tpu.memory_space<vmem>> -> memref<1024x16xf32, #tpu.memory_space<vmem>>
      %gather3A_1307 = tpu.vector_load_idx %gather3A_1306[%min3A_1252, %add3A_1301] : memref<1024x16xf32, #tpu.memory_space<vmem>>[vector<16xi32>, vector<16xi32>], vector<16xf32>,
      %mul3A_1308 = arith.constant 0 : i32
      %mul3A_1309 = vector.broadcast %mul3A_1308 : i32 to vector<16xi32>
      %mul3A_1310 = arith.muli %iota3A, %mul3A_1309 : vector<16xi32>
      %add3A_1311 = arith.constant 1 : i32
      %add3A_1312 = vector.broadcast %add3A_1311 : i32 to vector<16xi32>
      %add3A_1313 = arith.addi %mul3A_1310, %add3A_1312 : vector<16xi32>
      tpu.vector_store_idx %arg11[%add3A_1244, %add3A_1313], %gather3A_1307 : memref<3200x3xf32, #tpu.memory_space<vmem>>[vector<16xi32>, vector<16xi32>], vector<16xf32>,
      %mul3A_1314 = arith.constant 0 : i32
      %mul3A_1315 = vector.broadcast %mul3A_1314 : i32 to vector<16xi32>
      %mul3A_1316 = arith.muli %iota3A, %mul3A_1315 : vector<16xi32>
      %add3A_1317 = arith.constant 4 : i32
      %add3A_1318 = vector.broadcast %add3A_1317 : i32 to vector<16xi32>
      %add3A_1319 = arith.addi %mul3A_1316, %add3A_1318 : vector<16xi32>
      %gather3A_1320 = arith.constant 0 : i32
      %gather3A_1321 = arith.constant 0 : i32
      %gather3A_1322 = arith.constant 0 : i32
      %gather3A_1323 = tpu.memref_slice %arg9[%gather3A_1320, %gather3A_1321, %gather3A_1322] : memref<3x1024x16xf32, #tpu.memory_space<vmem>> -> memref<1x1024x16xf32, #tpu.memory_space<vmem>>
      %gather3A_1324 = tpu.memref_squeeze %gather3A_1323 : memref<1x1024x16xf32, #tpu.memory_space<vmem>> -> memref<1024x16xf32, #tpu.memory_space<vmem>>
      %gather3A_1325 = tpu.vector_load_idx %gather3A_1324[%min3A_1252, %add3A_1319] : memref<1024x16xf32, #tpu.memory_space<vmem>>[vector<16xi32>, vector<16xi32>], vector<16xf32>,
      %mul3A_1326 = arith.constant 0 : i32
      %mul3A_1327 = vector.broadcast %mul3A_1326 : i32 to vector<16xi32>
      %mul3A_1328 = arith.muli %iota3A, %mul3A_1327 : vector<16xi32>
      %add3A_1329 = arith.constant 2 : i32
      %add3A_1330 = vector.broadcast %add3A_1329 : i32 to vector<16xi32>
      %add3A_1331 = arith.addi %mul3A_1328, %add3A_1330 : vector<16xi32>
      tpu.vector_store_idx %arg11[%add3A_1244, %add3A_1331], %gather3A_1325 : memref<3200x3xf32, #tpu.memory_space<vmem>>[vector<16xi32>, vector<16xi32>], vector<16xf32>,
    }
    %scan3A_90 = arith.constant 8 : i32
    %add3A_91 = arith.constant 384 : i32
    %add3A_92 = arith.addi %mul3A_2, %add3A_91 : i32
    %mul3A_93 = arith.constant 8 : i32
    %mul3A_94 = arith.muli %add3A_92, %mul3A_93 : i32
    %min3A_95 = arith.constant 798976 : i32
    %min3A_96 = arith.minsi %mul3A_94, %min3A_95 : i32
    %dma_start3A_97 = arith.constant 0 : i32
    %dma_start3A_98 = arith.constant 0 : i32
    %dma_start3A_99 = arith.constant 0 : i32
    %dma_start3A_100 = tpu.memref_slice %arg9[%dma_start3A_97, %dma_start3A_98, %dma_start3A_99] : memref<3x1024x16xf32, #tpu.memory_space<vmem>> -> memref<1x1024x16xf32, #tpu.memory_space<vmem>>
    %dma_start3A_101 = tpu.memref_squeeze %dma_start3A_100 : memref<1x1024x16xf32, #tpu.memory_space<vmem>> -> memref<1024x16xf32, #tpu.memory_space<vmem>>
    %dma_start3A_102 = arith.constant 0 : i32
    %dma_start3A_103 = tpu.memref_slice %arg2[%min3A_96, %dma_start3A_102] : memref<800000x16xf32, #tpu.memory_space<hbm>> -> memref<1024x16xf32, #tpu.memory_space<hbm>>
    %dma_start3A_104 = arith.constant 0 : i32
    %dma_start3A_105 = arith.constant 0 : i32
    %dma_start3A_106 = tpu.memref_slice %arg9[%dma_start3A_97, %dma_start3A_104, %dma_start3A_105] : memref<3x1024x16xf32, #tpu.memory_space<vmem>> -> memref<1x1024x16xf32, #tpu.memory_space<vmem>>
    %dma_start3A_107 = tpu.memref_squeeze %dma_start3A_106 : memref<1x1024x16xf32, #tpu.memory_space<vmem>> -> memref<1024x16xf32, #tpu.memory_space<vmem>>
    %dma_start3A_108 = arith.constant 0 : i32
    %dma_start3A_109 = tpu.memref_slice %arg2[%min3A_96, %dma_start3A_108] : memref<800000x16xf32, #tpu.memory_space<hbm>> -> memref<1024x16xf32, #tpu.memory_space<hbm>>
    tpu.enqueue_dma source(%dma_start3A_109 : memref<1024x16xf32, #tpu.memory_space<hbm>>) target(%dma_start3A_107 : memref<1024x16xf32, #tpu.memory_space<vmem>>) target_semaphore(%arg12 : memref<!tpu.dma_semaphore, #tpu.memory_space<semaphore_mem>>)
    %dma_wait3A_110 = arith.constant 1 : i32
    %dma_wait3A_111 = arith.constant 0 : i32
    %dma_wait3A_112 = arith.constant 0 : i32
    %dma_wait3A_113 = tpu.memref_slice %arg9[%dma_wait3A_110, %dma_wait3A_111, %dma_wait3A_112] : memref<3x1024x16xf32, #tpu.memory_space<vmem>> -> memref<1x1024x16xf32, #tpu.memory_space<vmem>>
    %dma_wait3A_114 = tpu.memref_squeeze %dma_wait3A_113 : memref<1x1024x16xf32, #tpu.memory_space<vmem>> -> memref<1024x16xf32, #tpu.memory_space<vmem>>
    %dma_wait3A_115 = arith.constant 0 : i32
    %dma_wait3A_116 = tpu.memref_slice %arg2[%min3A_31, %dma_wait3A_115] : memref<800000x16xf32, #tpu.memory_space<hbm>> -> memref<1024x16xf32, #tpu.memory_space<hbm>>
    %dma_wait3A_117 = arith.constant 0 : i32
    %dma_wait3A_118 = arith.constant 0 : i32
    %dma_wait3A_119 = tpu.memref_slice %arg9[%dma_wait3A_110, %dma_wait3A_117, %dma_wait3A_118] : memref<3x1024x16xf32, #tpu.memory_space<vmem>> -> memref<1x1024x16xf32, #tpu.memory_space<vmem>>
    %dma_wait3A_120 = tpu.memref_squeeze %dma_wait3A_119 : memref<1x1024x16xf32, #tpu.memory_space<vmem>> -> memref<1024x16xf32, #tpu.memory_space<vmem>>
    %dma_wait3A_121 = arith.constant 0 : i32
    %dma_wait3A_122 = tpu.memref_slice %arg2[%min3A_31, %dma_wait3A_121] : memref<800000x16xf32, #tpu.memory_space<hbm>> -> memref<1024x16xf32, #tpu.memory_space<hbm>>
    tpu.wait_dma2 semaphore(%arg13 : memref<!tpu.dma_semaphore, #tpu.memory_space<semaphore_mem>>) src(%dma_wait3A_122 : memref<1024x16xf32, #tpu.memory_space<hbm>>) dst(%dma_wait3A_120 : memref<1024x16xf32, #tpu.memory_space<vmem>>)
    %add3A_123 = arith.constant 128 : i32
    %add3A_124 = arith.addi %mul3A_2, %add3A_123 : i32
    %mul3A_125 = arith.constant 8 : i32
    %mul3A_126 = arith.muli %add3A_124, %mul3A_125 : i32
    %add3A_127 = arith.constant 128 : i32
    %add3A_128 = arith.addi %mul3A_2, %add3A_127 : i32
    %mul3A_129 = arith.constant 8 : i32
    %mul3A_130 = arith.muli %add3A_128, %mul3A_129 : i32
    %min3A_131 = arith.constant 798976 : i32
    %min3A_132 = arith.minsi %mul3A_130, %min3A_131 : i32
    %sub3A_133 = arith.subi %mul3A_126, %min3A_132 : i32
    %scan3A_134 = arith.constant 0 : i32
    %scan3A_135 = arith.constant 0 : i32
    %scan3A_136 = arith.constant 8 : i32
    %scan3A_137 = arith.addi %scan3A_135, %scan3A_136 : i32
    %scan3A_138 = arith.constant 1 : i32
    scf.for %scan3A_1237 = %scan3A_135 to %scan3A_137 step %scan3A_138  : i32 {
      %iota3A = tpu.iota {dimensions = array<i32: 0>} : vector<16xi32>
      %mul3A_1238 = arith.constant 16 : i32
      %mul3A_1239 = arith.muli %scan3A_1237, %mul3A_1238 : i32
      %add3A_1240 = vector.broadcast %mul3A_1239 : i32 to vector<16xi32>
      %add3A_1241 = arith.addi %add3A_1240, %iota3A : vector<16xi32>
      %add3A_1242 = arith.constant 128 : i32
      %add3A_1243 = vector.broadcast %add3A_1242 : i32 to vector<16xi32>
      %add3A_1244 = arith.addi %add3A_1243, %add3A_1241 : vector<16xi32>
      %mul3A_1245 = arith.constant 8 : i32
      %mul3A_1246 = vector.broadcast %mul3A_1245 : i32 to vector<16xi32>
      %mul3A_1247 = arith.muli %add3A_1241, %mul3A_1246 : vector<16xi32>
      %add3A_1248 = vector.broadcast %sub3A_133 : i32 to vector<16xi32>
      %add3A_1249 = arith.addi %mul3A_1247, %add3A_1248 : vector<16xi32>
      %min3A_1250 = arith.constant 1016 : i32
      %min3A_1251 = vector.broadcast %min3A_1250 : i32 to vector<16xi32>
      %min3A_1252 = arith.minsi %add3A_1249, %min3A_1251 : vector<16xi32>
      %mul3A_1253 = arith.constant 16 : i32
      %mul3A_1254 = arith.muli %scan3A_1237, %mul3A_1253 : i32
      %add3A_1255 = arith.constant 128 : i32
      %add3A_1256 = arith.addi %add3A_1255, %mul3A_1254 : i32
      %get3A = arith.index_cast %add3A_1256 : i32 to index
      %get3A_1257 = tpu.vector_load %arg7[%get3A] {strides = array<i32>} : memref<3200xi32, #tpu.memory_space<vmem>>, vector<16xi32>,
      %jit3A = arith.constant 0 : i32
      %jit3A_1258 = arith.constant 63 : i32
      %max3A = vector.broadcast %jit3A : i32 to vector<16xi32>
      %max3A_1259 = arith.maxsi %max3A, %get3A_1257 : vector<16xi32>
      %min3A_1260 = vector.broadcast %jit3A_1258 : i32 to vector<16xi32>
      %min3A_1261 = arith.minsi %min3A_1260, %max3A_1259 : vector<16xi32>
      %gather3A = tpu.vector_load_idx %arg8[%min3A_1261] : memref<128xi32, #tpu.memory_space<vmem>>[vector<16xi32>], vector<16xi32>,
      %shift_right_arithmetic3A = arith.constant 4 : i32
      %shift_right_arithmetic3A_1262 = vector.broadcast %shift_right_arithmetic3A : i32 to vector<16xi32>
      %shift_right_arithmetic3A_1263 = arith.shrsi %gather3A, %shift_right_arithmetic3A_1262 : vector<16xi32>
      %add3A_1264 = arith.addi %min3A_1252, %shift_right_arithmetic3A_1263 : vector<16xi32>
      %and3A = arith.constant 15 : i32
      %and3A_1265 = vector.broadcast %and3A : i32 to vector<16xi32>
      %and3A_1266 = arith.andi %gather3A, %and3A_1265 : vector<16xi32>
      %gather3A_1267 = arith.constant 1 : i32
      %gather3A_1268 = arith.constant 0 : i32
      %gather3A_1269 = arith.constant 0 : i32
      %gather3A_1270 = tpu.memref_slice %arg9[%gather3A_1267, %gather3A_1268, %gather3A_1269] : memref<3x1024x16xf32, #tpu.memory_space<vmem>> -> memref<1x1024x16xf32, #tpu.memory_space<vmem>>
      %gather3A_1271 = tpu.memref_squeeze %gather3A_1270 : memref<1x1024x16xf32, #tpu.memory_space<vmem>> -> memref<1024x16xf32, #tpu.memory_space<vmem>>
      %gather3A_1272 = tpu.vector_load_idx %gather3A_1271[%add3A_1264, %and3A_1266] : memref<1024x16xf32, #tpu.memory_space<vmem>>[vector<16xi32>, vector<16xi32>], vector<16xf32>,
      %mul3A_1273 = arith.constant 16 : i32
      %mul3A_1274 = arith.muli %scan3A_1237, %mul3A_1273 : i32
      %add3A_1275 = arith.constant 128 : i32
      %add3A_1276 = arith.addi %add3A_1275, %mul3A_1274 : i32
      %swap3A = arith.index_cast %add3A_1276 : i32 to index
      %swap3A_1277 = tpu.vector_load %arg10[%swap3A] {strides = array<i32>} : memref<3200xf32, #tpu.memory_space<vmem>>, vector<16xf32>,
      tpu.vector_store %arg10[%swap3A], %gather3A_1272 {strides = array<i32>} : memref<3200xf32, #tpu.memory_space<vmem>>, vector<16xf32>,
      %mul3A_1278 = arith.constant 0 : i32
      %mul3A_1279 = vector.broadcast %mul3A_1278 : i32 to vector<16xi32>
      %mul3A_1280 = arith.muli %iota3A, %mul3A_1279 : vector<16xi32>
      %add3A_1281 = arith.constant 2 : i32
      %add3A_1282 = vector.broadcast %add3A_1281 : i32 to vector<16xi32>
      %add3A_1283 = arith.addi %mul3A_1280, %add3A_1282 : vector<16xi32>
      %gather3A_1284 = arith.constant 1 : i32
      %gather3A_1285 = arith.constant 0 : i32
      %gather3A_1286 = arith.constant 0 : i32
      %gather3A_1287 = tpu.memref_slice %arg9[%gather3A_1284, %gather3A_1285, %gather3A_1286] : memref<3x1024x16xf32, #tpu.memory_space<vmem>> -> memref<1x1024x16xf32, #tpu.memory_space<vmem>>
      %gather3A_1288 = tpu.memref_squeeze %gather3A_1287 : memref<1x1024x16xf32, #tpu.memory_space<vmem>> -> memref<1024x16xf32, #tpu.memory_space<vmem>>
      %gather3A_1289 = tpu.vector_load_idx %gather3A_1288[%min3A_1252, %add3A_1283] : memref<1024x16xf32, #tpu.memory_space<vmem>>[vector<16xi32>, vector<16xi32>], vector<16xf32>,
      %mul3A_1290 = arith.constant 0 : i32
      %mul3A_1291 = vector.broadcast %mul3A_1290 : i32 to vector<16xi32>
      %mul3A_1292 = arith.muli %iota3A, %mul3A_1291 : vector<16xi32>
      %add3A_1293 = arith.constant 0 : i32
      %add3A_1294 = vector.broadcast %add3A_1293 : i32 to vector<16xi32>
      %add3A_1295 = arith.addi %mul3A_1292, %add3A_1294 : vector<16xi32>
      tpu.vector_store_idx %arg11[%add3A_1244, %add3A_1295], %gather3A_1289 : memref<3200x3xf32, #tpu.memory_space<vmem>>[vector<16xi32>, vector<16xi32>], vector<16xf32>,
      %mul3A_1296 = arith.constant 0 : i32
      %mul3A_1297 = vector.broadcast %mul3A_1296 : i32 to vector<16xi32>
      %mul3A_1298 = arith.muli %iota3A, %mul3A_1297 : vector<16xi32>
      %add3A_1299 = arith.constant 3 : i32
      %add3A_1300 = vector.broadcast %add3A_1299 : i32 to vector<16xi32>
      %add3A_1301 = arith.addi %mul3A_1298, %add3A_1300 : vector<16xi32>
      %gather3A_1302 = arith.constant 1 : i32
      %gather3A_1303 = arith.constant 0 : i32
      %gather3A_1304 = arith.constant 0 : i32
      %gather3A_1305 = tpu.memref_slice %arg9[%gather3A_1302, %gather3A_1303, %gather3A_1304] : memref<3x1024x16xf32, #tpu.memory_space<vmem>> -> memref<1x1024x16xf32, #tpu.memory_space<vmem>>
      %gather3A_1306 = tpu.memref_squeeze %gather3A_1305 : memref<1x1024x16xf32, #tpu.memory_space<vmem>> -> memref<1024x16xf32, #tpu.memory_space<vmem>>
      %gather3A_1307 = tpu.vector_load_idx %gather3A_1306[%min3A_1252, %add3A_1301] : memref<1024x16xf32, #tpu.memory_space<vmem>>[vector<16xi32>, vector<16xi32>], vector<16xf32>,
      %mul3A_1308 = arith.constant 0 : i32
      %mul3A_1309 = vector.broadcast %mul3A_1308 : i32 to vector<16xi32>
      %mul3A_1310 = arith.muli %iota3A, %mul3A_1309 : vector<16xi32>
      %add3A_1311 = arith.constant 1 : i32
      %add3A_1312 = vector.broadcast %add3A_1311 : i32 to vector<16xi32>
      %add3A_1313 = arith.addi %mul3A_1310, %add3A_1312 : vector<16xi32>
      tpu.vector_store_idx %arg11[%add3A_1244, %add3A_1313], %gather3A_1307 : memref<3200x3xf32, #tpu.memory_space<vmem>>[vector<16xi32>, vector<16xi32>], vector<16xf32>,
      %mul3A_1314 = arith.constant 0 : i32
      %mul3A_1315 = vector.broadcast %mul3A_1314 : i32 to vector<16xi32>
      %mul3A_1316 = arith.muli %iota3A, %mul3A_1315 : vector<16xi32>
      %add3A_1317 = arith.constant 4 : i32
      %add3A_1318 = vector.broadcast %add3A_1317 : i32 to vector<16xi32>
      %add3A_1319 = arith.addi %mul3A_1316, %add3A_1318 : vector<16xi32>
      %gather3A_1320 = arith.constant 1 : i32
      %gather3A_1321 = arith.constant 0 : i32
      %gather3A_1322 = arith.constant 0 : i32
      %gather3A_1323 = tpu.memref_slice %arg9[%gather3A_1320, %gather3A_1321, %gather3A_1322] : memref<3x1024x16xf32, #tpu.memory_space<vmem>> -> memref<1x1024x16xf32, #tpu.memory_space<vmem>>
      %gather3A_1324 = tpu.memref_squeeze %gather3A_1323 : memref<1x1024x16xf32, #tpu.memory_space<vmem>> -> memref<1024x16xf32, #tpu.memory_space<vmem>>
      %gather3A_1325 = tpu.vector_load_idx %gather3A_1324[%min3A_1252, %add3A_1319] : memref<1024x16xf32, #tpu.memory_space<vmem>>[vector<16xi32>, vector<16xi32>], vector<16xf32>,
      %mul3A_1326 = arith.constant 0 : i32
      %mul3A_1327 = vector.broadcast %mul3A_1326 : i32 to vector<16xi32>
      %mul3A_1328 = arith.muli %iota3A, %mul3A_1327 : vector<16xi32>
      %add3A_1329 = arith.constant 2 : i32
      %add3A_1330 = vector.broadcast %add3A_1329 : i32 to vector<16xi32>
      %add3A_1331 = arith.addi %mul3A_1328, %add3A_1330 : vector<16xi32>
      tpu.vector_store_idx %arg11[%add3A_1244, %add3A_1331], %gather3A_1325 : memref<3200x3xf32, #tpu.memory_space<vmem>>[vector<16xi32>, vector<16xi32>], vector<16xf32>,
    }
    %scan3A_139 = arith.constant 8 : i32
    %add3A_140 = arith.constant 512 : i32
    %add3A_141 = arith.addi %mul3A_2, %add3A_140 : i32
    %mul3A_142 = arith.constant 8 : i32
    %mul3A_143 = arith.muli %add3A_141, %mul3A_142 : i32
    %min3A_144 = arith.constant 798976 : i32
    %min3A_145 = arith.minsi %mul3A_143, %min3A_144 : i32
    %dma_start3A_146 = arith.constant 1 : i32
    %dma_start3A_147 = arith.constant 0 : i32
    %dma_start3A_148 = arith.constant 0 : i32
    %dma_start3A_149 = tpu.memref_slice %arg9[%dma_start3A_146, %dma_start3A_147, %dma_start3A_148] : memref<3x1024x16xf32, #tpu.memory_space<vmem>> -> memref<1x1024x16xf32, #tpu.memory_space<vmem>>
    %dma_start3A_150 = tpu.memref_squeeze %dma_start3A_149 : memref<1x1024x16xf32, #tpu.memory_space<vmem>> -> memref<1024x16xf32, #tpu.memory_space<vmem>>
    %dma_start3A_151 = arith.constant 0 : i32
    %dma_start3A_152 = tpu.memref_slice %arg2[%min3A_145, %dma_start3A_151] : memref<800000x16xf32, #tpu.memory_space<hbm>> -> memref<1024x16xf32, #tpu.memory_space<hbm>>
    %dma_start3A_153 = arith.constant 0 : i32
    %dma_start3A_154 = arith.constant 0 : i32
    %dma_start3A_155 = tpu.memref_slice %arg9[%dma_start3A_146, %dma_start3A_153, %dma_start3A_154] : memref<3x1024x16xf32, #tpu.memory_space<vmem>> -> memref<1x1024x16xf32, #tpu.memory_space<vmem>>
    %dma_start3A_156 = tpu.memref_squeeze %dma_start3A_155 : memref<1x1024x16xf32, #tpu.memory_space<vmem>> -> memref<1024x16xf32, #tpu.memory_space<vmem>>
    %dma_start3A_157 = arith.constant 0 : i32
    %dma_start3A_158 = tpu.memref_slice %arg2[%min3A_145, %dma_start3A_157] : memref<800000x16xf32, #tpu.memory_space<hbm>> -> memref<1024x16xf32, #tpu.memory_space<hbm>>
    tpu.enqueue_dma source(%dma_start3A_158 : memref<1024x16xf32, #tpu.memory_space<hbm>>) target(%dma_start3A_156 : memref<1024x16xf32, #tpu.memory_space<vmem>>) target_semaphore(%arg13 : memref<!tpu.dma_semaphore, #tpu.memory_space<semaphore_mem>>)
    %dma_wait3A_159 = arith.constant 2 : i32
    %dma_wait3A_160 = arith.constant 0 : i32
    %dma_wait3A_161 = arith.constant 0 : i32
    %dma_wait3A_162 = tpu.memref_slice %arg9[%dma_wait3A_159, %dma_wait3A_160, %dma_wait3A_161] : memref<3x1024x16xf32, #tpu.memory_space<vmem>> -> memref<1x1024x16xf32, #tpu.memory_space<vmem>>
    %dma_wait3A_163 = tpu.memref_squeeze %dma_wait3A_162 : memref<1x1024x16xf32, #tpu.memory_space<vmem>> -> memref<1024x16xf32, #tpu.memory_space<vmem>>
    %dma_wait3A_164 = arith.constant 0 : i32
    %dma_wait3A_165 = tpu.memref_slice %arg2[%min3A_50, %dma_wait3A_164] : memref<800000x16xf32, #tpu.memory_space<hbm>> -> memref<1024x16xf32, #tpu.memory_space<hbm>>
    %dma_wait3A_166 = arith.constant 0 : i32
    %dma_wait3A_167 = arith.constant 0 : i32
    %dma_wait3A_168 = tpu.memref_slice %arg9[%dma_wait3A_159, %dma_wait3A_166, %dma_wait3A_167] : memref<3x1024x16xf32, #tpu.memory_space<vmem>> -> memref<1x1024x16xf32, #tpu.memory_space<vmem>>
    %dma_wait3A_169 = tpu.memref_squeeze %dma_wait3A_168 : memref<1x1024x16xf32, #tpu.memory_space<vmem>> -> memref<1024x16xf32, #tpu.memory_space<vmem>>
    %dma_wait3A_170 = arith.constant 0 : i32
    %dma_wait3A_171 = tpu.memref_slice %arg2[%min3A_50, %dma_wait3A_170] : memref<800000x16xf32, #tpu.memory_space<hbm>> -> memref<1024x16xf32, #tpu.memory_space<hbm>>
    tpu.wait_dma2 semaphore(%arg14 : memref<!tpu.dma_semaphore, #tpu.memory_space<semaphore_mem>>) src(%dma_wait3A_171 : memref<1024x16xf32, #tpu.memory_space<hbm>>) dst(%dma_wait3A_169 : memref<1024x16xf32, #tpu.memory_space<vmem>>)
    %add3A_172 = arith.constant 256 : i32
    %add3A_173 = arith.addi %mul3A_2, %add3A_172 : i32
    %mul3A_174 = arith.constant 8 : i32
    %mul3A_175 = arith.muli %add3A_173, %mul3A_174 : i32
    %add3A_176 = arith.constant 256 : i32
    %add3A_177 = arith.addi %mul3A_2, %add3A_176 : i32
    %mul3A_178 = arith.constant 8 : i32
    %mul3A_179 = arith.muli %add3A_177, %mul3A_178 : i32
    %min3A_180 = arith.constant 798976 : i32
    %min3A_181 = arith.minsi %mul3A_179, %min3A_180 : i32
    %sub3A_182 = arith.subi %mul3A_175, %min3A_181 : i32
    %scan3A_183 = arith.constant 0 : i32
    %scan3A_184 = arith.constant 0 : i32
    %scan3A_185 = arith.constant 8 : i32
    %scan3A_186 = arith.addi %scan3A_184, %scan3A_185 : i32
    %scan3A_187 = arith.constant 1 : i32
    scf.for %scan3A_1237 = %scan3A_184 to %scan3A_186 step %scan3A_187  : i32 {
      %iota3A = tpu.iota {dimensions = array<i32: 0>} : vector<16xi32>
      %mul3A_1238 = arith.constant 16 : i32
      %mul3A_1239 = arith.muli %scan3A_1237, %mul3A_1238 : i32
      %add3A_1240 = vector.broadcast %mul3A_1239 : i32 to vector<16xi32>
      %add3A_1241 = arith.addi %add3A_1240, %iota3A : vector<16xi32>
      %add3A_1242 = arith.constant 256 : i32
      %add3A_1243 = vector.broadcast %add3A_1242 : i32 to vector<16xi32>
      %add3A_1244 = arith.addi %add3A_1243, %add3A_1241 : vector<16xi32>
      %mul3A_1245 = arith.constant 8 : i32
      %mul3A_1246 = vector.broadcast %mul3A_1245 : i32 to vector<16xi32>
      %mul3A_1247 = arith.muli %add3A_1241, %mul3A_1246 : vector<16xi32>
      %add3A_1248 = vector.broadcast %sub3A_182 : i32 to vector<16xi32>
      %add3A_1249 = arith.addi %mul3A_1247, %add3A_1248 : vector<16xi32>
      %min3A_1250 = arith.constant 1016 : i32
      %min3A_1251 = vector.broadcast %min3A_1250 : i32 to vector<16xi32>
      %min3A_1252 = arith.minsi %add3A_1249, %min3A_1251 : vector<16xi32>
      %mul3A_1253 = arith.constant 16 : i32
      %mul3A_1254 = arith.muli %scan3A_1237, %mul3A_1253 : i32
      %add3A_1255 = arith.constant 256 : i32
      %add3A_1256 = arith.addi %add3A_1255, %mul3A_1254 : i32
      %get3A = arith.index_cast %add3A_1256 : i32 to index
      %get3A_1257 = tpu.vector_load %arg7[%get3A] {strides = array<i32>} : memref<3200xi32, #tpu.memory_space<vmem>>, vector<16xi32>,
      %jit3A = arith.constant 0 : i32
      %jit3A_1258 = arith.constant 63 : i32
      %max3A = vector.broadcast %jit3A : i32 to vector<16xi32>
      %max3A_1259 = arith.maxsi %max3A, %get3A_1257 : vector<16xi32>
      %min3A_1260 = vector.broadcast %jit3A_1258 : i32 to vector<16xi32>
      %min3A_1261 = arith.minsi %min3A_1260, %max3A_1259 : vector<16xi32>
      %gather3A = tpu.vector_load_idx %arg8[%min3A_1261] : memref<128xi32, #tpu.memory_space<vmem>>[vector<16xi32>], vector<16xi32>,
      %shift_right_arithmetic3A = arith.constant 4 : i32
      %shift_right_arithmetic3A_1262 = vector.broadcast %shift_right_arithmetic3A : i32 to vector<16xi32>
      %shift_right_arithmetic3A_1263 = arith.shrsi %gather3A, %shift_right_arithmetic3A_1262 : vector<16xi32>
      %add3A_1264 = arith.addi %min3A_1252, %shift_right_arithmetic3A_1263 : vector<16xi32>
      %and3A = arith.constant 15 : i32
      %and3A_1265 = vector.broadcast %and3A : i32 to vector<16xi32>
      %and3A_1266 = arith.andi %gather3A, %and3A_1265 : vector<16xi32>
      %gather3A_1267 = arith.constant 2 : i32
      %gather3A_1268 = arith.constant 0 : i32
      %gather3A_1269 = arith.constant 0 : i32
      %gather3A_1270 = tpu.memref_slice %arg9[%gather3A_1267, %gather3A_1268, %gather3A_1269] : memref<3x1024x16xf32, #tpu.memory_space<vmem>> -> memref<1x1024x16xf32, #tpu.memory_space<vmem>>
      %gather3A_1271 = tpu.memref_squeeze %gather3A_1270 : memref<1x1024x16xf32, #tpu.memory_space<vmem>> -> memref<1024x16xf32, #tpu.memory_space<vmem>>
      %gather3A_1272 = tpu.vector_load_idx %gather3A_1271[%add3A_1264, %and3A_1266] : memref<1024x16xf32, #tpu.memory_space<vmem>>[vector<16xi32>, vector<16xi32>], vector<16xf32>,
      %mul3A_1273 = arith.constant 16 : i32
      %mul3A_1274 = arith.muli %scan3A_1237, %mul3A_1273 : i32
      %add3A_1275 = arith.constant 256 : i32
      %add3A_1276 = arith.addi %add3A_1275, %mul3A_1274 : i32
      %swap3A = arith.index_cast %add3A_1276 : i32 to index
      %swap3A_1277 = tpu.vector_load %arg10[%swap3A] {strides = array<i32>} : memref<3200xf32, #tpu.memory_space<vmem>>, vector<16xf32>,
      tpu.vector_store %arg10[%swap3A], %gather3A_1272 {strides = array<i32>} : memref<3200xf32, #tpu.memory_space<vmem>>, vector<16xf32>,
      %mul3A_1278 = arith.constant 0 : i32
      %mul3A_1279 = vector.broadcast %mul3A_1278 : i32 to vector<16xi32>
      %mul3A_1280 = arith.muli %iota3A, %mul3A_1279 : vector<16xi32>
      %add3A_1281 = arith.constant 2 : i32
      %add3A_1282 = vector.broadcast %add3A_1281 : i32 to vector<16xi32>
      %add3A_1283 = arith.addi %mul3A_1280, %add3A_1282 : vector<16xi32>
      %gather3A_1284 = arith.constant 2 : i32
      %gather3A_1285 = arith.constant 0 : i32
      %gather3A_1286 = arith.constant 0 : i32
      %gather3A_1287 = tpu.memref_slice %arg9[%gather3A_1284, %gather3A_1285, %gather3A_1286] : memref<3x1024x16xf32, #tpu.memory_space<vmem>> -> memref<1x1024x16xf32, #tpu.memory_space<vmem>>
      %gather3A_1288 = tpu.memref_squeeze %gather3A_1287 : memref<1x1024x16xf32, #tpu.memory_space<vmem>> -> memref<1024x16xf32, #tpu.memory_space<vmem>>
      %gather3A_1289 = tpu.vector_load_idx %gather3A_1288[%min3A_1252, %add3A_1283] : memref<1024x16xf32, #tpu.memory_space<vmem>>[vector<16xi32>, vector<16xi32>], vector<16xf32>,
      %mul3A_1290 = arith.constant 0 : i32
      %mul3A_1291 = vector.broadcast %mul3A_1290 : i32 to vector<16xi32>
      %mul3A_1292 = arith.muli %iota3A, %mul3A_1291 : vector<16xi32>
      %add3A_1293 = arith.constant 0 : i32
      %add3A_1294 = vector.broadcast %add3A_1293 : i32 to vector<16xi32>
      %add3A_1295 = arith.addi %mul3A_1292, %add3A_1294 : vector<16xi32>
      tpu.vector_store_idx %arg11[%add3A_1244, %add3A_1295], %gather3A_1289 : memref<3200x3xf32, #tpu.memory_space<vmem>>[vector<16xi32>, vector<16xi32>], vector<16xf32>,
      %mul3A_1296 = arith.constant 0 : i32
      %mul3A_1297 = vector.broadcast %mul3A_1296 : i32 to vector<16xi32>
      %mul3A_1298 = arith.muli %iota3A, %mul3A_1297 : vector<16xi32>
      %add3A_1299 = arith.constant 3 : i32
      %add3A_1300 = vector.broadcast %add3A_1299 : i32 to vector<16xi32>
      %add3A_1301 = arith.addi %mul3A_1298, %add3A_1300 : vector<16xi32>
      %gather3A_1302 = arith.constant 2 : i32
      %gather3A_1303 = arith.constant 0 : i32
      %gather3A_1304 = arith.constant 0 : i32
      %gather3A_1305 = tpu.memref_slice %arg9[%gather3A_1302, %gather3A_1303, %gather3A_1304] : memref<3x1024x16xf32, #tpu.memory_space<vmem>> -> memref<1x1024x16xf32, #tpu.memory_space<vmem>>
      %gather3A_1306 = tpu.memref_squeeze %gather3A_1305 : memref<1x1024x16xf32, #tpu.memory_space<vmem>> -> memref<1024x16xf32, #tpu.memory_space<vmem>>
      %gather3A_1307 = tpu.vector_load_idx %gather3A_1306[%min3A_1252, %add3A_1301] : memref<1024x16xf32, #tpu.memory_space<vmem>>[vector<16xi32>, vector<16xi32>], vector<16xf32>,
      %mul3A_1308 = arith.constant 0 : i32
      %mul3A_1309 = vector.broadcast %mul3A_1308 : i32 to vector<16xi32>
      %mul3A_1310 = arith.muli %iota3A, %mul3A_1309 : vector<16xi32>
      %add3A_1311 = arith.constant 1 : i32
      %add3A_1312 = vector.broadcast %add3A_1311 : i32 to vector<16xi32>
      %add3A_1313 = arith.addi %mul3A_1310, %add3A_1312 : vector<16xi32>
      tpu.vector_store_idx %arg11[%add3A_1244, %add3A_1313], %gather3A_1307 : memref<3200x3xf32, #tpu.memory_space<vmem>>[vector<16xi32>, vector<16xi32>], vector<16xf32>,
      %mul3A_1314 = arith.constant 0 : i32
      %mul3A_1315 = vector.broadcast %mul3A_1314 : i32 to vector<16xi32>
      %mul3A_1316 = arith.muli %iota3A, %mul3A_1315 : vector<16xi32>
      %add3A_1317 = arith.constant 4 : i32
      %add3A_1318 = vector.broadcast %add3A_1317 : i32 to vector<16xi32>
      %add3A_1319 = arith.addi %mul3A_1316, %add3A_1318 : vector<16xi32>
      %gather3A_1320 = arith.constant 2 : i32
      %gather3A_1321 = arith.constant 0 : i32
      %gather3A_1322 = arith.constant 0 : i32
      %gather3A_1323 = tpu.memref_slice %arg9[%gather3A_1320, %gather3A_1321, %gather3A_1322] : memref<3x1024x16xf32, #tpu.memory_space<vmem>> -> memref<1x1024x16xf32, #tpu.memory_space<vmem>>
      %gather3A_1324 = tpu.memref_squeeze %gather3A_1323 : memref<1x1024x16xf32, #tpu.memory_space<vmem>> -> memref<1024x16xf32, #tpu.memory_space<vmem>>
      %gather3A_1325 = tpu.vector_load_idx %gather3A_1324[%min3A_1252, %add3A_1319] : memref<1024x16xf32, #tpu.memory_space<vmem>>[vector<16xi32>, vector<16xi32>], vector<16xf32>,
      %mul3A_1326 = arith.constant 0 : i32
      %mul3A_1327 = vector.broadcast %mul3A_1326 : i32 to vector<16xi32>
      %mul3A_1328 = arith.muli %iota3A, %mul3A_1327 : vector<16xi32>
      %add3A_1329 = arith.constant 2 : i32
      %add3A_1330 = vector.broadcast %add3A_1329 : i32 to vector<16xi32>
      %add3A_1331 = arith.addi %mul3A_1328, %add3A_1330 : vector<16xi32>
      tpu.vector_store_idx %arg11[%add3A_1244, %add3A_1331], %gather3A_1325 : memref<3200x3xf32, #tpu.memory_space<vmem>>[vector<16xi32>, vector<16xi32>], vector<16xf32>,
    }
    %scan3A_188 = arith.constant 8 : i32
    %add3A_189 = arith.constant 640 : i32
    %add3A_190 = arith.addi %mul3A_2, %add3A_189 : i32
    %mul3A_191 = arith.constant 8 : i32
    %mul3A_192 = arith.muli %add3A_190, %mul3A_191 : i32
    %min3A_193 = arith.constant 798976 : i32
    %min3A_194 = arith.minsi %mul3A_192, %min3A_193 : i32
    %dma_start3A_195 = arith.constant 2 : i32
    %dma_start3A_196 = arith.constant 0 : i32
    %dma_start3A_197 = arith.constant 0 : i32
    %dma_start3A_198 = tpu.memref_slice %arg9[%dma_start3A_195, %dma_start3A_196, %dma_start3A_197] : memref<3x1024x16xf32, #tpu.memory_space<vmem>> -> memref<1x1024x16xf32, #tpu.memory_space<vmem>>
    %dma_start3A_199 = tpu.memref_squeeze %dma_start3A_198 : memref<1x1024x16xf32, #tpu.memory_space<vmem>> -> memref<1024x16xf32, #tpu.memory_space<vmem>>
    %dma_start3A_200 = arith.constant 0 : i32
    %dma_start3A_201 = tpu.memref_slice %arg2[%min3A_194, %dma_start3A_200] : memref<800000x16xf32, #tpu.memory_space<hbm>> -> memref<1024x16xf32, #tpu.memory_space<hbm>>
    %dma_start3A_202 = arith.constant 0 : i32
    %dma_start3A_203 = arith.constant 0 : i32
    %dma_start3A_204 = tpu.memref_slice %arg9[%dma_start3A_195, %dma_start3A_202, %dma_start3A_203] : memref<3x1024x16xf32, #tpu.memory_space<vmem>> -> memref<1x1024x16xf32, #tpu.memory_space<vmem>>
    %dma_start3A_205 = tpu.memref_squeeze %dma_start3A_204 : memref<1x1024x16xf32, #tpu.memory_space<vmem>> -> memref<1024x16xf32, #tpu.memory_space<vmem>>
    %dma_start3A_206 = arith.constant 0 : i32
    %dma_start3A_207 = tpu.memref_slice %arg2[%min3A_194, %dma_start3A_206] : memref<800000x16xf32, #tpu.memory_space<hbm>> -> memref<1024x16xf32, #tpu.memory_space<hbm>>
    tpu.enqueue_dma source(%dma_start3A_207 : memref<1024x16xf32, #tpu.memory_space<hbm>>) target(%dma_start3A_205 : memref<1024x16xf32, #tpu.memory_space<vmem>>) target_semaphore(%arg14 : memref<!tpu.dma_semaphore, #tpu.memory_space<semaphore_mem>>)
    %dma_wait3A_208 = arith.constant 0 : i32
    %dma_wait3A_209 = arith.constant 0 : i32
    %dma_wait3A_210 = arith.constant 0 : i32
    %dma_wait3A_211 = tpu.memref_slice %arg9[%dma_wait3A_208, %dma_wait3A_209, %dma_wait3A_210] : memref<3x1024x16xf32, #tpu.memory_space<vmem>> -> memref<1x1024x16xf32, #tpu.memory_space<vmem>>
    %dma_wait3A_212 = tpu.memref_squeeze %dma_wait3A_211 : memref<1x1024x16xf32, #tpu.memory_space<vmem>> -> memref<1024x16xf32, #tpu.memory_space<vmem>>
    %dma_wait3A_213 = arith.constant 0 : i32
    %dma_wait3A_214 = tpu.memref_slice %arg2[%min3A_96, %dma_wait3A_213] : memref<800000x16xf32, #tpu.memory_space<hbm>> -> memref<1024x16xf32, #tpu.memory_space<hbm>>
    %dma_wait3A_215 = arith.constant 0 : i32
    %dma_wait3A_216 = arith.constant 0 : i32
    %dma_wait3A_217 = tpu.memref_slice %arg9[%dma_wait3A_208, %dma_wait3A_215, %dma_wait3A_216] : memref<3x1024x16xf32, #tpu.memory_space<vmem>> -> memref<1x1024x16xf32, #tpu.memory_space<vmem>>
    %dma_wait3A_218 = tpu.memref_squeeze %dma_wait3A_217 : memref<1x1024x16xf32, #tpu.memory_space<vmem>> -> memref<1024x16xf32, #tpu.memory_space<vmem>>
    %dma_wait3A_219 = arith.constant 0 : i32
    %dma_wait3A_220 = tpu.memref_slice %arg2[%min3A_96, %dma_wait3A_219] : memref<800000x16xf32, #tpu.memory_space<hbm>> -> memref<1024x16xf32, #tpu.memory_space<hbm>>
    tpu.wait_dma2 semaphore(%arg12 : memref<!tpu.dma_semaphore, #tpu.memory_space<semaphore_mem>>) src(%dma_wait3A_220 : memref<1024x16xf32, #tpu.memory_space<hbm>>) dst(%dma_wait3A_218 : memref<1024x16xf32, #tpu.memory_space<vmem>>)
    %add3A_221 = arith.constant 384 : i32
    %add3A_222 = arith.addi %mul3A_2, %add3A_221 : i32
    %mul3A_223 = arith.constant 8 : i32
    %mul3A_224 = arith.muli %add3A_222, %mul3A_223 : i32
    %add3A_225 = arith.constant 384 : i32
    %add3A_226 = arith.addi %mul3A_2, %add3A_225 : i32
    %mul3A_227 = arith.constant 8 : i32
    %mul3A_228 = arith.muli %add3A_226, %mul3A_227 : i32
    %min3A_229 = arith.constant 798976 : i32
    %min3A_230 = arith.minsi %mul3A_228, %min3A_229 : i32
    %sub3A_231 = arith.subi %mul3A_224, %min3A_230 : i32
    %scan3A_232 = arith.constant 0 : i32
    %scan3A_233 = arith.constant 0 : i32
    %scan3A_234 = arith.constant 8 : i32
    %scan3A_235 = arith.addi %scan3A_233, %scan3A_234 : i32
    %scan3A_236 = arith.constant 1 : i32
    scf.for %scan3A_1237 = %scan3A_233 to %scan3A_235 step %scan3A_236  : i32 {
      %iota3A = tpu.iota {dimensions = array<i32: 0>} : vector<16xi32>
      %mul3A_1238 = arith.constant 16 : i32
      %mul3A_1239 = arith.muli %scan3A_1237, %mul3A_1238 : i32
      %add3A_1240 = vector.broadcast %mul3A_1239 : i32 to vector<16xi32>
      %add3A_1241 = arith.addi %add3A_1240, %iota3A : vector<16xi32>
      %add3A_1242 = arith.constant 384 : i32
      %add3A_1243 = vector.broadcast %add3A_1242 : i32 to vector<16xi32>
      %add3A_1244 = arith.addi %add3A_1243, %add3A_1241 : vector<16xi32>
      %mul3A_1245 = arith.constant 8 : i32
      %mul3A_1246 = vector.broadcast %mul3A_1245 : i32 to vector<16xi32>
      %mul3A_1247 = arith.muli %add3A_1241, %mul3A_1246 : vector<16xi32>
      %add3A_1248 = vector.broadcast %sub3A_231 : i32 to vector<16xi32>
      %add3A_1249 = arith.addi %mul3A_1247, %add3A_1248 : vector<16xi32>
      %min3A_1250 = arith.constant 1016 : i32
      %min3A_1251 = vector.broadcast %min3A_1250 : i32 to vector<16xi32>
      %min3A_1252 = arith.minsi %add3A_1249, %min3A_1251 : vector<16xi32>
      %mul3A_1253 = arith.constant 16 : i32
      %mul3A_1254 = arith.muli %scan3A_1237, %mul3A_1253 : i32
      %add3A_1255 = arith.constant 384 : i32
      %add3A_1256 = arith.addi %add3A_1255, %mul3A_1254 : i32
      %get3A = arith.index_cast %add3A_1256 : i32 to index
      %get3A_1257 = tpu.vector_load %arg7[%get3A] {strides = array<i32>} : memref<3200xi32, #tpu.memory_space<vmem>>, vector<16xi32>,
      %jit3A = arith.constant 0 : i32
      %jit3A_1258 = arith.constant 63 : i32
      %max3A = vector.broadcast %jit3A : i32 to vector<16xi32>
      %max3A_1259 = arith.maxsi %max3A, %get3A_1257 : vector<16xi32>
      %min3A_1260 = vector.broadcast %jit3A_1258 : i32 to vector<16xi32>
      %min3A_1261 = arith.minsi %min3A_1260, %max3A_1259 : vector<16xi32>
      %gather3A = tpu.vector_load_idx %arg8[%min3A_1261] : memref<128xi32, #tpu.memory_space<vmem>>[vector<16xi32>], vector<16xi32>,
      %shift_right_arithmetic3A = arith.constant 4 : i32
      %shift_right_arithmetic3A_1262 = vector.broadcast %shift_right_arithmetic3A : i32 to vector<16xi32>
      %shift_right_arithmetic3A_1263 = arith.shrsi %gather3A, %shift_right_arithmetic3A_1262 : vector<16xi32>
      %add3A_1264 = arith.addi %min3A_1252, %shift_right_arithmetic3A_1263 : vector<16xi32>
      %and3A = arith.constant 15 : i32
      %and3A_1265 = vector.broadcast %and3A : i32 to vector<16xi32>
      %and3A_1266 = arith.andi %gather3A, %and3A_1265 : vector<16xi32>
      %gather3A_1267 = arith.constant 0 : i32
      %gather3A_1268 = arith.constant 0 : i32
      %gather3A_1269 = arith.constant 0 : i32
      %gather3A_1270 = tpu.memref_slice %arg9[%gather3A_1267, %gather3A_1268, %gather3A_1269] : memref<3x1024x16xf32, #tpu.memory_space<vmem>> -> memref<1x1024x16xf32, #tpu.memory_space<vmem>>
      %gather3A_1271 = tpu.memref_squeeze %gather3A_1270 : memref<1x1024x16xf32, #tpu.memory_space<vmem>> -> memref<1024x16xf32, #tpu.memory_space<vmem>>
      %gather3A_1272 = tpu.vector_load_idx %gather3A_1271[%add3A_1264, %and3A_1266] : memref<1024x16xf32, #tpu.memory_space<vmem>>[vector<16xi32>, vector<16xi32>], vector<16xf32>,
      %mul3A_1273 = arith.constant 16 : i32
      %mul3A_1274 = arith.muli %scan3A_1237, %mul3A_1273 : i32
      %add3A_1275 = arith.constant 384 : i32
      %add3A_1276 = arith.addi %add3A_1275, %mul3A_1274 : i32
      %swap3A = arith.index_cast %add3A_1276 : i32 to index
      %swap3A_1277 = tpu.vector_load %arg10[%swap3A] {strides = array<i32>} : memref<3200xf32, #tpu.memory_space<vmem>>, vector<16xf32>,
      tpu.vector_store %arg10[%swap3A], %gather3A_1272 {strides = array<i32>} : memref<3200xf32, #tpu.memory_space<vmem>>, vector<16xf32>,
      %mul3A_1278 = arith.constant 0 : i32
      %mul3A_1279 = vector.broadcast %mul3A_1278 : i32 to vector<16xi32>
      %mul3A_1280 = arith.muli %iota3A, %mul3A_1279 : vector<16xi32>
      %add3A_1281 = arith.constant 2 : i32
      %add3A_1282 = vector.broadcast %add3A_1281 : i32 to vector<16xi32>
      %add3A_1283 = arith.addi %mul3A_1280, %add3A_1282 : vector<16xi32>
      %gather3A_1284 = arith.constant 0 : i32
      %gather3A_1285 = arith.constant 0 : i32
      %gather3A_1286 = arith.constant 0 : i32
      %gather3A_1287 = tpu.memref_slice %arg9[%gather3A_1284, %gather3A_1285, %gather3A_1286] : memref<3x1024x16xf32, #tpu.memory_space<vmem>> -> memref<1x1024x16xf32, #tpu.memory_space<vmem>>
      %gather3A_1288 = tpu.memref_squeeze %gather3A_1287 : memref<1x1024x16xf32, #tpu.memory_space<vmem>> -> memref<1024x16xf32, #tpu.memory_space<vmem>>
      %gather3A_1289 = tpu.vector_load_idx %gather3A_1288[%min3A_1252, %add3A_1283] : memref<1024x16xf32, #tpu.memory_space<vmem>>[vector<16xi32>, vector<16xi32>], vector<16xf32>,
      %mul3A_1290 = arith.constant 0 : i32
      %mul3A_1291 = vector.broadcast %mul3A_1290 : i32 to vector<16xi32>
      %mul3A_1292 = arith.muli %iota3A, %mul3A_1291 : vector<16xi32>
      %add3A_1293 = arith.constant 0 : i32
      %add3A_1294 = vector.broadcast %add3A_1293 : i32 to vector<16xi32>
      %add3A_1295 = arith.addi %mul3A_1292, %add3A_1294 : vector<16xi32>
      tpu.vector_store_idx %arg11[%add3A_1244, %add3A_1295], %gather3A_1289 : memref<3200x3xf32, #tpu.memory_space<vmem>>[vector<16xi32>, vector<16xi32>], vector<16xf32>,
      %mul3A_1296 = arith.constant 0 : i32
      %mul3A_1297 = vector.broadcast %mul3A_1296 : i32 to vector<16xi32>
      %mul3A_1298 = arith.muli %iota3A, %mul3A_1297 : vector<16xi32>
      %add3A_1299 = arith.constant 3 : i32
      %add3A_1300 = vector.broadcast %add3A_1299 : i32 to vector<16xi32>
      %add3A_1301 = arith.addi %mul3A_1298, %add3A_1300 : vector<16xi32>
      %gather3A_1302 = arith.constant 0 : i32
      %gather3A_1303 = arith.constant 0 : i32
      %gather3A_1304 = arith.constant 0 : i32
      %gather3A_1305 = tpu.memref_slice %arg9[%gather3A_1302, %gather3A_1303, %gather3A_1304] : memref<3x1024x16xf32, #tpu.memory_space<vmem>> -> memref<1x1024x16xf32, #tpu.memory_space<vmem>>
      %gather3A_1306 = tpu.memref_squeeze %gather3A_1305 : memref<1x1024x16xf32, #tpu.memory_space<vmem>> -> memref<1024x16xf32, #tpu.memory_space<vmem>>
      %gather3A_1307 = tpu.vector_load_idx %gather3A_1306[%min3A_1252, %add3A_1301] : memref<1024x16xf32, #tpu.memory_space<vmem>>[vector<16xi32>, vector<16xi32>], vector<16xf32>,
      %mul3A_1308 = arith.constant 0 : i32
      %mul3A_1309 = vector.broadcast %mul3A_1308 : i32 to vector<16xi32>
      %mul3A_1310 = arith.muli %iota3A, %mul3A_1309 : vector<16xi32>
      %add3A_1311 = arith.constant 1 : i32
      %add3A_1312 = vector.broadcast %add3A_1311 : i32 to vector<16xi32>
      %add3A_1313 = arith.addi %mul3A_1310, %add3A_1312 : vector<16xi32>
      tpu.vector_store_idx %arg11[%add3A_1244, %add3A_1313], %gather3A_1307 : memref<3200x3xf32, #tpu.memory_space<vmem>>[vector<16xi32>, vector<16xi32>], vector<16xf32>,
      %mul3A_1314 = arith.constant 0 : i32
      %mul3A_1315 = vector.broadcast %mul3A_1314 : i32 to vector<16xi32>
      %mul3A_1316 = arith.muli %iota3A, %mul3A_1315 : vector<16xi32>
      %add3A_1317 = arith.constant 4 : i32
      %add3A_1318 = vector.broadcast %add3A_1317 : i32 to vector<16xi32>
      %add3A_1319 = arith.addi %mul3A_1316, %add3A_1318 : vector<16xi32>
      %gather3A_1320 = arith.constant 0 : i32
      %gather3A_1321 = arith.constant 0 : i32
      %gather3A_1322 = arith.constant 0 : i32
      %gather3A_1323 = tpu.memref_slice %arg9[%gather3A_1320, %gather3A_1321, %gather3A_1322] : memref<3x1024x16xf32, #tpu.memory_space<vmem>> -> memref<1x1024x16xf32, #tpu.memory_space<vmem>>
      %gather3A_1324 = tpu.memref_squeeze %gather3A_1323 : memref<1x1024x16xf32, #tpu.memory_space<vmem>> -> memref<1024x16xf32, #tpu.memory_space<vmem>>
      %gather3A_1325 = tpu.vector_load_idx %gather3A_1324[%min3A_1252, %add3A_1319] : memref<1024x16xf32, #tpu.memory_space<vmem>>[vector<16xi32>, vector<16xi32>], vector<16xf32>,
      %mul3A_1326 = arith.constant 0 : i32
      %mul3A_1327 = vector.broadcast %mul3A_1326 : i32 to vector<16xi32>
      %mul3A_1328 = arith.muli %iota3A, %mul3A_1327 : vector<16xi32>
      %add3A_1329 = arith.constant 2 : i32
      %add3A_1330 = vector.broadcast %add3A_1329 : i32 to vector<16xi32>
      %add3A_1331 = arith.addi %mul3A_1328, %add3A_1330 : vector<16xi32>
      tpu.vector_store_idx %arg11[%add3A_1244, %add3A_1331], %gather3A_1325 : memref<3200x3xf32, #tpu.memory_space<vmem>>[vector<16xi32>, vector<16xi32>], vector<16xf32>,
    }
    %scan3A_237 = arith.constant 8 : i32
    %add3A_238 = arith.constant 768 : i32
    %add3A_239 = arith.addi %mul3A_2, %add3A_238 : i32
    %mul3A_240 = arith.constant 8 : i32
    %mul3A_241 = arith.muli %add3A_239, %mul3A_240 : i32
    %min3A_242 = arith.constant 798976 : i32
    %min3A_243 = arith.minsi %mul3A_241, %min3A_242 : i32
    %dma_start3A_244 = arith.constant 0 : i32
    %dma_start3A_245 = arith.constant 0 : i32
    %dma_start3A_246 = arith.constant 0 : i32
    %dma_start3A_247 = tpu.memref_slice %arg9[%dma_start3A_244, %dma_start3A_245, %dma_start3A_246] : memref<3x1024x16xf32, #tpu.memory_space<vmem>> -> memref<1x1024x16xf32, #tpu.memory_space<vmem>>
    %dma_start3A_248 = tpu.memref_squeeze %dma_start3A_247 : memref<1x1024x16xf32, #tpu.memory_space<vmem>> -> memref<1024x16xf32, #tpu.memory_space<vmem>>
    %dma_start3A_249 = arith.constant 0 : i32
    %dma_start3A_250 = tpu.memref_slice %arg2[%min3A_243, %dma_start3A_249] : memref<800000x16xf32, #tpu.memory_space<hbm>> -> memref<1024x16xf32, #tpu.memory_space<hbm>>
    %dma_start3A_251 = arith.constant 0 : i32
    %dma_start3A_252 = arith.constant 0 : i32
    %dma_start3A_253 = tpu.memref_slice %arg9[%dma_start3A_244, %dma_start3A_251, %dma_start3A_252] : memref<3x1024x16xf32, #tpu.memory_space<vmem>> -> memref<1x1024x16xf32, #tpu.memory_space<vmem>>
    %dma_start3A_254 = tpu.memref_squeeze %dma_start3A_253 : memref<1x1024x16xf32, #tpu.memory_space<vmem>> -> memref<1024x16xf32, #tpu.memory_space<vmem>>
    %dma_start3A_255 = arith.constant 0 : i32
    %dma_start3A_256 = tpu.memref_slice %arg2[%min3A_243, %dma_start3A_255] : memref<800000x16xf32, #tpu.memory_space<hbm>> -> memref<1024x16xf32, #tpu.memory_space<hbm>>
    tpu.enqueue_dma source(%dma_start3A_256 : memref<1024x16xf32, #tpu.memory_space<hbm>>) target(%dma_start3A_254 : memref<1024x16xf32, #tpu.memory_space<vmem>>) target_semaphore(%arg12 : memref<!tpu.dma_semaphore, #tpu.memory_space<semaphore_mem>>)
    %dma_wait3A_257 = arith.constant 1 : i32
    %dma_wait3A_258 = arith.constant 0 : i32
    %dma_wait3A_259 = arith.constant 0 : i32
    %dma_wait3A_260 = tpu.memref_slice %arg9[%dma_wait3A_257, %dma_wait3A_258, %dma_wait3A_259] : memref<3x1024x16xf32, #tpu.memory_space<vmem>> -> memref<1x1024x16xf32, #tpu.memory_space<vmem>>
    %dma_wait3A_261 = tpu.memref_squeeze %dma_wait3A_260 : memref<1x1024x16xf32, #tpu.memory_space<vmem>> -> memref<1024x16xf32, #tpu.memory_space<vmem>>
    %dma_wait3A_262 = arith.constant 0 : i32
    %dma_wait3A_263 = tpu.memref_slice %arg2[%min3A_145, %dma_wait3A_262] : memref<800000x16xf32, #tpu.memory_space<hbm>> -> memref<1024x16xf32, #tpu.memory_space<hbm>>
    %dma_wait3A_264 = arith.constant 0 : i32
    %dma_wait3A_265 = arith.constant 0 : i32
    %dma_wait3A_266 = tpu.memref_slice %arg9[%dma_wait3A_257, %dma_wait3A_264, %dma_wait3A_265] : memref<3x1024x16xf32, #tpu.memory_space<vmem>> -> memref<1x1024x16xf32, #tpu.memory_space<vmem>>
    %dma_wait3A_267 = tpu.memref_squeeze %dma_wait3A_266 : memref<1x1024x16xf32, #tpu.memory_space<vmem>> -> memref<1024x16xf32, #tpu.memory_space<vmem>>
    %dma_wait3A_268 = arith.constant 0 : i32
    %dma_wait3A_269 = tpu.memref_slice %arg2[%min3A_145, %dma_wait3A_268] : memref<800000x16xf32, #tpu.memory_space<hbm>> -> memref<1024x16xf32, #tpu.memory_space<hbm>>
    tpu.wait_dma2 semaphore(%arg13 : memref<!tpu.dma_semaphore, #tpu.memory_space<semaphore_mem>>) src(%dma_wait3A_269 : memref<1024x16xf32, #tpu.memory_space<hbm>>) dst(%dma_wait3A_267 : memref<1024x16xf32, #tpu.memory_space<vmem>>)
    %add3A_270 = arith.constant 512 : i32
    %add3A_271 = arith.addi %mul3A_2, %add3A_270 : i32
    %mul3A_272 = arith.constant 8 : i32
    %mul3A_273 = arith.muli %add3A_271, %mul3A_272 : i32
    %add3A_274 = arith.constant 512 : i32
    %add3A_275 = arith.addi %mul3A_2, %add3A_274 : i32
    %mul3A_276 = arith.constant 8 : i32
    %mul3A_277 = arith.muli %add3A_275, %mul3A_276 : i32
    %min3A_278 = arith.constant 798976 : i32
    %min3A_279 = arith.minsi %mul3A_277, %min3A_278 : i32
    %sub3A_280 = arith.subi %mul3A_273, %min3A_279 : i32
    %scan3A_281 = arith.constant 0 : i32
    %scan3A_282 = arith.constant 0 : i32
    %scan3A_283 = arith.constant 8 : i32
    %scan3A_284 = arith.addi %scan3A_282, %scan3A_283 : i32
    %scan3A_285 = arith.constant 1 : i32
    scf.for %scan3A_1237 = %scan3A_282 to %scan3A_284 step %scan3A_285  : i32 {
      %iota3A = tpu.iota {dimensions = array<i32: 0>} : vector<16xi32>
      %mul3A_1238 = arith.constant 16 : i32
      %mul3A_1239 = arith.muli %scan3A_1237, %mul3A_1238 : i32
      %add3A_1240 = vector.broadcast %mul3A_1239 : i32 to vector<16xi32>
      %add3A_1241 = arith.addi %add3A_1240, %iota3A : vector<16xi32>
      %add3A_1242 = arith.constant 512 : i32
      %add3A_1243 = vector.broadcast %add3A_1242 : i32 to vector<16xi32>
      %add3A_1244 = arith.addi %add3A_1243, %add3A_1241 : vector<16xi32>
      %mul3A_1245 = arith.constant 8 : i32
      %mul3A_1246 = vector.broadcast %mul3A_1245 : i32 to vector<16xi32>
      %mul3A_1247 = arith.muli %add3A_1241, %mul3A_1246 : vector<16xi32>
      %add3A_1248 = vector.broadcast %sub3A_280 : i32 to vector<16xi32>
      %add3A_1249 = arith.addi %mul3A_1247, %add3A_1248 : vector<16xi32>
      %min3A_1250 = arith.constant 1016 : i32
      %min3A_1251 = vector.broadcast %min3A_1250 : i32 to vector<16xi32>
      %min3A_1252 = arith.minsi %add3A_1249, %min3A_1251 : vector<16xi32>
      %mul3A_1253 = arith.constant 16 : i32
      %mul3A_1254 = arith.muli %scan3A_1237, %mul3A_1253 : i32
      %add3A_1255 = arith.constant 512 : i32
      %add3A_1256 = arith.addi %add3A_1255, %mul3A_1254 : i32
      %get3A = arith.index_cast %add3A_1256 : i32 to index
      %get3A_1257 = tpu.vector_load %arg7[%get3A] {strides = array<i32>} : memref<3200xi32, #tpu.memory_space<vmem>>, vector<16xi32>,
      %jit3A = arith.constant 0 : i32
      %jit3A_1258 = arith.constant 63 : i32
      %max3A = vector.broadcast %jit3A : i32 to vector<16xi32>
      %max3A_1259 = arith.maxsi %max3A, %get3A_1257 : vector<16xi32>
      %min3A_1260 = vector.broadcast %jit3A_1258 : i32 to vector<16xi32>
      %min3A_1261 = arith.minsi %min3A_1260, %max3A_1259 : vector<16xi32>
      %gather3A = tpu.vector_load_idx %arg8[%min3A_1261] : memref<128xi32, #tpu.memory_space<vmem>>[vector<16xi32>], vector<16xi32>,
      %shift_right_arithmetic3A = arith.constant 4 : i32
      %shift_right_arithmetic3A_1262 = vector.broadcast %shift_right_arithmetic3A : i32 to vector<16xi32>
      %shift_right_arithmetic3A_1263 = arith.shrsi %gather3A, %shift_right_arithmetic3A_1262 : vector<16xi32>
      %add3A_1264 = arith.addi %min3A_1252, %shift_right_arithmetic3A_1263 : vector<16xi32>
      %and3A = arith.constant 15 : i32
      %and3A_1265 = vector.broadcast %and3A : i32 to vector<16xi32>
      %and3A_1266 = arith.andi %gather3A, %and3A_1265 : vector<16xi32>
      %gather3A_1267 = arith.constant 1 : i32
      %gather3A_1268 = arith.constant 0 : i32
      %gather3A_1269 = arith.constant 0 : i32
      %gather3A_1270 = tpu.memref_slice %arg9[%gather3A_1267, %gather3A_1268, %gather3A_1269] : memref<3x1024x16xf32, #tpu.memory_space<vmem>> -> memref<1x1024x16xf32, #tpu.memory_space<vmem>>
      %gather3A_1271 = tpu.memref_squeeze %gather3A_1270 : memref<1x1024x16xf32, #tpu.memory_space<vmem>> -> memref<1024x16xf32, #tpu.memory_space<vmem>>
      %gather3A_1272 = tpu.vector_load_idx %gather3A_1271[%add3A_1264, %and3A_1266] : memref<1024x16xf32, #tpu.memory_space<vmem>>[vector<16xi32>, vector<16xi32>], vector<16xf32>,
      %mul3A_1273 = arith.constant 16 : i32
      %mul3A_1274 = arith.muli %scan3A_1237, %mul3A_1273 : i32
      %add3A_1275 = arith.constant 512 : i32
      %add3A_1276 = arith.addi %add3A_1275, %mul3A_1274 : i32
      %swap3A = arith.index_cast %add3A_1276 : i32 to index
      %swap3A_1277 = tpu.vector_load %arg10[%swap3A] {strides = array<i32>} : memref<3200xf32, #tpu.memory_space<vmem>>, vector<16xf32>,
      tpu.vector_store %arg10[%swap3A], %gather3A_1272 {strides = array<i32>} : memref<3200xf32, #tpu.memory_space<vmem>>, vector<16xf32>,
      %mul3A_1278 = arith.constant 0 : i32
      %mul3A_1279 = vector.broadcast %mul3A_1278 : i32 to vector<16xi32>
      %mul3A_1280 = arith.muli %iota3A, %mul3A_1279 : vector<16xi32>
      %add3A_1281 = arith.constant 2 : i32
      %add3A_1282 = vector.broadcast %add3A_1281 : i32 to vector<16xi32>
      %add3A_1283 = arith.addi %mul3A_1280, %add3A_1282 : vector<16xi32>
      %gather3A_1284 = arith.constant 1 : i32
      %gather3A_1285 = arith.constant 0 : i32
      %gather3A_1286 = arith.constant 0 : i32
      %gather3A_1287 = tpu.memref_slice %arg9[%gather3A_1284, %gather3A_1285, %gather3A_1286] : memref<3x1024x16xf32, #tpu.memory_space<vmem>> -> memref<1x1024x16xf32, #tpu.memory_space<vmem>>
      %gather3A_1288 = tpu.memref_squeeze %gather3A_1287 : memref<1x1024x16xf32, #tpu.memory_space<vmem>> -> memref<1024x16xf32, #tpu.memory_space<vmem>>
      %gather3A_1289 = tpu.vector_load_idx %gather3A_1288[%min3A_1252, %add3A_1283] : memref<1024x16xf32, #tpu.memory_space<vmem>>[vector<16xi32>, vector<16xi32>], vector<16xf32>,
      %mul3A_1290 = arith.constant 0 : i32
      %mul3A_1291 = vector.broadcast %mul3A_1290 : i32 to vector<16xi32>
      %mul3A_1292 = arith.muli %iota3A, %mul3A_1291 : vector<16xi32>
      %add3A_1293 = arith.constant 0 : i32
      %add3A_1294 = vector.broadcast %add3A_1293 : i32 to vector<16xi32>
      %add3A_1295 = arith.addi %mul3A_1292, %add3A_1294 : vector<16xi32>
      tpu.vector_store_idx %arg11[%add3A_1244, %add3A_1295], %gather3A_1289 : memref<3200x3xf32, #tpu.memory_space<vmem>>[vector<16xi32>, vector<16xi32>], vector<16xf32>,
      %mul3A_1296 = arith.constant 0 : i32
      %mul3A_1297 = vector.broadcast %mul3A_1296 : i32 to vector<16xi32>
      %mul3A_1298 = arith.muli %iota3A, %mul3A_1297 : vector<16xi32>
      %add3A_1299 = arith.constant 3 : i32
      %add3A_1300 = vector.broadcast %add3A_1299 : i32 to vector<16xi32>
      %add3A_1301 = arith.addi %mul3A_1298, %add3A_1300 : vector<16xi32>
      %gather3A_1302 = arith.constant 1 : i32
      %gather3A_1303 = arith.constant 0 : i32
      %gather3A_1304 = arith.constant 0 : i32
      %gather3A_1305 = tpu.memref_slice %arg9[%gather3A_1302, %gather3A_1303, %gather3A_1304] : memref<3x1024x16xf32, #tpu.memory_space<vmem>> -> memref<1x1024x16xf32, #tpu.memory_space<vmem>>
      %gather3A_1306 = tpu.memref_squeeze %gather3A_1305 : memref<1x1024x16xf32, #tpu.memory_space<vmem>> -> memref<1024x16xf32, #tpu.memory_space<vmem>>
      %gather3A_1307 = tpu.vector_load_idx %gather3A_1306[%min3A_1252, %add3A_1301] : memref<1024x16xf32, #tpu.memory_space<vmem>>[vector<16xi32>, vector<16xi32>], vector<16xf32>,
      %mul3A_1308 = arith.constant 0 : i32
      %mul3A_1309 = vector.broadcast %mul3A_1308 : i32 to vector<16xi32>
      %mul3A_1310 = arith.muli %iota3A, %mul3A_1309 : vector<16xi32>
      %add3A_1311 = arith.constant 1 : i32
      %add3A_1312 = vector.broadcast %add3A_1311 : i32 to vector<16xi32>
      %add3A_1313 = arith.addi %mul3A_1310, %add3A_1312 : vector<16xi32>
      tpu.vector_store_idx %arg11[%add3A_1244, %add3A_1313], %gather3A_1307 : memref<3200x3xf32, #tpu.memory_space<vmem>>[vector<16xi32>, vector<16xi32>], vector<16xf32>,
      %mul3A_1314 = arith.constant 0 : i32
      %mul3A_1315 = vector.broadcast %mul3A_1314 : i32 to vector<16xi32>
      %mul3A_1316 = arith.muli %iota3A, %mul3A_1315 : vector<16xi32>
      %add3A_1317 = arith.constant 4 : i32
      %add3A_1318 = vector.broadcast %add3A_1317 : i32 to vector<16xi32>
      %add3A_1319 = arith.addi %mul3A_1316, %add3A_1318 : vector<16xi32>
      %gather3A_1320 = arith.constant 1 : i32
      %gather3A_1321 = arith.constant 0 : i32
      %gather3A_1322 = arith.constant 0 : i32
      %gather3A_1323 = tpu.memref_slice %arg9[%gather3A_1320, %gather3A_1321, %gather3A_1322] : memref<3x1024x16xf32, #tpu.memory_space<vmem>> -> memref<1x1024x16xf32, #tpu.memory_space<vmem>>
      %gather3A_1324 = tpu.memref_squeeze %gather3A_1323 : memref<1x1024x16xf32, #tpu.memory_space<vmem>> -> memref<1024x16xf32, #tpu.memory_space<vmem>>
      %gather3A_1325 = tpu.vector_load_idx %gather3A_1324[%min3A_1252, %add3A_1319] : memref<1024x16xf32, #tpu.memory_space<vmem>>[vector<16xi32>, vector<16xi32>], vector<16xf32>,
      %mul3A_1326 = arith.constant 0 : i32
      %mul3A_1327 = vector.broadcast %mul3A_1326 : i32 to vector<16xi32>
      %mul3A_1328 = arith.muli %iota3A, %mul3A_1327 : vector<16xi32>
      %add3A_1329 = arith.constant 2 : i32
      %add3A_1330 = vector.broadcast %add3A_1329 : i32 to vector<16xi32>
      %add3A_1331 = arith.addi %mul3A_1328, %add3A_1330 : vector<16xi32>
      tpu.vector_store_idx %arg11[%add3A_1244, %add3A_1331], %gather3A_1325 : memref<3200x3xf32, #tpu.memory_space<vmem>>[vector<16xi32>, vector<16xi32>], vector<16xf32>,
    }
    %scan3A_286 = arith.constant 8 : i32
    %add3A_287 = arith.constant 896 : i32
    %add3A_288 = arith.addi %mul3A_2, %add3A_287 : i32
    %mul3A_289 = arith.constant 8 : i32
    %mul3A_290 = arith.muli %add3A_288, %mul3A_289 : i32
    %min3A_291 = arith.constant 798976 : i32
    %min3A_292 = arith.minsi %mul3A_290, %min3A_291 : i32
    %dma_start3A_293 = arith.constant 1 : i32
    %dma_start3A_294 = arith.constant 0 : i32
    %dma_start3A_295 = arith.constant 0 : i32
    %dma_start3A_296 = tpu.memref_slice %arg9[%dma_start3A_293, %dma_start3A_294, %dma_start3A_295] : memref<3x1024x16xf32, #tpu.memory_space<vmem>> -> memref<1x1024x16xf32, #tpu.memory_space<vmem>>
    %dma_start3A_297 = tpu.memref_squeeze %dma_start3A_296 : memref<1x1024x16xf32, #tpu.memory_space<vmem>> -> memref<1024x16xf32, #tpu.memory_space<vmem>>
    %dma_start3A_298 = arith.constant 0 : i32
    %dma_start3A_299 = tpu.memref_slice %arg2[%min3A_292, %dma_start3A_298] : memref<800000x16xf32, #tpu.memory_space<hbm>> -> memref<1024x16xf32, #tpu.memory_space<hbm>>
    %dma_start3A_300 = arith.constant 0 : i32
    %dma_start3A_301 = arith.constant 0 : i32
    %dma_start3A_302 = tpu.memref_slice %arg9[%dma_start3A_293, %dma_start3A_300, %dma_start3A_301] : memref<3x1024x16xf32, #tpu.memory_space<vmem>> -> memref<1x1024x16xf32, #tpu.memory_space<vmem>>
    %dma_start3A_303 = tpu.memref_squeeze %dma_start3A_302 : memref<1x1024x16xf32, #tpu.memory_space<vmem>> -> memref<1024x16xf32, #tpu.memory_space<vmem>>
    %dma_start3A_304 = arith.constant 0 : i32
    %dma_start3A_305 = tpu.memref_slice %arg2[%min3A_292, %dma_start3A_304] : memref<800000x16xf32, #tpu.memory_space<hbm>> -> memref<1024x16xf32, #tpu.memory_space<hbm>>
    tpu.enqueue_dma source(%dma_start3A_305 : memref<1024x16xf32, #tpu.memory_space<hbm>>) target(%dma_start3A_303 : memref<1024x16xf32, #tpu.memory_space<vmem>>) target_semaphore(%arg13 : memref<!tpu.dma_semaphore, #tpu.memory_space<semaphore_mem>>)
    %dma_wait3A_306 = arith.constant 2 : i32
    %dma_wait3A_307 = arith.constant 0 : i32
    %dma_wait3A_308 = arith.constant 0 : i32
    %dma_wait3A_309 = tpu.memref_slice %arg9[%dma_wait3A_306, %dma_wait3A_307, %dma_wait3A_308] : memref<3x1024x16xf32, #tpu.memory_space<vmem>> -> memref<1x1024x16xf32, #tpu.memory_space<vmem>>
    %dma_wait3A_310 = tpu.memref_squeeze %dma_wait3A_309 : memref<1x1024x16xf32, #tpu.memory_space<vmem>> -> memref<1024x16xf32, #tpu.memory_space<vmem>>
    %dma_wait3A_311 = arith.constant 0 : i32
    %dma_wait3A_312 = tpu.memref_slice %arg2[%min3A_194, %dma_wait3A_311] : memref<800000x16xf32, #tpu.memory_space<hbm>> -> memref<1024x16xf32, #tpu.memory_space<hbm>>
    %dma_wait3A_313 = arith.constant 0 : i32
    %dma_wait3A_314 = arith.constant 0 : i32
    %dma_wait3A_315 = tpu.memref_slice %arg9[%dma_wait3A_306, %dma_wait3A_313, %dma_wait3A_314] : memref<3x1024x16xf32, #tpu.memory_space<vmem>> -> memref<1x1024x16xf32, #tpu.memory_space<vmem>>
    %dma_wait3A_316 = tpu.memref_squeeze %dma_wait3A_315 : memref<1x1024x16xf32, #tpu.memory_space<vmem>> -> memref<1024x16xf32, #tpu.memory_space<vmem>>
    %dma_wait3A_317 = arith.constant 0 : i32
    %dma_wait3A_318 = tpu.memref_slice %arg2[%min3A_194, %dma_wait3A_317] : memref<800000x16xf32, #tpu.memory_space<hbm>> -> memref<1024x16xf32, #tpu.memory_space<hbm>>
    tpu.wait_dma2 semaphore(%arg14 : memref<!tpu.dma_semaphore, #tpu.memory_space<semaphore_mem>>) src(%dma_wait3A_318 : memref<1024x16xf32, #tpu.memory_space<hbm>>) dst(%dma_wait3A_316 : memref<1024x16xf32, #tpu.memory_space<vmem>>)
    %add3A_319 = arith.constant 640 : i32
    %add3A_320 = arith.addi %mul3A_2, %add3A_319 : i32
    %mul3A_321 = arith.constant 8 : i32
    %mul3A_322 = arith.muli %add3A_320, %mul3A_321 : i32
    %add3A_323 = arith.constant 640 : i32
    %add3A_324 = arith.addi %mul3A_2, %add3A_323 : i32
    %mul3A_325 = arith.constant 8 : i32
    %mul3A_326 = arith.muli %add3A_324, %mul3A_325 : i32
    %min3A_327 = arith.constant 798976 : i32
    %min3A_328 = arith.minsi %mul3A_326, %min3A_327 : i32
    %sub3A_329 = arith.subi %mul3A_322, %min3A_328 : i32
    %scan3A_330 = arith.constant 0 : i32
    %scan3A_331 = arith.constant 0 : i32
    %scan3A_332 = arith.constant 8 : i32
    %scan3A_333 = arith.addi %scan3A_331, %scan3A_332 : i32
    %scan3A_334 = arith.constant 1 : i32
    scf.for %scan3A_1237 = %scan3A_331 to %scan3A_333 step %scan3A_334  : i32 {
      %iota3A = tpu.iota {dimensions = array<i32: 0>} : vector<16xi32>
      %mul3A_1238 = arith.constant 16 : i32
      %mul3A_1239 = arith.muli %scan3A_1237, %mul3A_1238 : i32
      %add3A_1240 = vector.broadcast %mul3A_1239 : i32 to vector<16xi32>
      %add3A_1241 = arith.addi %add3A_1240, %iota3A : vector<16xi32>
      %add3A_1242 = arith.constant 640 : i32
      %add3A_1243 = vector.broadcast %add3A_1242 : i32 to vector<16xi32>
      %add3A_1244 = arith.addi %add3A_1243, %add3A_1241 : vector<16xi32>
      %mul3A_1245 = arith.constant 8 : i32
      %mul3A_1246 = vector.broadcast %mul3A_1245 : i32 to vector<16xi32>
      %mul3A_1247 = arith.muli %add3A_1241, %mul3A_1246 : vector<16xi32>
      %add3A_1248 = vector.broadcast %sub3A_329 : i32 to vector<16xi32>
      %add3A_1249 = arith.addi %mul3A_1247, %add3A_1248 : vector<16xi32>
      %min3A_1250 = arith.constant 1016 : i32
      %min3A_1251 = vector.broadcast %min3A_1250 : i32 to vector<16xi32>
      %min3A_1252 = arith.minsi %add3A_1249, %min3A_1251 : vector<16xi32>
      %mul3A_1253 = arith.constant 16 : i32
      %mul3A_1254 = arith.muli %scan3A_1237, %mul3A_1253 : i32
      %add3A_1255 = arith.constant 640 : i32
      %add3A_1256 = arith.addi %add3A_1255, %mul3A_1254 : i32
      %get3A = arith.index_cast %add3A_1256 : i32 to index
      %get3A_1257 = tpu.vector_load %arg7[%get3A] {strides = array<i32>} : memref<3200xi32, #tpu.memory_space<vmem>>, vector<16xi32>,
      %jit3A = arith.constant 0 : i32
      %jit3A_1258 = arith.constant 63 : i32
      %max3A = vector.broadcast %jit3A : i32 to vector<16xi32>
      %max3A_1259 = arith.maxsi %max3A, %get3A_1257 : vector<16xi32>
      %min3A_1260 = vector.broadcast %jit3A_1258 : i32 to vector<16xi32>
      %min3A_1261 = arith.minsi %min3A_1260, %max3A_1259 : vector<16xi32>
      %gather3A = tpu.vector_load_idx %arg8[%min3A_1261] : memref<128xi32, #tpu.memory_space<vmem>>[vector<16xi32>], vector<16xi32>,
      %shift_right_arithmetic3A = arith.constant 4 : i32
      %shift_right_arithmetic3A_1262 = vector.broadcast %shift_right_arithmetic3A : i32 to vector<16xi32>
      %shift_right_arithmetic3A_1263 = arith.shrsi %gather3A, %shift_right_arithmetic3A_1262 : vector<16xi32>
      %add3A_1264 = arith.addi %min3A_1252, %shift_right_arithmetic3A_1263 : vector<16xi32>
      %and3A = arith.constant 15 : i32
      %and3A_1265 = vector.broadcast %and3A : i32 to vector<16xi32>
      %and3A_1266 = arith.andi %gather3A, %and3A_1265 : vector<16xi32>
      %gather3A_1267 = arith.constant 2 : i32
      %gather3A_1268 = arith.constant 0 : i32
      %gather3A_1269 = arith.constant 0 : i32
      %gather3A_1270 = tpu.memref_slice %arg9[%gather3A_1267, %gather3A_1268, %gather3A_1269] : memref<3x1024x16xf32, #tpu.memory_space<vmem>> -> memref<1x1024x16xf32, #tpu.memory_space<vmem>>
      %gather3A_1271 = tpu.memref_squeeze %gather3A_1270 : memref<1x1024x16xf32, #tpu.memory_space<vmem>> -> memref<1024x16xf32, #tpu.memory_space<vmem>>
      %gather3A_1272 = tpu.vector_load_idx %gather3A_1271[%add3A_1264, %and3A_1266] : memref<1024x16xf32, #tpu.memory_space<vmem>>[vector<16xi32>, vector<16xi32>], vector<16xf32>,
      %mul3A_1273 = arith.constant 16 : i32
      %mul3A_1274 = arith.muli %scan3A_1237, %mul3A_1273 : i32
      %add3A_1275 = arith.constant 640 : i32
      %add3A_1276 = arith.addi %add3A_1275, %mul3A_1274 : i32
      %swap3A = arith.index_cast %add3A_1276 : i32 to index
      %swap3A_1277 = tpu.vector_load %arg10[%swap3A] {strides = array<i32>} : memref<3200xf32, #tpu.memory_space<vmem>>, vector<16xf32>,
      tpu.vector_store %arg10[%swap3A], %gather3A_1272 {strides = array<i32>} : memref<3200xf32, #tpu.memory_space<vmem>>, vector<16xf32>,
      %mul3A_1278 = arith.constant 0 : i32
      %mul3A_1279 = vector.broadcast %mul3A_1278 : i32 to vector<16xi32>
      %mul3A_1280 = arith.muli %iota3A, %mul3A_1279 : vector<16xi32>
      %add3A_1281 = arith.constant 2 : i32
      %add3A_1282 = vector.broadcast %add3A_1281 : i32 to vector<16xi32>
      %add3A_1283 = arith.addi %mul3A_1280, %add3A_1282 : vector<16xi32>
      %gather3A_1284 = arith.constant 2 : i32
      %gather3A_1285 = arith.constant 0 : i32
      %gather3A_1286 = arith.constant 0 : i32
      %gather3A_1287 = tpu.memref_slice %arg9[%gather3A_1284, %gather3A_1285, %gather3A_1286] : memref<3x1024x16xf32, #tpu.memory_space<vmem>> -> memref<1x1024x16xf32, #tpu.memory_space<vmem>>
      %gather3A_1288 = tpu.memref_squeeze %gather3A_1287 : memref<1x1024x16xf32, #tpu.memory_space<vmem>> -> memref<1024x16xf32, #tpu.memory_space<vmem>>
      %gather3A_1289 = tpu.vector_load_idx %gather3A_1288[%min3A_1252, %add3A_1283] : memref<1024x16xf32, #tpu.memory_space<vmem>>[vector<16xi32>, vector<16xi32>], vector<16xf32>,
      %mul3A_1290 = arith.constant 0 : i32
      %mul3A_1291 = vector.broadcast %mul3A_1290 : i32 to vector<16xi32>
      %mul3A_1292 = arith.muli %iota3A, %mul3A_1291 : vector<16xi32>
      %add3A_1293 = arith.constant 0 : i32
      %add3A_1294 = vector.broadcast %add3A_1293 : i32 to vector<16xi32>
      %add3A_1295 = arith.addi %mul3A_1292, %add3A_1294 : vector<16xi32>
      tpu.vector_store_idx %arg11[%add3A_1244, %add3A_1295], %gather3A_1289 : memref<3200x3xf32, #tpu.memory_space<vmem>>[vector<16xi32>, vector<16xi32>], vector<16xf32>,
      %mul3A_1296 = arith.constant 0 : i32
      %mul3A_1297 = vector.broadcast %mul3A_1296 : i32 to vector<16xi32>
      %mul3A_1298 = arith.muli %iota3A, %mul3A_1297 : vector<16xi32>
      %add3A_1299 = arith.constant 3 : i32
      %add3A_1300 = vector.broadcast %add3A_1299 : i32 to vector<16xi32>
      %add3A_1301 = arith.addi %mul3A_1298, %add3A_1300 : vector<16xi32>
      %gather3A_1302 = arith.constant 2 : i32
      %gather3A_1303 = arith.constant 0 : i32
      %gather3A_1304 = arith.constant 0 : i32
      %gather3A_1305 = tpu.memref_slice %arg9[%gather3A_1302, %gather3A_1303, %gather3A_1304] : memref<3x1024x16xf32, #tpu.memory_space<vmem>> -> memref<1x1024x16xf32, #tpu.memory_space<vmem>>
      %gather3A_1306 = tpu.memref_squeeze %gather3A_1305 : memref<1x1024x16xf32, #tpu.memory_space<vmem>> -> memref<1024x16xf32, #tpu.memory_space<vmem>>
      %gather3A_1307 = tpu.vector_load_idx %gather3A_1306[%min3A_1252, %add3A_1301] : memref<1024x16xf32, #tpu.memory_space<vmem>>[vector<16xi32>, vector<16xi32>], vector<16xf32>,
      %mul3A_1308 = arith.constant 0 : i32
      %mul3A_1309 = vector.broadcast %mul3A_1308 : i32 to vector<16xi32>
      %mul3A_1310 = arith.muli %iota3A, %mul3A_1309 : vector<16xi32>
      %add3A_1311 = arith.constant 1 : i32
      %add3A_1312 = vector.broadcast %add3A_1311 : i32 to vector<16xi32>
      %add3A_1313 = arith.addi %mul3A_1310, %add3A_1312 : vector<16xi32>
      tpu.vector_store_idx %arg11[%add3A_1244, %add3A_1313], %gather3A_1307 : memref<3200x3xf32, #tpu.memory_space<vmem>>[vector<16xi32>, vector<16xi32>], vector<16xf32>,
      %mul3A_1314 = arith.constant 0 : i32
      %mul3A_1315 = vector.broadcast %mul3A_1314 : i32 to vector<16xi32>
      %mul3A_1316 = arith.muli %iota3A, %mul3A_1315 : vector<16xi32>
      %add3A_1317 = arith.constant 4 : i32
      %add3A_1318 = vector.broadcast %add3A_1317 : i32 to vector<16xi32>
      %add3A_1319 = arith.addi %mul3A_1316, %add3A_1318 : vector<16xi32>
      %gather3A_1320 = arith.constant 2 : i32
      %gather3A_1321 = arith.constant 0 : i32
      %gather3A_1322 = arith.constant 0 : i32
      %gather3A_1323 = tpu.memref_slice %arg9[%gather3A_1320, %gather3A_1321, %gather3A_1322] : memref<3x1024x16xf32, #tpu.memory_space<vmem>> -> memref<1x1024x16xf32, #tpu.memory_space<vmem>>
      %gather3A_1324 = tpu.memref_squeeze %gather3A_1323 : memref<1x1024x16xf32, #tpu.memory_space<vmem>> -> memref<1024x16xf32, #tpu.memory_space<vmem>>
      %gather3A_1325 = tpu.vector_load_idx %gather3A_1324[%min3A_1252, %add3A_1319] : memref<1024x16xf32, #tpu.memory_space<vmem>>[vector<16xi32>, vector<16xi32>], vector<16xf32>,
      %mul3A_1326 = arith.constant 0 : i32
      %mul3A_1327 = vector.broadcast %mul3A_1326 : i32 to vector<16xi32>
      %mul3A_1328 = arith.muli %iota3A, %mul3A_1327 : vector<16xi32>
      %add3A_1329 = arith.constant 2 : i32
      %add3A_1330 = vector.broadcast %add3A_1329 : i32 to vector<16xi32>
      %add3A_1331 = arith.addi %mul3A_1328, %add3A_1330 : vector<16xi32>
      tpu.vector_store_idx %arg11[%add3A_1244, %add3A_1331], %gather3A_1325 : memref<3200x3xf32, #tpu.memory_space<vmem>>[vector<16xi32>, vector<16xi32>], vector<16xf32>,
    }
    %scan3A_335 = arith.constant 8 : i32
    %add3A_336 = arith.constant 1024 : i32
    %add3A_337 = arith.addi %mul3A_2, %add3A_336 : i32
    %mul3A_338 = arith.constant 8 : i32
    %mul3A_339 = arith.muli %add3A_337, %mul3A_338 : i32
    %min3A_340 = arith.constant 798976 : i32
    %min3A_341 = arith.minsi %mul3A_339, %min3A_340 : i32
    %dma_start3A_342 = arith.constant 2 : i32
    %dma_start3A_343 = arith.constant 0 : i32
    %dma_start3A_344 = arith.constant 0 : i32
    %dma_start3A_345 = tpu.memref_slice %arg9[%dma_start3A_342, %dma_start3A_343, %dma_start3A_344] : memref<3x1024x16xf32, #tpu.memory_space<vmem>> -> memref<1x1024x16xf32, #tpu.memory_space<vmem>>
    %dma_start3A_346 = tpu.memref_squeeze %dma_start3A_345 : memref<1x1024x16xf32, #tpu.memory_space<vmem>> -> memref<1024x16xf32, #tpu.memory_space<vmem>>
    %dma_start3A_347 = arith.constant 0 : i32
    %dma_start3A_348 = tpu.memref_slice %arg2[%min3A_341, %dma_start3A_347] : memref<800000x16xf32, #tpu.memory_space<hbm>> -> memref<1024x16xf32, #tpu.memory_space<hbm>>
    %dma_start3A_349 = arith.constant 0 : i32
    %dma_start3A_350 = arith.constant 0 : i32
    %dma_start3A_351 = tpu.memref_slice %arg9[%dma_start3A_342, %dma_start3A_349, %dma_start3A_350] : memref<3x1024x16xf32, #tpu.memory_space<vmem>> -> memref<1x1024x16xf32, #tpu.memory_space<vmem>>
    %dma_start3A_352 = tpu.memref_squeeze %dma_start3A_351 : memref<1x1024x16xf32, #tpu.memory_space<vmem>> -> memref<1024x16xf32, #tpu.memory_space<vmem>>
    %dma_start3A_353 = arith.constant 0 : i32
    %dma_start3A_354 = tpu.memref_slice %arg2[%min3A_341, %dma_start3A_353] : memref<800000x16xf32, #tpu.memory_space<hbm>> -> memref<1024x16xf32, #tpu.memory_space<hbm>>
    tpu.enqueue_dma source(%dma_start3A_354 : memref<1024x16xf32, #tpu.memory_space<hbm>>) target(%dma_start3A_352 : memref<1024x16xf32, #tpu.memory_space<vmem>>) target_semaphore(%arg14 : memref<!tpu.dma_semaphore, #tpu.memory_space<semaphore_mem>>)
    %dma_wait3A_355 = arith.constant 0 : i32
    %dma_wait3A_356 = arith.constant 0 : i32
    %dma_wait3A_357 = arith.constant 0 : i32
    %dma_wait3A_358 = tpu.memref_slice %arg9[%dma_wait3A_355, %dma_wait3A_356, %dma_wait3A_357] : memref<3x1024x16xf32, #tpu.memory_space<vmem>> -> memref<1x1024x16xf32, #tpu.memory_space<vmem>>
    %dma_wait3A_359 = tpu.memref_squeeze %dma_wait3A_358 : memref<1x1024x16xf32, #tpu.memory_space<vmem>> -> memref<1024x16xf32, #tpu.memory_space<vmem>>
    %dma_wait3A_360 = arith.constant 0 : i32
    %dma_wait3A_361 = tpu.memref_slice %arg2[%min3A_243, %dma_wait3A_360] : memref<800000x16xf32, #tpu.memory_space<hbm>> -> memref<1024x16xf32, #tpu.memory_space<hbm>>
    %dma_wait3A_362 = arith.constant 0 : i32
    %dma_wait3A_363 = arith.constant 0 : i32
    %dma_wait3A_364 = tpu.memref_slice %arg9[%dma_wait3A_355, %dma_wait3A_362, %dma_wait3A_363] : memref<3x1024x16xf32, #tpu.memory_space<vmem>> -> memref<1x1024x16xf32, #tpu.memory_space<vmem>>
    %dma_wait3A_365 = tpu.memref_squeeze %dma_wait3A_364 : memref<1x1024x16xf32, #tpu.memory_space<vmem>> -> memref<1024x16xf32, #tpu.memory_space<vmem>>
    %dma_wait3A_366 = arith.constant 0 : i32
    %dma_wait3A_367 = tpu.memref_slice %arg2[%min3A_243, %dma_wait3A_366] : memref<800000x16xf32, #tpu.memory_space<hbm>> -> memref<1024x16xf32, #tpu.memory_space<hbm>>
    tpu.wait_dma2 semaphore(%arg12 : memref<!tpu.dma_semaphore, #tpu.memory_space<semaphore_mem>>) src(%dma_wait3A_367 : memref<1024x16xf32, #tpu.memory_space<hbm>>) dst(%dma_wait3A_365 : memref<1024x16xf32, #tpu.memory_space<vmem>>)
    %add3A_368 = arith.constant 768 : i32
    %add3A_369 = arith.addi %mul3A_2, %add3A_368 : i32
    %mul3A_370 = arith.constant 8 : i32
    %mul3A_371 = arith.muli %add3A_369, %mul3A_370 : i32
    %add3A_372 = arith.constant 768 : i32
    %add3A_373 = arith.addi %mul3A_2, %add3A_372 : i32
    %mul3A_374 = arith.constant 8 : i32
    %mul3A_375 = arith.muli %add3A_373, %mul3A_374 : i32
    %min3A_376 = arith.constant 798976 : i32
    %min3A_377 = arith.minsi %mul3A_375, %min3A_376 : i32
    %sub3A_378 = arith.subi %mul3A_371, %min3A_377 : i32
    %scan3A_379 = arith.constant 0 : i32
    %scan3A_380 = arith.constant 0 : i32
    %scan3A_381 = arith.constant 8 : i32
    %scan3A_382 = arith.addi %scan3A_380, %scan3A_381 : i32
    %scan3A_383 = arith.constant 1 : i32
    scf.for %scan3A_1237 = %scan3A_380 to %scan3A_382 step %scan3A_383  : i32 {
      %iota3A = tpu.iota {dimensions = array<i32: 0>} : vector<16xi32>
      %mul3A_1238 = arith.constant 16 : i32
      %mul3A_1239 = arith.muli %scan3A_1237, %mul3A_1238 : i32
      %add3A_1240 = vector.broadcast %mul3A_1239 : i32 to vector<16xi32>
      %add3A_1241 = arith.addi %add3A_1240, %iota3A : vector<16xi32>
      %add3A_1242 = arith.constant 768 : i32
      %add3A_1243 = vector.broadcast %add3A_1242 : i32 to vector<16xi32>
      %add3A_1244 = arith.addi %add3A_1243, %add3A_1241 : vector<16xi32>
      %mul3A_1245 = arith.constant 8 : i32
      %mul3A_1246 = vector.broadcast %mul3A_1245 : i32 to vector<16xi32>
      %mul3A_1247 = arith.muli %add3A_1241, %mul3A_1246 : vector<16xi32>
      %add3A_1248 = vector.broadcast %sub3A_378 : i32 to vector<16xi32>
      %add3A_1249 = arith.addi %mul3A_1247, %add3A_1248 : vector<16xi32>
      %min3A_1250 = arith.constant 1016 : i32
      %min3A_1251 = vector.broadcast %min3A_1250 : i32 to vector<16xi32>
      %min3A_1252 = arith.minsi %add3A_1249, %min3A_1251 : vector<16xi32>
      %mul3A_1253 = arith.constant 16 : i32
      %mul3A_1254 = arith.muli %scan3A_1237, %mul3A_1253 : i32
      %add3A_1255 = arith.constant 768 : i32
      %add3A_1256 = arith.addi %add3A_1255, %mul3A_1254 : i32
      %get3A = arith.index_cast %add3A_1256 : i32 to index
      %get3A_1257 = tpu.vector_load %arg7[%get3A] {strides = array<i32>} : memref<3200xi32, #tpu.memory_space<vmem>>, vector<16xi32>,
      %jit3A = arith.constant 0 : i32
      %jit3A_1258 = arith.constant 63 : i32
      %max3A = vector.broadcast %jit3A : i32 to vector<16xi32>
      %max3A_1259 = arith.maxsi %max3A, %get3A_1257 : vector<16xi32>
      %min3A_1260 = vector.broadcast %jit3A_1258 : i32 to vector<16xi32>
      %min3A_1261 = arith.minsi %min3A_1260, %max3A_1259 : vector<16xi32>
      %gather3A = tpu.vector_load_idx %arg8[%min3A_1261] : memref<128xi32, #tpu.memory_space<vmem>>[vector<16xi32>], vector<16xi32>,
      %shift_right_arithmetic3A = arith.constant 4 : i32
      %shift_right_arithmetic3A_1262 = vector.broadcast %shift_right_arithmetic3A : i32 to vector<16xi32>
      %shift_right_arithmetic3A_1263 = arith.shrsi %gather3A, %shift_right_arithmetic3A_1262 : vector<16xi32>
      %add3A_1264 = arith.addi %min3A_1252, %shift_right_arithmetic3A_1263 : vector<16xi32>
      %and3A = arith.constant 15 : i32
      %and3A_1265 = vector.broadcast %and3A : i32 to vector<16xi32>
      %and3A_1266 = arith.andi %gather3A, %and3A_1265 : vector<16xi32>
      %gather3A_1267 = arith.constant 0 : i32
      %gather3A_1268 = arith.constant 0 : i32
      %gather3A_1269 = arith.constant 0 : i32
      %gather3A_1270 = tpu.memref_slice %arg9[%gather3A_1267, %gather3A_1268, %gather3A_1269] : memref<3x1024x16xf32, #tpu.memory_space<vmem>> -> memref<1x1024x16xf32, #tpu.memory_space<vmem>>
      %gather3A_1271 = tpu.memref_squeeze %gather3A_1270 : memref<1x1024x16xf32, #tpu.memory_space<vmem>> -> memref<1024x16xf32, #tpu.memory_space<vmem>>
      %gather3A_1272 = tpu.vector_load_idx %gather3A_1271[%add3A_1264, %and3A_1266] : memref<1024x16xf32, #tpu.memory_space<vmem>>[vector<16xi32>, vector<16xi32>], vector<16xf32>,
      %mul3A_1273 = arith.constant 16 : i32
      %mul3A_1274 = arith.muli %scan3A_1237, %mul3A_1273 : i32
      %add3A_1275 = arith.constant 768 : i32
      %add3A_1276 = arith.addi %add3A_1275, %mul3A_1274 : i32
      %swap3A = arith.index_cast %add3A_1276 : i32 to index
      %swap3A_1277 = tpu.vector_load %arg10[%swap3A] {strides = array<i32>} : memref<3200xf32, #tpu.memory_space<vmem>>, vector<16xf32>,
      tpu.vector_store %arg10[%swap3A], %gather3A_1272 {strides = array<i32>} : memref<3200xf32, #tpu.memory_space<vmem>>, vector<16xf32>,
      %mul3A_1278 = arith.constant 0 : i32
      %mul3A_1279 = vector.broadcast %mul3A_1278 : i32 to vector<16xi32>
      %mul3A_1280 = arith.muli %iota3A, %mul3A_1279 : vector<16xi32>
      %add3A_1281 = arith.constant 2 : i32
      %add3A_1282 = vector.broadcast %add3A_1281 : i32 to vector<16xi32>
      %add3A_1283 = arith.addi %mul3A_1280, %add3A_1282 : vector<16xi32>
      %gather3A_1284 = arith.constant 0 : i32
      %gather3A_1285 = arith.constant 0 : i32
      %gather3A_1286 = arith.constant 0 : i32
      %gather3A_1287 = tpu.memref_slice %arg9[%gather3A_1284, %gather3A_1285, %gather3A_1286] : memref<3x1024x16xf32, #tpu.memory_space<vmem>> -> memref<1x1024x16xf32, #tpu.memory_space<vmem>>
      %gather3A_1288 = tpu.memref_squeeze %gather3A_1287 : memref<1x1024x16xf32, #tpu.memory_space<vmem>> -> memref<1024x16xf32, #tpu.memory_space<vmem>>
      %gather3A_1289 = tpu.vector_load_idx %gather3A_1288[%min3A_1252, %add3A_1283] : memref<1024x16xf32, #tpu.memory_space<vmem>>[vector<16xi32>, vector<16xi32>], vector<16xf32>,
      %mul3A_1290 = arith.constant 0 : i32
      %mul3A_1291 = vector.broadcast %mul3A_1290 : i32 to vector<16xi32>
      %mul3A_1292 = arith.muli %iota3A, %mul3A_1291 : vector<16xi32>
      %add3A_1293 = arith.constant 0 : i32
      %add3A_1294 = vector.broadcast %add3A_1293 : i32 to vector<16xi32>
      %add3A_1295 = arith.addi %mul3A_1292, %add3A_1294 : vector<16xi32>
      tpu.vector_store_idx %arg11[%add3A_1244, %add3A_1295], %gather3A_1289 : memref<3200x3xf32, #tpu.memory_space<vmem>>[vector<16xi32>, vector<16xi32>], vector<16xf32>,
      %mul3A_1296 = arith.constant 0 : i32
      %mul3A_1297 = vector.broadcast %mul3A_1296 : i32 to vector<16xi32>
      %mul3A_1298 = arith.muli %iota3A, %mul3A_1297 : vector<16xi32>
      %add3A_1299 = arith.constant 3 : i32
      %add3A_1300 = vector.broadcast %add3A_1299 : i32 to vector<16xi32>
      %add3A_1301 = arith.addi %mul3A_1298, %add3A_1300 : vector<16xi32>
      %gather3A_1302 = arith.constant 0 : i32
      %gather3A_1303 = arith.constant 0 : i32
      %gather3A_1304 = arith.constant 0 : i32
      %gather3A_1305 = tpu.memref_slice %arg9[%gather3A_1302, %gather3A_1303, %gather3A_1304] : memref<3x1024x16xf32, #tpu.memory_space<vmem>> -> memref<1x1024x16xf32, #tpu.memory_space<vmem>>
      %gather3A_1306 = tpu.memref_squeeze %gather3A_1305 : memref<1x1024x16xf32, #tpu.memory_space<vmem>> -> memref<1024x16xf32, #tpu.memory_space<vmem>>
      %gather3A_1307 = tpu.vector_load_idx %gather3A_1306[%min3A_1252, %add3A_1301] : memref<1024x16xf32, #tpu.memory_space<vmem>>[vector<16xi32>, vector<16xi32>], vector<16xf32>,
      %mul3A_1308 = arith.constant 0 : i32
      %mul3A_1309 = vector.broadcast %mul3A_1308 : i32 to vector<16xi32>
      %mul3A_1310 = arith.muli %iota3A, %mul3A_1309 : vector<16xi32>
      %add3A_1311 = arith.constant 1 : i32
      %add3A_1312 = vector.broadcast %add3A_1311 : i32 to vector<16xi32>
      %add3A_1313 = arith.addi %mul3A_1310, %add3A_1312 : vector<16xi32>
      tpu.vector_store_idx %arg11[%add3A_1244, %add3A_1313], %gather3A_1307 : memref<3200x3xf32, #tpu.memory_space<vmem>>[vector<16xi32>, vector<16xi32>], vector<16xf32>,
      %mul3A_1314 = arith.constant 0 : i32
      %mul3A_1315 = vector.broadcast %mul3A_1314 : i32 to vector<16xi32>
      %mul3A_1316 = arith.muli %iota3A, %mul3A_1315 : vector<16xi32>
      %add3A_1317 = arith.constant 4 : i32
      %add3A_1318 = vector.broadcast %add3A_1317 : i32 to vector<16xi32>
      %add3A_1319 = arith.addi %mul3A_1316, %add3A_1318 : vector<16xi32>
      %gather3A_1320 = arith.constant 0 : i32
      %gather3A_1321 = arith.constant 0 : i32
      %gather3A_1322 = arith.constant 0 : i32
      %gather3A_1323 = tpu.memref_slice %arg9[%gather3A_1320, %gather3A_1321, %gather3A_1322] : memref<3x1024x16xf32, #tpu.memory_space<vmem>> -> memref<1x1024x16xf32, #tpu.memory_space<vmem>>
      %gather3A_1324 = tpu.memref_squeeze %gather3A_1323 : memref<1x1024x16xf32, #tpu.memory_space<vmem>> -> memref<1024x16xf32, #tpu.memory_space<vmem>>
      %gather3A_1325 = tpu.vector_load_idx %gather3A_1324[%min3A_1252, %add3A_1319] : memref<1024x16xf32, #tpu.memory_space<vmem>>[vector<16xi32>, vector<16xi32>], vector<16xf32>,
      %mul3A_1326 = arith.constant 0 : i32
      %mul3A_1327 = vector.broadcast %mul3A_1326 : i32 to vector<16xi32>
      %mul3A_1328 = arith.muli %iota3A, %mul3A_1327 : vector<16xi32>
      %add3A_1329 = arith.constant 2 : i32
      %add3A_1330 = vector.broadcast %add3A_1329 : i32 to vector<16xi32>
      %add3A_1331 = arith.addi %mul3A_1328, %add3A_1330 : vector<16xi32>
      tpu.vector_store_idx %arg11[%add3A_1244, %add3A_1331], %gather3A_1325 : memref<3200x3xf32, #tpu.memory_space<vmem>>[vector<16xi32>, vector<16xi32>], vector<16xf32>,
    }
    %scan3A_384 = arith.constant 8 : i32
    %add3A_385 = arith.constant 1152 : i32
    %add3A_386 = arith.addi %mul3A_2, %add3A_385 : i32
    %mul3A_387 = arith.constant 8 : i32
    %mul3A_388 = arith.muli %add3A_386, %mul3A_387 : i32
    %min3A_389 = arith.constant 798976 : i32
    %min3A_390 = arith.minsi %mul3A_388, %min3A_389 : i32
    %dma_start3A_391 = arith.constant 0 : i32
    %dma_start3A_392 = arith.constant 0 : i32
    %dma_start3A_393 = arith.constant 0 : i32
    %dma_start3A_394 = tpu.memref_slice %arg9[%dma_start3A_391, %dma_start3A_392, %dma_start3A_393] : memref<3x1024x16xf32, #tpu.memory_space<vmem>> -> memref<1x1024x16xf32, #tpu.memory_space<vmem>>
    %dma_start3A_395 = tpu.memref_squeeze %dma_start3A_394 : memref<1x1024x16xf32, #tpu.memory_space<vmem>> -> memref<1024x16xf32, #tpu.memory_space<vmem>>
    %dma_start3A_396 = arith.constant 0 : i32
    %dma_start3A_397 = tpu.memref_slice %arg2[%min3A_390, %dma_start3A_396] : memref<800000x16xf32, #tpu.memory_space<hbm>> -> memref<1024x16xf32, #tpu.memory_space<hbm>>
    %dma_start3A_398 = arith.constant 0 : i32
    %dma_start3A_399 = arith.constant 0 : i32
    %dma_start3A_400 = tpu.memref_slice %arg9[%dma_start3A_391, %dma_start3A_398, %dma_start3A_399] : memref<3x1024x16xf32, #tpu.memory_space<vmem>> -> memref<1x1024x16xf32, #tpu.memory_space<vmem>>
    %dma_start3A_401 = tpu.memref_squeeze %dma_start3A_400 : memref<1x1024x16xf32, #tpu.memory_space<vmem>> -> memref<1024x16xf32, #tpu.memory_space<vmem>>
    %dma_start3A_402 = arith.constant 0 : i32
    %dma_start3A_403 = tpu.memref_slice %arg2[%min3A_390, %dma_start3A_402] : memref<800000x16xf32, #tpu.memory_space<hbm>> -> memref<1024x16xf32, #tpu.memory_space<hbm>>
    tpu.enqueue_dma source(%dma_start3A_403 : memref<1024x16xf32, #tpu.memory_space<hbm>>) target(%dma_start3A_401 : memref<1024x16xf32, #tpu.memory_space<vmem>>) target_semaphore(%arg12 : memref<!tpu.dma_semaphore, #tpu.memory_space<semaphore_mem>>)
    %dma_wait3A_404 = arith.constant 1 : i32
    %dma_wait3A_405 = arith.constant 0 : i32
    %dma_wait3A_406 = arith.constant 0 : i32
    %dma_wait3A_407 = tpu.memref_slice %arg9[%dma_wait3A_404, %dma_wait3A_405, %dma_wait3A_406] : memref<3x1024x16xf32, #tpu.memory_space<vmem>> -> memref<1x1024x16xf32, #tpu.memory_space<vmem>>
    %dma_wait3A_408 = tpu.memref_squeeze %dma_wait3A_407 : memref<1x1024x16xf32, #tpu.memory_space<vmem>> -> memref<1024x16xf32, #tpu.memory_space<vmem>>
    %dma_wait3A_409 = arith.constant 0 : i32
    %dma_wait3A_410 = tpu.memref_slice %arg2[%min3A_292, %dma_wait3A_409] : memref<800000x16xf32, #tpu.memory_space<hbm>> -> memref<1024x16xf32, #tpu.memory_space<hbm>>
    %dma_wait3A_411 = arith.constant 0 : i32
    %dma_wait3A_412 = arith.constant 0 : i32
    %dma_wait3A_413 = tpu.memref_slice %arg9[%dma_wait3A_404, %dma_wait3A_411, %dma_wait3A_412] : memref<3x1024x16xf32, #tpu.memory_space<vmem>> -> memref<1x1024x16xf32, #tpu.memory_space<vmem>>
    %dma_wait3A_414 = tpu.memref_squeeze %dma_wait3A_413 : memref<1x1024x16xf32, #tpu.memory_space<vmem>> -> memref<1024x16xf32, #tpu.memory_space<vmem>>
    %dma_wait3A_415 = arith.constant 0 : i32
    %dma_wait3A_416 = tpu.memref_slice %arg2[%min3A_292, %dma_wait3A_415] : memref<800000x16xf32, #tpu.memory_space<hbm>> -> memref<1024x16xf32, #tpu.memory_space<hbm>>
    tpu.wait_dma2 semaphore(%arg13 : memref<!tpu.dma_semaphore, #tpu.memory_space<semaphore_mem>>) src(%dma_wait3A_416 : memref<1024x16xf32, #tpu.memory_space<hbm>>) dst(%dma_wait3A_414 : memref<1024x16xf32, #tpu.memory_space<vmem>>)
    %add3A_417 = arith.constant 896 : i32
    %add3A_418 = arith.addi %mul3A_2, %add3A_417 : i32
    %mul3A_419 = arith.constant 8 : i32
    %mul3A_420 = arith.muli %add3A_418, %mul3A_419 : i32
    %add3A_421 = arith.constant 896 : i32
    %add3A_422 = arith.addi %mul3A_2, %add3A_421 : i32
    %mul3A_423 = arith.constant 8 : i32
    %mul3A_424 = arith.muli %add3A_422, %mul3A_423 : i32
    %min3A_425 = arith.constant 798976 : i32
    %min3A_426 = arith.minsi %mul3A_424, %min3A_425 : i32
    %sub3A_427 = arith.subi %mul3A_420, %min3A_426 : i32
    %scan3A_428 = arith.constant 0 : i32
    %scan3A_429 = arith.constant 0 : i32
    %scan3A_430 = arith.constant 8 : i32
    %scan3A_431 = arith.addi %scan3A_429, %scan3A_430 : i32
    %scan3A_432 = arith.constant 1 : i32
    scf.for %scan3A_1237 = %scan3A_429 to %scan3A_431 step %scan3A_432  : i32 {
      %iota3A = tpu.iota {dimensions = array<i32: 0>} : vector<16xi32>
      %mul3A_1238 = arith.constant 16 : i32
      %mul3A_1239 = arith.muli %scan3A_1237, %mul3A_1238 : i32
      %add3A_1240 = vector.broadcast %mul3A_1239 : i32 to vector<16xi32>
      %add3A_1241 = arith.addi %add3A_1240, %iota3A : vector<16xi32>
      %add3A_1242 = arith.constant 896 : i32
      %add3A_1243 = vector.broadcast %add3A_1242 : i32 to vector<16xi32>
      %add3A_1244 = arith.addi %add3A_1243, %add3A_1241 : vector<16xi32>
      %mul3A_1245 = arith.constant 8 : i32
      %mul3A_1246 = vector.broadcast %mul3A_1245 : i32 to vector<16xi32>
      %mul3A_1247 = arith.muli %add3A_1241, %mul3A_1246 : vector<16xi32>
      %add3A_1248 = vector.broadcast %sub3A_427 : i32 to vector<16xi32>
      %add3A_1249 = arith.addi %mul3A_1247, %add3A_1248 : vector<16xi32>
      %min3A_1250 = arith.constant 1016 : i32
      %min3A_1251 = vector.broadcast %min3A_1250 : i32 to vector<16xi32>
      %min3A_1252 = arith.minsi %add3A_1249, %min3A_1251 : vector<16xi32>
      %mul3A_1253 = arith.constant 16 : i32
      %mul3A_1254 = arith.muli %scan3A_1237, %mul3A_1253 : i32
      %add3A_1255 = arith.constant 896 : i32
      %add3A_1256 = arith.addi %add3A_1255, %mul3A_1254 : i32
      %get3A = arith.index_cast %add3A_1256 : i32 to index
      %get3A_1257 = tpu.vector_load %arg7[%get3A] {strides = array<i32>} : memref<3200xi32, #tpu.memory_space<vmem>>, vector<16xi32>,
      %jit3A = arith.constant 0 : i32
      %jit3A_1258 = arith.constant 63 : i32
      %max3A = vector.broadcast %jit3A : i32 to vector<16xi32>
      %max3A_1259 = arith.maxsi %max3A, %get3A_1257 : vector<16xi32>
      %min3A_1260 = vector.broadcast %jit3A_1258 : i32 to vector<16xi32>
      %min3A_1261 = arith.minsi %min3A_1260, %max3A_1259 : vector<16xi32>
      %gather3A = tpu.vector_load_idx %arg8[%min3A_1261] : memref<128xi32, #tpu.memory_space<vmem>>[vector<16xi32>], vector<16xi32>,
      %shift_right_arithmetic3A = arith.constant 4 : i32
      %shift_right_arithmetic3A_1262 = vector.broadcast %shift_right_arithmetic3A : i32 to vector<16xi32>
      %shift_right_arithmetic3A_1263 = arith.shrsi %gather3A, %shift_right_arithmetic3A_1262 : vector<16xi32>
      %add3A_1264 = arith.addi %min3A_1252, %shift_right_arithmetic3A_1263 : vector<16xi32>
      %and3A = arith.constant 15 : i32
      %and3A_1265 = vector.broadcast %and3A : i32 to vector<16xi32>
      %and3A_1266 = arith.andi %gather3A, %and3A_1265 : vector<16xi32>
      %gather3A_1267 = arith.constant 1 : i32
      %gather3A_1268 = arith.constant 0 : i32
      %gather3A_1269 = arith.constant 0 : i32
      %gather3A_1270 = tpu.memref_slice %arg9[%gather3A_1267, %gather3A_1268, %gather3A_1269] : memref<3x1024x16xf32, #tpu.memory_space<vmem>> -> memref<1x1024x16xf32, #tpu.memory_space<vmem>>
      %gather3A_1271 = tpu.memref_squeeze %gather3A_1270 : memref<1x1024x16xf32, #tpu.memory_space<vmem>> -> memref<1024x16xf32, #tpu.memory_space<vmem>>
      %gather3A_1272 = tpu.vector_load_idx %gather3A_1271[%add3A_1264, %and3A_1266] : memref<1024x16xf32, #tpu.memory_space<vmem>>[vector<16xi32>, vector<16xi32>], vector<16xf32>,
      %mul3A_1273 = arith.constant 16 : i32
      %mul3A_1274 = arith.muli %scan3A_1237, %mul3A_1273 : i32
      %add3A_1275 = arith.constant 896 : i32
      %add3A_1276 = arith.addi %add3A_1275, %mul3A_1274 : i32
      %swap3A = arith.index_cast %add3A_1276 : i32 to index
      %swap3A_1277 = tpu.vector_load %arg10[%swap3A] {strides = array<i32>} : memref<3200xf32, #tpu.memory_space<vmem>>, vector<16xf32>,
      tpu.vector_store %arg10[%swap3A], %gather3A_1272 {strides = array<i32>} : memref<3200xf32, #tpu.memory_space<vmem>>, vector<16xf32>,
      %mul3A_1278 = arith.constant 0 : i32
      %mul3A_1279 = vector.broadcast %mul3A_1278 : i32 to vector<16xi32>
      %mul3A_1280 = arith.muli %iota3A, %mul3A_1279 : vector<16xi32>
      %add3A_1281 = arith.constant 2 : i32
      %add3A_1282 = vector.broadcast %add3A_1281 : i32 to vector<16xi32>
      %add3A_1283 = arith.addi %mul3A_1280, %add3A_1282 : vector<16xi32>
      %gather3A_1284 = arith.constant 1 : i32
      %gather3A_1285 = arith.constant 0 : i32
      %gather3A_1286 = arith.constant 0 : i32
      %gather3A_1287 = tpu.memref_slice %arg9[%gather3A_1284, %gather3A_1285, %gather3A_1286] : memref<3x1024x16xf32, #tpu.memory_space<vmem>> -> memref<1x1024x16xf32, #tpu.memory_space<vmem>>
      %gather3A_1288 = tpu.memref_squeeze %gather3A_1287 : memref<1x1024x16xf32, #tpu.memory_space<vmem>> -> memref<1024x16xf32, #tpu.memory_space<vmem>>
      %gather3A_1289 = tpu.vector_load_idx %gather3A_1288[%min3A_1252, %add3A_1283] : memref<1024x16xf32, #tpu.memory_space<vmem>>[vector<16xi32>, vector<16xi32>], vector<16xf32>,
      %mul3A_1290 = arith.constant 0 : i32
      %mul3A_1291 = vector.broadcast %mul3A_1290 : i32 to vector<16xi32>
      %mul3A_1292 = arith.muli %iota3A, %mul3A_1291 : vector<16xi32>
      %add3A_1293 = arith.constant 0 : i32
      %add3A_1294 = vector.broadcast %add3A_1293 : i32 to vector<16xi32>
      %add3A_1295 = arith.addi %mul3A_1292, %add3A_1294 : vector<16xi32>
      tpu.vector_store_idx %arg11[%add3A_1244, %add3A_1295], %gather3A_1289 : memref<3200x3xf32, #tpu.memory_space<vmem>>[vector<16xi32>, vector<16xi32>], vector<16xf32>,
      %mul3A_1296 = arith.constant 0 : i32
      %mul3A_1297 = vector.broadcast %mul3A_1296 : i32 to vector<16xi32>
      %mul3A_1298 = arith.muli %iota3A, %mul3A_1297 : vector<16xi32>
      %add3A_1299 = arith.constant 3 : i32
      %add3A_1300 = vector.broadcast %add3A_1299 : i32 to vector<16xi32>
      %add3A_1301 = arith.addi %mul3A_1298, %add3A_1300 : vector<16xi32>
      %gather3A_1302 = arith.constant 1 : i32
      %gather3A_1303 = arith.constant 0 : i32
      %gather3A_1304 = arith.constant 0 : i32
      %gather3A_1305 = tpu.memref_slice %arg9[%gather3A_1302, %gather3A_1303, %gather3A_1304] : memref<3x1024x16xf32, #tpu.memory_space<vmem>> -> memref<1x1024x16xf32, #tpu.memory_space<vmem>>
      %gather3A_1306 = tpu.memref_squeeze %gather3A_1305 : memref<1x1024x16xf32, #tpu.memory_space<vmem>> -> memref<1024x16xf32, #tpu.memory_space<vmem>>
      %gather3A_1307 = tpu.vector_load_idx %gather3A_1306[%min3A_1252, %add3A_1301] : memref<1024x16xf32, #tpu.memory_space<vmem>>[vector<16xi32>, vector<16xi32>], vector<16xf32>,
      %mul3A_1308 = arith.constant 0 : i32
      %mul3A_1309 = vector.broadcast %mul3A_1308 : i32 to vector<16xi32>
      %mul3A_1310 = arith.muli %iota3A, %mul3A_1309 : vector<16xi32>
      %add3A_1311 = arith.constant 1 : i32
      %add3A_1312 = vector.broadcast %add3A_1311 : i32 to vector<16xi32>
      %add3A_1313 = arith.addi %mul3A_1310, %add3A_1312 : vector<16xi32>
      tpu.vector_store_idx %arg11[%add3A_1244, %add3A_1313], %gather3A_1307 : memref<3200x3xf32, #tpu.memory_space<vmem>>[vector<16xi32>, vector<16xi32>], vector<16xf32>,
      %mul3A_1314 = arith.constant 0 : i32
      %mul3A_1315 = vector.broadcast %mul3A_1314 : i32 to vector<16xi32>
      %mul3A_1316 = arith.muli %iota3A, %mul3A_1315 : vector<16xi32>
      %add3A_1317 = arith.constant 4 : i32
      %add3A_1318 = vector.broadcast %add3A_1317 : i32 to vector<16xi32>
      %add3A_1319 = arith.addi %mul3A_1316, %add3A_1318 : vector<16xi32>
      %gather3A_1320 = arith.constant 1 : i32
      %gather3A_1321 = arith.constant 0 : i32
      %gather3A_1322 = arith.constant 0 : i32
      %gather3A_1323 = tpu.memref_slice %arg9[%gather3A_1320, %gather3A_1321, %gather3A_1322] : memref<3x1024x16xf32, #tpu.memory_space<vmem>> -> memref<1x1024x16xf32, #tpu.memory_space<vmem>>
      %gather3A_1324 = tpu.memref_squeeze %gather3A_1323 : memref<1x1024x16xf32, #tpu.memory_space<vmem>> -> memref<1024x16xf32, #tpu.memory_space<vmem>>
      %gather3A_1325 = tpu.vector_load_idx %gather3A_1324[%min3A_1252, %add3A_1319] : memref<1024x16xf32, #tpu.memory_space<vmem>>[vector<16xi32>, vector<16xi32>], vector<16xf32>,
      %mul3A_1326 = arith.constant 0 : i32
      %mul3A_1327 = vector.broadcast %mul3A_1326 : i32 to vector<16xi32>
      %mul3A_1328 = arith.muli %iota3A, %mul3A_1327 : vector<16xi32>
      %add3A_1329 = arith.constant 2 : i32
      %add3A_1330 = vector.broadcast %add3A_1329 : i32 to vector<16xi32>
      %add3A_1331 = arith.addi %mul3A_1328, %add3A_1330 : vector<16xi32>
      tpu.vector_store_idx %arg11[%add3A_1244, %add3A_1331], %gather3A_1325 : memref<3200x3xf32, #tpu.memory_space<vmem>>[vector<16xi32>, vector<16xi32>], vector<16xf32>,
    }
    %scan3A_433 = arith.constant 8 : i32
    %add3A_434 = arith.constant 1280 : i32
    %add3A_435 = arith.addi %mul3A_2, %add3A_434 : i32
    %mul3A_436 = arith.constant 8 : i32
    %mul3A_437 = arith.muli %add3A_435, %mul3A_436 : i32
    %min3A_438 = arith.constant 798976 : i32
    %min3A_439 = arith.minsi %mul3A_437, %min3A_438 : i32
    %dma_start3A_440 = arith.constant 1 : i32
    %dma_start3A_441 = arith.constant 0 : i32
    %dma_start3A_442 = arith.constant 0 : i32
    %dma_start3A_443 = tpu.memref_slice %arg9[%dma_start3A_440, %dma_start3A_441, %dma_start3A_442] : memref<3x1024x16xf32, #tpu.memory_space<vmem>> -> memref<1x1024x16xf32, #tpu.memory_space<vmem>>
    %dma_start3A_444 = tpu.memref_squeeze %dma_start3A_443 : memref<1x1024x16xf32, #tpu.memory_space<vmem>> -> memref<1024x16xf32, #tpu.memory_space<vmem>>
    %dma_start3A_445 = arith.constant 0 : i32
    %dma_start3A_446 = tpu.memref_slice %arg2[%min3A_439, %dma_start3A_445] : memref<800000x16xf32, #tpu.memory_space<hbm>> -> memref<1024x16xf32, #tpu.memory_space<hbm>>
    %dma_start3A_447 = arith.constant 0 : i32
    %dma_start3A_448 = arith.constant 0 : i32
    %dma_start3A_449 = tpu.memref_slice %arg9[%dma_start3A_440, %dma_start3A_447, %dma_start3A_448] : memref<3x1024x16xf32, #tpu.memory_space<vmem>> -> memref<1x1024x16xf32, #tpu.memory_space<vmem>>
    %dma_start3A_450 = tpu.memref_squeeze %dma_start3A_449 : memref<1x1024x16xf32, #tpu.memory_space<vmem>> -> memref<1024x16xf32, #tpu.memory_space<vmem>>
    %dma_start3A_451 = arith.constant 0 : i32
    %dma_start3A_452 = tpu.memref_slice %arg2[%min3A_439, %dma_start3A_451] : memref<800000x16xf32, #tpu.memory_space<hbm>> -> memref<1024x16xf32, #tpu.memory_space<hbm>>
    tpu.enqueue_dma source(%dma_start3A_452 : memref<1024x16xf32, #tpu.memory_space<hbm>>) target(%dma_start3A_450 : memref<1024x16xf32, #tpu.memory_space<vmem>>) target_semaphore(%arg13 : memref<!tpu.dma_semaphore, #tpu.memory_space<semaphore_mem>>)
    %dma_wait3A_453 = arith.constant 2 : i32
    %dma_wait3A_454 = arith.constant 0 : i32
    %dma_wait3A_455 = arith.constant 0 : i32
    %dma_wait3A_456 = tpu.memref_slice %arg9[%dma_wait3A_453, %dma_wait3A_454, %dma_wait3A_455] : memref<3x1024x16xf32, #tpu.memory_space<vmem>> -> memref<1x1024x16xf32, #tpu.memory_space<vmem>>
    %dma_wait3A_457 = tpu.memref_squeeze %dma_wait3A_456 : memref<1x1024x16xf32, #tpu.memory_space<vmem>> -> memref<1024x16xf32, #tpu.memory_space<vmem>>
    %dma_wait3A_458 = arith.constant 0 : i32
    %dma_wait3A_459 = tpu.memref_slice %arg2[%min3A_341, %dma_wait3A_458] : memref<800000x16xf32, #tpu.memory_space<hbm>> -> memref<1024x16xf32, #tpu.memory_space<hbm>>
    %dma_wait3A_460 = arith.constant 0 : i32
    %dma_wait3A_461 = arith.constant 0 : i32
    %dma_wait3A_462 = tpu.memref_slice %arg9[%dma_wait3A_453, %dma_wait3A_460, %dma_wait3A_461] : memref<3x1024x16xf32, #tpu.memory_space<vmem>> -> memref<1x1024x16xf32, #tpu.memory_space<vmem>>
    %dma_wait3A_463 = tpu.memref_squeeze %dma_wait3A_462 : memref<1x1024x16xf32, #tpu.memory_space<vmem>> -> memref<1024x16xf32, #tpu.memory_space<vmem>>
    %dma_wait3A_464 = arith.constant 0 : i32
    %dma_wait3A_465 = tpu.memref_slice %arg2[%min3A_341, %dma_wait3A_464] : memref<800000x16xf32, #tpu.memory_space<hbm>> -> memref<1024x16xf32, #tpu.memory_space<hbm>>
    tpu.wait_dma2 semaphore(%arg14 : memref<!tpu.dma_semaphore, #tpu.memory_space<semaphore_mem>>) src(%dma_wait3A_465 : memref<1024x16xf32, #tpu.memory_space<hbm>>) dst(%dma_wait3A_463 : memref<1024x16xf32, #tpu.memory_space<vmem>>)
    %add3A_466 = arith.constant 1024 : i32
    %add3A_467 = arith.addi %mul3A_2, %add3A_466 : i32
    %mul3A_468 = arith.constant 8 : i32
    %mul3A_469 = arith.muli %add3A_467, %mul3A_468 : i32
    %add3A_470 = arith.constant 1024 : i32
    %add3A_471 = arith.addi %mul3A_2, %add3A_470 : i32
    %mul3A_472 = arith.constant 8 : i32
    %mul3A_473 = arith.muli %add3A_471, %mul3A_472 : i32
    %min3A_474 = arith.constant 798976 : i32
    %min3A_475 = arith.minsi %mul3A_473, %min3A_474 : i32
    %sub3A_476 = arith.subi %mul3A_469, %min3A_475 : i32
    %scan3A_477 = arith.constant 0 : i32
    %scan3A_478 = arith.constant 0 : i32
    %scan3A_479 = arith.constant 8 : i32
    %scan3A_480 = arith.addi %scan3A_478, %scan3A_479 : i32
    %scan3A_481 = arith.constant 1 : i32
    scf.for %scan3A_1237 = %scan3A_478 to %scan3A_480 step %scan3A_481  : i32 {
      %iota3A = tpu.iota {dimensions = array<i32: 0>} : vector<16xi32>
      %mul3A_1238 = arith.constant 16 : i32
      %mul3A_1239 = arith.muli %scan3A_1237, %mul3A_1238 : i32
      %add3A_1240 = vector.broadcast %mul3A_1239 : i32 to vector<16xi32>
      %add3A_1241 = arith.addi %add3A_1240, %iota3A : vector<16xi32>
      %add3A_1242 = arith.constant 1024 : i32
      %add3A_1243 = vector.broadcast %add3A_1242 : i32 to vector<16xi32>
      %add3A_1244 = arith.addi %add3A_1243, %add3A_1241 : vector<16xi32>
      %mul3A_1245 = arith.constant 8 : i32
      %mul3A_1246 = vector.broadcast %mul3A_1245 : i32 to vector<16xi32>
      %mul3A_1247 = arith.muli %add3A_1241, %mul3A_1246 : vector<16xi32>
      %add3A_1248 = vector.broadcast %sub3A_476 : i32 to vector<16xi32>
      %add3A_1249 = arith.addi %mul3A_1247, %add3A_1248 : vector<16xi32>
      %min3A_1250 = arith.constant 1016 : i32
      %min3A_1251 = vector.broadcast %min3A_1250 : i32 to vector<16xi32>
      %min3A_1252 = arith.minsi %add3A_1249, %min3A_1251 : vector<16xi32>
      %mul3A_1253 = arith.constant 16 : i32
      %mul3A_1254 = arith.muli %scan3A_1237, %mul3A_1253 : i32
      %add3A_1255 = arith.constant 1024 : i32
      %add3A_1256 = arith.addi %add3A_1255, %mul3A_1254 : i32
      %get3A = arith.index_cast %add3A_1256 : i32 to index
      %get3A_1257 = tpu.vector_load %arg7[%get3A] {strides = array<i32>} : memref<3200xi32, #tpu.memory_space<vmem>>, vector<16xi32>,
      %jit3A = arith.constant 0 : i32
      %jit3A_1258 = arith.constant 63 : i32
      %max3A = vector.broadcast %jit3A : i32 to vector<16xi32>
      %max3A_1259 = arith.maxsi %max3A, %get3A_1257 : vector<16xi32>
      %min3A_1260 = vector.broadcast %jit3A_1258 : i32 to vector<16xi32>
      %min3A_1261 = arith.minsi %min3A_1260, %max3A_1259 : vector<16xi32>
      %gather3A = tpu.vector_load_idx %arg8[%min3A_1261] : memref<128xi32, #tpu.memory_space<vmem>>[vector<16xi32>], vector<16xi32>,
      %shift_right_arithmetic3A = arith.constant 4 : i32
      %shift_right_arithmetic3A_1262 = vector.broadcast %shift_right_arithmetic3A : i32 to vector<16xi32>
      %shift_right_arithmetic3A_1263 = arith.shrsi %gather3A, %shift_right_arithmetic3A_1262 : vector<16xi32>
      %add3A_1264 = arith.addi %min3A_1252, %shift_right_arithmetic3A_1263 : vector<16xi32>
      %and3A = arith.constant 15 : i32
      %and3A_1265 = vector.broadcast %and3A : i32 to vector<16xi32>
      %and3A_1266 = arith.andi %gather3A, %and3A_1265 : vector<16xi32>
      %gather3A_1267 = arith.constant 2 : i32
      %gather3A_1268 = arith.constant 0 : i32
      %gather3A_1269 = arith.constant 0 : i32
      %gather3A_1270 = tpu.memref_slice %arg9[%gather3A_1267, %gather3A_1268, %gather3A_1269] : memref<3x1024x16xf32, #tpu.memory_space<vmem>> -> memref<1x1024x16xf32, #tpu.memory_space<vmem>>
      %gather3A_1271 = tpu.memref_squeeze %gather3A_1270 : memref<1x1024x16xf32, #tpu.memory_space<vmem>> -> memref<1024x16xf32, #tpu.memory_space<vmem>>
      %gather3A_1272 = tpu.vector_load_idx %gather3A_1271[%add3A_1264, %and3A_1266] : memref<1024x16xf32, #tpu.memory_space<vmem>>[vector<16xi32>, vector<16xi32>], vector<16xf32>,
      %mul3A_1273 = arith.constant 16 : i32
      %mul3A_1274 = arith.muli %scan3A_1237, %mul3A_1273 : i32
      %add3A_1275 = arith.constant 1024 : i32
      %add3A_1276 = arith.addi %add3A_1275, %mul3A_1274 : i32
      %swap3A = arith.index_cast %add3A_1276 : i32 to index
      %swap3A_1277 = tpu.vector_load %arg10[%swap3A] {strides = array<i32>} : memref<3200xf32, #tpu.memory_space<vmem>>, vector<16xf32>,
      tpu.vector_store %arg10[%swap3A], %gather3A_1272 {strides = array<i32>} : memref<3200xf32, #tpu.memory_space<vmem>>, vector<16xf32>,
      %mul3A_1278 = arith.constant 0 : i32
      %mul3A_1279 = vector.broadcast %mul3A_1278 : i32 to vector<16xi32>
      %mul3A_1280 = arith.muli %iota3A, %mul3A_1279 : vector<16xi32>
      %add3A_1281 = arith.constant 2 : i32
      %add3A_1282 = vector.broadcast %add3A_1281 : i32 to vector<16xi32>
      %add3A_1283 = arith.addi %mul3A_1280, %add3A_1282 : vector<16xi32>
      %gather3A_1284 = arith.constant 2 : i32
      %gather3A_1285 = arith.constant 0 : i32
      %gather3A_1286 = arith.constant 0 : i32
      %gather3A_1287 = tpu.memref_slice %arg9[%gather3A_1284, %gather3A_1285, %gather3A_1286] : memref<3x1024x16xf32, #tpu.memory_space<vmem>> -> memref<1x1024x16xf32, #tpu.memory_space<vmem>>
      %gather3A_1288 = tpu.memref_squeeze %gather3A_1287 : memref<1x1024x16xf32, #tpu.memory_space<vmem>> -> memref<1024x16xf32, #tpu.memory_space<vmem>>
      %gather3A_1289 = tpu.vector_load_idx %gather3A_1288[%min3A_1252, %add3A_1283] : memref<1024x16xf32, #tpu.memory_space<vmem>>[vector<16xi32>, vector<16xi32>], vector<16xf32>,
      %mul3A_1290 = arith.constant 0 : i32
      %mul3A_1291 = vector.broadcast %mul3A_1290 : i32 to vector<16xi32>
      %mul3A_1292 = arith.muli %iota3A, %mul3A_1291 : vector<16xi32>
      %add3A_1293 = arith.constant 0 : i32
      %add3A_1294 = vector.broadcast %add3A_1293 : i32 to vector<16xi32>
      %add3A_1295 = arith.addi %mul3A_1292, %add3A_1294 : vector<16xi32>
      tpu.vector_store_idx %arg11[%add3A_1244, %add3A_1295], %gather3A_1289 : memref<3200x3xf32, #tpu.memory_space<vmem>>[vector<16xi32>, vector<16xi32>], vector<16xf32>,
      %mul3A_1296 = arith.constant 0 : i32
      %mul3A_1297 = vector.broadcast %mul3A_1296 : i32 to vector<16xi32>
      %mul3A_1298 = arith.muli %iota3A, %mul3A_1297 : vector<16xi32>
      %add3A_1299 = arith.constant 3 : i32
      %add3A_1300 = vector.broadcast %add3A_1299 : i32 to vector<16xi32>
      %add3A_1301 = arith.addi %mul3A_1298, %add3A_1300 : vector<16xi32>
      %gather3A_1302 = arith.constant 2 : i32
      %gather3A_1303 = arith.constant 0 : i32
      %gather3A_1304 = arith.constant 0 : i32
      %gather3A_1305 = tpu.memref_slice %arg9[%gather3A_1302, %gather3A_1303, %gather3A_1304] : memref<3x1024x16xf32, #tpu.memory_space<vmem>> -> memref<1x1024x16xf32, #tpu.memory_space<vmem>>
      %gather3A_1306 = tpu.memref_squeeze %gather3A_1305 : memref<1x1024x16xf32, #tpu.memory_space<vmem>> -> memref<1024x16xf32, #tpu.memory_space<vmem>>
      %gather3A_1307 = tpu.vector_load_idx %gather3A_1306[%min3A_1252, %add3A_1301] : memref<1024x16xf32, #tpu.memory_space<vmem>>[vector<16xi32>, vector<16xi32>], vector<16xf32>,
      %mul3A_1308 = arith.constant 0 : i32
      %mul3A_1309 = vector.broadcast %mul3A_1308 : i32 to vector<16xi32>
      %mul3A_1310 = arith.muli %iota3A, %mul3A_1309 : vector<16xi32>
      %add3A_1311 = arith.constant 1 : i32
      %add3A_1312 = vector.broadcast %add3A_1311 : i32 to vector<16xi32>
      %add3A_1313 = arith.addi %mul3A_1310, %add3A_1312 : vector<16xi32>
      tpu.vector_store_idx %arg11[%add3A_1244, %add3A_1313], %gather3A_1307 : memref<3200x3xf32, #tpu.memory_space<vmem>>[vector<16xi32>, vector<16xi32>], vector<16xf32>,
      %mul3A_1314 = arith.constant 0 : i32
      %mul3A_1315 = vector.broadcast %mul3A_1314 : i32 to vector<16xi32>
      %mul3A_1316 = arith.muli %iota3A, %mul3A_1315 : vector<16xi32>
      %add3A_1317 = arith.constant 4 : i32
      %add3A_1318 = vector.broadcast %add3A_1317 : i32 to vector<16xi32>
      %add3A_1319 = arith.addi %mul3A_1316, %add3A_1318 : vector<16xi32>
      %gather3A_1320 = arith.constant 2 : i32
      %gather3A_1321 = arith.constant 0 : i32
      %gather3A_1322 = arith.constant 0 : i32
      %gather3A_1323 = tpu.memref_slice %arg9[%gather3A_1320, %gather3A_1321, %gather3A_1322] : memref<3x1024x16xf32, #tpu.memory_space<vmem>> -> memref<1x1024x16xf32, #tpu.memory_space<vmem>>
      %gather3A_1324 = tpu.memref_squeeze %gather3A_1323 : memref<1x1024x16xf32, #tpu.memory_space<vmem>> -> memref<1024x16xf32, #tpu.memory_space<vmem>>
      %gather3A_1325 = tpu.vector_load_idx %gather3A_1324[%min3A_1252, %add3A_1319] : memref<1024x16xf32, #tpu.memory_space<vmem>>[vector<16xi32>, vector<16xi32>], vector<16xf32>,
      %mul3A_1326 = arith.constant 0 : i32
      %mul3A_1327 = vector.broadcast %mul3A_1326 : i32 to vector<16xi32>
      %mul3A_1328 = arith.muli %iota3A, %mul3A_1327 : vector<16xi32>
      %add3A_1329 = arith.constant 2 : i32
      %add3A_1330 = vector.broadcast %add3A_1329 : i32 to vector<16xi32>
      %add3A_1331 = arith.addi %mul3A_1328, %add3A_1330 : vector<16xi32>
      tpu.vector_store_idx %arg11[%add3A_1244, %add3A_1331], %gather3A_1325 : memref<3200x3xf32, #tpu.memory_space<vmem>>[vector<16xi32>, vector<16xi32>], vector<16xf32>,
    }
    %scan3A_482 = arith.constant 8 : i32
    %add3A_483 = arith.constant 1408 : i32
    %add3A_484 = arith.addi %mul3A_2, %add3A_483 : i32
    %mul3A_485 = arith.constant 8 : i32
    %mul3A_486 = arith.muli %add3A_484, %mul3A_485 : i32
    %min3A_487 = arith.constant 798976 : i32
    %min3A_488 = arith.minsi %mul3A_486, %min3A_487 : i32
    %dma_start3A_489 = arith.constant 2 : i32
    %dma_start3A_490 = arith.constant 0 : i32
    %dma_start3A_491 = arith.constant 0 : i32
    %dma_start3A_492 = tpu.memref_slice %arg9[%dma_start3A_489, %dma_start3A_490, %dma_start3A_491] : memref<3x1024x16xf32, #tpu.memory_space<vmem>> -> memref<1x1024x16xf32, #tpu.memory_space<vmem>>
    %dma_start3A_493 = tpu.memref_squeeze %dma_start3A_492 : memref<1x1024x16xf32, #tpu.memory_space<vmem>> -> memref<1024x16xf32, #tpu.memory_space<vmem>>
    %dma_start3A_494 = arith.constant 0 : i32
    %dma_start3A_495 = tpu.memref_slice %arg2[%min3A_488, %dma_start3A_494] : memref<800000x16xf32, #tpu.memory_space<hbm>> -> memref<1024x16xf32, #tpu.memory_space<hbm>>
    %dma_start3A_496 = arith.constant 0 : i32
    %dma_start3A_497 = arith.constant 0 : i32
    %dma_start3A_498 = tpu.memref_slice %arg9[%dma_start3A_489, %dma_start3A_496, %dma_start3A_497] : memref<3x1024x16xf32, #tpu.memory_space<vmem>> -> memref<1x1024x16xf32, #tpu.memory_space<vmem>>
    %dma_start3A_499 = tpu.memref_squeeze %dma_start3A_498 : memref<1x1024x16xf32, #tpu.memory_space<vmem>> -> memref<1024x16xf32, #tpu.memory_space<vmem>>
    %dma_start3A_500 = arith.constant 0 : i32
    %dma_start3A_501 = tpu.memref_slice %arg2[%min3A_488, %dma_start3A_500] : memref<800000x16xf32, #tpu.memory_space<hbm>> -> memref<1024x16xf32, #tpu.memory_space<hbm>>
    tpu.enqueue_dma source(%dma_start3A_501 : memref<1024x16xf32, #tpu.memory_space<hbm>>) target(%dma_start3A_499 : memref<1024x16xf32, #tpu.memory_space<vmem>>) target_semaphore(%arg14 : memref<!tpu.dma_semaphore, #tpu.memory_space<semaphore_mem>>)
    %dma_wait3A_502 = arith.constant 0 : i32
    %dma_wait3A_503 = arith.constant 0 : i32
    %dma_wait3A_504 = arith.constant 0 : i32
    %dma_wait3A_505 = tpu.memref_slice %arg9[%dma_wait3A_502, %dma_wait3A_503, %dma_wait3A_504] : memref<3x1024x16xf32, #tpu.memory_space<vmem>> -> memref<1x1024x16xf32, #tpu.memory_space<vmem>>
    %dma_wait3A_506 = tpu.memref_squeeze %dma_wait3A_505 : memref<1x1024x16xf32, #tpu.memory_space<vmem>> -> memref<1024x16xf32, #tpu.memory_space<vmem>>
    %dma_wait3A_507 = arith.constant 0 : i32
    %dma_wait3A_508 = tpu.memref_slice %arg2[%min3A_390, %dma_wait3A_507] : memref<800000x16xf32, #tpu.memory_space<hbm>> -> memref<1024x16xf32, #tpu.memory_space<hbm>>
    %dma_wait3A_509 = arith.constant 0 : i32
    %dma_wait3A_510 = arith.constant 0 : i32
    %dma_wait3A_511 = tpu.memref_slice %arg9[%dma_wait3A_502, %dma_wait3A_509, %dma_wait3A_510] : memref<3x1024x16xf32, #tpu.memory_space<vmem>> -> memref<1x1024x16xf32, #tpu.memory_space<vmem>>
    %dma_wait3A_512 = tpu.memref_squeeze %dma_wait3A_511 : memref<1x1024x16xf32, #tpu.memory_space<vmem>> -> memref<1024x16xf32, #tpu.memory_space<vmem>>
    %dma_wait3A_513 = arith.constant 0 : i32
    %dma_wait3A_514 = tpu.memref_slice %arg2[%min3A_390, %dma_wait3A_513] : memref<800000x16xf32, #tpu.memory_space<hbm>> -> memref<1024x16xf32, #tpu.memory_space<hbm>>
    tpu.wait_dma2 semaphore(%arg12 : memref<!tpu.dma_semaphore, #tpu.memory_space<semaphore_mem>>) src(%dma_wait3A_514 : memref<1024x16xf32, #tpu.memory_space<hbm>>) dst(%dma_wait3A_512 : memref<1024x16xf32, #tpu.memory_space<vmem>>)
    %add3A_515 = arith.constant 1152 : i32
    %add3A_516 = arith.addi %mul3A_2, %add3A_515 : i32
    %mul3A_517 = arith.constant 8 : i32
    %mul3A_518 = arith.muli %add3A_516, %mul3A_517 : i32
    %add3A_519 = arith.constant 1152 : i32
    %add3A_520 = arith.addi %mul3A_2, %add3A_519 : i32
    %mul3A_521 = arith.constant 8 : i32
    %mul3A_522 = arith.muli %add3A_520, %mul3A_521 : i32
    %min3A_523 = arith.constant 798976 : i32
    %min3A_524 = arith.minsi %mul3A_522, %min3A_523 : i32
    %sub3A_525 = arith.subi %mul3A_518, %min3A_524 : i32
    %scan3A_526 = arith.constant 0 : i32
    %scan3A_527 = arith.constant 0 : i32
    %scan3A_528 = arith.constant 8 : i32
    %scan3A_529 = arith.addi %scan3A_527, %scan3A_528 : i32
    %scan3A_530 = arith.constant 1 : i32
    scf.for %scan3A_1237 = %scan3A_527 to %scan3A_529 step %scan3A_530  : i32 {
      %iota3A = tpu.iota {dimensions = array<i32: 0>} : vector<16xi32>
      %mul3A_1238 = arith.constant 16 : i32
      %mul3A_1239 = arith.muli %scan3A_1237, %mul3A_1238 : i32
      %add3A_1240 = vector.broadcast %mul3A_1239 : i32 to vector<16xi32>
      %add3A_1241 = arith.addi %add3A_1240, %iota3A : vector<16xi32>
      %add3A_1242 = arith.constant 1152 : i32
      %add3A_1243 = vector.broadcast %add3A_1242 : i32 to vector<16xi32>
      %add3A_1244 = arith.addi %add3A_1243, %add3A_1241 : vector<16xi32>
      %mul3A_1245 = arith.constant 8 : i32
      %mul3A_1246 = vector.broadcast %mul3A_1245 : i32 to vector<16xi32>
      %mul3A_1247 = arith.muli %add3A_1241, %mul3A_1246 : vector<16xi32>
      %add3A_1248 = vector.broadcast %sub3A_525 : i32 to vector<16xi32>
      %add3A_1249 = arith.addi %mul3A_1247, %add3A_1248 : vector<16xi32>
      %min3A_1250 = arith.constant 1016 : i32
      %min3A_1251 = vector.broadcast %min3A_1250 : i32 to vector<16xi32>
      %min3A_1252 = arith.minsi %add3A_1249, %min3A_1251 : vector<16xi32>
      %mul3A_1253 = arith.constant 16 : i32
      %mul3A_1254 = arith.muli %scan3A_1237, %mul3A_1253 : i32
      %add3A_1255 = arith.constant 1152 : i32
      %add3A_1256 = arith.addi %add3A_1255, %mul3A_1254 : i32
      %get3A = arith.index_cast %add3A_1256 : i32 to index
      %get3A_1257 = tpu.vector_load %arg7[%get3A] {strides = array<i32>} : memref<3200xi32, #tpu.memory_space<vmem>>, vector<16xi32>,
      %jit3A = arith.constant 0 : i32
      %jit3A_1258 = arith.constant 63 : i32
      %max3A = vector.broadcast %jit3A : i32 to vector<16xi32>
      %max3A_1259 = arith.maxsi %max3A, %get3A_1257 : vector<16xi32>
      %min3A_1260 = vector.broadcast %jit3A_1258 : i32 to vector<16xi32>
      %min3A_1261 = arith.minsi %min3A_1260, %max3A_1259 : vector<16xi32>
      %gather3A = tpu.vector_load_idx %arg8[%min3A_1261] : memref<128xi32, #tpu.memory_space<vmem>>[vector<16xi32>], vector<16xi32>,
      %shift_right_arithmetic3A = arith.constant 4 : i32
      %shift_right_arithmetic3A_1262 = vector.broadcast %shift_right_arithmetic3A : i32 to vector<16xi32>
      %shift_right_arithmetic3A_1263 = arith.shrsi %gather3A, %shift_right_arithmetic3A_1262 : vector<16xi32>
      %add3A_1264 = arith.addi %min3A_1252, %shift_right_arithmetic3A_1263 : vector<16xi32>
      %and3A = arith.constant 15 : i32
      %and3A_1265 = vector.broadcast %and3A : i32 to vector<16xi32>
      %and3A_1266 = arith.andi %gather3A, %and3A_1265 : vector<16xi32>
      %gather3A_1267 = arith.constant 0 : i32
      %gather3A_1268 = arith.constant 0 : i32
      %gather3A_1269 = arith.constant 0 : i32
      %gather3A_1270 = tpu.memref_slice %arg9[%gather3A_1267, %gather3A_1268, %gather3A_1269] : memref<3x1024x16xf32, #tpu.memory_space<vmem>> -> memref<1x1024x16xf32, #tpu.memory_space<vmem>>
      %gather3A_1271 = tpu.memref_squeeze %gather3A_1270 : memref<1x1024x16xf32, #tpu.memory_space<vmem>> -> memref<1024x16xf32, #tpu.memory_space<vmem>>
      %gather3A_1272 = tpu.vector_load_idx %gather3A_1271[%add3A_1264, %and3A_1266] : memref<1024x16xf32, #tpu.memory_space<vmem>>[vector<16xi32>, vector<16xi32>], vector<16xf32>,
      %mul3A_1273 = arith.constant 16 : i32
      %mul3A_1274 = arith.muli %scan3A_1237, %mul3A_1273 : i32
      %add3A_1275 = arith.constant 1152 : i32
      %add3A_1276 = arith.addi %add3A_1275, %mul3A_1274 : i32
      %swap3A = arith.index_cast %add3A_1276 : i32 to index
      %swap3A_1277 = tpu.vector_load %arg10[%swap3A] {strides = array<i32>} : memref<3200xf32, #tpu.memory_space<vmem>>, vector<16xf32>,
      tpu.vector_store %arg10[%swap3A], %gather3A_1272 {strides = array<i32>} : memref<3200xf32, #tpu.memory_space<vmem>>, vector<16xf32>,
      %mul3A_1278 = arith.constant 0 : i32
      %mul3A_1279 = vector.broadcast %mul3A_1278 : i32 to vector<16xi32>
      %mul3A_1280 = arith.muli %iota3A, %mul3A_1279 : vector<16xi32>
      %add3A_1281 = arith.constant 2 : i32
      %add3A_1282 = vector.broadcast %add3A_1281 : i32 to vector<16xi32>
      %add3A_1283 = arith.addi %mul3A_1280, %add3A_1282 : vector<16xi32>
      %gather3A_1284 = arith.constant 0 : i32
      %gather3A_1285 = arith.constant 0 : i32
      %gather3A_1286 = arith.constant 0 : i32
      %gather3A_1287 = tpu.memref_slice %arg9[%gather3A_1284, %gather3A_1285, %gather3A_1286] : memref<3x1024x16xf32, #tpu.memory_space<vmem>> -> memref<1x1024x16xf32, #tpu.memory_space<vmem>>
      %gather3A_1288 = tpu.memref_squeeze %gather3A_1287 : memref<1x1024x16xf32, #tpu.memory_space<vmem>> -> memref<1024x16xf32, #tpu.memory_space<vmem>>
      %gather3A_1289 = tpu.vector_load_idx %gather3A_1288[%min3A_1252, %add3A_1283] : memref<1024x16xf32, #tpu.memory_space<vmem>>[vector<16xi32>, vector<16xi32>], vector<16xf32>,
      %mul3A_1290 = arith.constant 0 : i32
      %mul3A_1291 = vector.broadcast %mul3A_1290 : i32 to vector<16xi32>
      %mul3A_1292 = arith.muli %iota3A, %mul3A_1291 : vector<16xi32>
      %add3A_1293 = arith.constant 0 : i32
      %add3A_1294 = vector.broadcast %add3A_1293 : i32 to vector<16xi32>
      %add3A_1295 = arith.addi %mul3A_1292, %add3A_1294 : vector<16xi32>
      tpu.vector_store_idx %arg11[%add3A_1244, %add3A_1295], %gather3A_1289 : memref<3200x3xf32, #tpu.memory_space<vmem>>[vector<16xi32>, vector<16xi32>], vector<16xf32>,
      %mul3A_1296 = arith.constant 0 : i32
      %mul3A_1297 = vector.broadcast %mul3A_1296 : i32 to vector<16xi32>
      %mul3A_1298 = arith.muli %iota3A, %mul3A_1297 : vector<16xi32>
      %add3A_1299 = arith.constant 3 : i32
      %add3A_1300 = vector.broadcast %add3A_1299 : i32 to vector<16xi32>
      %add3A_1301 = arith.addi %mul3A_1298, %add3A_1300 : vector<16xi32>
      %gather3A_1302 = arith.constant 0 : i32
      %gather3A_1303 = arith.constant 0 : i32
      %gather3A_1304 = arith.constant 0 : i32
      %gather3A_1305 = tpu.memref_slice %arg9[%gather3A_1302, %gather3A_1303, %gather3A_1304] : memref<3x1024x16xf32, #tpu.memory_space<vmem>> -> memref<1x1024x16xf32, #tpu.memory_space<vmem>>
      %gather3A_1306 = tpu.memref_squeeze %gather3A_1305 : memref<1x1024x16xf32, #tpu.memory_space<vmem>> -> memref<1024x16xf32, #tpu.memory_space<vmem>>
      %gather3A_1307 = tpu.vector_load_idx %gather3A_1306[%min3A_1252, %add3A_1301] : memref<1024x16xf32, #tpu.memory_space<vmem>>[vector<16xi32>, vector<16xi32>], vector<16xf32>,
      %mul3A_1308 = arith.constant 0 : i32
      %mul3A_1309 = vector.broadcast %mul3A_1308 : i32 to vector<16xi32>
      %mul3A_1310 = arith.muli %iota3A, %mul3A_1309 : vector<16xi32>
      %add3A_1311 = arith.constant 1 : i32
      %add3A_1312 = vector.broadcast %add3A_1311 : i32 to vector<16xi32>
      %add3A_1313 = arith.addi %mul3A_1310, %add3A_1312 : vector<16xi32>
      tpu.vector_store_idx %arg11[%add3A_1244, %add3A_1313], %gather3A_1307 : memref<3200x3xf32, #tpu.memory_space<vmem>>[vector<16xi32>, vector<16xi32>], vector<16xf32>,
      %mul3A_1314 = arith.constant 0 : i32
      %mul3A_1315 = vector.broadcast %mul3A_1314 : i32 to vector<16xi32>
      %mul3A_1316 = arith.muli %iota3A, %mul3A_1315 : vector<16xi32>
      %add3A_1317 = arith.constant 4 : i32
      %add3A_1318 = vector.broadcast %add3A_1317 : i32 to vector<16xi32>
      %add3A_1319 = arith.addi %mul3A_1316, %add3A_1318 : vector<16xi32>
      %gather3A_1320 = arith.constant 0 : i32
      %gather3A_1321 = arith.constant 0 : i32
      %gather3A_1322 = arith.constant 0 : i32
      %gather3A_1323 = tpu.memref_slice %arg9[%gather3A_1320, %gather3A_1321, %gather3A_1322] : memref<3x1024x16xf32, #tpu.memory_space<vmem>> -> memref<1x1024x16xf32, #tpu.memory_space<vmem>>
      %gather3A_1324 = tpu.memref_squeeze %gather3A_1323 : memref<1x1024x16xf32, #tpu.memory_space<vmem>> -> memref<1024x16xf32, #tpu.memory_space<vmem>>
      %gather3A_1325 = tpu.vector_load_idx %gather3A_1324[%min3A_1252, %add3A_1319] : memref<1024x16xf32, #tpu.memory_space<vmem>>[vector<16xi32>, vector<16xi32>], vector<16xf32>,
      %mul3A_1326 = arith.constant 0 : i32
      %mul3A_1327 = vector.broadcast %mul3A_1326 : i32 to vector<16xi32>
      %mul3A_1328 = arith.muli %iota3A, %mul3A_1327 : vector<16xi32>
      %add3A_1329 = arith.constant 2 : i32
      %add3A_1330 = vector.broadcast %add3A_1329 : i32 to vector<16xi32>
      %add3A_1331 = arith.addi %mul3A_1328, %add3A_1330 : vector<16xi32>
      tpu.vector_store_idx %arg11[%add3A_1244, %add3A_1331], %gather3A_1325 : memref<3200x3xf32, #tpu.memory_space<vmem>>[vector<16xi32>, vector<16xi32>], vector<16xf32>,
    }
    %scan3A_531 = arith.constant 8 : i32
    %add3A_532 = arith.constant 1536 : i32
    %add3A_533 = arith.addi %mul3A_2, %add3A_532 : i32
    %mul3A_534 = arith.constant 8 : i32
    %mul3A_535 = arith.muli %add3A_533, %mul3A_534 : i32
    %min3A_536 = arith.constant 798976 : i32
    %min3A_537 = arith.minsi %mul3A_535, %min3A_536 : i32
    %dma_start3A_538 = arith.constant 0 : i32
    %dma_start3A_539 = arith.constant 0 : i32
    %dma_start3A_540 = arith.constant 0 : i32
    %dma_start3A_541 = tpu.memref_slice %arg9[%dma_start3A_538, %dma_start3A_539, %dma_start3A_540] : memref<3x1024x16xf32, #tpu.memory_space<vmem>> -> memref<1x1024x16xf32, #tpu.memory_space<vmem>>
    %dma_start3A_542 = tpu.memref_squeeze %dma_start3A_541 : memref<1x1024x16xf32, #tpu.memory_space<vmem>> -> memref<1024x16xf32, #tpu.memory_space<vmem>>
    %dma_start3A_543 = arith.constant 0 : i32
    %dma_start3A_544 = tpu.memref_slice %arg2[%min3A_537, %dma_start3A_543] : memref<800000x16xf32, #tpu.memory_space<hbm>> -> memref<1024x16xf32, #tpu.memory_space<hbm>>
    %dma_start3A_545 = arith.constant 0 : i32
    %dma_start3A_546 = arith.constant 0 : i32
    %dma_start3A_547 = tpu.memref_slice %arg9[%dma_start3A_538, %dma_start3A_545, %dma_start3A_546] : memref<3x1024x16xf32, #tpu.memory_space<vmem>> -> memref<1x1024x16xf32, #tpu.memory_space<vmem>>
    %dma_start3A_548 = tpu.memref_squeeze %dma_start3A_547 : memref<1x1024x16xf32, #tpu.memory_space<vmem>> -> memref<1024x16xf32, #tpu.memory_space<vmem>>
    %dma_start3A_549 = arith.constant 0 : i32
    %dma_start3A_550 = tpu.memref_slice %arg2[%min3A_537, %dma_start3A_549] : memref<800000x16xf32, #tpu.memory_space<hbm>> -> memref<1024x16xf32, #tpu.memory_space<hbm>>
    tpu.enqueue_dma source(%dma_start3A_550 : memref<1024x16xf32, #tpu.memory_space<hbm>>) target(%dma_start3A_548 : memref<1024x16xf32, #tpu.memory_space<vmem>>) target_semaphore(%arg12 : memref<!tpu.dma_semaphore, #tpu.memory_space<semaphore_mem>>)
    %dma_wait3A_551 = arith.constant 1 : i32
    %dma_wait3A_552 = arith.constant 0 : i32
    %dma_wait3A_553 = arith.constant 0 : i32
    %dma_wait3A_554 = tpu.memref_slice %arg9[%dma_wait3A_551, %dma_wait3A_552, %dma_wait3A_553] : memref<3x1024x16xf32, #tpu.memory_space<vmem>> -> memref<1x1024x16xf32, #tpu.memory_space<vmem>>
    %dma_wait3A_555 = tpu.memref_squeeze %dma_wait3A_554 : memref<1x1024x16xf32, #tpu.memory_space<vmem>> -> memref<1024x16xf32, #tpu.memory_space<vmem>>
    %dma_wait3A_556 = arith.constant 0 : i32
    %dma_wait3A_557 = tpu.memref_slice %arg2[%min3A_439, %dma_wait3A_556] : memref<800000x16xf32, #tpu.memory_space<hbm>> -> memref<1024x16xf32, #tpu.memory_space<hbm>>
    %dma_wait3A_558 = arith.constant 0 : i32
    %dma_wait3A_559 = arith.constant 0 : i32
    %dma_wait3A_560 = tpu.memref_slice %arg9[%dma_wait3A_551, %dma_wait3A_558, %dma_wait3A_559] : memref<3x1024x16xf32, #tpu.memory_space<vmem>> -> memref<1x1024x16xf32, #tpu.memory_space<vmem>>
    %dma_wait3A_561 = tpu.memref_squeeze %dma_wait3A_560 : memref<1x1024x16xf32, #tpu.memory_space<vmem>> -> memref<1024x16xf32, #tpu.memory_space<vmem>>
    %dma_wait3A_562 = arith.constant 0 : i32
    %dma_wait3A_563 = tpu.memref_slice %arg2[%min3A_439, %dma_wait3A_562] : memref<800000x16xf32, #tpu.memory_space<hbm>> -> memref<1024x16xf32, #tpu.memory_space<hbm>>
    tpu.wait_dma2 semaphore(%arg13 : memref<!tpu.dma_semaphore, #tpu.memory_space<semaphore_mem>>) src(%dma_wait3A_563 : memref<1024x16xf32, #tpu.memory_space<hbm>>) dst(%dma_wait3A_561 : memref<1024x16xf32, #tpu.memory_space<vmem>>)
    %add3A_564 = arith.constant 1280 : i32
    %add3A_565 = arith.addi %mul3A_2, %add3A_564 : i32
    %mul3A_566 = arith.constant 8 : i32
    %mul3A_567 = arith.muli %add3A_565, %mul3A_566 : i32
    %add3A_568 = arith.constant 1280 : i32
    %add3A_569 = arith.addi %mul3A_2, %add3A_568 : i32
    %mul3A_570 = arith.constant 8 : i32
    %mul3A_571 = arith.muli %add3A_569, %mul3A_570 : i32
    %min3A_572 = arith.constant 798976 : i32
    %min3A_573 = arith.minsi %mul3A_571, %min3A_572 : i32
    %sub3A_574 = arith.subi %mul3A_567, %min3A_573 : i32
    %scan3A_575 = arith.constant 0 : i32
    %scan3A_576 = arith.constant 0 : i32
    %scan3A_577 = arith.constant 8 : i32
    %scan3A_578 = arith.addi %scan3A_576, %scan3A_577 : i32
    %scan3A_579 = arith.constant 1 : i32
    scf.for %scan3A_1237 = %scan3A_576 to %scan3A_578 step %scan3A_579  : i32 {
      %iota3A = tpu.iota {dimensions = array<i32: 0>} : vector<16xi32>
      %mul3A_1238 = arith.constant 16 : i32
      %mul3A_1239 = arith.muli %scan3A_1237, %mul3A_1238 : i32
      %add3A_1240 = vector.broadcast %mul3A_1239 : i32 to vector<16xi32>
      %add3A_1241 = arith.addi %add3A_1240, %iota3A : vector<16xi32>
      %add3A_1242 = arith.constant 1280 : i32
      %add3A_1243 = vector.broadcast %add3A_1242 : i32 to vector<16xi32>
      %add3A_1244 = arith.addi %add3A_1243, %add3A_1241 : vector<16xi32>
      %mul3A_1245 = arith.constant 8 : i32
      %mul3A_1246 = vector.broadcast %mul3A_1245 : i32 to vector<16xi32>
      %mul3A_1247 = arith.muli %add3A_1241, %mul3A_1246 : vector<16xi32>
      %add3A_1248 = vector.broadcast %sub3A_574 : i32 to vector<16xi32>
      %add3A_1249 = arith.addi %mul3A_1247, %add3A_1248 : vector<16xi32>
      %min3A_1250 = arith.constant 1016 : i32
      %min3A_1251 = vector.broadcast %min3A_1250 : i32 to vector<16xi32>
      %min3A_1252 = arith.minsi %add3A_1249, %min3A_1251 : vector<16xi32>
      %mul3A_1253 = arith.constant 16 : i32
      %mul3A_1254 = arith.muli %scan3A_1237, %mul3A_1253 : i32
      %add3A_1255 = arith.constant 1280 : i32
      %add3A_1256 = arith.addi %add3A_1255, %mul3A_1254 : i32
      %get3A = arith.index_cast %add3A_1256 : i32 to index
      %get3A_1257 = tpu.vector_load %arg7[%get3A] {strides = array<i32>} : memref<3200xi32, #tpu.memory_space<vmem>>, vector<16xi32>,
      %jit3A = arith.constant 0 : i32
      %jit3A_1258 = arith.constant 63 : i32
      %max3A = vector.broadcast %jit3A : i32 to vector<16xi32>
      %max3A_1259 = arith.maxsi %max3A, %get3A_1257 : vector<16xi32>
      %min3A_1260 = vector.broadcast %jit3A_1258 : i32 to vector<16xi32>
      %min3A_1261 = arith.minsi %min3A_1260, %max3A_1259 : vector<16xi32>
      %gather3A = tpu.vector_load_idx %arg8[%min3A_1261] : memref<128xi32, #tpu.memory_space<vmem>>[vector<16xi32>], vector<16xi32>,
      %shift_right_arithmetic3A = arith.constant 4 : i32
      %shift_right_arithmetic3A_1262 = vector.broadcast %shift_right_arithmetic3A : i32 to vector<16xi32>
      %shift_right_arithmetic3A_1263 = arith.shrsi %gather3A, %shift_right_arithmetic3A_1262 : vector<16xi32>
      %add3A_1264 = arith.addi %min3A_1252, %shift_right_arithmetic3A_1263 : vector<16xi32>
      %and3A = arith.constant 15 : i32
      %and3A_1265 = vector.broadcast %and3A : i32 to vector<16xi32>
      %and3A_1266 = arith.andi %gather3A, %and3A_1265 : vector<16xi32>
      %gather3A_1267 = arith.constant 1 : i32
      %gather3A_1268 = arith.constant 0 : i32
      %gather3A_1269 = arith.constant 0 : i32
      %gather3A_1270 = tpu.memref_slice %arg9[%gather3A_1267, %gather3A_1268, %gather3A_1269] : memref<3x1024x16xf32, #tpu.memory_space<vmem>> -> memref<1x1024x16xf32, #tpu.memory_space<vmem>>
      %gather3A_1271 = tpu.memref_squeeze %gather3A_1270 : memref<1x1024x16xf32, #tpu.memory_space<vmem>> -> memref<1024x16xf32, #tpu.memory_space<vmem>>
      %gather3A_1272 = tpu.vector_load_idx %gather3A_1271[%add3A_1264, %and3A_1266] : memref<1024x16xf32, #tpu.memory_space<vmem>>[vector<16xi32>, vector<16xi32>], vector<16xf32>,
      %mul3A_1273 = arith.constant 16 : i32
      %mul3A_1274 = arith.muli %scan3A_1237, %mul3A_1273 : i32
      %add3A_1275 = arith.constant 1280 : i32
      %add3A_1276 = arith.addi %add3A_1275, %mul3A_1274 : i32
      %swap3A = arith.index_cast %add3A_1276 : i32 to index
      %swap3A_1277 = tpu.vector_load %arg10[%swap3A] {strides = array<i32>} : memref<3200xf32, #tpu.memory_space<vmem>>, vector<16xf32>,
      tpu.vector_store %arg10[%swap3A], %gather3A_1272 {strides = array<i32>} : memref<3200xf32, #tpu.memory_space<vmem>>, vector<16xf32>,
      %mul3A_1278 = arith.constant 0 : i32
      %mul3A_1279 = vector.broadcast %mul3A_1278 : i32 to vector<16xi32>
      %mul3A_1280 = arith.muli %iota3A, %mul3A_1279 : vector<16xi32>
      %add3A_1281 = arith.constant 2 : i32
      %add3A_1282 = vector.broadcast %add3A_1281 : i32 to vector<16xi32>
      %add3A_1283 = arith.addi %mul3A_1280, %add3A_1282 : vector<16xi32>
      %gather3A_1284 = arith.constant 1 : i32
      %gather3A_1285 = arith.constant 0 : i32
      %gather3A_1286 = arith.constant 0 : i32
      %gather3A_1287 = tpu.memref_slice %arg9[%gather3A_1284, %gather3A_1285, %gather3A_1286] : memref<3x1024x16xf32, #tpu.memory_space<vmem>> -> memref<1x1024x16xf32, #tpu.memory_space<vmem>>
      %gather3A_1288 = tpu.memref_squeeze %gather3A_1287 : memref<1x1024x16xf32, #tpu.memory_space<vmem>> -> memref<1024x16xf32, #tpu.memory_space<vmem>>
      %gather3A_1289 = tpu.vector_load_idx %gather3A_1288[%min3A_1252, %add3A_1283] : memref<1024x16xf32, #tpu.memory_space<vmem>>[vector<16xi32>, vector<16xi32>], vector<16xf32>,
      %mul3A_1290 = arith.constant 0 : i32
      %mul3A_1291 = vector.broadcast %mul3A_1290 : i32 to vector<16xi32>
      %mul3A_1292 = arith.muli %iota3A, %mul3A_1291 : vector<16xi32>
      %add3A_1293 = arith.constant 0 : i32
      %add3A_1294 = vector.broadcast %add3A_1293 : i32 to vector<16xi32>
      %add3A_1295 = arith.addi %mul3A_1292, %add3A_1294 : vector<16xi32>
      tpu.vector_store_idx %arg11[%add3A_1244, %add3A_1295], %gather3A_1289 : memref<3200x3xf32, #tpu.memory_space<vmem>>[vector<16xi32>, vector<16xi32>], vector<16xf32>,
      %mul3A_1296 = arith.constant 0 : i32
      %mul3A_1297 = vector.broadcast %mul3A_1296 : i32 to vector<16xi32>
      %mul3A_1298 = arith.muli %iota3A, %mul3A_1297 : vector<16xi32>
      %add3A_1299 = arith.constant 3 : i32
      %add3A_1300 = vector.broadcast %add3A_1299 : i32 to vector<16xi32>
      %add3A_1301 = arith.addi %mul3A_1298, %add3A_1300 : vector<16xi32>
      %gather3A_1302 = arith.constant 1 : i32
      %gather3A_1303 = arith.constant 0 : i32
      %gather3A_1304 = arith.constant 0 : i32
      %gather3A_1305 = tpu.memref_slice %arg9[%gather3A_1302, %gather3A_1303, %gather3A_1304] : memref<3x1024x16xf32, #tpu.memory_space<vmem>> -> memref<1x1024x16xf32, #tpu.memory_space<vmem>>
      %gather3A_1306 = tpu.memref_squeeze %gather3A_1305 : memref<1x1024x16xf32, #tpu.memory_space<vmem>> -> memref<1024x16xf32, #tpu.memory_space<vmem>>
      %gather3A_1307 = tpu.vector_load_idx %gather3A_1306[%min3A_1252, %add3A_1301] : memref<1024x16xf32, #tpu.memory_space<vmem>>[vector<16xi32>, vector<16xi32>], vector<16xf32>,
      %mul3A_1308 = arith.constant 0 : i32
      %mul3A_1309 = vector.broadcast %mul3A_1308 : i32 to vector<16xi32>
      %mul3A_1310 = arith.muli %iota3A, %mul3A_1309 : vector<16xi32>
      %add3A_1311 = arith.constant 1 : i32
      %add3A_1312 = vector.broadcast %add3A_1311 : i32 to vector<16xi32>
      %add3A_1313 = arith.addi %mul3A_1310, %add3A_1312 : vector<16xi32>
      tpu.vector_store_idx %arg11[%add3A_1244, %add3A_1313], %gather3A_1307 : memref<3200x3xf32, #tpu.memory_space<vmem>>[vector<16xi32>, vector<16xi32>], vector<16xf32>,
      %mul3A_1314 = arith.constant 0 : i32
      %mul3A_1315 = vector.broadcast %mul3A_1314 : i32 to vector<16xi32>
      %mul3A_1316 = arith.muli %iota3A, %mul3A_1315 : vector<16xi32>
      %add3A_1317 = arith.constant 4 : i32
      %add3A_1318 = vector.broadcast %add3A_1317 : i32 to vector<16xi32>
      %add3A_1319 = arith.addi %mul3A_1316, %add3A_1318 : vector<16xi32>
      %gather3A_1320 = arith.constant 1 : i32
      %gather3A_1321 = arith.constant 0 : i32
      %gather3A_1322 = arith.constant 0 : i32
      %gather3A_1323 = tpu.memref_slice %arg9[%gather3A_1320, %gather3A_1321, %gather3A_1322] : memref<3x1024x16xf32, #tpu.memory_space<vmem>> -> memref<1x1024x16xf32, #tpu.memory_space<vmem>>
      %gather3A_1324 = tpu.memref_squeeze %gather3A_1323 : memref<1x1024x16xf32, #tpu.memory_space<vmem>> -> memref<1024x16xf32, #tpu.memory_space<vmem>>
      %gather3A_1325 = tpu.vector_load_idx %gather3A_1324[%min3A_1252, %add3A_1319] : memref<1024x16xf32, #tpu.memory_space<vmem>>[vector<16xi32>, vector<16xi32>], vector<16xf32>,
      %mul3A_1326 = arith.constant 0 : i32
      %mul3A_1327 = vector.broadcast %mul3A_1326 : i32 to vector<16xi32>
      %mul3A_1328 = arith.muli %iota3A, %mul3A_1327 : vector<16xi32>
      %add3A_1329 = arith.constant 2 : i32
      %add3A_1330 = vector.broadcast %add3A_1329 : i32 to vector<16xi32>
      %add3A_1331 = arith.addi %mul3A_1328, %add3A_1330 : vector<16xi32>
      tpu.vector_store_idx %arg11[%add3A_1244, %add3A_1331], %gather3A_1325 : memref<3200x3xf32, #tpu.memory_space<vmem>>[vector<16xi32>, vector<16xi32>], vector<16xf32>,
    }
    %scan3A_580 = arith.constant 8 : i32
    %add3A_581 = arith.constant 1664 : i32
    %add3A_582 = arith.addi %mul3A_2, %add3A_581 : i32
    %mul3A_583 = arith.constant 8 : i32
    %mul3A_584 = arith.muli %add3A_582, %mul3A_583 : i32
    %min3A_585 = arith.constant 798976 : i32
    %min3A_586 = arith.minsi %mul3A_584, %min3A_585 : i32
    %dma_start3A_587 = arith.constant 1 : i32
    %dma_start3A_588 = arith.constant 0 : i32
    %dma_start3A_589 = arith.constant 0 : i32
    %dma_start3A_590 = tpu.memref_slice %arg9[%dma_start3A_587, %dma_start3A_588, %dma_start3A_589] : memref<3x1024x16xf32, #tpu.memory_space<vmem>> -> memref<1x1024x16xf32, #tpu.memory_space<vmem>>
    %dma_start3A_591 = tpu.memref_squeeze %dma_start3A_590 : memref<1x1024x16xf32, #tpu.memory_space<vmem>> -> memref<1024x16xf32, #tpu.memory_space<vmem>>
    %dma_start3A_592 = arith.constant 0 : i32
    %dma_start3A_593 = tpu.memref_slice %arg2[%min3A_586, %dma_start3A_592] : memref<800000x16xf32, #tpu.memory_space<hbm>> -> memref<1024x16xf32, #tpu.memory_space<hbm>>
    %dma_start3A_594 = arith.constant 0 : i32
    %dma_start3A_595 = arith.constant 0 : i32
    %dma_start3A_596 = tpu.memref_slice %arg9[%dma_start3A_587, %dma_start3A_594, %dma_start3A_595] : memref<3x1024x16xf32, #tpu.memory_space<vmem>> -> memref<1x1024x16xf32, #tpu.memory_space<vmem>>
    %dma_start3A_597 = tpu.memref_squeeze %dma_start3A_596 : memref<1x1024x16xf32, #tpu.memory_space<vmem>> -> memref<1024x16xf32, #tpu.memory_space<vmem>>
    %dma_start3A_598 = arith.constant 0 : i32
    %dma_start3A_599 = tpu.memref_slice %arg2[%min3A_586, %dma_start3A_598] : memref<800000x16xf32, #tpu.memory_space<hbm>> -> memref<1024x16xf32, #tpu.memory_space<hbm>>
    tpu.enqueue_dma source(%dma_start3A_599 : memref<1024x16xf32, #tpu.memory_space<hbm>>) target(%dma_start3A_597 : memref<1024x16xf32, #tpu.memory_space<vmem>>) target_semaphore(%arg13 : memref<!tpu.dma_semaphore, #tpu.memory_space<semaphore_mem>>)
    %dma_wait3A_600 = arith.constant 2 : i32
    %dma_wait3A_601 = arith.constant 0 : i32
    %dma_wait3A_602 = arith.constant 0 : i32
    %dma_wait3A_603 = tpu.memref_slice %arg9[%dma_wait3A_600, %dma_wait3A_601, %dma_wait3A_602] : memref<3x1024x16xf32, #tpu.memory_space<vmem>> -> memref<1x1024x16xf32, #tpu.memory_space<vmem>>
    %dma_wait3A_604 = tpu.memref_squeeze %dma_wait3A_603 : memref<1x1024x16xf32, #tpu.memory_space<vmem>> -> memref<1024x16xf32, #tpu.memory_space<vmem>>
    %dma_wait3A_605 = arith.constant 0 : i32
    %dma_wait3A_606 = tpu.memref_slice %arg2[%min3A_488, %dma_wait3A_605] : memref<800000x16xf32, #tpu.memory_space<hbm>> -> memref<1024x16xf32, #tpu.memory_space<hbm>>
    %dma_wait3A_607 = arith.constant 0 : i32
    %dma_wait3A_608 = arith.constant 0 : i32
    %dma_wait3A_609 = tpu.memref_slice %arg9[%dma_wait3A_600, %dma_wait3A_607, %dma_wait3A_608] : memref<3x1024x16xf32, #tpu.memory_space<vmem>> -> memref<1x1024x16xf32, #tpu.memory_space<vmem>>
    %dma_wait3A_610 = tpu.memref_squeeze %dma_wait3A_609 : memref<1x1024x16xf32, #tpu.memory_space<vmem>> -> memref<1024x16xf32, #tpu.memory_space<vmem>>
    %dma_wait3A_611 = arith.constant 0 : i32
    %dma_wait3A_612 = tpu.memref_slice %arg2[%min3A_488, %dma_wait3A_611] : memref<800000x16xf32, #tpu.memory_space<hbm>> -> memref<1024x16xf32, #tpu.memory_space<hbm>>
    tpu.wait_dma2 semaphore(%arg14 : memref<!tpu.dma_semaphore, #tpu.memory_space<semaphore_mem>>) src(%dma_wait3A_612 : memref<1024x16xf32, #tpu.memory_space<hbm>>) dst(%dma_wait3A_610 : memref<1024x16xf32, #tpu.memory_space<vmem>>)
    %add3A_613 = arith.constant 1408 : i32
    %add3A_614 = arith.addi %mul3A_2, %add3A_613 : i32
    %mul3A_615 = arith.constant 8 : i32
    %mul3A_616 = arith.muli %add3A_614, %mul3A_615 : i32
    %add3A_617 = arith.constant 1408 : i32
    %add3A_618 = arith.addi %mul3A_2, %add3A_617 : i32
    %mul3A_619 = arith.constant 8 : i32
    %mul3A_620 = arith.muli %add3A_618, %mul3A_619 : i32
    %min3A_621 = arith.constant 798976 : i32
    %min3A_622 = arith.minsi %mul3A_620, %min3A_621 : i32
    %sub3A_623 = arith.subi %mul3A_616, %min3A_622 : i32
    %scan3A_624 = arith.constant 0 : i32
    %scan3A_625 = arith.constant 0 : i32
    %scan3A_626 = arith.constant 8 : i32
    %scan3A_627 = arith.addi %scan3A_625, %scan3A_626 : i32
    %scan3A_628 = arith.constant 1 : i32
    scf.for %scan3A_1237 = %scan3A_625 to %scan3A_627 step %scan3A_628  : i32 {
      %iota3A = tpu.iota {dimensions = array<i32: 0>} : vector<16xi32>
      %mul3A_1238 = arith.constant 16 : i32
      %mul3A_1239 = arith.muli %scan3A_1237, %mul3A_1238 : i32
      %add3A_1240 = vector.broadcast %mul3A_1239 : i32 to vector<16xi32>
      %add3A_1241 = arith.addi %add3A_1240, %iota3A : vector<16xi32>
      %add3A_1242 = arith.constant 1408 : i32
      %add3A_1243 = vector.broadcast %add3A_1242 : i32 to vector<16xi32>
      %add3A_1244 = arith.addi %add3A_1243, %add3A_1241 : vector<16xi32>
      %mul3A_1245 = arith.constant 8 : i32
      %mul3A_1246 = vector.broadcast %mul3A_1245 : i32 to vector<16xi32>
      %mul3A_1247 = arith.muli %add3A_1241, %mul3A_1246 : vector<16xi32>
      %add3A_1248 = vector.broadcast %sub3A_623 : i32 to vector<16xi32>
      %add3A_1249 = arith.addi %mul3A_1247, %add3A_1248 : vector<16xi32>
      %min3A_1250 = arith.constant 1016 : i32
      %min3A_1251 = vector.broadcast %min3A_1250 : i32 to vector<16xi32>
      %min3A_1252 = arith.minsi %add3A_1249, %min3A_1251 : vector<16xi32>
      %mul3A_1253 = arith.constant 16 : i32
      %mul3A_1254 = arith.muli %scan3A_1237, %mul3A_1253 : i32
      %add3A_1255 = arith.constant 1408 : i32
      %add3A_1256 = arith.addi %add3A_1255, %mul3A_1254 : i32
      %get3A = arith.index_cast %add3A_1256 : i32 to index
      %get3A_1257 = tpu.vector_load %arg7[%get3A] {strides = array<i32>} : memref<3200xi32, #tpu.memory_space<vmem>>, vector<16xi32>,
      %jit3A = arith.constant 0 : i32
      %jit3A_1258 = arith.constant 63 : i32
      %max3A = vector.broadcast %jit3A : i32 to vector<16xi32>
      %max3A_1259 = arith.maxsi %max3A, %get3A_1257 : vector<16xi32>
      %min3A_1260 = vector.broadcast %jit3A_1258 : i32 to vector<16xi32>
      %min3A_1261 = arith.minsi %min3A_1260, %max3A_1259 : vector<16xi32>
      %gather3A = tpu.vector_load_idx %arg8[%min3A_1261] : memref<128xi32, #tpu.memory_space<vmem>>[vector<16xi32>], vector<16xi32>,
      %shift_right_arithmetic3A = arith.constant 4 : i32
      %shift_right_arithmetic3A_1262 = vector.broadcast %shift_right_arithmetic3A : i32 to vector<16xi32>
      %shift_right_arithmetic3A_1263 = arith.shrsi %gather3A, %shift_right_arithmetic3A_1262 : vector<16xi32>
      %add3A_1264 = arith.addi %min3A_1252, %shift_right_arithmetic3A_1263 : vector<16xi32>
      %and3A = arith.constant 15 : i32
      %and3A_1265 = vector.broadcast %and3A : i32 to vector<16xi32>
      %and3A_1266 = arith.andi %gather3A, %and3A_1265 : vector<16xi32>
      %gather3A_1267 = arith.constant 2 : i32
      %gather3A_1268 = arith.constant 0 : i32
      %gather3A_1269 = arith.constant 0 : i32
      %gather3A_1270 = tpu.memref_slice %arg9[%gather3A_1267, %gather3A_1268, %gather3A_1269] : memref<3x1024x16xf32, #tpu.memory_space<vmem>> -> memref<1x1024x16xf32, #tpu.memory_space<vmem>>
      %gather3A_1271 = tpu.memref_squeeze %gather3A_1270 : memref<1x1024x16xf32, #tpu.memory_space<vmem>> -> memref<1024x16xf32, #tpu.memory_space<vmem>>
      %gather3A_1272 = tpu.vector_load_idx %gather3A_1271[%add3A_1264, %and3A_1266] : memref<1024x16xf32, #tpu.memory_space<vmem>>[vector<16xi32>, vector<16xi32>], vector<16xf32>,
      %mul3A_1273 = arith.constant 16 : i32
      %mul3A_1274 = arith.muli %scan3A_1237, %mul3A_1273 : i32
      %add3A_1275 = arith.constant 1408 : i32
      %add3A_1276 = arith.addi %add3A_1275, %mul3A_1274 : i32
      %swap3A = arith.index_cast %add3A_1276 : i32 to index
      %swap3A_1277 = tpu.vector_load %arg10[%swap3A] {strides = array<i32>} : memref<3200xf32, #tpu.memory_space<vmem>>, vector<16xf32>,
      tpu.vector_store %arg10[%swap3A], %gather3A_1272 {strides = array<i32>} : memref<3200xf32, #tpu.memory_space<vmem>>, vector<16xf32>,
      %mul3A_1278 = arith.constant 0 : i32
      %mul3A_1279 = vector.broadcast %mul3A_1278 : i32 to vector<16xi32>
      %mul3A_1280 = arith.muli %iota3A, %mul3A_1279 : vector<16xi32>
      %add3A_1281 = arith.constant 2 : i32
      %add3A_1282 = vector.broadcast %add3A_1281 : i32 to vector<16xi32>
      %add3A_1283 = arith.addi %mul3A_1280, %add3A_1282 : vector<16xi32>
      %gather3A_1284 = arith.constant 2 : i32
      %gather3A_1285 = arith.constant 0 : i32
      %gather3A_1286 = arith.constant 0 : i32
      %gather3A_1287 = tpu.memref_slice %arg9[%gather3A_1284, %gather3A_1285, %gather3A_1286] : memref<3x1024x16xf32, #tpu.memory_space<vmem>> -> memref<1x1024x16xf32, #tpu.memory_space<vmem>>
      %gather3A_1288 = tpu.memref_squeeze %gather3A_1287 : memref<1x1024x16xf32, #tpu.memory_space<vmem>> -> memref<1024x16xf32, #tpu.memory_space<vmem>>
      %gather3A_1289 = tpu.vector_load_idx %gather3A_1288[%min3A_1252, %add3A_1283] : memref<1024x16xf32, #tpu.memory_space<vmem>>[vector<16xi32>, vector<16xi32>], vector<16xf32>,
      %mul3A_1290 = arith.constant 0 : i32
      %mul3A_1291 = vector.broadcast %mul3A_1290 : i32 to vector<16xi32>
      %mul3A_1292 = arith.muli %iota3A, %mul3A_1291 : vector<16xi32>
      %add3A_1293 = arith.constant 0 : i32
      %add3A_1294 = vector.broadcast %add3A_1293 : i32 to vector<16xi32>
      %add3A_1295 = arith.addi %mul3A_1292, %add3A_1294 : vector<16xi32>
      tpu.vector_store_idx %arg11[%add3A_1244, %add3A_1295], %gather3A_1289 : memref<3200x3xf32, #tpu.memory_space<vmem>>[vector<16xi32>, vector<16xi32>], vector<16xf32>,
      %mul3A_1296 = arith.constant 0 : i32
      %mul3A_1297 = vector.broadcast %mul3A_1296 : i32 to vector<16xi32>
      %mul3A_1298 = arith.muli %iota3A, %mul3A_1297 : vector<16xi32>
      %add3A_1299 = arith.constant 3 : i32
      %add3A_1300 = vector.broadcast %add3A_1299 : i32 to vector<16xi32>
      %add3A_1301 = arith.addi %mul3A_1298, %add3A_1300 : vector<16xi32>
      %gather3A_1302 = arith.constant 2 : i32
      %gather3A_1303 = arith.constant 0 : i32
      %gather3A_1304 = arith.constant 0 : i32
      %gather3A_1305 = tpu.memref_slice %arg9[%gather3A_1302, %gather3A_1303, %gather3A_1304] : memref<3x1024x16xf32, #tpu.memory_space<vmem>> -> memref<1x1024x16xf32, #tpu.memory_space<vmem>>
      %gather3A_1306 = tpu.memref_squeeze %gather3A_1305 : memref<1x1024x16xf32, #tpu.memory_space<vmem>> -> memref<1024x16xf32, #tpu.memory_space<vmem>>
      %gather3A_1307 = tpu.vector_load_idx %gather3A_1306[%min3A_1252, %add3A_1301] : memref<1024x16xf32, #tpu.memory_space<vmem>>[vector<16xi32>, vector<16xi32>], vector<16xf32>,
      %mul3A_1308 = arith.constant 0 : i32
      %mul3A_1309 = vector.broadcast %mul3A_1308 : i32 to vector<16xi32>
      %mul3A_1310 = arith.muli %iota3A, %mul3A_1309 : vector<16xi32>
      %add3A_1311 = arith.constant 1 : i32
      %add3A_1312 = vector.broadcast %add3A_1311 : i32 to vector<16xi32>
      %add3A_1313 = arith.addi %mul3A_1310, %add3A_1312 : vector<16xi32>
      tpu.vector_store_idx %arg11[%add3A_1244, %add3A_1313], %gather3A_1307 : memref<3200x3xf32, #tpu.memory_space<vmem>>[vector<16xi32>, vector<16xi32>], vector<16xf32>,
      %mul3A_1314 = arith.constant 0 : i32
      %mul3A_1315 = vector.broadcast %mul3A_1314 : i32 to vector<16xi32>
      %mul3A_1316 = arith.muli %iota3A, %mul3A_1315 : vector<16xi32>
      %add3A_1317 = arith.constant 4 : i32
      %add3A_1318 = vector.broadcast %add3A_1317 : i32 to vector<16xi32>
      %add3A_1319 = arith.addi %mul3A_1316, %add3A_1318 : vector<16xi32>
      %gather3A_1320 = arith.constant 2 : i32
      %gather3A_1321 = arith.constant 0 : i32
      %gather3A_1322 = arith.constant 0 : i32
      %gather3A_1323 = tpu.memref_slice %arg9[%gather3A_1320, %gather3A_1321, %gather3A_1322] : memref<3x1024x16xf32, #tpu.memory_space<vmem>> -> memref<1x1024x16xf32, #tpu.memory_space<vmem>>
      %gather3A_1324 = tpu.memref_squeeze %gather3A_1323 : memref<1x1024x16xf32, #tpu.memory_space<vmem>> -> memref<1024x16xf32, #tpu.memory_space<vmem>>
      %gather3A_1325 = tpu.vector_load_idx %gather3A_1324[%min3A_1252, %add3A_1319] : memref<1024x16xf32, #tpu.memory_space<vmem>>[vector<16xi32>, vector<16xi32>], vector<16xf32>,
      %mul3A_1326 = arith.constant 0 : i32
      %mul3A_1327 = vector.broadcast %mul3A_1326 : i32 to vector<16xi32>
      %mul3A_1328 = arith.muli %iota3A, %mul3A_1327 : vector<16xi32>
      %add3A_1329 = arith.constant 2 : i32
      %add3A_1330 = vector.broadcast %add3A_1329 : i32 to vector<16xi32>
      %add3A_1331 = arith.addi %mul3A_1328, %add3A_1330 : vector<16xi32>
      tpu.vector_store_idx %arg11[%add3A_1244, %add3A_1331], %gather3A_1325 : memref<3200x3xf32, #tpu.memory_space<vmem>>[vector<16xi32>, vector<16xi32>], vector<16xf32>,
    }
    %scan3A_629 = arith.constant 8 : i32
    %add3A_630 = arith.constant 1792 : i32
    %add3A_631 = arith.addi %mul3A_2, %add3A_630 : i32
    %mul3A_632 = arith.constant 8 : i32
    %mul3A_633 = arith.muli %add3A_631, %mul3A_632 : i32
    %min3A_634 = arith.constant 798976 : i32
    %min3A_635 = arith.minsi %mul3A_633, %min3A_634 : i32
    %dma_start3A_636 = arith.constant 2 : i32
    %dma_start3A_637 = arith.constant 0 : i32
    %dma_start3A_638 = arith.constant 0 : i32
    %dma_start3A_639 = tpu.memref_slice %arg9[%dma_start3A_636, %dma_start3A_637, %dma_start3A_638] : memref<3x1024x16xf32, #tpu.memory_space<vmem>> -> memref<1x1024x16xf32, #tpu.memory_space<vmem>>
    %dma_start3A_640 = tpu.memref_squeeze %dma_start3A_639 : memref<1x1024x16xf32, #tpu.memory_space<vmem>> -> memref<1024x16xf32, #tpu.memory_space<vmem>>
    %dma_start3A_641 = arith.constant 0 : i32
    %dma_start3A_642 = tpu.memref_slice %arg2[%min3A_635, %dma_start3A_641] : memref<800000x16xf32, #tpu.memory_space<hbm>> -> memref<1024x16xf32, #tpu.memory_space<hbm>>
    %dma_start3A_643 = arith.constant 0 : i32
    %dma_start3A_644 = arith.constant 0 : i32
    %dma_start3A_645 = tpu.memref_slice %arg9[%dma_start3A_636, %dma_start3A_643, %dma_start3A_644] : memref<3x1024x16xf32, #tpu.memory_space<vmem>> -> memref<1x1024x16xf32, #tpu.memory_space<vmem>>
    %dma_start3A_646 = tpu.memref_squeeze %dma_start3A_645 : memref<1x1024x16xf32, #tpu.memory_space<vmem>> -> memref<1024x16xf32, #tpu.memory_space<vmem>>
    %dma_start3A_647 = arith.constant 0 : i32
    %dma_start3A_648 = tpu.memref_slice %arg2[%min3A_635, %dma_start3A_647] : memref<800000x16xf32, #tpu.memory_space<hbm>> -> memref<1024x16xf32, #tpu.memory_space<hbm>>
    tpu.enqueue_dma source(%dma_start3A_648 : memref<1024x16xf32, #tpu.memory_space<hbm>>) target(%dma_start3A_646 : memref<1024x16xf32, #tpu.memory_space<vmem>>) target_semaphore(%arg14 : memref<!tpu.dma_semaphore, #tpu.memory_space<semaphore_mem>>)
    %dma_wait3A_649 = arith.constant 0 : i32
    %dma_wait3A_650 = arith.constant 0 : i32
    %dma_wait3A_651 = arith.constant 0 : i32
    %dma_wait3A_652 = tpu.memref_slice %arg9[%dma_wait3A_649, %dma_wait3A_650, %dma_wait3A_651] : memref<3x1024x16xf32, #tpu.memory_space<vmem>> -> memref<1x1024x16xf32, #tpu.memory_space<vmem>>
    %dma_wait3A_653 = tpu.memref_squeeze %dma_wait3A_652 : memref<1x1024x16xf32, #tpu.memory_space<vmem>> -> memref<1024x16xf32, #tpu.memory_space<vmem>>
    %dma_wait3A_654 = arith.constant 0 : i32
    %dma_wait3A_655 = tpu.memref_slice %arg2[%min3A_537, %dma_wait3A_654] : memref<800000x16xf32, #tpu.memory_space<hbm>> -> memref<1024x16xf32, #tpu.memory_space<hbm>>
    %dma_wait3A_656 = arith.constant 0 : i32
    %dma_wait3A_657 = arith.constant 0 : i32
    %dma_wait3A_658 = tpu.memref_slice %arg9[%dma_wait3A_649, %dma_wait3A_656, %dma_wait3A_657] : memref<3x1024x16xf32, #tpu.memory_space<vmem>> -> memref<1x1024x16xf32, #tpu.memory_space<vmem>>
    %dma_wait3A_659 = tpu.memref_squeeze %dma_wait3A_658 : memref<1x1024x16xf32, #tpu.memory_space<vmem>> -> memref<1024x16xf32, #tpu.memory_space<vmem>>
    %dma_wait3A_660 = arith.constant 0 : i32
    %dma_wait3A_661 = tpu.memref_slice %arg2[%min3A_537, %dma_wait3A_660] : memref<800000x16xf32, #tpu.memory_space<hbm>> -> memref<1024x16xf32, #tpu.memory_space<hbm>>
    tpu.wait_dma2 semaphore(%arg12 : memref<!tpu.dma_semaphore, #tpu.memory_space<semaphore_mem>>) src(%dma_wait3A_661 : memref<1024x16xf32, #tpu.memory_space<hbm>>) dst(%dma_wait3A_659 : memref<1024x16xf32, #tpu.memory_space<vmem>>)
    %add3A_662 = arith.constant 1536 : i32
    %add3A_663 = arith.addi %mul3A_2, %add3A_662 : i32
    %mul3A_664 = arith.constant 8 : i32
    %mul3A_665 = arith.muli %add3A_663, %mul3A_664 : i32
    %add3A_666 = arith.constant 1536 : i32
    %add3A_667 = arith.addi %mul3A_2, %add3A_666 : i32
    %mul3A_668 = arith.constant 8 : i32
    %mul3A_669 = arith.muli %add3A_667, %mul3A_668 : i32
    %min3A_670 = arith.constant 798976 : i32
    %min3A_671 = arith.minsi %mul3A_669, %min3A_670 : i32
    %sub3A_672 = arith.subi %mul3A_665, %min3A_671 : i32
    %scan3A_673 = arith.constant 0 : i32
    %scan3A_674 = arith.constant 0 : i32
    %scan3A_675 = arith.constant 8 : i32
    %scan3A_676 = arith.addi %scan3A_674, %scan3A_675 : i32
    %scan3A_677 = arith.constant 1 : i32
    scf.for %scan3A_1237 = %scan3A_674 to %scan3A_676 step %scan3A_677  : i32 {
      %iota3A = tpu.iota {dimensions = array<i32: 0>} : vector<16xi32>
      %mul3A_1238 = arith.constant 16 : i32
      %mul3A_1239 = arith.muli %scan3A_1237, %mul3A_1238 : i32
      %add3A_1240 = vector.broadcast %mul3A_1239 : i32 to vector<16xi32>
      %add3A_1241 = arith.addi %add3A_1240, %iota3A : vector<16xi32>
      %add3A_1242 = arith.constant 1536 : i32
      %add3A_1243 = vector.broadcast %add3A_1242 : i32 to vector<16xi32>
      %add3A_1244 = arith.addi %add3A_1243, %add3A_1241 : vector<16xi32>
      %mul3A_1245 = arith.constant 8 : i32
      %mul3A_1246 = vector.broadcast %mul3A_1245 : i32 to vector<16xi32>
      %mul3A_1247 = arith.muli %add3A_1241, %mul3A_1246 : vector<16xi32>
      %add3A_1248 = vector.broadcast %sub3A_672 : i32 to vector<16xi32>
      %add3A_1249 = arith.addi %mul3A_1247, %add3A_1248 : vector<16xi32>
      %min3A_1250 = arith.constant 1016 : i32
      %min3A_1251 = vector.broadcast %min3A_1250 : i32 to vector<16xi32>
      %min3A_1252 = arith.minsi %add3A_1249, %min3A_1251 : vector<16xi32>
      %mul3A_1253 = arith.constant 16 : i32
      %mul3A_1254 = arith.muli %scan3A_1237, %mul3A_1253 : i32
      %add3A_1255 = arith.constant 1536 : i32
      %add3A_1256 = arith.addi %add3A_1255, %mul3A_1254 : i32
      %get3A = arith.index_cast %add3A_1256 : i32 to index
      %get3A_1257 = tpu.vector_load %arg7[%get3A] {strides = array<i32>} : memref<3200xi32, #tpu.memory_space<vmem>>, vector<16xi32>,
      %jit3A = arith.constant 0 : i32
      %jit3A_1258 = arith.constant 63 : i32
      %max3A = vector.broadcast %jit3A : i32 to vector<16xi32>
      %max3A_1259 = arith.maxsi %max3A, %get3A_1257 : vector<16xi32>
      %min3A_1260 = vector.broadcast %jit3A_1258 : i32 to vector<16xi32>
      %min3A_1261 = arith.minsi %min3A_1260, %max3A_1259 : vector<16xi32>
      %gather3A = tpu.vector_load_idx %arg8[%min3A_1261] : memref<128xi32, #tpu.memory_space<vmem>>[vector<16xi32>], vector<16xi32>,
      %shift_right_arithmetic3A = arith.constant 4 : i32
      %shift_right_arithmetic3A_1262 = vector.broadcast %shift_right_arithmetic3A : i32 to vector<16xi32>
      %shift_right_arithmetic3A_1263 = arith.shrsi %gather3A, %shift_right_arithmetic3A_1262 : vector<16xi32>
      %add3A_1264 = arith.addi %min3A_1252, %shift_right_arithmetic3A_1263 : vector<16xi32>
      %and3A = arith.constant 15 : i32
      %and3A_1265 = vector.broadcast %and3A : i32 to vector<16xi32>
      %and3A_1266 = arith.andi %gather3A, %and3A_1265 : vector<16xi32>
      %gather3A_1267 = arith.constant 0 : i32
      %gather3A_1268 = arith.constant 0 : i32
      %gather3A_1269 = arith.constant 0 : i32
      %gather3A_1270 = tpu.memref_slice %arg9[%gather3A_1267, %gather3A_1268, %gather3A_1269] : memref<3x1024x16xf32, #tpu.memory_space<vmem>> -> memref<1x1024x16xf32, #tpu.memory_space<vmem>>
      %gather3A_1271 = tpu.memref_squeeze %gather3A_1270 : memref<1x1024x16xf32, #tpu.memory_space<vmem>> -> memref<1024x16xf32, #tpu.memory_space<vmem>>
      %gather3A_1272 = tpu.vector_load_idx %gather3A_1271[%add3A_1264, %and3A_1266] : memref<1024x16xf32, #tpu.memory_space<vmem>>[vector<16xi32>, vector<16xi32>], vector<16xf32>,
      %mul3A_1273 = arith.constant 16 : i32
      %mul3A_1274 = arith.muli %scan3A_1237, %mul3A_1273 : i32
      %add3A_1275 = arith.constant 1536 : i32
      %add3A_1276 = arith.addi %add3A_1275, %mul3A_1274 : i32
      %swap3A = arith.index_cast %add3A_1276 : i32 to index
      %swap3A_1277 = tpu.vector_load %arg10[%swap3A] {strides = array<i32>} : memref<3200xf32, #tpu.memory_space<vmem>>, vector<16xf32>,
      tpu.vector_store %arg10[%swap3A], %gather3A_1272 {strides = array<i32>} : memref<3200xf32, #tpu.memory_space<vmem>>, vector<16xf32>,
      %mul3A_1278 = arith.constant 0 : i32
      %mul3A_1279 = vector.broadcast %mul3A_1278 : i32 to vector<16xi32>
      %mul3A_1280 = arith.muli %iota3A, %mul3A_1279 : vector<16xi32>
      %add3A_1281 = arith.constant 2 : i32
      %add3A_1282 = vector.broadcast %add3A_1281 : i32 to vector<16xi32>
      %add3A_1283 = arith.addi %mul3A_1280, %add3A_1282 : vector<16xi32>
      %gather3A_1284 = arith.constant 0 : i32
      %gather3A_1285 = arith.constant 0 : i32
      %gather3A_1286 = arith.constant 0 : i32
      %gather3A_1287 = tpu.memref_slice %arg9[%gather3A_1284, %gather3A_1285, %gather3A_1286] : memref<3x1024x16xf32, #tpu.memory_space<vmem>> -> memref<1x1024x16xf32, #tpu.memory_space<vmem>>
      %gather3A_1288 = tpu.memref_squeeze %gather3A_1287 : memref<1x1024x16xf32, #tpu.memory_space<vmem>> -> memref<1024x16xf32, #tpu.memory_space<vmem>>
      %gather3A_1289 = tpu.vector_load_idx %gather3A_1288[%min3A_1252, %add3A_1283] : memref<1024x16xf32, #tpu.memory_space<vmem>>[vector<16xi32>, vector<16xi32>], vector<16xf32>,
      %mul3A_1290 = arith.constant 0 : i32
      %mul3A_1291 = vector.broadcast %mul3A_1290 : i32 to vector<16xi32>
      %mul3A_1292 = arith.muli %iota3A, %mul3A_1291 : vector<16xi32>
      %add3A_1293 = arith.constant 0 : i32
      %add3A_1294 = vector.broadcast %add3A_1293 : i32 to vector<16xi32>
      %add3A_1295 = arith.addi %mul3A_1292, %add3A_1294 : vector<16xi32>
      tpu.vector_store_idx %arg11[%add3A_1244, %add3A_1295], %gather3A_1289 : memref<3200x3xf32, #tpu.memory_space<vmem>>[vector<16xi32>, vector<16xi32>], vector<16xf32>,
      %mul3A_1296 = arith.constant 0 : i32
      %mul3A_1297 = vector.broadcast %mul3A_1296 : i32 to vector<16xi32>
      %mul3A_1298 = arith.muli %iota3A, %mul3A_1297 : vector<16xi32>
      %add3A_1299 = arith.constant 3 : i32
      %add3A_1300 = vector.broadcast %add3A_1299 : i32 to vector<16xi32>
      %add3A_1301 = arith.addi %mul3A_1298, %add3A_1300 : vector<16xi32>
      %gather3A_1302 = arith.constant 0 : i32
      %gather3A_1303 = arith.constant 0 : i32
      %gather3A_1304 = arith.constant 0 : i32
      %gather3A_1305 = tpu.memref_slice %arg9[%gather3A_1302, %gather3A_1303, %gather3A_1304] : memref<3x1024x16xf32, #tpu.memory_space<vmem>> -> memref<1x1024x16xf32, #tpu.memory_space<vmem>>
      %gather3A_1306 = tpu.memref_squeeze %gather3A_1305 : memref<1x1024x16xf32, #tpu.memory_space<vmem>> -> memref<1024x16xf32, #tpu.memory_space<vmem>>
      %gather3A_1307 = tpu.vector_load_idx %gather3A_1306[%min3A_1252, %add3A_1301] : memref<1024x16xf32, #tpu.memory_space<vmem>>[vector<16xi32>, vector<16xi32>], vector<16xf32>,
      %mul3A_1308 = arith.constant 0 : i32
      %mul3A_1309 = vector.broadcast %mul3A_1308 : i32 to vector<16xi32>
      %mul3A_1310 = arith.muli %iota3A, %mul3A_1309 : vector<16xi32>
      %add3A_1311 = arith.constant 1 : i32
      %add3A_1312 = vector.broadcast %add3A_1311 : i32 to vector<16xi32>
      %add3A_1313 = arith.addi %mul3A_1310, %add3A_1312 : vector<16xi32>
      tpu.vector_store_idx %arg11[%add3A_1244, %add3A_1313], %gather3A_1307 : memref<3200x3xf32, #tpu.memory_space<vmem>>[vector<16xi32>, vector<16xi32>], vector<16xf32>,
      %mul3A_1314 = arith.constant 0 : i32
      %mul3A_1315 = vector.broadcast %mul3A_1314 : i32 to vector<16xi32>
      %mul3A_1316 = arith.muli %iota3A, %mul3A_1315 : vector<16xi32>
      %add3A_1317 = arith.constant 4 : i32
      %add3A_1318 = vector.broadcast %add3A_1317 : i32 to vector<16xi32>
      %add3A_1319 = arith.addi %mul3A_1316, %add3A_1318 : vector<16xi32>
      %gather3A_1320 = arith.constant 0 : i32
      %gather3A_1321 = arith.constant 0 : i32
      %gather3A_1322 = arith.constant 0 : i32
      %gather3A_1323 = tpu.memref_slice %arg9[%gather3A_1320, %gather3A_1321, %gather3A_1322] : memref<3x1024x16xf32, #tpu.memory_space<vmem>> -> memref<1x1024x16xf32, #tpu.memory_space<vmem>>
      %gather3A_1324 = tpu.memref_squeeze %gather3A_1323 : memref<1x1024x16xf32, #tpu.memory_space<vmem>> -> memref<1024x16xf32, #tpu.memory_space<vmem>>
      %gather3A_1325 = tpu.vector_load_idx %gather3A_1324[%min3A_1252, %add3A_1319] : memref<1024x16xf32, #tpu.memory_space<vmem>>[vector<16xi32>, vector<16xi32>], vector<16xf32>,
      %mul3A_1326 = arith.constant 0 : i32
      %mul3A_1327 = vector.broadcast %mul3A_1326 : i32 to vector<16xi32>
      %mul3A_1328 = arith.muli %iota3A, %mul3A_1327 : vector<16xi32>
      %add3A_1329 = arith.constant 2 : i32
      %add3A_1330 = vector.broadcast %add3A_1329 : i32 to vector<16xi32>
      %add3A_1331 = arith.addi %mul3A_1328, %add3A_1330 : vector<16xi32>
      tpu.vector_store_idx %arg11[%add3A_1244, %add3A_1331], %gather3A_1325 : memref<3200x3xf32, #tpu.memory_space<vmem>>[vector<16xi32>, vector<16xi32>], vector<16xf32>,
    }
    %scan3A_678 = arith.constant 8 : i32
    %add3A_679 = arith.constant 1920 : i32
    %add3A_680 = arith.addi %mul3A_2, %add3A_679 : i32
    %mul3A_681 = arith.constant 8 : i32
    %mul3A_682 = arith.muli %add3A_680, %mul3A_681 : i32
    %min3A_683 = arith.constant 798976 : i32
    %min3A_684 = arith.minsi %mul3A_682, %min3A_683 : i32
    %dma_start3A_685 = arith.constant 0 : i32
    %dma_start3A_686 = arith.constant 0 : i32
    %dma_start3A_687 = arith.constant 0 : i32
    %dma_start3A_688 = tpu.memref_slice %arg9[%dma_start3A_685, %dma_start3A_686, %dma_start3A_687] : memref<3x1024x16xf32, #tpu.memory_space<vmem>> -> memref<1x1024x16xf32, #tpu.memory_space<vmem>>
    %dma_start3A_689 = tpu.memref_squeeze %dma_start3A_688 : memref<1x1024x16xf32, #tpu.memory_space<vmem>> -> memref<1024x16xf32, #tpu.memory_space<vmem>>
    %dma_start3A_690 = arith.constant 0 : i32
    %dma_start3A_691 = tpu.memref_slice %arg2[%min3A_684, %dma_start3A_690] : memref<800000x16xf32, #tpu.memory_space<hbm>> -> memref<1024x16xf32, #tpu.memory_space<hbm>>
    %dma_start3A_692 = arith.constant 0 : i32
    %dma_start3A_693 = arith.constant 0 : i32
    %dma_start3A_694 = tpu.memref_slice %arg9[%dma_start3A_685, %dma_start3A_692, %dma_start3A_693] : memref<3x1024x16xf32, #tpu.memory_space<vmem>> -> memref<1x1024x16xf32, #tpu.memory_space<vmem>>
    %dma_start3A_695 = tpu.memref_squeeze %dma_start3A_694 : memref<1x1024x16xf32, #tpu.memory_space<vmem>> -> memref<1024x16xf32, #tpu.memory_space<vmem>>
    %dma_start3A_696 = arith.constant 0 : i32
    %dma_start3A_697 = tpu.memref_slice %arg2[%min3A_684, %dma_start3A_696] : memref<800000x16xf32, #tpu.memory_space<hbm>> -> memref<1024x16xf32, #tpu.memory_space<hbm>>
    tpu.enqueue_dma source(%dma_start3A_697 : memref<1024x16xf32, #tpu.memory_space<hbm>>) target(%dma_start3A_695 : memref<1024x16xf32, #tpu.memory_space<vmem>>) target_semaphore(%arg12 : memref<!tpu.dma_semaphore, #tpu.memory_space<semaphore_mem>>)
    %dma_wait3A_698 = arith.constant 1 : i32
    %dma_wait3A_699 = arith.constant 0 : i32
    %dma_wait3A_700 = arith.constant 0 : i32
    %dma_wait3A_701 = tpu.memref_slice %arg9[%dma_wait3A_698, %dma_wait3A_699, %dma_wait3A_700] : memref<3x1024x16xf32, #tpu.memory_space<vmem>> -> memref<1x1024x16xf32, #tpu.memory_space<vmem>>
    %dma_wait3A_702 = tpu.memref_squeeze %dma_wait3A_701 : memref<1x1024x16xf32, #tpu.memory_space<vmem>> -> memref<1024x16xf32, #tpu.memory_space<vmem>>
    %dma_wait3A_703 = arith.constant 0 : i32
    %dma_wait3A_704 = tpu.memref_slice %arg2[%min3A_586, %dma_wait3A_703] : memref<800000x16xf32, #tpu.memory_space<hbm>> -> memref<1024x16xf32, #tpu.memory_space<hbm>>
    %dma_wait3A_705 = arith.constant 0 : i32
    %dma_wait3A_706 = arith.constant 0 : i32
    %dma_wait3A_707 = tpu.memref_slice %arg9[%dma_wait3A_698, %dma_wait3A_705, %dma_wait3A_706] : memref<3x1024x16xf32, #tpu.memory_space<vmem>> -> memref<1x1024x16xf32, #tpu.memory_space<vmem>>
    %dma_wait3A_708 = tpu.memref_squeeze %dma_wait3A_707 : memref<1x1024x16xf32, #tpu.memory_space<vmem>> -> memref<1024x16xf32, #tpu.memory_space<vmem>>
    %dma_wait3A_709 = arith.constant 0 : i32
    %dma_wait3A_710 = tpu.memref_slice %arg2[%min3A_586, %dma_wait3A_709] : memref<800000x16xf32, #tpu.memory_space<hbm>> -> memref<1024x16xf32, #tpu.memory_space<hbm>>
    tpu.wait_dma2 semaphore(%arg13 : memref<!tpu.dma_semaphore, #tpu.memory_space<semaphore_mem>>) src(%dma_wait3A_710 : memref<1024x16xf32, #tpu.memory_space<hbm>>) dst(%dma_wait3A_708 : memref<1024x16xf32, #tpu.memory_space<vmem>>)
    %add3A_711 = arith.constant 1664 : i32
    %add3A_712 = arith.addi %mul3A_2, %add3A_711 : i32
    %mul3A_713 = arith.constant 8 : i32
    %mul3A_714 = arith.muli %add3A_712, %mul3A_713 : i32
    %add3A_715 = arith.constant 1664 : i32
    %add3A_716 = arith.addi %mul3A_2, %add3A_715 : i32
    %mul3A_717 = arith.constant 8 : i32
    %mul3A_718 = arith.muli %add3A_716, %mul3A_717 : i32
    %min3A_719 = arith.constant 798976 : i32
    %min3A_720 = arith.minsi %mul3A_718, %min3A_719 : i32
    %sub3A_721 = arith.subi %mul3A_714, %min3A_720 : i32
    %scan3A_722 = arith.constant 0 : i32
    %scan3A_723 = arith.constant 0 : i32
    %scan3A_724 = arith.constant 8 : i32
    %scan3A_725 = arith.addi %scan3A_723, %scan3A_724 : i32
    %scan3A_726 = arith.constant 1 : i32
    scf.for %scan3A_1237 = %scan3A_723 to %scan3A_725 step %scan3A_726  : i32 {
      %iota3A = tpu.iota {dimensions = array<i32: 0>} : vector<16xi32>
      %mul3A_1238 = arith.constant 16 : i32
      %mul3A_1239 = arith.muli %scan3A_1237, %mul3A_1238 : i32
      %add3A_1240 = vector.broadcast %mul3A_1239 : i32 to vector<16xi32>
      %add3A_1241 = arith.addi %add3A_1240, %iota3A : vector<16xi32>
      %add3A_1242 = arith.constant 1664 : i32
      %add3A_1243 = vector.broadcast %add3A_1242 : i32 to vector<16xi32>
      %add3A_1244 = arith.addi %add3A_1243, %add3A_1241 : vector<16xi32>
      %mul3A_1245 = arith.constant 8 : i32
      %mul3A_1246 = vector.broadcast %mul3A_1245 : i32 to vector<16xi32>
      %mul3A_1247 = arith.muli %add3A_1241, %mul3A_1246 : vector<16xi32>
      %add3A_1248 = vector.broadcast %sub3A_721 : i32 to vector<16xi32>
      %add3A_1249 = arith.addi %mul3A_1247, %add3A_1248 : vector<16xi32>
      %min3A_1250 = arith.constant 1016 : i32
      %min3A_1251 = vector.broadcast %min3A_1250 : i32 to vector<16xi32>
      %min3A_1252 = arith.minsi %add3A_1249, %min3A_1251 : vector<16xi32>
      %mul3A_1253 = arith.constant 16 : i32
      %mul3A_1254 = arith.muli %scan3A_1237, %mul3A_1253 : i32
      %add3A_1255 = arith.constant 1664 : i32
      %add3A_1256 = arith.addi %add3A_1255, %mul3A_1254 : i32
      %get3A = arith.index_cast %add3A_1256 : i32 to index
      %get3A_1257 = tpu.vector_load %arg7[%get3A] {strides = array<i32>} : memref<3200xi32, #tpu.memory_space<vmem>>, vector<16xi32>,
      %jit3A = arith.constant 0 : i32
      %jit3A_1258 = arith.constant 63 : i32
      %max3A = vector.broadcast %jit3A : i32 to vector<16xi32>
      %max3A_1259 = arith.maxsi %max3A, %get3A_1257 : vector<16xi32>
      %min3A_1260 = vector.broadcast %jit3A_1258 : i32 to vector<16xi32>
      %min3A_1261 = arith.minsi %min3A_1260, %max3A_1259 : vector<16xi32>
      %gather3A = tpu.vector_load_idx %arg8[%min3A_1261] : memref<128xi32, #tpu.memory_space<vmem>>[vector<16xi32>], vector<16xi32>,
      %shift_right_arithmetic3A = arith.constant 4 : i32
      %shift_right_arithmetic3A_1262 = vector.broadcast %shift_right_arithmetic3A : i32 to vector<16xi32>
      %shift_right_arithmetic3A_1263 = arith.shrsi %gather3A, %shift_right_arithmetic3A_1262 : vector<16xi32>
      %add3A_1264 = arith.addi %min3A_1252, %shift_right_arithmetic3A_1263 : vector<16xi32>
      %and3A = arith.constant 15 : i32
      %and3A_1265 = vector.broadcast %and3A : i32 to vector<16xi32>
      %and3A_1266 = arith.andi %gather3A, %and3A_1265 : vector<16xi32>
      %gather3A_1267 = arith.constant 1 : i32
      %gather3A_1268 = arith.constant 0 : i32
      %gather3A_1269 = arith.constant 0 : i32
      %gather3A_1270 = tpu.memref_slice %arg9[%gather3A_1267, %gather3A_1268, %gather3A_1269] : memref<3x1024x16xf32, #tpu.memory_space<vmem>> -> memref<1x1024x16xf32, #tpu.memory_space<vmem>>
      %gather3A_1271 = tpu.memref_squeeze %gather3A_1270 : memref<1x1024x16xf32, #tpu.memory_space<vmem>> -> memref<1024x16xf32, #tpu.memory_space<vmem>>
      %gather3A_1272 = tpu.vector_load_idx %gather3A_1271[%add3A_1264, %and3A_1266] : memref<1024x16xf32, #tpu.memory_space<vmem>>[vector<16xi32>, vector<16xi32>], vector<16xf32>,
      %mul3A_1273 = arith.constant 16 : i32
      %mul3A_1274 = arith.muli %scan3A_1237, %mul3A_1273 : i32
      %add3A_1275 = arith.constant 1664 : i32
      %add3A_1276 = arith.addi %add3A_1275, %mul3A_1274 : i32
      %swap3A = arith.index_cast %add3A_1276 : i32 to index
      %swap3A_1277 = tpu.vector_load %arg10[%swap3A] {strides = array<i32>} : memref<3200xf32, #tpu.memory_space<vmem>>, vector<16xf32>,
      tpu.vector_store %arg10[%swap3A], %gather3A_1272 {strides = array<i32>} : memref<3200xf32, #tpu.memory_space<vmem>>, vector<16xf32>,
      %mul3A_1278 = arith.constant 0 : i32
      %mul3A_1279 = vector.broadcast %mul3A_1278 : i32 to vector<16xi32>
      %mul3A_1280 = arith.muli %iota3A, %mul3A_1279 : vector<16xi32>
      %add3A_1281 = arith.constant 2 : i32
      %add3A_1282 = vector.broadcast %add3A_1281 : i32 to vector<16xi32>
      %add3A_1283 = arith.addi %mul3A_1280, %add3A_1282 : vector<16xi32>
      %gather3A_1284 = arith.constant 1 : i32
      %gather3A_1285 = arith.constant 0 : i32
      %gather3A_1286 = arith.constant 0 : i32
      %gather3A_1287 = tpu.memref_slice %arg9[%gather3A_1284, %gather3A_1285, %gather3A_1286] : memref<3x1024x16xf32, #tpu.memory_space<vmem>> -> memref<1x1024x16xf32, #tpu.memory_space<vmem>>
      %gather3A_1288 = tpu.memref_squeeze %gather3A_1287 : memref<1x1024x16xf32, #tpu.memory_space<vmem>> -> memref<1024x16xf32, #tpu.memory_space<vmem>>
      %gather3A_1289 = tpu.vector_load_idx %gather3A_1288[%min3A_1252, %add3A_1283] : memref<1024x16xf32, #tpu.memory_space<vmem>>[vector<16xi32>, vector<16xi32>], vector<16xf32>,
      %mul3A_1290 = arith.constant 0 : i32
      %mul3A_1291 = vector.broadcast %mul3A_1290 : i32 to vector<16xi32>
      %mul3A_1292 = arith.muli %iota3A, %mul3A_1291 : vector<16xi32>
      %add3A_1293 = arith.constant 0 : i32
      %add3A_1294 = vector.broadcast %add3A_1293 : i32 to vector<16xi32>
      %add3A_1295 = arith.addi %mul3A_1292, %add3A_1294 : vector<16xi32>
      tpu.vector_store_idx %arg11[%add3A_1244, %add3A_1295], %gather3A_1289 : memref<3200x3xf32, #tpu.memory_space<vmem>>[vector<16xi32>, vector<16xi32>], vector<16xf32>,
      %mul3A_1296 = arith.constant 0 : i32
      %mul3A_1297 = vector.broadcast %mul3A_1296 : i32 to vector<16xi32>
      %mul3A_1298 = arith.muli %iota3A, %mul3A_1297 : vector<16xi32>
      %add3A_1299 = arith.constant 3 : i32
      %add3A_1300 = vector.broadcast %add3A_1299 : i32 to vector<16xi32>
      %add3A_1301 = arith.addi %mul3A_1298, %add3A_1300 : vector<16xi32>
      %gather3A_1302 = arith.constant 1 : i32
      %gather3A_1303 = arith.constant 0 : i32
      %gather3A_1304 = arith.constant 0 : i32
      %gather3A_1305 = tpu.memref_slice %arg9[%gather3A_1302, %gather3A_1303, %gather3A_1304] : memref<3x1024x16xf32, #tpu.memory_space<vmem>> -> memref<1x1024x16xf32, #tpu.memory_space<vmem>>
      %gather3A_1306 = tpu.memref_squeeze %gather3A_1305 : memref<1x1024x16xf32, #tpu.memory_space<vmem>> -> memref<1024x16xf32, #tpu.memory_space<vmem>>
      %gather3A_1307 = tpu.vector_load_idx %gather3A_1306[%min3A_1252, %add3A_1301] : memref<1024x16xf32, #tpu.memory_space<vmem>>[vector<16xi32>, vector<16xi32>], vector<16xf32>,
      %mul3A_1308 = arith.constant 0 : i32
      %mul3A_1309 = vector.broadcast %mul3A_1308 : i32 to vector<16xi32>
      %mul3A_1310 = arith.muli %iota3A, %mul3A_1309 : vector<16xi32>
      %add3A_1311 = arith.constant 1 : i32
      %add3A_1312 = vector.broadcast %add3A_1311 : i32 to vector<16xi32>
      %add3A_1313 = arith.addi %mul3A_1310, %add3A_1312 : vector<16xi32>
      tpu.vector_store_idx %arg11[%add3A_1244, %add3A_1313], %gather3A_1307 : memref<3200x3xf32, #tpu.memory_space<vmem>>[vector<16xi32>, vector<16xi32>], vector<16xf32>,
      %mul3A_1314 = arith.constant 0 : i32
      %mul3A_1315 = vector.broadcast %mul3A_1314 : i32 to vector<16xi32>
      %mul3A_1316 = arith.muli %iota3A, %mul3A_1315 : vector<16xi32>
      %add3A_1317 = arith.constant 4 : i32
      %add3A_1318 = vector.broadcast %add3A_1317 : i32 to vector<16xi32>
      %add3A_1319 = arith.addi %mul3A_1316, %add3A_1318 : vector<16xi32>
      %gather3A_1320 = arith.constant 1 : i32
      %gather3A_1321 = arith.constant 0 : i32
      %gather3A_1322 = arith.constant 0 : i32
      %gather3A_1323 = tpu.memref_slice %arg9[%gather3A_1320, %gather3A_1321, %gather3A_1322] : memref<3x1024x16xf32, #tpu.memory_space<vmem>> -> memref<1x1024x16xf32, #tpu.memory_space<vmem>>
      %gather3A_1324 = tpu.memref_squeeze %gather3A_1323 : memref<1x1024x16xf32, #tpu.memory_space<vmem>> -> memref<1024x16xf32, #tpu.memory_space<vmem>>
      %gather3A_1325 = tpu.vector_load_idx %gather3A_1324[%min3A_1252, %add3A_1319] : memref<1024x16xf32, #tpu.memory_space<vmem>>[vector<16xi32>, vector<16xi32>], vector<16xf32>,
      %mul3A_1326 = arith.constant 0 : i32
      %mul3A_1327 = vector.broadcast %mul3A_1326 : i32 to vector<16xi32>
      %mul3A_1328 = arith.muli %iota3A, %mul3A_1327 : vector<16xi32>
      %add3A_1329 = arith.constant 2 : i32
      %add3A_1330 = vector.broadcast %add3A_1329 : i32 to vector<16xi32>
      %add3A_1331 = arith.addi %mul3A_1328, %add3A_1330 : vector<16xi32>
      tpu.vector_store_idx %arg11[%add3A_1244, %add3A_1331], %gather3A_1325 : memref<3200x3xf32, #tpu.memory_space<vmem>>[vector<16xi32>, vector<16xi32>], vector<16xf32>,
    }
    %scan3A_727 = arith.constant 8 : i32
    %add3A_728 = arith.constant 2048 : i32
    %add3A_729 = arith.addi %mul3A_2, %add3A_728 : i32
    %mul3A_730 = arith.constant 8 : i32
    %mul3A_731 = arith.muli %add3A_729, %mul3A_730 : i32
    %min3A_732 = arith.constant 798976 : i32
    %min3A_733 = arith.minsi %mul3A_731, %min3A_732 : i32
    %dma_start3A_734 = arith.constant 1 : i32
    %dma_start3A_735 = arith.constant 0 : i32
    %dma_start3A_736 = arith.constant 0 : i32
    %dma_start3A_737 = tpu.memref_slice %arg9[%dma_start3A_734, %dma_start3A_735, %dma_start3A_736] : memref<3x1024x16xf32, #tpu.memory_space<vmem>> -> memref<1x1024x16xf32, #tpu.memory_space<vmem>>
    %dma_start3A_738 = tpu.memref_squeeze %dma_start3A_737 : memref<1x1024x16xf32, #tpu.memory_space<vmem>> -> memref<1024x16xf32, #tpu.memory_space<vmem>>
    %dma_start3A_739 = arith.constant 0 : i32
    %dma_start3A_740 = tpu.memref_slice %arg2[%min3A_733, %dma_start3A_739] : memref<800000x16xf32, #tpu.memory_space<hbm>> -> memref<1024x16xf32, #tpu.memory_space<hbm>>
    %dma_start3A_741 = arith.constant 0 : i32
    %dma_start3A_742 = arith.constant 0 : i32
    %dma_start3A_743 = tpu.memref_slice %arg9[%dma_start3A_734, %dma_start3A_741, %dma_start3A_742] : memref<3x1024x16xf32, #tpu.memory_space<vmem>> -> memref<1x1024x16xf32, #tpu.memory_space<vmem>>
    %dma_start3A_744 = tpu.memref_squeeze %dma_start3A_743 : memref<1x1024x16xf32, #tpu.memory_space<vmem>> -> memref<1024x16xf32, #tpu.memory_space<vmem>>
    %dma_start3A_745 = arith.constant 0 : i32
    %dma_start3A_746 = tpu.memref_slice %arg2[%min3A_733, %dma_start3A_745] : memref<800000x16xf32, #tpu.memory_space<hbm>> -> memref<1024x16xf32, #tpu.memory_space<hbm>>
    tpu.enqueue_dma source(%dma_start3A_746 : memref<1024x16xf32, #tpu.memory_space<hbm>>) target(%dma_start3A_744 : memref<1024x16xf32, #tpu.memory_space<vmem>>) target_semaphore(%arg13 : memref<!tpu.dma_semaphore, #tpu.memory_space<semaphore_mem>>)
    %dma_wait3A_747 = arith.constant 2 : i32
    %dma_wait3A_748 = arith.constant 0 : i32
    %dma_wait3A_749 = arith.constant 0 : i32
    %dma_wait3A_750 = tpu.memref_slice %arg9[%dma_wait3A_747, %dma_wait3A_748, %dma_wait3A_749] : memref<3x1024x16xf32, #tpu.memory_space<vmem>> -> memref<1x1024x16xf32, #tpu.memory_space<vmem>>
    %dma_wait3A_751 = tpu.memref_squeeze %dma_wait3A_750 : memref<1x1024x16xf32, #tpu.memory_space<vmem>> -> memref<1024x16xf32, #tpu.memory_space<vmem>>
    %dma_wait3A_752 = arith.constant 0 : i32
    %dma_wait3A_753 = tpu.memref_slice %arg2[%min3A_635, %dma_wait3A_752] : memref<800000x16xf32, #tpu.memory_space<hbm>> -> memref<1024x16xf32, #tpu.memory_space<hbm>>
    %dma_wait3A_754 = arith.constant 0 : i32
    %dma_wait3A_755 = arith.constant 0 : i32
    %dma_wait3A_756 = tpu.memref_slice %arg9[%dma_wait3A_747, %dma_wait3A_754, %dma_wait3A_755] : memref<3x1024x16xf32, #tpu.memory_space<vmem>> -> memref<1x1024x16xf32, #tpu.memory_space<vmem>>
    %dma_wait3A_757 = tpu.memref_squeeze %dma_wait3A_756 : memref<1x1024x16xf32, #tpu.memory_space<vmem>> -> memref<1024x16xf32, #tpu.memory_space<vmem>>
    %dma_wait3A_758 = arith.constant 0 : i32
    %dma_wait3A_759 = tpu.memref_slice %arg2[%min3A_635, %dma_wait3A_758] : memref<800000x16xf32, #tpu.memory_space<hbm>> -> memref<1024x16xf32, #tpu.memory_space<hbm>>
    tpu.wait_dma2 semaphore(%arg14 : memref<!tpu.dma_semaphore, #tpu.memory_space<semaphore_mem>>) src(%dma_wait3A_759 : memref<1024x16xf32, #tpu.memory_space<hbm>>) dst(%dma_wait3A_757 : memref<1024x16xf32, #tpu.memory_space<vmem>>)
    %add3A_760 = arith.constant 1792 : i32
    %add3A_761 = arith.addi %mul3A_2, %add3A_760 : i32
    %mul3A_762 = arith.constant 8 : i32
    %mul3A_763 = arith.muli %add3A_761, %mul3A_762 : i32
    %add3A_764 = arith.constant 1792 : i32
    %add3A_765 = arith.addi %mul3A_2, %add3A_764 : i32
    %mul3A_766 = arith.constant 8 : i32
    %mul3A_767 = arith.muli %add3A_765, %mul3A_766 : i32
    %min3A_768 = arith.constant 798976 : i32
    %min3A_769 = arith.minsi %mul3A_767, %min3A_768 : i32
    %sub3A_770 = arith.subi %mul3A_763, %min3A_769 : i32
    %scan3A_771 = arith.constant 0 : i32
    %scan3A_772 = arith.constant 0 : i32
    %scan3A_773 = arith.constant 8 : i32
    %scan3A_774 = arith.addi %scan3A_772, %scan3A_773 : i32
    %scan3A_775 = arith.constant 1 : i32
    scf.for %scan3A_1237 = %scan3A_772 to %scan3A_774 step %scan3A_775  : i32 {
      %iota3A = tpu.iota {dimensions = array<i32: 0>} : vector<16xi32>
      %mul3A_1238 = arith.constant 16 : i32
      %mul3A_1239 = arith.muli %scan3A_1237, %mul3A_1238 : i32
      %add3A_1240 = vector.broadcast %mul3A_1239 : i32 to vector<16xi32>
      %add3A_1241 = arith.addi %add3A_1240, %iota3A : vector<16xi32>
      %add3A_1242 = arith.constant 1792 : i32
      %add3A_1243 = vector.broadcast %add3A_1242 : i32 to vector<16xi32>
      %add3A_1244 = arith.addi %add3A_1243, %add3A_1241 : vector<16xi32>
      %mul3A_1245 = arith.constant 8 : i32
      %mul3A_1246 = vector.broadcast %mul3A_1245 : i32 to vector<16xi32>
      %mul3A_1247 = arith.muli %add3A_1241, %mul3A_1246 : vector<16xi32>
      %add3A_1248 = vector.broadcast %sub3A_770 : i32 to vector<16xi32>
      %add3A_1249 = arith.addi %mul3A_1247, %add3A_1248 : vector<16xi32>
      %min3A_1250 = arith.constant 1016 : i32
      %min3A_1251 = vector.broadcast %min3A_1250 : i32 to vector<16xi32>
      %min3A_1252 = arith.minsi %add3A_1249, %min3A_1251 : vector<16xi32>
      %mul3A_1253 = arith.constant 16 : i32
      %mul3A_1254 = arith.muli %scan3A_1237, %mul3A_1253 : i32
      %add3A_1255 = arith.constant 1792 : i32
      %add3A_1256 = arith.addi %add3A_1255, %mul3A_1254 : i32
      %get3A = arith.index_cast %add3A_1256 : i32 to index
      %get3A_1257 = tpu.vector_load %arg7[%get3A] {strides = array<i32>} : memref<3200xi32, #tpu.memory_space<vmem>>, vector<16xi32>,
      %jit3A = arith.constant 0 : i32
      %jit3A_1258 = arith.constant 63 : i32
      %max3A = vector.broadcast %jit3A : i32 to vector<16xi32>
      %max3A_1259 = arith.maxsi %max3A, %get3A_1257 : vector<16xi32>
      %min3A_1260 = vector.broadcast %jit3A_1258 : i32 to vector<16xi32>
      %min3A_1261 = arith.minsi %min3A_1260, %max3A_1259 : vector<16xi32>
      %gather3A = tpu.vector_load_idx %arg8[%min3A_1261] : memref<128xi32, #tpu.memory_space<vmem>>[vector<16xi32>], vector<16xi32>,
      %shift_right_arithmetic3A = arith.constant 4 : i32
      %shift_right_arithmetic3A_1262 = vector.broadcast %shift_right_arithmetic3A : i32 to vector<16xi32>
      %shift_right_arithmetic3A_1263 = arith.shrsi %gather3A, %shift_right_arithmetic3A_1262 : vector<16xi32>
      %add3A_1264 = arith.addi %min3A_1252, %shift_right_arithmetic3A_1263 : vector<16xi32>
      %and3A = arith.constant 15 : i32
      %and3A_1265 = vector.broadcast %and3A : i32 to vector<16xi32>
      %and3A_1266 = arith.andi %gather3A, %and3A_1265 : vector<16xi32>
      %gather3A_1267 = arith.constant 2 : i32
      %gather3A_1268 = arith.constant 0 : i32
      %gather3A_1269 = arith.constant 0 : i32
      %gather3A_1270 = tpu.memref_slice %arg9[%gather3A_1267, %gather3A_1268, %gather3A_1269] : memref<3x1024x16xf32, #tpu.memory_space<vmem>> -> memref<1x1024x16xf32, #tpu.memory_space<vmem>>
      %gather3A_1271 = tpu.memref_squeeze %gather3A_1270 : memref<1x1024x16xf32, #tpu.memory_space<vmem>> -> memref<1024x16xf32, #tpu.memory_space<vmem>>
      %gather3A_1272 = tpu.vector_load_idx %gather3A_1271[%add3A_1264, %and3A_1266] : memref<1024x16xf32, #tpu.memory_space<vmem>>[vector<16xi32>, vector<16xi32>], vector<16xf32>,
      %mul3A_1273 = arith.constant 16 : i32
      %mul3A_1274 = arith.muli %scan3A_1237, %mul3A_1273 : i32
      %add3A_1275 = arith.constant 1792 : i32
      %add3A_1276 = arith.addi %add3A_1275, %mul3A_1274 : i32
      %swap3A = arith.index_cast %add3A_1276 : i32 to index
      %swap3A_1277 = tpu.vector_load %arg10[%swap3A] {strides = array<i32>} : memref<3200xf32, #tpu.memory_space<vmem>>, vector<16xf32>,
      tpu.vector_store %arg10[%swap3A], %gather3A_1272 {strides = array<i32>} : memref<3200xf32, #tpu.memory_space<vmem>>, vector<16xf32>,
      %mul3A_1278 = arith.constant 0 : i32
      %mul3A_1279 = vector.broadcast %mul3A_1278 : i32 to vector<16xi32>
      %mul3A_1280 = arith.muli %iota3A, %mul3A_1279 : vector<16xi32>
      %add3A_1281 = arith.constant 2 : i32
      %add3A_1282 = vector.broadcast %add3A_1281 : i32 to vector<16xi32>
      %add3A_1283 = arith.addi %mul3A_1280, %add3A_1282 : vector<16xi32>
      %gather3A_1284 = arith.constant 2 : i32
      %gather3A_1285 = arith.constant 0 : i32
      %gather3A_1286 = arith.constant 0 : i32
      %gather3A_1287 = tpu.memref_slice %arg9[%gather3A_1284, %gather3A_1285, %gather3A_1286] : memref<3x1024x16xf32, #tpu.memory_space<vmem>> -> memref<1x1024x16xf32, #tpu.memory_space<vmem>>
      %gather3A_1288 = tpu.memref_squeeze %gather3A_1287 : memref<1x1024x16xf32, #tpu.memory_space<vmem>> -> memref<1024x16xf32, #tpu.memory_space<vmem>>
      %gather3A_1289 = tpu.vector_load_idx %gather3A_1288[%min3A_1252, %add3A_1283] : memref<1024x16xf32, #tpu.memory_space<vmem>>[vector<16xi32>, vector<16xi32>], vector<16xf32>,
      %mul3A_1290 = arith.constant 0 : i32
      %mul3A_1291 = vector.broadcast %mul3A_1290 : i32 to vector<16xi32>
      %mul3A_1292 = arith.muli %iota3A, %mul3A_1291 : vector<16xi32>
      %add3A_1293 = arith.constant 0 : i32
      %add3A_1294 = vector.broadcast %add3A_1293 : i32 to vector<16xi32>
      %add3A_1295 = arith.addi %mul3A_1292, %add3A_1294 : vector<16xi32>
      tpu.vector_store_idx %arg11[%add3A_1244, %add3A_1295], %gather3A_1289 : memref<3200x3xf32, #tpu.memory_space<vmem>>[vector<16xi32>, vector<16xi32>], vector<16xf32>,
      %mul3A_1296 = arith.constant 0 : i32
      %mul3A_1297 = vector.broadcast %mul3A_1296 : i32 to vector<16xi32>
      %mul3A_1298 = arith.muli %iota3A, %mul3A_1297 : vector<16xi32>
      %add3A_1299 = arith.constant 3 : i32
      %add3A_1300 = vector.broadcast %add3A_1299 : i32 to vector<16xi32>
      %add3A_1301 = arith.addi %mul3A_1298, %add3A_1300 : vector<16xi32>
      %gather3A_1302 = arith.constant 2 : i32
      %gather3A_1303 = arith.constant 0 : i32
      %gather3A_1304 = arith.constant 0 : i32
      %gather3A_1305 = tpu.memref_slice %arg9[%gather3A_1302, %gather3A_1303, %gather3A_1304] : memref<3x1024x16xf32, #tpu.memory_space<vmem>> -> memref<1x1024x16xf32, #tpu.memory_space<vmem>>
      %gather3A_1306 = tpu.memref_squeeze %gather3A_1305 : memref<1x1024x16xf32, #tpu.memory_space<vmem>> -> memref<1024x16xf32, #tpu.memory_space<vmem>>
      %gather3A_1307 = tpu.vector_load_idx %gather3A_1306[%min3A_1252, %add3A_1301] : memref<1024x16xf32, #tpu.memory_space<vmem>>[vector<16xi32>, vector<16xi32>], vector<16xf32>,
      %mul3A_1308 = arith.constant 0 : i32
      %mul3A_1309 = vector.broadcast %mul3A_1308 : i32 to vector<16xi32>
      %mul3A_1310 = arith.muli %iota3A, %mul3A_1309 : vector<16xi32>
      %add3A_1311 = arith.constant 1 : i32
      %add3A_1312 = vector.broadcast %add3A_1311 : i32 to vector<16xi32>
      %add3A_1313 = arith.addi %mul3A_1310, %add3A_1312 : vector<16xi32>
      tpu.vector_store_idx %arg11[%add3A_1244, %add3A_1313], %gather3A_1307 : memref<3200x3xf32, #tpu.memory_space<vmem>>[vector<16xi32>, vector<16xi32>], vector<16xf32>,
      %mul3A_1314 = arith.constant 0 : i32
      %mul3A_1315 = vector.broadcast %mul3A_1314 : i32 to vector<16xi32>
      %mul3A_1316 = arith.muli %iota3A, %mul3A_1315 : vector<16xi32>
      %add3A_1317 = arith.constant 4 : i32
      %add3A_1318 = vector.broadcast %add3A_1317 : i32 to vector<16xi32>
      %add3A_1319 = arith.addi %mul3A_1316, %add3A_1318 : vector<16xi32>
      %gather3A_1320 = arith.constant 2 : i32
      %gather3A_1321 = arith.constant 0 : i32
      %gather3A_1322 = arith.constant 0 : i32
      %gather3A_1323 = tpu.memref_slice %arg9[%gather3A_1320, %gather3A_1321, %gather3A_1322] : memref<3x1024x16xf32, #tpu.memory_space<vmem>> -> memref<1x1024x16xf32, #tpu.memory_space<vmem>>
      %gather3A_1324 = tpu.memref_squeeze %gather3A_1323 : memref<1x1024x16xf32, #tpu.memory_space<vmem>> -> memref<1024x16xf32, #tpu.memory_space<vmem>>
      %gather3A_1325 = tpu.vector_load_idx %gather3A_1324[%min3A_1252, %add3A_1319] : memref<1024x16xf32, #tpu.memory_space<vmem>>[vector<16xi32>, vector<16xi32>], vector<16xf32>,
      %mul3A_1326 = arith.constant 0 : i32
      %mul3A_1327 = vector.broadcast %mul3A_1326 : i32 to vector<16xi32>
      %mul3A_1328 = arith.muli %iota3A, %mul3A_1327 : vector<16xi32>
      %add3A_1329 = arith.constant 2 : i32
      %add3A_1330 = vector.broadcast %add3A_1329 : i32 to vector<16xi32>
      %add3A_1331 = arith.addi %mul3A_1328, %add3A_1330 : vector<16xi32>
      tpu.vector_store_idx %arg11[%add3A_1244, %add3A_1331], %gather3A_1325 : memref<3200x3xf32, #tpu.memory_space<vmem>>[vector<16xi32>, vector<16xi32>], vector<16xf32>,
    }
    %scan3A_776 = arith.constant 8 : i32
    %add3A_777 = arith.constant 2176 : i32
    %add3A_778 = arith.addi %mul3A_2, %add3A_777 : i32
    %mul3A_779 = arith.constant 8 : i32
    %mul3A_780 = arith.muli %add3A_778, %mul3A_779 : i32
    %min3A_781 = arith.constant 798976 : i32
    %min3A_782 = arith.minsi %mul3A_780, %min3A_781 : i32
    %dma_start3A_783 = arith.constant 2 : i32
    %dma_start3A_784 = arith.constant 0 : i32
    %dma_start3A_785 = arith.constant 0 : i32
    %dma_start3A_786 = tpu.memref_slice %arg9[%dma_start3A_783, %dma_start3A_784, %dma_start3A_785] : memref<3x1024x16xf32, #tpu.memory_space<vmem>> -> memref<1x1024x16xf32, #tpu.memory_space<vmem>>
    %dma_start3A_787 = tpu.memref_squeeze %dma_start3A_786 : memref<1x1024x16xf32, #tpu.memory_space<vmem>> -> memref<1024x16xf32, #tpu.memory_space<vmem>>
    %dma_start3A_788 = arith.constant 0 : i32
    %dma_start3A_789 = tpu.memref_slice %arg2[%min3A_782, %dma_start3A_788] : memref<800000x16xf32, #tpu.memory_space<hbm>> -> memref<1024x16xf32, #tpu.memory_space<hbm>>
    %dma_start3A_790 = arith.constant 0 : i32
    %dma_start3A_791 = arith.constant 0 : i32
    %dma_start3A_792 = tpu.memref_slice %arg9[%dma_start3A_783, %dma_start3A_790, %dma_start3A_791] : memref<3x1024x16xf32, #tpu.memory_space<vmem>> -> memref<1x1024x16xf32, #tpu.memory_space<vmem>>
    %dma_start3A_793 = tpu.memref_squeeze %dma_start3A_792 : memref<1x1024x16xf32, #tpu.memory_space<vmem>> -> memref<1024x16xf32, #tpu.memory_space<vmem>>
    %dma_start3A_794 = arith.constant 0 : i32
    %dma_start3A_795 = tpu.memref_slice %arg2[%min3A_782, %dma_start3A_794] : memref<800000x16xf32, #tpu.memory_space<hbm>> -> memref<1024x16xf32, #tpu.memory_space<hbm>>
    tpu.enqueue_dma source(%dma_start3A_795 : memref<1024x16xf32, #tpu.memory_space<hbm>>) target(%dma_start3A_793 : memref<1024x16xf32, #tpu.memory_space<vmem>>) target_semaphore(%arg14 : memref<!tpu.dma_semaphore, #tpu.memory_space<semaphore_mem>>)
    %dma_wait3A_796 = arith.constant 0 : i32
    %dma_wait3A_797 = arith.constant 0 : i32
    %dma_wait3A_798 = arith.constant 0 : i32
    %dma_wait3A_799 = tpu.memref_slice %arg9[%dma_wait3A_796, %dma_wait3A_797, %dma_wait3A_798] : memref<3x1024x16xf32, #tpu.memory_space<vmem>> -> memref<1x1024x16xf32, #tpu.memory_space<vmem>>
    %dma_wait3A_800 = tpu.memref_squeeze %dma_wait3A_799 : memref<1x1024x16xf32, #tpu.memory_space<vmem>> -> memref<1024x16xf32, #tpu.memory_space<vmem>>
    %dma_wait3A_801 = arith.constant 0 : i32
    %dma_wait3A_802 = tpu.memref_slice %arg2[%min3A_684, %dma_wait3A_801] : memref<800000x16xf32, #tpu.memory_space<hbm>> -> memref<1024x16xf32, #tpu.memory_space<hbm>>
    %dma_wait3A_803 = arith.constant 0 : i32
    %dma_wait3A_804 = arith.constant 0 : i32
    %dma_wait3A_805 = tpu.memref_slice %arg9[%dma_wait3A_796, %dma_wait3A_803, %dma_wait3A_804] : memref<3x1024x16xf32, #tpu.memory_space<vmem>> -> memref<1x1024x16xf32, #tpu.memory_space<vmem>>
    %dma_wait3A_806 = tpu.memref_squeeze %dma_wait3A_805 : memref<1x1024x16xf32, #tpu.memory_space<vmem>> -> memref<1024x16xf32, #tpu.memory_space<vmem>>
    %dma_wait3A_807 = arith.constant 0 : i32
    %dma_wait3A_808 = tpu.memref_slice %arg2[%min3A_684, %dma_wait3A_807] : memref<800000x16xf32, #tpu.memory_space<hbm>> -> memref<1024x16xf32, #tpu.memory_space<hbm>>
    tpu.wait_dma2 semaphore(%arg12 : memref<!tpu.dma_semaphore, #tpu.memory_space<semaphore_mem>>) src(%dma_wait3A_808 : memref<1024x16xf32, #tpu.memory_space<hbm>>) dst(%dma_wait3A_806 : memref<1024x16xf32, #tpu.memory_space<vmem>>)
    %add3A_809 = arith.constant 1920 : i32
    %add3A_810 = arith.addi %mul3A_2, %add3A_809 : i32
    %mul3A_811 = arith.constant 8 : i32
    %mul3A_812 = arith.muli %add3A_810, %mul3A_811 : i32
    %add3A_813 = arith.constant 1920 : i32
    %add3A_814 = arith.addi %mul3A_2, %add3A_813 : i32
    %mul3A_815 = arith.constant 8 : i32
    %mul3A_816 = arith.muli %add3A_814, %mul3A_815 : i32
    %min3A_817 = arith.constant 798976 : i32
    %min3A_818 = arith.minsi %mul3A_816, %min3A_817 : i32
    %sub3A_819 = arith.subi %mul3A_812, %min3A_818 : i32
    %scan3A_820 = arith.constant 0 : i32
    %scan3A_821 = arith.constant 0 : i32
    %scan3A_822 = arith.constant 8 : i32
    %scan3A_823 = arith.addi %scan3A_821, %scan3A_822 : i32
    %scan3A_824 = arith.constant 1 : i32
    scf.for %scan3A_1237 = %scan3A_821 to %scan3A_823 step %scan3A_824  : i32 {
      %iota3A = tpu.iota {dimensions = array<i32: 0>} : vector<16xi32>
      %mul3A_1238 = arith.constant 16 : i32
      %mul3A_1239 = arith.muli %scan3A_1237, %mul3A_1238 : i32
      %add3A_1240 = vector.broadcast %mul3A_1239 : i32 to vector<16xi32>
      %add3A_1241 = arith.addi %add3A_1240, %iota3A : vector<16xi32>
      %add3A_1242 = arith.constant 1920 : i32
      %add3A_1243 = vector.broadcast %add3A_1242 : i32 to vector<16xi32>
      %add3A_1244 = arith.addi %add3A_1243, %add3A_1241 : vector<16xi32>
      %mul3A_1245 = arith.constant 8 : i32
      %mul3A_1246 = vector.broadcast %mul3A_1245 : i32 to vector<16xi32>
      %mul3A_1247 = arith.muli %add3A_1241, %mul3A_1246 : vector<16xi32>
      %add3A_1248 = vector.broadcast %sub3A_819 : i32 to vector<16xi32>
      %add3A_1249 = arith.addi %mul3A_1247, %add3A_1248 : vector<16xi32>
      %min3A_1250 = arith.constant 1016 : i32
      %min3A_1251 = vector.broadcast %min3A_1250 : i32 to vector<16xi32>
      %min3A_1252 = arith.minsi %add3A_1249, %min3A_1251 : vector<16xi32>
      %mul3A_1253 = arith.constant 16 : i32
      %mul3A_1254 = arith.muli %scan3A_1237, %mul3A_1253 : i32
      %add3A_1255 = arith.constant 1920 : i32
      %add3A_1256 = arith.addi %add3A_1255, %mul3A_1254 : i32
      %get3A = arith.index_cast %add3A_1256 : i32 to index
      %get3A_1257 = tpu.vector_load %arg7[%get3A] {strides = array<i32>} : memref<3200xi32, #tpu.memory_space<vmem>>, vector<16xi32>,
      %jit3A = arith.constant 0 : i32
      %jit3A_1258 = arith.constant 63 : i32
      %max3A = vector.broadcast %jit3A : i32 to vector<16xi32>
      %max3A_1259 = arith.maxsi %max3A, %get3A_1257 : vector<16xi32>
      %min3A_1260 = vector.broadcast %jit3A_1258 : i32 to vector<16xi32>
      %min3A_1261 = arith.minsi %min3A_1260, %max3A_1259 : vector<16xi32>
      %gather3A = tpu.vector_load_idx %arg8[%min3A_1261] : memref<128xi32, #tpu.memory_space<vmem>>[vector<16xi32>], vector<16xi32>,
      %shift_right_arithmetic3A = arith.constant 4 : i32
      %shift_right_arithmetic3A_1262 = vector.broadcast %shift_right_arithmetic3A : i32 to vector<16xi32>
      %shift_right_arithmetic3A_1263 = arith.shrsi %gather3A, %shift_right_arithmetic3A_1262 : vector<16xi32>
      %add3A_1264 = arith.addi %min3A_1252, %shift_right_arithmetic3A_1263 : vector<16xi32>
      %and3A = arith.constant 15 : i32
      %and3A_1265 = vector.broadcast %and3A : i32 to vector<16xi32>
      %and3A_1266 = arith.andi %gather3A, %and3A_1265 : vector<16xi32>
      %gather3A_1267 = arith.constant 0 : i32
      %gather3A_1268 = arith.constant 0 : i32
      %gather3A_1269 = arith.constant 0 : i32
      %gather3A_1270 = tpu.memref_slice %arg9[%gather3A_1267, %gather3A_1268, %gather3A_1269] : memref<3x1024x16xf32, #tpu.memory_space<vmem>> -> memref<1x1024x16xf32, #tpu.memory_space<vmem>>
      %gather3A_1271 = tpu.memref_squeeze %gather3A_1270 : memref<1x1024x16xf32, #tpu.memory_space<vmem>> -> memref<1024x16xf32, #tpu.memory_space<vmem>>
      %gather3A_1272 = tpu.vector_load_idx %gather3A_1271[%add3A_1264, %and3A_1266] : memref<1024x16xf32, #tpu.memory_space<vmem>>[vector<16xi32>, vector<16xi32>], vector<16xf32>,
      %mul3A_1273 = arith.constant 16 : i32
      %mul3A_1274 = arith.muli %scan3A_1237, %mul3A_1273 : i32
      %add3A_1275 = arith.constant 1920 : i32
      %add3A_1276 = arith.addi %add3A_1275, %mul3A_1274 : i32
      %swap3A = arith.index_cast %add3A_1276 : i32 to index
      %swap3A_1277 = tpu.vector_load %arg10[%swap3A] {strides = array<i32>} : memref<3200xf32, #tpu.memory_space<vmem>>, vector<16xf32>,
      tpu.vector_store %arg10[%swap3A], %gather3A_1272 {strides = array<i32>} : memref<3200xf32, #tpu.memory_space<vmem>>, vector<16xf32>,
      %mul3A_1278 = arith.constant 0 : i32
      %mul3A_1279 = vector.broadcast %mul3A_1278 : i32 to vector<16xi32>
      %mul3A_1280 = arith.muli %iota3A, %mul3A_1279 : vector<16xi32>
      %add3A_1281 = arith.constant 2 : i32
      %add3A_1282 = vector.broadcast %add3A_1281 : i32 to vector<16xi32>
      %add3A_1283 = arith.addi %mul3A_1280, %add3A_1282 : vector<16xi32>
      %gather3A_1284 = arith.constant 0 : i32
      %gather3A_1285 = arith.constant 0 : i32
      %gather3A_1286 = arith.constant 0 : i32
      %gather3A_1287 = tpu.memref_slice %arg9[%gather3A_1284, %gather3A_1285, %gather3A_1286] : memref<3x1024x16xf32, #tpu.memory_space<vmem>> -> memref<1x1024x16xf32, #tpu.memory_space<vmem>>
      %gather3A_1288 = tpu.memref_squeeze %gather3A_1287 : memref<1x1024x16xf32, #tpu.memory_space<vmem>> -> memref<1024x16xf32, #tpu.memory_space<vmem>>
      %gather3A_1289 = tpu.vector_load_idx %gather3A_1288[%min3A_1252, %add3A_1283] : memref<1024x16xf32, #tpu.memory_space<vmem>>[vector<16xi32>, vector<16xi32>], vector<16xf32>,
      %mul3A_1290 = arith.constant 0 : i32
      %mul3A_1291 = vector.broadcast %mul3A_1290 : i32 to vector<16xi32>
      %mul3A_1292 = arith.muli %iota3A, %mul3A_1291 : vector<16xi32>
      %add3A_1293 = arith.constant 0 : i32
      %add3A_1294 = vector.broadcast %add3A_1293 : i32 to vector<16xi32>
      %add3A_1295 = arith.addi %mul3A_1292, %add3A_1294 : vector<16xi32>
      tpu.vector_store_idx %arg11[%add3A_1244, %add3A_1295], %gather3A_1289 : memref<3200x3xf32, #tpu.memory_space<vmem>>[vector<16xi32>, vector<16xi32>], vector<16xf32>,
      %mul3A_1296 = arith.constant 0 : i32
      %mul3A_1297 = vector.broadcast %mul3A_1296 : i32 to vector<16xi32>
      %mul3A_1298 = arith.muli %iota3A, %mul3A_1297 : vector<16xi32>
      %add3A_1299 = arith.constant 3 : i32
      %add3A_1300 = vector.broadcast %add3A_1299 : i32 to vector<16xi32>
      %add3A_1301 = arith.addi %mul3A_1298, %add3A_1300 : vector<16xi32>
      %gather3A_1302 = arith.constant 0 : i32
      %gather3A_1303 = arith.constant 0 : i32
      %gather3A_1304 = arith.constant 0 : i32
      %gather3A_1305 = tpu.memref_slice %arg9[%gather3A_1302, %gather3A_1303, %gather3A_1304] : memref<3x1024x16xf32, #tpu.memory_space<vmem>> -> memref<1x1024x16xf32, #tpu.memory_space<vmem>>
      %gather3A_1306 = tpu.memref_squeeze %gather3A_1305 : memref<1x1024x16xf32, #tpu.memory_space<vmem>> -> memref<1024x16xf32, #tpu.memory_space<vmem>>
      %gather3A_1307 = tpu.vector_load_idx %gather3A_1306[%min3A_1252, %add3A_1301] : memref<1024x16xf32, #tpu.memory_space<vmem>>[vector<16xi32>, vector<16xi32>], vector<16xf32>,
      %mul3A_1308 = arith.constant 0 : i32
      %mul3A_1309 = vector.broadcast %mul3A_1308 : i32 to vector<16xi32>
      %mul3A_1310 = arith.muli %iota3A, %mul3A_1309 : vector<16xi32>
      %add3A_1311 = arith.constant 1 : i32
      %add3A_1312 = vector.broadcast %add3A_1311 : i32 to vector<16xi32>
      %add3A_1313 = arith.addi %mul3A_1310, %add3A_1312 : vector<16xi32>
      tpu.vector_store_idx %arg11[%add3A_1244, %add3A_1313], %gather3A_1307 : memref<3200x3xf32, #tpu.memory_space<vmem>>[vector<16xi32>, vector<16xi32>], vector<16xf32>,
      %mul3A_1314 = arith.constant 0 : i32
      %mul3A_1315 = vector.broadcast %mul3A_1314 : i32 to vector<16xi32>
      %mul3A_1316 = arith.muli %iota3A, %mul3A_1315 : vector<16xi32>
      %add3A_1317 = arith.constant 4 : i32
      %add3A_1318 = vector.broadcast %add3A_1317 : i32 to vector<16xi32>
      %add3A_1319 = arith.addi %mul3A_1316, %add3A_1318 : vector<16xi32>
      %gather3A_1320 = arith.constant 0 : i32
      %gather3A_1321 = arith.constant 0 : i32
      %gather3A_1322 = arith.constant 0 : i32
      %gather3A_1323 = tpu.memref_slice %arg9[%gather3A_1320, %gather3A_1321, %gather3A_1322] : memref<3x1024x16xf32, #tpu.memory_space<vmem>> -> memref<1x1024x16xf32, #tpu.memory_space<vmem>>
      %gather3A_1324 = tpu.memref_squeeze %gather3A_1323 : memref<1x1024x16xf32, #tpu.memory_space<vmem>> -> memref<1024x16xf32, #tpu.memory_space<vmem>>
      %gather3A_1325 = tpu.vector_load_idx %gather3A_1324[%min3A_1252, %add3A_1319] : memref<1024x16xf32, #tpu.memory_space<vmem>>[vector<16xi32>, vector<16xi32>], vector<16xf32>,
      %mul3A_1326 = arith.constant 0 : i32
      %mul3A_1327 = vector.broadcast %mul3A_1326 : i32 to vector<16xi32>
      %mul3A_1328 = arith.muli %iota3A, %mul3A_1327 : vector<16xi32>
      %add3A_1329 = arith.constant 2 : i32
      %add3A_1330 = vector.broadcast %add3A_1329 : i32 to vector<16xi32>
      %add3A_1331 = arith.addi %mul3A_1328, %add3A_1330 : vector<16xi32>
      tpu.vector_store_idx %arg11[%add3A_1244, %add3A_1331], %gather3A_1325 : memref<3200x3xf32, #tpu.memory_space<vmem>>[vector<16xi32>, vector<16xi32>], vector<16xf32>,
    }
    %scan3A_825 = arith.constant 8 : i32
    %add3A_826 = arith.constant 2304 : i32
    %add3A_827 = arith.addi %mul3A_2, %add3A_826 : i32
    %mul3A_828 = arith.constant 8 : i32
    %mul3A_829 = arith.muli %add3A_827, %mul3A_828 : i32
    %min3A_830 = arith.constant 798976 : i32
    %min3A_831 = arith.minsi %mul3A_829, %min3A_830 : i32
    %dma_start3A_832 = arith.constant 0 : i32
    %dma_start3A_833 = arith.constant 0 : i32
    %dma_start3A_834 = arith.constant 0 : i32
    %dma_start3A_835 = tpu.memref_slice %arg9[%dma_start3A_832, %dma_start3A_833, %dma_start3A_834] : memref<3x1024x16xf32, #tpu.memory_space<vmem>> -> memref<1x1024x16xf32, #tpu.memory_space<vmem>>
    %dma_start3A_836 = tpu.memref_squeeze %dma_start3A_835 : memref<1x1024x16xf32, #tpu.memory_space<vmem>> -> memref<1024x16xf32, #tpu.memory_space<vmem>>
    %dma_start3A_837 = arith.constant 0 : i32
    %dma_start3A_838 = tpu.memref_slice %arg2[%min3A_831, %dma_start3A_837] : memref<800000x16xf32, #tpu.memory_space<hbm>> -> memref<1024x16xf32, #tpu.memory_space<hbm>>
    %dma_start3A_839 = arith.constant 0 : i32
    %dma_start3A_840 = arith.constant 0 : i32
    %dma_start3A_841 = tpu.memref_slice %arg9[%dma_start3A_832, %dma_start3A_839, %dma_start3A_840] : memref<3x1024x16xf32, #tpu.memory_space<vmem>> -> memref<1x1024x16xf32, #tpu.memory_space<vmem>>
    %dma_start3A_842 = tpu.memref_squeeze %dma_start3A_841 : memref<1x1024x16xf32, #tpu.memory_space<vmem>> -> memref<1024x16xf32, #tpu.memory_space<vmem>>
    %dma_start3A_843 = arith.constant 0 : i32
    %dma_start3A_844 = tpu.memref_slice %arg2[%min3A_831, %dma_start3A_843] : memref<800000x16xf32, #tpu.memory_space<hbm>> -> memref<1024x16xf32, #tpu.memory_space<hbm>>
    tpu.enqueue_dma source(%dma_start3A_844 : memref<1024x16xf32, #tpu.memory_space<hbm>>) target(%dma_start3A_842 : memref<1024x16xf32, #tpu.memory_space<vmem>>) target_semaphore(%arg12 : memref<!tpu.dma_semaphore, #tpu.memory_space<semaphore_mem>>)
    %dma_wait3A_845 = arith.constant 1 : i32
    %dma_wait3A_846 = arith.constant 0 : i32
    %dma_wait3A_847 = arith.constant 0 : i32
    %dma_wait3A_848 = tpu.memref_slice %arg9[%dma_wait3A_845, %dma_wait3A_846, %dma_wait3A_847] : memref<3x1024x16xf32, #tpu.memory_space<vmem>> -> memref<1x1024x16xf32, #tpu.memory_space<vmem>>
    %dma_wait3A_849 = tpu.memref_squeeze %dma_wait3A_848 : memref<1x1024x16xf32, #tpu.memory_space<vmem>> -> memref<1024x16xf32, #tpu.memory_space<vmem>>
    %dma_wait3A_850 = arith.constant 0 : i32
    %dma_wait3A_851 = tpu.memref_slice %arg2[%min3A_733, %dma_wait3A_850] : memref<800000x16xf32, #tpu.memory_space<hbm>> -> memref<1024x16xf32, #tpu.memory_space<hbm>>
    %dma_wait3A_852 = arith.constant 0 : i32
    %dma_wait3A_853 = arith.constant 0 : i32
    %dma_wait3A_854 = tpu.memref_slice %arg9[%dma_wait3A_845, %dma_wait3A_852, %dma_wait3A_853] : memref<3x1024x16xf32, #tpu.memory_space<vmem>> -> memref<1x1024x16xf32, #tpu.memory_space<vmem>>
    %dma_wait3A_855 = tpu.memref_squeeze %dma_wait3A_854 : memref<1x1024x16xf32, #tpu.memory_space<vmem>> -> memref<1024x16xf32, #tpu.memory_space<vmem>>
    %dma_wait3A_856 = arith.constant 0 : i32
    %dma_wait3A_857 = tpu.memref_slice %arg2[%min3A_733, %dma_wait3A_856] : memref<800000x16xf32, #tpu.memory_space<hbm>> -> memref<1024x16xf32, #tpu.memory_space<hbm>>
    tpu.wait_dma2 semaphore(%arg13 : memref<!tpu.dma_semaphore, #tpu.memory_space<semaphore_mem>>) src(%dma_wait3A_857 : memref<1024x16xf32, #tpu.memory_space<hbm>>) dst(%dma_wait3A_855 : memref<1024x16xf32, #tpu.memory_space<vmem>>)
    %add3A_858 = arith.constant 2048 : i32
    %add3A_859 = arith.addi %mul3A_2, %add3A_858 : i32
    %mul3A_860 = arith.constant 8 : i32
    %mul3A_861 = arith.muli %add3A_859, %mul3A_860 : i32
    %add3A_862 = arith.constant 2048 : i32
    %add3A_863 = arith.addi %mul3A_2, %add3A_862 : i32
    %mul3A_864 = arith.constant 8 : i32
    %mul3A_865 = arith.muli %add3A_863, %mul3A_864 : i32
    %min3A_866 = arith.constant 798976 : i32
    %min3A_867 = arith.minsi %mul3A_865, %min3A_866 : i32
    %sub3A_868 = arith.subi %mul3A_861, %min3A_867 : i32
    %scan3A_869 = arith.constant 0 : i32
    %scan3A_870 = arith.constant 0 : i32
    %scan3A_871 = arith.constant 8 : i32
    %scan3A_872 = arith.addi %scan3A_870, %scan3A_871 : i32
    %scan3A_873 = arith.constant 1 : i32
    scf.for %scan3A_1237 = %scan3A_870 to %scan3A_872 step %scan3A_873  : i32 {
      %iota3A = tpu.iota {dimensions = array<i32: 0>} : vector<16xi32>
      %mul3A_1238 = arith.constant 16 : i32
      %mul3A_1239 = arith.muli %scan3A_1237, %mul3A_1238 : i32
      %add3A_1240 = vector.broadcast %mul3A_1239 : i32 to vector<16xi32>
      %add3A_1241 = arith.addi %add3A_1240, %iota3A : vector<16xi32>
      %add3A_1242 = arith.constant 2048 : i32
      %add3A_1243 = vector.broadcast %add3A_1242 : i32 to vector<16xi32>
      %add3A_1244 = arith.addi %add3A_1243, %add3A_1241 : vector<16xi32>
      %mul3A_1245 = arith.constant 8 : i32
      %mul3A_1246 = vector.broadcast %mul3A_1245 : i32 to vector<16xi32>
      %mul3A_1247 = arith.muli %add3A_1241, %mul3A_1246 : vector<16xi32>
      %add3A_1248 = vector.broadcast %sub3A_868 : i32 to vector<16xi32>
      %add3A_1249 = arith.addi %mul3A_1247, %add3A_1248 : vector<16xi32>
      %min3A_1250 = arith.constant 1016 : i32
      %min3A_1251 = vector.broadcast %min3A_1250 : i32 to vector<16xi32>
      %min3A_1252 = arith.minsi %add3A_1249, %min3A_1251 : vector<16xi32>
      %mul3A_1253 = arith.constant 16 : i32
      %mul3A_1254 = arith.muli %scan3A_1237, %mul3A_1253 : i32
      %add3A_1255 = arith.constant 2048 : i32
      %add3A_1256 = arith.addi %add3A_1255, %mul3A_1254 : i32
      %get3A = arith.index_cast %add3A_1256 : i32 to index
      %get3A_1257 = tpu.vector_load %arg7[%get3A] {strides = array<i32>} : memref<3200xi32, #tpu.memory_space<vmem>>, vector<16xi32>,
      %jit3A = arith.constant 0 : i32
      %jit3A_1258 = arith.constant 63 : i32
      %max3A = vector.broadcast %jit3A : i32 to vector<16xi32>
      %max3A_1259 = arith.maxsi %max3A, %get3A_1257 : vector<16xi32>
      %min3A_1260 = vector.broadcast %jit3A_1258 : i32 to vector<16xi32>
      %min3A_1261 = arith.minsi %min3A_1260, %max3A_1259 : vector<16xi32>
      %gather3A = tpu.vector_load_idx %arg8[%min3A_1261] : memref<128xi32, #tpu.memory_space<vmem>>[vector<16xi32>], vector<16xi32>,
      %shift_right_arithmetic3A = arith.constant 4 : i32
      %shift_right_arithmetic3A_1262 = vector.broadcast %shift_right_arithmetic3A : i32 to vector<16xi32>
      %shift_right_arithmetic3A_1263 = arith.shrsi %gather3A, %shift_right_arithmetic3A_1262 : vector<16xi32>
      %add3A_1264 = arith.addi %min3A_1252, %shift_right_arithmetic3A_1263 : vector<16xi32>
      %and3A = arith.constant 15 : i32
      %and3A_1265 = vector.broadcast %and3A : i32 to vector<16xi32>
      %and3A_1266 = arith.andi %gather3A, %and3A_1265 : vector<16xi32>
      %gather3A_1267 = arith.constant 1 : i32
      %gather3A_1268 = arith.constant 0 : i32
      %gather3A_1269 = arith.constant 0 : i32
      %gather3A_1270 = tpu.memref_slice %arg9[%gather3A_1267, %gather3A_1268, %gather3A_1269] : memref<3x1024x16xf32, #tpu.memory_space<vmem>> -> memref<1x1024x16xf32, #tpu.memory_space<vmem>>
      %gather3A_1271 = tpu.memref_squeeze %gather3A_1270 : memref<1x1024x16xf32, #tpu.memory_space<vmem>> -> memref<1024x16xf32, #tpu.memory_space<vmem>>
      %gather3A_1272 = tpu.vector_load_idx %gather3A_1271[%add3A_1264, %and3A_1266] : memref<1024x16xf32, #tpu.memory_space<vmem>>[vector<16xi32>, vector<16xi32>], vector<16xf32>,
      %mul3A_1273 = arith.constant 16 : i32
      %mul3A_1274 = arith.muli %scan3A_1237, %mul3A_1273 : i32
      %add3A_1275 = arith.constant 2048 : i32
      %add3A_1276 = arith.addi %add3A_1275, %mul3A_1274 : i32
      %swap3A = arith.index_cast %add3A_1276 : i32 to index
      %swap3A_1277 = tpu.vector_load %arg10[%swap3A] {strides = array<i32>} : memref<3200xf32, #tpu.memory_space<vmem>>, vector<16xf32>,
      tpu.vector_store %arg10[%swap3A], %gather3A_1272 {strides = array<i32>} : memref<3200xf32, #tpu.memory_space<vmem>>, vector<16xf32>,
      %mul3A_1278 = arith.constant 0 : i32
      %mul3A_1279 = vector.broadcast %mul3A_1278 : i32 to vector<16xi32>
      %mul3A_1280 = arith.muli %iota3A, %mul3A_1279 : vector<16xi32>
      %add3A_1281 = arith.constant 2 : i32
      %add3A_1282 = vector.broadcast %add3A_1281 : i32 to vector<16xi32>
      %add3A_1283 = arith.addi %mul3A_1280, %add3A_1282 : vector<16xi32>
      %gather3A_1284 = arith.constant 1 : i32
      %gather3A_1285 = arith.constant 0 : i32
      %gather3A_1286 = arith.constant 0 : i32
      %gather3A_1287 = tpu.memref_slice %arg9[%gather3A_1284, %gather3A_1285, %gather3A_1286] : memref<3x1024x16xf32, #tpu.memory_space<vmem>> -> memref<1x1024x16xf32, #tpu.memory_space<vmem>>
      %gather3A_1288 = tpu.memref_squeeze %gather3A_1287 : memref<1x1024x16xf32, #tpu.memory_space<vmem>> -> memref<1024x16xf32, #tpu.memory_space<vmem>>
      %gather3A_1289 = tpu.vector_load_idx %gather3A_1288[%min3A_1252, %add3A_1283] : memref<1024x16xf32, #tpu.memory_space<vmem>>[vector<16xi32>, vector<16xi32>], vector<16xf32>,
      %mul3A_1290 = arith.constant 0 : i32
      %mul3A_1291 = vector.broadcast %mul3A_1290 : i32 to vector<16xi32>
      %mul3A_1292 = arith.muli %iota3A, %mul3A_1291 : vector<16xi32>
      %add3A_1293 = arith.constant 0 : i32
      %add3A_1294 = vector.broadcast %add3A_1293 : i32 to vector<16xi32>
      %add3A_1295 = arith.addi %mul3A_1292, %add3A_1294 : vector<16xi32>
      tpu.vector_store_idx %arg11[%add3A_1244, %add3A_1295], %gather3A_1289 : memref<3200x3xf32, #tpu.memory_space<vmem>>[vector<16xi32>, vector<16xi32>], vector<16xf32>,
      %mul3A_1296 = arith.constant 0 : i32
      %mul3A_1297 = vector.broadcast %mul3A_1296 : i32 to vector<16xi32>
      %mul3A_1298 = arith.muli %iota3A, %mul3A_1297 : vector<16xi32>
      %add3A_1299 = arith.constant 3 : i32
      %add3A_1300 = vector.broadcast %add3A_1299 : i32 to vector<16xi32>
      %add3A_1301 = arith.addi %mul3A_1298, %add3A_1300 : vector<16xi32>
      %gather3A_1302 = arith.constant 1 : i32
      %gather3A_1303 = arith.constant 0 : i32
      %gather3A_1304 = arith.constant 0 : i32
      %gather3A_1305 = tpu.memref_slice %arg9[%gather3A_1302, %gather3A_1303, %gather3A_1304] : memref<3x1024x16xf32, #tpu.memory_space<vmem>> -> memref<1x1024x16xf32, #tpu.memory_space<vmem>>
      %gather3A_1306 = tpu.memref_squeeze %gather3A_1305 : memref<1x1024x16xf32, #tpu.memory_space<vmem>> -> memref<1024x16xf32, #tpu.memory_space<vmem>>
      %gather3A_1307 = tpu.vector_load_idx %gather3A_1306[%min3A_1252, %add3A_1301] : memref<1024x16xf32, #tpu.memory_space<vmem>>[vector<16xi32>, vector<16xi32>], vector<16xf32>,
      %mul3A_1308 = arith.constant 0 : i32
      %mul3A_1309 = vector.broadcast %mul3A_1308 : i32 to vector<16xi32>
      %mul3A_1310 = arith.muli %iota3A, %mul3A_1309 : vector<16xi32>
      %add3A_1311 = arith.constant 1 : i32
      %add3A_1312 = vector.broadcast %add3A_1311 : i32 to vector<16xi32>
      %add3A_1313 = arith.addi %mul3A_1310, %add3A_1312 : vector<16xi32>
      tpu.vector_store_idx %arg11[%add3A_1244, %add3A_1313], %gather3A_1307 : memref<3200x3xf32, #tpu.memory_space<vmem>>[vector<16xi32>, vector<16xi32>], vector<16xf32>,
      %mul3A_1314 = arith.constant 0 : i32
      %mul3A_1315 = vector.broadcast %mul3A_1314 : i32 to vector<16xi32>
      %mul3A_1316 = arith.muli %iota3A, %mul3A_1315 : vector<16xi32>
      %add3A_1317 = arith.constant 4 : i32
      %add3A_1318 = vector.broadcast %add3A_1317 : i32 to vector<16xi32>
      %add3A_1319 = arith.addi %mul3A_1316, %add3A_1318 : vector<16xi32>
      %gather3A_1320 = arith.constant 1 : i32
      %gather3A_1321 = arith.constant 0 : i32
      %gather3A_1322 = arith.constant 0 : i32
      %gather3A_1323 = tpu.memref_slice %arg9[%gather3A_1320, %gather3A_1321, %gather3A_1322] : memref<3x1024x16xf32, #tpu.memory_space<vmem>> -> memref<1x1024x16xf32, #tpu.memory_space<vmem>>
      %gather3A_1324 = tpu.memref_squeeze %gather3A_1323 : memref<1x1024x16xf32, #tpu.memory_space<vmem>> -> memref<1024x16xf32, #tpu.memory_space<vmem>>
      %gather3A_1325 = tpu.vector_load_idx %gather3A_1324[%min3A_1252, %add3A_1319] : memref<1024x16xf32, #tpu.memory_space<vmem>>[vector<16xi32>, vector<16xi32>], vector<16xf32>,
      %mul3A_1326 = arith.constant 0 : i32
      %mul3A_1327 = vector.broadcast %mul3A_1326 : i32 to vector<16xi32>
      %mul3A_1328 = arith.muli %iota3A, %mul3A_1327 : vector<16xi32>
      %add3A_1329 = arith.constant 2 : i32
      %add3A_1330 = vector.broadcast %add3A_1329 : i32 to vector<16xi32>
      %add3A_1331 = arith.addi %mul3A_1328, %add3A_1330 : vector<16xi32>
      tpu.vector_store_idx %arg11[%add3A_1244, %add3A_1331], %gather3A_1325 : memref<3200x3xf32, #tpu.memory_space<vmem>>[vector<16xi32>, vector<16xi32>], vector<16xf32>,
    }
    %scan3A_874 = arith.constant 8 : i32
    %add3A_875 = arith.constant 2432 : i32
    %add3A_876 = arith.addi %mul3A_2, %add3A_875 : i32
    %mul3A_877 = arith.constant 8 : i32
    %mul3A_878 = arith.muli %add3A_876, %mul3A_877 : i32
    %min3A_879 = arith.constant 798976 : i32
    %min3A_880 = arith.minsi %mul3A_878, %min3A_879 : i32
    %dma_start3A_881 = arith.constant 1 : i32
    %dma_start3A_882 = arith.constant 0 : i32
    %dma_start3A_883 = arith.constant 0 : i32
    %dma_start3A_884 = tpu.memref_slice %arg9[%dma_start3A_881, %dma_start3A_882, %dma_start3A_883] : memref<3x1024x16xf32, #tpu.memory_space<vmem>> -> memref<1x1024x16xf32, #tpu.memory_space<vmem>>
    %dma_start3A_885 = tpu.memref_squeeze %dma_start3A_884 : memref<1x1024x16xf32, #tpu.memory_space<vmem>> -> memref<1024x16xf32, #tpu.memory_space<vmem>>
    %dma_start3A_886 = arith.constant 0 : i32
    %dma_start3A_887 = tpu.memref_slice %arg2[%min3A_880, %dma_start3A_886] : memref<800000x16xf32, #tpu.memory_space<hbm>> -> memref<1024x16xf32, #tpu.memory_space<hbm>>
    %dma_start3A_888 = arith.constant 0 : i32
    %dma_start3A_889 = arith.constant 0 : i32
    %dma_start3A_890 = tpu.memref_slice %arg9[%dma_start3A_881, %dma_start3A_888, %dma_start3A_889] : memref<3x1024x16xf32, #tpu.memory_space<vmem>> -> memref<1x1024x16xf32, #tpu.memory_space<vmem>>
    %dma_start3A_891 = tpu.memref_squeeze %dma_start3A_890 : memref<1x1024x16xf32, #tpu.memory_space<vmem>> -> memref<1024x16xf32, #tpu.memory_space<vmem>>
    %dma_start3A_892 = arith.constant 0 : i32
    %dma_start3A_893 = tpu.memref_slice %arg2[%min3A_880, %dma_start3A_892] : memref<800000x16xf32, #tpu.memory_space<hbm>> -> memref<1024x16xf32, #tpu.memory_space<hbm>>
    tpu.enqueue_dma source(%dma_start3A_893 : memref<1024x16xf32, #tpu.memory_space<hbm>>) target(%dma_start3A_891 : memref<1024x16xf32, #tpu.memory_space<vmem>>) target_semaphore(%arg13 : memref<!tpu.dma_semaphore, #tpu.memory_space<semaphore_mem>>)
    %dma_wait3A_894 = arith.constant 2 : i32
    %dma_wait3A_895 = arith.constant 0 : i32
    %dma_wait3A_896 = arith.constant 0 : i32
    %dma_wait3A_897 = tpu.memref_slice %arg9[%dma_wait3A_894, %dma_wait3A_895, %dma_wait3A_896] : memref<3x1024x16xf32, #tpu.memory_space<vmem>> -> memref<1x1024x16xf32, #tpu.memory_space<vmem>>
    %dma_wait3A_898 = tpu.memref_squeeze %dma_wait3A_897 : memref<1x1024x16xf32, #tpu.memory_space<vmem>> -> memref<1024x16xf32, #tpu.memory_space<vmem>>
    %dma_wait3A_899 = arith.constant 0 : i32
    %dma_wait3A_900 = tpu.memref_slice %arg2[%min3A_782, %dma_wait3A_899] : memref<800000x16xf32, #tpu.memory_space<hbm>> -> memref<1024x16xf32, #tpu.memory_space<hbm>>
    %dma_wait3A_901 = arith.constant 0 : i32
    %dma_wait3A_902 = arith.constant 0 : i32
    %dma_wait3A_903 = tpu.memref_slice %arg9[%dma_wait3A_894, %dma_wait3A_901, %dma_wait3A_902] : memref<3x1024x16xf32, #tpu.memory_space<vmem>> -> memref<1x1024x16xf32, #tpu.memory_space<vmem>>
    %dma_wait3A_904 = tpu.memref_squeeze %dma_wait3A_903 : memref<1x1024x16xf32, #tpu.memory_space<vmem>> -> memref<1024x16xf32, #tpu.memory_space<vmem>>
    %dma_wait3A_905 = arith.constant 0 : i32
    %dma_wait3A_906 = tpu.memref_slice %arg2[%min3A_782, %dma_wait3A_905] : memref<800000x16xf32, #tpu.memory_space<hbm>> -> memref<1024x16xf32, #tpu.memory_space<hbm>>
    tpu.wait_dma2 semaphore(%arg14 : memref<!tpu.dma_semaphore, #tpu.memory_space<semaphore_mem>>) src(%dma_wait3A_906 : memref<1024x16xf32, #tpu.memory_space<hbm>>) dst(%dma_wait3A_904 : memref<1024x16xf32, #tpu.memory_space<vmem>>)
    %add3A_907 = arith.constant 2176 : i32
    %add3A_908 = arith.addi %mul3A_2, %add3A_907 : i32
    %mul3A_909 = arith.constant 8 : i32
    %mul3A_910 = arith.muli %add3A_908, %mul3A_909 : i32
    %add3A_911 = arith.constant 2176 : i32
    %add3A_912 = arith.addi %mul3A_2, %add3A_911 : i32
    %mul3A_913 = arith.constant 8 : i32
    %mul3A_914 = arith.muli %add3A_912, %mul3A_913 : i32
    %min3A_915 = arith.constant 798976 : i32
    %min3A_916 = arith.minsi %mul3A_914, %min3A_915 : i32
    %sub3A_917 = arith.subi %mul3A_910, %min3A_916 : i32
    %scan3A_918 = arith.constant 0 : i32
    %scan3A_919 = arith.constant 0 : i32
    %scan3A_920 = arith.constant 8 : i32
    %scan3A_921 = arith.addi %scan3A_919, %scan3A_920 : i32
    %scan3A_922 = arith.constant 1 : i32
    scf.for %scan3A_1237 = %scan3A_919 to %scan3A_921 step %scan3A_922  : i32 {
      %iota3A = tpu.iota {dimensions = array<i32: 0>} : vector<16xi32>
      %mul3A_1238 = arith.constant 16 : i32
      %mul3A_1239 = arith.muli %scan3A_1237, %mul3A_1238 : i32
      %add3A_1240 = vector.broadcast %mul3A_1239 : i32 to vector<16xi32>
      %add3A_1241 = arith.addi %add3A_1240, %iota3A : vector<16xi32>
      %add3A_1242 = arith.constant 2176 : i32
      %add3A_1243 = vector.broadcast %add3A_1242 : i32 to vector<16xi32>
      %add3A_1244 = arith.addi %add3A_1243, %add3A_1241 : vector<16xi32>
      %mul3A_1245 = arith.constant 8 : i32
      %mul3A_1246 = vector.broadcast %mul3A_1245 : i32 to vector<16xi32>
      %mul3A_1247 = arith.muli %add3A_1241, %mul3A_1246 : vector<16xi32>
      %add3A_1248 = vector.broadcast %sub3A_917 : i32 to vector<16xi32>
      %add3A_1249 = arith.addi %mul3A_1247, %add3A_1248 : vector<16xi32>
      %min3A_1250 = arith.constant 1016 : i32
      %min3A_1251 = vector.broadcast %min3A_1250 : i32 to vector<16xi32>
      %min3A_1252 = arith.minsi %add3A_1249, %min3A_1251 : vector<16xi32>
      %mul3A_1253 = arith.constant 16 : i32
      %mul3A_1254 = arith.muli %scan3A_1237, %mul3A_1253 : i32
      %add3A_1255 = arith.constant 2176 : i32
      %add3A_1256 = arith.addi %add3A_1255, %mul3A_1254 : i32
      %get3A = arith.index_cast %add3A_1256 : i32 to index
      %get3A_1257 = tpu.vector_load %arg7[%get3A] {strides = array<i32>} : memref<3200xi32, #tpu.memory_space<vmem>>, vector<16xi32>,
      %jit3A = arith.constant 0 : i32
      %jit3A_1258 = arith.constant 63 : i32
      %max3A = vector.broadcast %jit3A : i32 to vector<16xi32>
      %max3A_1259 = arith.maxsi %max3A, %get3A_1257 : vector<16xi32>
      %min3A_1260 = vector.broadcast %jit3A_1258 : i32 to vector<16xi32>
      %min3A_1261 = arith.minsi %min3A_1260, %max3A_1259 : vector<16xi32>
      %gather3A = tpu.vector_load_idx %arg8[%min3A_1261] : memref<128xi32, #tpu.memory_space<vmem>>[vector<16xi32>], vector<16xi32>,
      %shift_right_arithmetic3A = arith.constant 4 : i32
      %shift_right_arithmetic3A_1262 = vector.broadcast %shift_right_arithmetic3A : i32 to vector<16xi32>
      %shift_right_arithmetic3A_1263 = arith.shrsi %gather3A, %shift_right_arithmetic3A_1262 : vector<16xi32>
      %add3A_1264 = arith.addi %min3A_1252, %shift_right_arithmetic3A_1263 : vector<16xi32>
      %and3A = arith.constant 15 : i32
      %and3A_1265 = vector.broadcast %and3A : i32 to vector<16xi32>
      %and3A_1266 = arith.andi %gather3A, %and3A_1265 : vector<16xi32>
      %gather3A_1267 = arith.constant 2 : i32
      %gather3A_1268 = arith.constant 0 : i32
      %gather3A_1269 = arith.constant 0 : i32
      %gather3A_1270 = tpu.memref_slice %arg9[%gather3A_1267, %gather3A_1268, %gather3A_1269] : memref<3x1024x16xf32, #tpu.memory_space<vmem>> -> memref<1x1024x16xf32, #tpu.memory_space<vmem>>
      %gather3A_1271 = tpu.memref_squeeze %gather3A_1270 : memref<1x1024x16xf32, #tpu.memory_space<vmem>> -> memref<1024x16xf32, #tpu.memory_space<vmem>>
      %gather3A_1272 = tpu.vector_load_idx %gather3A_1271[%add3A_1264, %and3A_1266] : memref<1024x16xf32, #tpu.memory_space<vmem>>[vector<16xi32>, vector<16xi32>], vector<16xf32>,
      %mul3A_1273 = arith.constant 16 : i32
      %mul3A_1274 = arith.muli %scan3A_1237, %mul3A_1273 : i32
      %add3A_1275 = arith.constant 2176 : i32
      %add3A_1276 = arith.addi %add3A_1275, %mul3A_1274 : i32
      %swap3A = arith.index_cast %add3A_1276 : i32 to index
      %swap3A_1277 = tpu.vector_load %arg10[%swap3A] {strides = array<i32>} : memref<3200xf32, #tpu.memory_space<vmem>>, vector<16xf32>,
      tpu.vector_store %arg10[%swap3A], %gather3A_1272 {strides = array<i32>} : memref<3200xf32, #tpu.memory_space<vmem>>, vector<16xf32>,
      %mul3A_1278 = arith.constant 0 : i32
      %mul3A_1279 = vector.broadcast %mul3A_1278 : i32 to vector<16xi32>
      %mul3A_1280 = arith.muli %iota3A, %mul3A_1279 : vector<16xi32>
      %add3A_1281 = arith.constant 2 : i32
      %add3A_1282 = vector.broadcast %add3A_1281 : i32 to vector<16xi32>
      %add3A_1283 = arith.addi %mul3A_1280, %add3A_1282 : vector<16xi32>
      %gather3A_1284 = arith.constant 2 : i32
      %gather3A_1285 = arith.constant 0 : i32
      %gather3A_1286 = arith.constant 0 : i32
      %gather3A_1287 = tpu.memref_slice %arg9[%gather3A_1284, %gather3A_1285, %gather3A_1286] : memref<3x1024x16xf32, #tpu.memory_space<vmem>> -> memref<1x1024x16xf32, #tpu.memory_space<vmem>>
      %gather3A_1288 = tpu.memref_squeeze %gather3A_1287 : memref<1x1024x16xf32, #tpu.memory_space<vmem>> -> memref<1024x16xf32, #tpu.memory_space<vmem>>
      %gather3A_1289 = tpu.vector_load_idx %gather3A_1288[%min3A_1252, %add3A_1283] : memref<1024x16xf32, #tpu.memory_space<vmem>>[vector<16xi32>, vector<16xi32>], vector<16xf32>,
      %mul3A_1290 = arith.constant 0 : i32
      %mul3A_1291 = vector.broadcast %mul3A_1290 : i32 to vector<16xi32>
      %mul3A_1292 = arith.muli %iota3A, %mul3A_1291 : vector<16xi32>
      %add3A_1293 = arith.constant 0 : i32
      %add3A_1294 = vector.broadcast %add3A_1293 : i32 to vector<16xi32>
      %add3A_1295 = arith.addi %mul3A_1292, %add3A_1294 : vector<16xi32>
      tpu.vector_store_idx %arg11[%add3A_1244, %add3A_1295], %gather3A_1289 : memref<3200x3xf32, #tpu.memory_space<vmem>>[vector<16xi32>, vector<16xi32>], vector<16xf32>,
      %mul3A_1296 = arith.constant 0 : i32
      %mul3A_1297 = vector.broadcast %mul3A_1296 : i32 to vector<16xi32>
      %mul3A_1298 = arith.muli %iota3A, %mul3A_1297 : vector<16xi32>
      %add3A_1299 = arith.constant 3 : i32
      %add3A_1300 = vector.broadcast %add3A_1299 : i32 to vector<16xi32>
      %add3A_1301 = arith.addi %mul3A_1298, %add3A_1300 : vector<16xi32>
      %gather3A_1302 = arith.constant 2 : i32
      %gather3A_1303 = arith.constant 0 : i32
      %gather3A_1304 = arith.constant 0 : i32
      %gather3A_1305 = tpu.memref_slice %arg9[%gather3A_1302, %gather3A_1303, %gather3A_1304] : memref<3x1024x16xf32, #tpu.memory_space<vmem>> -> memref<1x1024x16xf32, #tpu.memory_space<vmem>>
      %gather3A_1306 = tpu.memref_squeeze %gather3A_1305 : memref<1x1024x16xf32, #tpu.memory_space<vmem>> -> memref<1024x16xf32, #tpu.memory_space<vmem>>
      %gather3A_1307 = tpu.vector_load_idx %gather3A_1306[%min3A_1252, %add3A_1301] : memref<1024x16xf32, #tpu.memory_space<vmem>>[vector<16xi32>, vector<16xi32>], vector<16xf32>,
      %mul3A_1308 = arith.constant 0 : i32
      %mul3A_1309 = vector.broadcast %mul3A_1308 : i32 to vector<16xi32>
      %mul3A_1310 = arith.muli %iota3A, %mul3A_1309 : vector<16xi32>
      %add3A_1311 = arith.constant 1 : i32
      %add3A_1312 = vector.broadcast %add3A_1311 : i32 to vector<16xi32>
      %add3A_1313 = arith.addi %mul3A_1310, %add3A_1312 : vector<16xi32>
      tpu.vector_store_idx %arg11[%add3A_1244, %add3A_1313], %gather3A_1307 : memref<3200x3xf32, #tpu.memory_space<vmem>>[vector<16xi32>, vector<16xi32>], vector<16xf32>,
      %mul3A_1314 = arith.constant 0 : i32
      %mul3A_1315 = vector.broadcast %mul3A_1314 : i32 to vector<16xi32>
      %mul3A_1316 = arith.muli %iota3A, %mul3A_1315 : vector<16xi32>
      %add3A_1317 = arith.constant 4 : i32
      %add3A_1318 = vector.broadcast %add3A_1317 : i32 to vector<16xi32>
      %add3A_1319 = arith.addi %mul3A_1316, %add3A_1318 : vector<16xi32>
      %gather3A_1320 = arith.constant 2 : i32
      %gather3A_1321 = arith.constant 0 : i32
      %gather3A_1322 = arith.constant 0 : i32
      %gather3A_1323 = tpu.memref_slice %arg9[%gather3A_1320, %gather3A_1321, %gather3A_1322] : memref<3x1024x16xf32, #tpu.memory_space<vmem>> -> memref<1x1024x16xf32, #tpu.memory_space<vmem>>
      %gather3A_1324 = tpu.memref_squeeze %gather3A_1323 : memref<1x1024x16xf32, #tpu.memory_space<vmem>> -> memref<1024x16xf32, #tpu.memory_space<vmem>>
      %gather3A_1325 = tpu.vector_load_idx %gather3A_1324[%min3A_1252, %add3A_1319] : memref<1024x16xf32, #tpu.memory_space<vmem>>[vector<16xi32>, vector<16xi32>], vector<16xf32>,
      %mul3A_1326 = arith.constant 0 : i32
      %mul3A_1327 = vector.broadcast %mul3A_1326 : i32 to vector<16xi32>
      %mul3A_1328 = arith.muli %iota3A, %mul3A_1327 : vector<16xi32>
      %add3A_1329 = arith.constant 2 : i32
      %add3A_1330 = vector.broadcast %add3A_1329 : i32 to vector<16xi32>
      %add3A_1331 = arith.addi %mul3A_1328, %add3A_1330 : vector<16xi32>
      tpu.vector_store_idx %arg11[%add3A_1244, %add3A_1331], %gather3A_1325 : memref<3200x3xf32, #tpu.memory_space<vmem>>[vector<16xi32>, vector<16xi32>], vector<16xf32>,
    }
    %scan3A_923 = arith.constant 8 : i32
    %add3A_924 = arith.constant 2560 : i32
    %add3A_925 = arith.addi %mul3A_2, %add3A_924 : i32
    %mul3A_926 = arith.constant 8 : i32
    %mul3A_927 = arith.muli %add3A_925, %mul3A_926 : i32
    %min3A_928 = arith.constant 798976 : i32
    %min3A_929 = arith.minsi %mul3A_927, %min3A_928 : i32
    %dma_start3A_930 = arith.constant 2 : i32
    %dma_start3A_931 = arith.constant 0 : i32
    %dma_start3A_932 = arith.constant 0 : i32
    %dma_start3A_933 = tpu.memref_slice %arg9[%dma_start3A_930, %dma_start3A_931, %dma_start3A_932] : memref<3x1024x16xf32, #tpu.memory_space<vmem>> -> memref<1x1024x16xf32, #tpu.memory_space<vmem>>
    %dma_start3A_934 = tpu.memref_squeeze %dma_start3A_933 : memref<1x1024x16xf32, #tpu.memory_space<vmem>> -> memref<1024x16xf32, #tpu.memory_space<vmem>>
    %dma_start3A_935 = arith.constant 0 : i32
    %dma_start3A_936 = tpu.memref_slice %arg2[%min3A_929, %dma_start3A_935] : memref<800000x16xf32, #tpu.memory_space<hbm>> -> memref<1024x16xf32, #tpu.memory_space<hbm>>
    %dma_start3A_937 = arith.constant 0 : i32
    %dma_start3A_938 = arith.constant 0 : i32
    %dma_start3A_939 = tpu.memref_slice %arg9[%dma_start3A_930, %dma_start3A_937, %dma_start3A_938] : memref<3x1024x16xf32, #tpu.memory_space<vmem>> -> memref<1x1024x16xf32, #tpu.memory_space<vmem>>
    %dma_start3A_940 = tpu.memref_squeeze %dma_start3A_939 : memref<1x1024x16xf32, #tpu.memory_space<vmem>> -> memref<1024x16xf32, #tpu.memory_space<vmem>>
    %dma_start3A_941 = arith.constant 0 : i32
    %dma_start3A_942 = tpu.memref_slice %arg2[%min3A_929, %dma_start3A_941] : memref<800000x16xf32, #tpu.memory_space<hbm>> -> memref<1024x16xf32, #tpu.memory_space<hbm>>
    tpu.enqueue_dma source(%dma_start3A_942 : memref<1024x16xf32, #tpu.memory_space<hbm>>) target(%dma_start3A_940 : memref<1024x16xf32, #tpu.memory_space<vmem>>) target_semaphore(%arg14 : memref<!tpu.dma_semaphore, #tpu.memory_space<semaphore_mem>>)
    %dma_wait3A_943 = arith.constant 0 : i32
    %dma_wait3A_944 = arith.constant 0 : i32
    %dma_wait3A_945 = arith.constant 0 : i32
    %dma_wait3A_946 = tpu.memref_slice %arg9[%dma_wait3A_943, %dma_wait3A_944, %dma_wait3A_945] : memref<3x1024x16xf32, #tpu.memory_space<vmem>> -> memref<1x1024x16xf32, #tpu.memory_space<vmem>>
    %dma_wait3A_947 = tpu.memref_squeeze %dma_wait3A_946 : memref<1x1024x16xf32, #tpu.memory_space<vmem>> -> memref<1024x16xf32, #tpu.memory_space<vmem>>
    %dma_wait3A_948 = arith.constant 0 : i32
    %dma_wait3A_949 = tpu.memref_slice %arg2[%min3A_831, %dma_wait3A_948] : memref<800000x16xf32, #tpu.memory_space<hbm>> -> memref<1024x16xf32, #tpu.memory_space<hbm>>
    %dma_wait3A_950 = arith.constant 0 : i32
    %dma_wait3A_951 = arith.constant 0 : i32
    %dma_wait3A_952 = tpu.memref_slice %arg9[%dma_wait3A_943, %dma_wait3A_950, %dma_wait3A_951] : memref<3x1024x16xf32, #tpu.memory_space<vmem>> -> memref<1x1024x16xf32, #tpu.memory_space<vmem>>
    %dma_wait3A_953 = tpu.memref_squeeze %dma_wait3A_952 : memref<1x1024x16xf32, #tpu.memory_space<vmem>> -> memref<1024x16xf32, #tpu.memory_space<vmem>>
    %dma_wait3A_954 = arith.constant 0 : i32
    %dma_wait3A_955 = tpu.memref_slice %arg2[%min3A_831, %dma_wait3A_954] : memref<800000x16xf32, #tpu.memory_space<hbm>> -> memref<1024x16xf32, #tpu.memory_space<hbm>>
    tpu.wait_dma2 semaphore(%arg12 : memref<!tpu.dma_semaphore, #tpu.memory_space<semaphore_mem>>) src(%dma_wait3A_955 : memref<1024x16xf32, #tpu.memory_space<hbm>>) dst(%dma_wait3A_953 : memref<1024x16xf32, #tpu.memory_space<vmem>>)
    %add3A_956 = arith.constant 2304 : i32
    %add3A_957 = arith.addi %mul3A_2, %add3A_956 : i32
    %mul3A_958 = arith.constant 8 : i32
    %mul3A_959 = arith.muli %add3A_957, %mul3A_958 : i32
    %add3A_960 = arith.constant 2304 : i32
    %add3A_961 = arith.addi %mul3A_2, %add3A_960 : i32
    %mul3A_962 = arith.constant 8 : i32
    %mul3A_963 = arith.muli %add3A_961, %mul3A_962 : i32
    %min3A_964 = arith.constant 798976 : i32
    %min3A_965 = arith.minsi %mul3A_963, %min3A_964 : i32
    %sub3A_966 = arith.subi %mul3A_959, %min3A_965 : i32
    %scan3A_967 = arith.constant 0 : i32
    %scan3A_968 = arith.constant 0 : i32
    %scan3A_969 = arith.constant 8 : i32
    %scan3A_970 = arith.addi %scan3A_968, %scan3A_969 : i32
    %scan3A_971 = arith.constant 1 : i32
    scf.for %scan3A_1237 = %scan3A_968 to %scan3A_970 step %scan3A_971  : i32 {
      %iota3A = tpu.iota {dimensions = array<i32: 0>} : vector<16xi32>
      %mul3A_1238 = arith.constant 16 : i32
      %mul3A_1239 = arith.muli %scan3A_1237, %mul3A_1238 : i32
      %add3A_1240 = vector.broadcast %mul3A_1239 : i32 to vector<16xi32>
      %add3A_1241 = arith.addi %add3A_1240, %iota3A : vector<16xi32>
      %add3A_1242 = arith.constant 2304 : i32
      %add3A_1243 = vector.broadcast %add3A_1242 : i32 to vector<16xi32>
      %add3A_1244 = arith.addi %add3A_1243, %add3A_1241 : vector<16xi32>
      %mul3A_1245 = arith.constant 8 : i32
      %mul3A_1246 = vector.broadcast %mul3A_1245 : i32 to vector<16xi32>
      %mul3A_1247 = arith.muli %add3A_1241, %mul3A_1246 : vector<16xi32>
      %add3A_1248 = vector.broadcast %sub3A_966 : i32 to vector<16xi32>
      %add3A_1249 = arith.addi %mul3A_1247, %add3A_1248 : vector<16xi32>
      %min3A_1250 = arith.constant 1016 : i32
      %min3A_1251 = vector.broadcast %min3A_1250 : i32 to vector<16xi32>
      %min3A_1252 = arith.minsi %add3A_1249, %min3A_1251 : vector<16xi32>
      %mul3A_1253 = arith.constant 16 : i32
      %mul3A_1254 = arith.muli %scan3A_1237, %mul3A_1253 : i32
      %add3A_1255 = arith.constant 2304 : i32
      %add3A_1256 = arith.addi %add3A_1255, %mul3A_1254 : i32
      %get3A = arith.index_cast %add3A_1256 : i32 to index
      %get3A_1257 = tpu.vector_load %arg7[%get3A] {strides = array<i32>} : memref<3200xi32, #tpu.memory_space<vmem>>, vector<16xi32>,
      %jit3A = arith.constant 0 : i32
      %jit3A_1258 = arith.constant 63 : i32
      %max3A = vector.broadcast %jit3A : i32 to vector<16xi32>
      %max3A_1259 = arith.maxsi %max3A, %get3A_1257 : vector<16xi32>
      %min3A_1260 = vector.broadcast %jit3A_1258 : i32 to vector<16xi32>
      %min3A_1261 = arith.minsi %min3A_1260, %max3A_1259 : vector<16xi32>
      %gather3A = tpu.vector_load_idx %arg8[%min3A_1261] : memref<128xi32, #tpu.memory_space<vmem>>[vector<16xi32>], vector<16xi32>,
      %shift_right_arithmetic3A = arith.constant 4 : i32
      %shift_right_arithmetic3A_1262 = vector.broadcast %shift_right_arithmetic3A : i32 to vector<16xi32>
      %shift_right_arithmetic3A_1263 = arith.shrsi %gather3A, %shift_right_arithmetic3A_1262 : vector<16xi32>
      %add3A_1264 = arith.addi %min3A_1252, %shift_right_arithmetic3A_1263 : vector<16xi32>
      %and3A = arith.constant 15 : i32
      %and3A_1265 = vector.broadcast %and3A : i32 to vector<16xi32>
      %and3A_1266 = arith.andi %gather3A, %and3A_1265 : vector<16xi32>
      %gather3A_1267 = arith.constant 0 : i32
      %gather3A_1268 = arith.constant 0 : i32
      %gather3A_1269 = arith.constant 0 : i32
      %gather3A_1270 = tpu.memref_slice %arg9[%gather3A_1267, %gather3A_1268, %gather3A_1269] : memref<3x1024x16xf32, #tpu.memory_space<vmem>> -> memref<1x1024x16xf32, #tpu.memory_space<vmem>>
      %gather3A_1271 = tpu.memref_squeeze %gather3A_1270 : memref<1x1024x16xf32, #tpu.memory_space<vmem>> -> memref<1024x16xf32, #tpu.memory_space<vmem>>
      %gather3A_1272 = tpu.vector_load_idx %gather3A_1271[%add3A_1264, %and3A_1266] : memref<1024x16xf32, #tpu.memory_space<vmem>>[vector<16xi32>, vector<16xi32>], vector<16xf32>,
      %mul3A_1273 = arith.constant 16 : i32
      %mul3A_1274 = arith.muli %scan3A_1237, %mul3A_1273 : i32
      %add3A_1275 = arith.constant 2304 : i32
      %add3A_1276 = arith.addi %add3A_1275, %mul3A_1274 : i32
      %swap3A = arith.index_cast %add3A_1276 : i32 to index
      %swap3A_1277 = tpu.vector_load %arg10[%swap3A] {strides = array<i32>} : memref<3200xf32, #tpu.memory_space<vmem>>, vector<16xf32>,
      tpu.vector_store %arg10[%swap3A], %gather3A_1272 {strides = array<i32>} : memref<3200xf32, #tpu.memory_space<vmem>>, vector<16xf32>,
      %mul3A_1278 = arith.constant 0 : i32
      %mul3A_1279 = vector.broadcast %mul3A_1278 : i32 to vector<16xi32>
      %mul3A_1280 = arith.muli %iota3A, %mul3A_1279 : vector<16xi32>
      %add3A_1281 = arith.constant 2 : i32
      %add3A_1282 = vector.broadcast %add3A_1281 : i32 to vector<16xi32>
      %add3A_1283 = arith.addi %mul3A_1280, %add3A_1282 : vector<16xi32>
      %gather3A_1284 = arith.constant 0 : i32
      %gather3A_1285 = arith.constant 0 : i32
      %gather3A_1286 = arith.constant 0 : i32
      %gather3A_1287 = tpu.memref_slice %arg9[%gather3A_1284, %gather3A_1285, %gather3A_1286] : memref<3x1024x16xf32, #tpu.memory_space<vmem>> -> memref<1x1024x16xf32, #tpu.memory_space<vmem>>
      %gather3A_1288 = tpu.memref_squeeze %gather3A_1287 : memref<1x1024x16xf32, #tpu.memory_space<vmem>> -> memref<1024x16xf32, #tpu.memory_space<vmem>>
      %gather3A_1289 = tpu.vector_load_idx %gather3A_1288[%min3A_1252, %add3A_1283] : memref<1024x16xf32, #tpu.memory_space<vmem>>[vector<16xi32>, vector<16xi32>], vector<16xf32>,
      %mul3A_1290 = arith.constant 0 : i32
      %mul3A_1291 = vector.broadcast %mul3A_1290 : i32 to vector<16xi32>
      %mul3A_1292 = arith.muli %iota3A, %mul3A_1291 : vector<16xi32>
      %add3A_1293 = arith.constant 0 : i32
      %add3A_1294 = vector.broadcast %add3A_1293 : i32 to vector<16xi32>
      %add3A_1295 = arith.addi %mul3A_1292, %add3A_1294 : vector<16xi32>
      tpu.vector_store_idx %arg11[%add3A_1244, %add3A_1295], %gather3A_1289 : memref<3200x3xf32, #tpu.memory_space<vmem>>[vector<16xi32>, vector<16xi32>], vector<16xf32>,
      %mul3A_1296 = arith.constant 0 : i32
      %mul3A_1297 = vector.broadcast %mul3A_1296 : i32 to vector<16xi32>
      %mul3A_1298 = arith.muli %iota3A, %mul3A_1297 : vector<16xi32>
      %add3A_1299 = arith.constant 3 : i32
      %add3A_1300 = vector.broadcast %add3A_1299 : i32 to vector<16xi32>
      %add3A_1301 = arith.addi %mul3A_1298, %add3A_1300 : vector<16xi32>
      %gather3A_1302 = arith.constant 0 : i32
      %gather3A_1303 = arith.constant 0 : i32
      %gather3A_1304 = arith.constant 0 : i32
      %gather3A_1305 = tpu.memref_slice %arg9[%gather3A_1302, %gather3A_1303, %gather3A_1304] : memref<3x1024x16xf32, #tpu.memory_space<vmem>> -> memref<1x1024x16xf32, #tpu.memory_space<vmem>>
      %gather3A_1306 = tpu.memref_squeeze %gather3A_1305 : memref<1x1024x16xf32, #tpu.memory_space<vmem>> -> memref<1024x16xf32, #tpu.memory_space<vmem>>
      %gather3A_1307 = tpu.vector_load_idx %gather3A_1306[%min3A_1252, %add3A_1301] : memref<1024x16xf32, #tpu.memory_space<vmem>>[vector<16xi32>, vector<16xi32>], vector<16xf32>,
      %mul3A_1308 = arith.constant 0 : i32
      %mul3A_1309 = vector.broadcast %mul3A_1308 : i32 to vector<16xi32>
      %mul3A_1310 = arith.muli %iota3A, %mul3A_1309 : vector<16xi32>
      %add3A_1311 = arith.constant 1 : i32
      %add3A_1312 = vector.broadcast %add3A_1311 : i32 to vector<16xi32>
      %add3A_1313 = arith.addi %mul3A_1310, %add3A_1312 : vector<16xi32>
      tpu.vector_store_idx %arg11[%add3A_1244, %add3A_1313], %gather3A_1307 : memref<3200x3xf32, #tpu.memory_space<vmem>>[vector<16xi32>, vector<16xi32>], vector<16xf32>,
      %mul3A_1314 = arith.constant 0 : i32
      %mul3A_1315 = vector.broadcast %mul3A_1314 : i32 to vector<16xi32>
      %mul3A_1316 = arith.muli %iota3A, %mul3A_1315 : vector<16xi32>
      %add3A_1317 = arith.constant 4 : i32
      %add3A_1318 = vector.broadcast %add3A_1317 : i32 to vector<16xi32>
      %add3A_1319 = arith.addi %mul3A_1316, %add3A_1318 : vector<16xi32>
      %gather3A_1320 = arith.constant 0 : i32
      %gather3A_1321 = arith.constant 0 : i32
      %gather3A_1322 = arith.constant 0 : i32
      %gather3A_1323 = tpu.memref_slice %arg9[%gather3A_1320, %gather3A_1321, %gather3A_1322] : memref<3x1024x16xf32, #tpu.memory_space<vmem>> -> memref<1x1024x16xf32, #tpu.memory_space<vmem>>
      %gather3A_1324 = tpu.memref_squeeze %gather3A_1323 : memref<1x1024x16xf32, #tpu.memory_space<vmem>> -> memref<1024x16xf32, #tpu.memory_space<vmem>>
      %gather3A_1325 = tpu.vector_load_idx %gather3A_1324[%min3A_1252, %add3A_1319] : memref<1024x16xf32, #tpu.memory_space<vmem>>[vector<16xi32>, vector<16xi32>], vector<16xf32>,
      %mul3A_1326 = arith.constant 0 : i32
      %mul3A_1327 = vector.broadcast %mul3A_1326 : i32 to vector<16xi32>
      %mul3A_1328 = arith.muli %iota3A, %mul3A_1327 : vector<16xi32>
      %add3A_1329 = arith.constant 2 : i32
      %add3A_1330 = vector.broadcast %add3A_1329 : i32 to vector<16xi32>
      %add3A_1331 = arith.addi %mul3A_1328, %add3A_1330 : vector<16xi32>
      tpu.vector_store_idx %arg11[%add3A_1244, %add3A_1331], %gather3A_1325 : memref<3200x3xf32, #tpu.memory_space<vmem>>[vector<16xi32>, vector<16xi32>], vector<16xf32>,
    }
    %scan3A_972 = arith.constant 8 : i32
    %add3A_973 = arith.constant 2688 : i32
    %add3A_974 = arith.addi %mul3A_2, %add3A_973 : i32
    %mul3A_975 = arith.constant 8 : i32
    %mul3A_976 = arith.muli %add3A_974, %mul3A_975 : i32
    %min3A_977 = arith.constant 798976 : i32
    %min3A_978 = arith.minsi %mul3A_976, %min3A_977 : i32
    %dma_start3A_979 = arith.constant 0 : i32
    %dma_start3A_980 = arith.constant 0 : i32
    %dma_start3A_981 = arith.constant 0 : i32
    %dma_start3A_982 = tpu.memref_slice %arg9[%dma_start3A_979, %dma_start3A_980, %dma_start3A_981] : memref<3x1024x16xf32, #tpu.memory_space<vmem>> -> memref<1x1024x16xf32, #tpu.memory_space<vmem>>
    %dma_start3A_983 = tpu.memref_squeeze %dma_start3A_982 : memref<1x1024x16xf32, #tpu.memory_space<vmem>> -> memref<1024x16xf32, #tpu.memory_space<vmem>>
    %dma_start3A_984 = arith.constant 0 : i32
    %dma_start3A_985 = tpu.memref_slice %arg2[%min3A_978, %dma_start3A_984] : memref<800000x16xf32, #tpu.memory_space<hbm>> -> memref<1024x16xf32, #tpu.memory_space<hbm>>
    %dma_start3A_986 = arith.constant 0 : i32
    %dma_start3A_987 = arith.constant 0 : i32
    %dma_start3A_988 = tpu.memref_slice %arg9[%dma_start3A_979, %dma_start3A_986, %dma_start3A_987] : memref<3x1024x16xf32, #tpu.memory_space<vmem>> -> memref<1x1024x16xf32, #tpu.memory_space<vmem>>
    %dma_start3A_989 = tpu.memref_squeeze %dma_start3A_988 : memref<1x1024x16xf32, #tpu.memory_space<vmem>> -> memref<1024x16xf32, #tpu.memory_space<vmem>>
    %dma_start3A_990 = arith.constant 0 : i32
    %dma_start3A_991 = tpu.memref_slice %arg2[%min3A_978, %dma_start3A_990] : memref<800000x16xf32, #tpu.memory_space<hbm>> -> memref<1024x16xf32, #tpu.memory_space<hbm>>
    tpu.enqueue_dma source(%dma_start3A_991 : memref<1024x16xf32, #tpu.memory_space<hbm>>) target(%dma_start3A_989 : memref<1024x16xf32, #tpu.memory_space<vmem>>) target_semaphore(%arg12 : memref<!tpu.dma_semaphore, #tpu.memory_space<semaphore_mem>>)
    %dma_wait3A_992 = arith.constant 1 : i32
    %dma_wait3A_993 = arith.constant 0 : i32
    %dma_wait3A_994 = arith.constant 0 : i32
    %dma_wait3A_995 = tpu.memref_slice %arg9[%dma_wait3A_992, %dma_wait3A_993, %dma_wait3A_994] : memref<3x1024x16xf32, #tpu.memory_space<vmem>> -> memref<1x1024x16xf32, #tpu.memory_space<vmem>>
    %dma_wait3A_996 = tpu.memref_squeeze %dma_wait3A_995 : memref<1x1024x16xf32, #tpu.memory_space<vmem>> -> memref<1024x16xf32, #tpu.memory_space<vmem>>
    %dma_wait3A_997 = arith.constant 0 : i32
    %dma_wait3A_998 = tpu.memref_slice %arg2[%min3A_880, %dma_wait3A_997] : memref<800000x16xf32, #tpu.memory_space<hbm>> -> memref<1024x16xf32, #tpu.memory_space<hbm>>
    %dma_wait3A_999 = arith.constant 0 : i32
    %dma_wait3A_1000 = arith.constant 0 : i32
    %dma_wait3A_1001 = tpu.memref_slice %arg9[%dma_wait3A_992, %dma_wait3A_999, %dma_wait3A_1000] : memref<3x1024x16xf32, #tpu.memory_space<vmem>> -> memref<1x1024x16xf32, #tpu.memory_space<vmem>>
    %dma_wait3A_1002 = tpu.memref_squeeze %dma_wait3A_1001 : memref<1x1024x16xf32, #tpu.memory_space<vmem>> -> memref<1024x16xf32, #tpu.memory_space<vmem>>
    %dma_wait3A_1003 = arith.constant 0 : i32
    %dma_wait3A_1004 = tpu.memref_slice %arg2[%min3A_880, %dma_wait3A_1003] : memref<800000x16xf32, #tpu.memory_space<hbm>> -> memref<1024x16xf32, #tpu.memory_space<hbm>>
    tpu.wait_dma2 semaphore(%arg13 : memref<!tpu.dma_semaphore, #tpu.memory_space<semaphore_mem>>) src(%dma_wait3A_1004 : memref<1024x16xf32, #tpu.memory_space<hbm>>) dst(%dma_wait3A_1002 : memref<1024x16xf32, #tpu.memory_space<vmem>>)
    %add3A_1005 = arith.constant 2432 : i32
    %add3A_1006 = arith.addi %mul3A_2, %add3A_1005 : i32
    %mul3A_1007 = arith.constant 8 : i32
    %mul3A_1008 = arith.muli %add3A_1006, %mul3A_1007 : i32
    %add3A_1009 = arith.constant 2432 : i32
    %add3A_1010 = arith.addi %mul3A_2, %add3A_1009 : i32
    %mul3A_1011 = arith.constant 8 : i32
    %mul3A_1012 = arith.muli %add3A_1010, %mul3A_1011 : i32
    %min3A_1013 = arith.constant 798976 : i32
    %min3A_1014 = arith.minsi %mul3A_1012, %min3A_1013 : i32
    %sub3A_1015 = arith.subi %mul3A_1008, %min3A_1014 : i32
    %scan3A_1016 = arith.constant 0 : i32
    %scan3A_1017 = arith.constant 0 : i32
    %scan3A_1018 = arith.constant 8 : i32
    %scan3A_1019 = arith.addi %scan3A_1017, %scan3A_1018 : i32
    %scan3A_1020 = arith.constant 1 : i32
    scf.for %scan3A_1237 = %scan3A_1017 to %scan3A_1019 step %scan3A_1020  : i32 {
      %iota3A = tpu.iota {dimensions = array<i32: 0>} : vector<16xi32>
      %mul3A_1238 = arith.constant 16 : i32
      %mul3A_1239 = arith.muli %scan3A_1237, %mul3A_1238 : i32
      %add3A_1240 = vector.broadcast %mul3A_1239 : i32 to vector<16xi32>
      %add3A_1241 = arith.addi %add3A_1240, %iota3A : vector<16xi32>
      %add3A_1242 = arith.constant 2432 : i32
      %add3A_1243 = vector.broadcast %add3A_1242 : i32 to vector<16xi32>
      %add3A_1244 = arith.addi %add3A_1243, %add3A_1241 : vector<16xi32>
      %mul3A_1245 = arith.constant 8 : i32
      %mul3A_1246 = vector.broadcast %mul3A_1245 : i32 to vector<16xi32>
      %mul3A_1247 = arith.muli %add3A_1241, %mul3A_1246 : vector<16xi32>
      %add3A_1248 = vector.broadcast %sub3A_1015 : i32 to vector<16xi32>
      %add3A_1249 = arith.addi %mul3A_1247, %add3A_1248 : vector<16xi32>
      %min3A_1250 = arith.constant 1016 : i32
      %min3A_1251 = vector.broadcast %min3A_1250 : i32 to vector<16xi32>
      %min3A_1252 = arith.minsi %add3A_1249, %min3A_1251 : vector<16xi32>
      %mul3A_1253 = arith.constant 16 : i32
      %mul3A_1254 = arith.muli %scan3A_1237, %mul3A_1253 : i32
      %add3A_1255 = arith.constant 2432 : i32
      %add3A_1256 = arith.addi %add3A_1255, %mul3A_1254 : i32
      %get3A = arith.index_cast %add3A_1256 : i32 to index
      %get3A_1257 = tpu.vector_load %arg7[%get3A] {strides = array<i32>} : memref<3200xi32, #tpu.memory_space<vmem>>, vector<16xi32>,
      %jit3A = arith.constant 0 : i32
      %jit3A_1258 = arith.constant 63 : i32
      %max3A = vector.broadcast %jit3A : i32 to vector<16xi32>
      %max3A_1259 = arith.maxsi %max3A, %get3A_1257 : vector<16xi32>
      %min3A_1260 = vector.broadcast %jit3A_1258 : i32 to vector<16xi32>
      %min3A_1261 = arith.minsi %min3A_1260, %max3A_1259 : vector<16xi32>
      %gather3A = tpu.vector_load_idx %arg8[%min3A_1261] : memref<128xi32, #tpu.memory_space<vmem>>[vector<16xi32>], vector<16xi32>,
      %shift_right_arithmetic3A = arith.constant 4 : i32
      %shift_right_arithmetic3A_1262 = vector.broadcast %shift_right_arithmetic3A : i32 to vector<16xi32>
      %shift_right_arithmetic3A_1263 = arith.shrsi %gather3A, %shift_right_arithmetic3A_1262 : vector<16xi32>
      %add3A_1264 = arith.addi %min3A_1252, %shift_right_arithmetic3A_1263 : vector<16xi32>
      %and3A = arith.constant 15 : i32
      %and3A_1265 = vector.broadcast %and3A : i32 to vector<16xi32>
      %and3A_1266 = arith.andi %gather3A, %and3A_1265 : vector<16xi32>
      %gather3A_1267 = arith.constant 1 : i32
      %gather3A_1268 = arith.constant 0 : i32
      %gather3A_1269 = arith.constant 0 : i32
      %gather3A_1270 = tpu.memref_slice %arg9[%gather3A_1267, %gather3A_1268, %gather3A_1269] : memref<3x1024x16xf32, #tpu.memory_space<vmem>> -> memref<1x1024x16xf32, #tpu.memory_space<vmem>>
      %gather3A_1271 = tpu.memref_squeeze %gather3A_1270 : memref<1x1024x16xf32, #tpu.memory_space<vmem>> -> memref<1024x16xf32, #tpu.memory_space<vmem>>
      %gather3A_1272 = tpu.vector_load_idx %gather3A_1271[%add3A_1264, %and3A_1266] : memref<1024x16xf32, #tpu.memory_space<vmem>>[vector<16xi32>, vector<16xi32>], vector<16xf32>,
      %mul3A_1273 = arith.constant 16 : i32
      %mul3A_1274 = arith.muli %scan3A_1237, %mul3A_1273 : i32
      %add3A_1275 = arith.constant 2432 : i32
      %add3A_1276 = arith.addi %add3A_1275, %mul3A_1274 : i32
      %swap3A = arith.index_cast %add3A_1276 : i32 to index
      %swap3A_1277 = tpu.vector_load %arg10[%swap3A] {strides = array<i32>} : memref<3200xf32, #tpu.memory_space<vmem>>, vector<16xf32>,
      tpu.vector_store %arg10[%swap3A], %gather3A_1272 {strides = array<i32>} : memref<3200xf32, #tpu.memory_space<vmem>>, vector<16xf32>,
      %mul3A_1278 = arith.constant 0 : i32
      %mul3A_1279 = vector.broadcast %mul3A_1278 : i32 to vector<16xi32>
      %mul3A_1280 = arith.muli %iota3A, %mul3A_1279 : vector<16xi32>
      %add3A_1281 = arith.constant 2 : i32
      %add3A_1282 = vector.broadcast %add3A_1281 : i32 to vector<16xi32>
      %add3A_1283 = arith.addi %mul3A_1280, %add3A_1282 : vector<16xi32>
      %gather3A_1284 = arith.constant 1 : i32
      %gather3A_1285 = arith.constant 0 : i32
      %gather3A_1286 = arith.constant 0 : i32
      %gather3A_1287 = tpu.memref_slice %arg9[%gather3A_1284, %gather3A_1285, %gather3A_1286] : memref<3x1024x16xf32, #tpu.memory_space<vmem>> -> memref<1x1024x16xf32, #tpu.memory_space<vmem>>
      %gather3A_1288 = tpu.memref_squeeze %gather3A_1287 : memref<1x1024x16xf32, #tpu.memory_space<vmem>> -> memref<1024x16xf32, #tpu.memory_space<vmem>>
      %gather3A_1289 = tpu.vector_load_idx %gather3A_1288[%min3A_1252, %add3A_1283] : memref<1024x16xf32, #tpu.memory_space<vmem>>[vector<16xi32>, vector<16xi32>], vector<16xf32>,
      %mul3A_1290 = arith.constant 0 : i32
      %mul3A_1291 = vector.broadcast %mul3A_1290 : i32 to vector<16xi32>
      %mul3A_1292 = arith.muli %iota3A, %mul3A_1291 : vector<16xi32>
      %add3A_1293 = arith.constant 0 : i32
      %add3A_1294 = vector.broadcast %add3A_1293 : i32 to vector<16xi32>
      %add3A_1295 = arith.addi %mul3A_1292, %add3A_1294 : vector<16xi32>
      tpu.vector_store_idx %arg11[%add3A_1244, %add3A_1295], %gather3A_1289 : memref<3200x3xf32, #tpu.memory_space<vmem>>[vector<16xi32>, vector<16xi32>], vector<16xf32>,
      %mul3A_1296 = arith.constant 0 : i32
      %mul3A_1297 = vector.broadcast %mul3A_1296 : i32 to vector<16xi32>
      %mul3A_1298 = arith.muli %iota3A, %mul3A_1297 : vector<16xi32>
      %add3A_1299 = arith.constant 3 : i32
      %add3A_1300 = vector.broadcast %add3A_1299 : i32 to vector<16xi32>
      %add3A_1301 = arith.addi %mul3A_1298, %add3A_1300 : vector<16xi32>
      %gather3A_1302 = arith.constant 1 : i32
      %gather3A_1303 = arith.constant 0 : i32
      %gather3A_1304 = arith.constant 0 : i32
      %gather3A_1305 = tpu.memref_slice %arg9[%gather3A_1302, %gather3A_1303, %gather3A_1304] : memref<3x1024x16xf32, #tpu.memory_space<vmem>> -> memref<1x1024x16xf32, #tpu.memory_space<vmem>>
      %gather3A_1306 = tpu.memref_squeeze %gather3A_1305 : memref<1x1024x16xf32, #tpu.memory_space<vmem>> -> memref<1024x16xf32, #tpu.memory_space<vmem>>
      %gather3A_1307 = tpu.vector_load_idx %gather3A_1306[%min3A_1252, %add3A_1301] : memref<1024x16xf32, #tpu.memory_space<vmem>>[vector<16xi32>, vector<16xi32>], vector<16xf32>,
      %mul3A_1308 = arith.constant 0 : i32
      %mul3A_1309 = vector.broadcast %mul3A_1308 : i32 to vector<16xi32>
      %mul3A_1310 = arith.muli %iota3A, %mul3A_1309 : vector<16xi32>
      %add3A_1311 = arith.constant 1 : i32
      %add3A_1312 = vector.broadcast %add3A_1311 : i32 to vector<16xi32>
      %add3A_1313 = arith.addi %mul3A_1310, %add3A_1312 : vector<16xi32>
      tpu.vector_store_idx %arg11[%add3A_1244, %add3A_1313], %gather3A_1307 : memref<3200x3xf32, #tpu.memory_space<vmem>>[vector<16xi32>, vector<16xi32>], vector<16xf32>,
      %mul3A_1314 = arith.constant 0 : i32
      %mul3A_1315 = vector.broadcast %mul3A_1314 : i32 to vector<16xi32>
      %mul3A_1316 = arith.muli %iota3A, %mul3A_1315 : vector<16xi32>
      %add3A_1317 = arith.constant 4 : i32
      %add3A_1318 = vector.broadcast %add3A_1317 : i32 to vector<16xi32>
      %add3A_1319 = arith.addi %mul3A_1316, %add3A_1318 : vector<16xi32>
      %gather3A_1320 = arith.constant 1 : i32
      %gather3A_1321 = arith.constant 0 : i32
      %gather3A_1322 = arith.constant 0 : i32
      %gather3A_1323 = tpu.memref_slice %arg9[%gather3A_1320, %gather3A_1321, %gather3A_1322] : memref<3x1024x16xf32, #tpu.memory_space<vmem>> -> memref<1x1024x16xf32, #tpu.memory_space<vmem>>
      %gather3A_1324 = tpu.memref_squeeze %gather3A_1323 : memref<1x1024x16xf32, #tpu.memory_space<vmem>> -> memref<1024x16xf32, #tpu.memory_space<vmem>>
      %gather3A_1325 = tpu.vector_load_idx %gather3A_1324[%min3A_1252, %add3A_1319] : memref<1024x16xf32, #tpu.memory_space<vmem>>[vector<16xi32>, vector<16xi32>], vector<16xf32>,
      %mul3A_1326 = arith.constant 0 : i32
      %mul3A_1327 = vector.broadcast %mul3A_1326 : i32 to vector<16xi32>
      %mul3A_1328 = arith.muli %iota3A, %mul3A_1327 : vector<16xi32>
      %add3A_1329 = arith.constant 2 : i32
      %add3A_1330 = vector.broadcast %add3A_1329 : i32 to vector<16xi32>
      %add3A_1331 = arith.addi %mul3A_1328, %add3A_1330 : vector<16xi32>
      tpu.vector_store_idx %arg11[%add3A_1244, %add3A_1331], %gather3A_1325 : memref<3200x3xf32, #tpu.memory_space<vmem>>[vector<16xi32>, vector<16xi32>], vector<16xf32>,
    }
    %scan3A_1021 = arith.constant 8 : i32
    %add3A_1022 = arith.constant 2816 : i32
    %add3A_1023 = arith.addi %mul3A_2, %add3A_1022 : i32
    %mul3A_1024 = arith.constant 8 : i32
    %mul3A_1025 = arith.muli %add3A_1023, %mul3A_1024 : i32
    %min3A_1026 = arith.constant 798976 : i32
    %min3A_1027 = arith.minsi %mul3A_1025, %min3A_1026 : i32
    %dma_start3A_1028 = arith.constant 1 : i32
    %dma_start3A_1029 = arith.constant 0 : i32
    %dma_start3A_1030 = arith.constant 0 : i32
    %dma_start3A_1031 = tpu.memref_slice %arg9[%dma_start3A_1028, %dma_start3A_1029, %dma_start3A_1030] : memref<3x1024x16xf32, #tpu.memory_space<vmem>> -> memref<1x1024x16xf32, #tpu.memory_space<vmem>>
    %dma_start3A_1032 = tpu.memref_squeeze %dma_start3A_1031 : memref<1x1024x16xf32, #tpu.memory_space<vmem>> -> memref<1024x16xf32, #tpu.memory_space<vmem>>
    %dma_start3A_1033 = arith.constant 0 : i32
    %dma_start3A_1034 = tpu.memref_slice %arg2[%min3A_1027, %dma_start3A_1033] : memref<800000x16xf32, #tpu.memory_space<hbm>> -> memref<1024x16xf32, #tpu.memory_space<hbm>>
    %dma_start3A_1035 = arith.constant 0 : i32
    %dma_start3A_1036 = arith.constant 0 : i32
    %dma_start3A_1037 = tpu.memref_slice %arg9[%dma_start3A_1028, %dma_start3A_1035, %dma_start3A_1036] : memref<3x1024x16xf32, #tpu.memory_space<vmem>> -> memref<1x1024x16xf32, #tpu.memory_space<vmem>>
    %dma_start3A_1038 = tpu.memref_squeeze %dma_start3A_1037 : memref<1x1024x16xf32, #tpu.memory_space<vmem>> -> memref<1024x16xf32, #tpu.memory_space<vmem>>
    %dma_start3A_1039 = arith.constant 0 : i32
    %dma_start3A_1040 = tpu.memref_slice %arg2[%min3A_1027, %dma_start3A_1039] : memref<800000x16xf32, #tpu.memory_space<hbm>> -> memref<1024x16xf32, #tpu.memory_space<hbm>>
    tpu.enqueue_dma source(%dma_start3A_1040 : memref<1024x16xf32, #tpu.memory_space<hbm>>) target(%dma_start3A_1038 : memref<1024x16xf32, #tpu.memory_space<vmem>>) target_semaphore(%arg13 : memref<!tpu.dma_semaphore, #tpu.memory_space<semaphore_mem>>)
    %dma_wait3A_1041 = arith.constant 2 : i32
    %dma_wait3A_1042 = arith.constant 0 : i32
    %dma_wait3A_1043 = arith.constant 0 : i32
    %dma_wait3A_1044 = tpu.memref_slice %arg9[%dma_wait3A_1041, %dma_wait3A_1042, %dma_wait3A_1043] : memref<3x1024x16xf32, #tpu.memory_space<vmem>> -> memref<1x1024x16xf32, #tpu.memory_space<vmem>>
    %dma_wait3A_1045 = tpu.memref_squeeze %dma_wait3A_1044 : memref<1x1024x16xf32, #tpu.memory_space<vmem>> -> memref<1024x16xf32, #tpu.memory_space<vmem>>
    %dma_wait3A_1046 = arith.constant 0 : i32
    %dma_wait3A_1047 = tpu.memref_slice %arg2[%min3A_929, %dma_wait3A_1046] : memref<800000x16xf32, #tpu.memory_space<hbm>> -> memref<1024x16xf32, #tpu.memory_space<hbm>>
    %dma_wait3A_1048 = arith.constant 0 : i32
    %dma_wait3A_1049 = arith.constant 0 : i32
    %dma_wait3A_1050 = tpu.memref_slice %arg9[%dma_wait3A_1041, %dma_wait3A_1048, %dma_wait3A_1049] : memref<3x1024x16xf32, #tpu.memory_space<vmem>> -> memref<1x1024x16xf32, #tpu.memory_space<vmem>>
    %dma_wait3A_1051 = tpu.memref_squeeze %dma_wait3A_1050 : memref<1x1024x16xf32, #tpu.memory_space<vmem>> -> memref<1024x16xf32, #tpu.memory_space<vmem>>
    %dma_wait3A_1052 = arith.constant 0 : i32
    %dma_wait3A_1053 = tpu.memref_slice %arg2[%min3A_929, %dma_wait3A_1052] : memref<800000x16xf32, #tpu.memory_space<hbm>> -> memref<1024x16xf32, #tpu.memory_space<hbm>>
    tpu.wait_dma2 semaphore(%arg14 : memref<!tpu.dma_semaphore, #tpu.memory_space<semaphore_mem>>) src(%dma_wait3A_1053 : memref<1024x16xf32, #tpu.memory_space<hbm>>) dst(%dma_wait3A_1051 : memref<1024x16xf32, #tpu.memory_space<vmem>>)
    %add3A_1054 = arith.constant 2560 : i32
    %add3A_1055 = arith.addi %mul3A_2, %add3A_1054 : i32
    %mul3A_1056 = arith.constant 8 : i32
    %mul3A_1057 = arith.muli %add3A_1055, %mul3A_1056 : i32
    %add3A_1058 = arith.constant 2560 : i32
    %add3A_1059 = arith.addi %mul3A_2, %add3A_1058 : i32
    %mul3A_1060 = arith.constant 8 : i32
    %mul3A_1061 = arith.muli %add3A_1059, %mul3A_1060 : i32
    %min3A_1062 = arith.constant 798976 : i32
    %min3A_1063 = arith.minsi %mul3A_1061, %min3A_1062 : i32
    %sub3A_1064 = arith.subi %mul3A_1057, %min3A_1063 : i32
    %scan3A_1065 = arith.constant 0 : i32
    %scan3A_1066 = arith.constant 0 : i32
    %scan3A_1067 = arith.constant 8 : i32
    %scan3A_1068 = arith.addi %scan3A_1066, %scan3A_1067 : i32
    %scan3A_1069 = arith.constant 1 : i32
    scf.for %scan3A_1237 = %scan3A_1066 to %scan3A_1068 step %scan3A_1069  : i32 {
      %iota3A = tpu.iota {dimensions = array<i32: 0>} : vector<16xi32>
      %mul3A_1238 = arith.constant 16 : i32
      %mul3A_1239 = arith.muli %scan3A_1237, %mul3A_1238 : i32
      %add3A_1240 = vector.broadcast %mul3A_1239 : i32 to vector<16xi32>
      %add3A_1241 = arith.addi %add3A_1240, %iota3A : vector<16xi32>
      %add3A_1242 = arith.constant 2560 : i32
      %add3A_1243 = vector.broadcast %add3A_1242 : i32 to vector<16xi32>
      %add3A_1244 = arith.addi %add3A_1243, %add3A_1241 : vector<16xi32>
      %mul3A_1245 = arith.constant 8 : i32
      %mul3A_1246 = vector.broadcast %mul3A_1245 : i32 to vector<16xi32>
      %mul3A_1247 = arith.muli %add3A_1241, %mul3A_1246 : vector<16xi32>
      %add3A_1248 = vector.broadcast %sub3A_1064 : i32 to vector<16xi32>
      %add3A_1249 = arith.addi %mul3A_1247, %add3A_1248 : vector<16xi32>
      %min3A_1250 = arith.constant 1016 : i32
      %min3A_1251 = vector.broadcast %min3A_1250 : i32 to vector<16xi32>
      %min3A_1252 = arith.minsi %add3A_1249, %min3A_1251 : vector<16xi32>
      %mul3A_1253 = arith.constant 16 : i32
      %mul3A_1254 = arith.muli %scan3A_1237, %mul3A_1253 : i32
      %add3A_1255 = arith.constant 2560 : i32
      %add3A_1256 = arith.addi %add3A_1255, %mul3A_1254 : i32
      %get3A = arith.index_cast %add3A_1256 : i32 to index
      %get3A_1257 = tpu.vector_load %arg7[%get3A] {strides = array<i32>} : memref<3200xi32, #tpu.memory_space<vmem>>, vector<16xi32>,
      %jit3A = arith.constant 0 : i32
      %jit3A_1258 = arith.constant 63 : i32
      %max3A = vector.broadcast %jit3A : i32 to vector<16xi32>
      %max3A_1259 = arith.maxsi %max3A, %get3A_1257 : vector<16xi32>
      %min3A_1260 = vector.broadcast %jit3A_1258 : i32 to vector<16xi32>
      %min3A_1261 = arith.minsi %min3A_1260, %max3A_1259 : vector<16xi32>
      %gather3A = tpu.vector_load_idx %arg8[%min3A_1261] : memref<128xi32, #tpu.memory_space<vmem>>[vector<16xi32>], vector<16xi32>,
      %shift_right_arithmetic3A = arith.constant 4 : i32
      %shift_right_arithmetic3A_1262 = vector.broadcast %shift_right_arithmetic3A : i32 to vector<16xi32>
      %shift_right_arithmetic3A_1263 = arith.shrsi %gather3A, %shift_right_arithmetic3A_1262 : vector<16xi32>
      %add3A_1264 = arith.addi %min3A_1252, %shift_right_arithmetic3A_1263 : vector<16xi32>
      %and3A = arith.constant 15 : i32
      %and3A_1265 = vector.broadcast %and3A : i32 to vector<16xi32>
      %and3A_1266 = arith.andi %gather3A, %and3A_1265 : vector<16xi32>
      %gather3A_1267 = arith.constant 2 : i32
      %gather3A_1268 = arith.constant 0 : i32
      %gather3A_1269 = arith.constant 0 : i32
      %gather3A_1270 = tpu.memref_slice %arg9[%gather3A_1267, %gather3A_1268, %gather3A_1269] : memref<3x1024x16xf32, #tpu.memory_space<vmem>> -> memref<1x1024x16xf32, #tpu.memory_space<vmem>>
      %gather3A_1271 = tpu.memref_squeeze %gather3A_1270 : memref<1x1024x16xf32, #tpu.memory_space<vmem>> -> memref<1024x16xf32, #tpu.memory_space<vmem>>
      %gather3A_1272 = tpu.vector_load_idx %gather3A_1271[%add3A_1264, %and3A_1266] : memref<1024x16xf32, #tpu.memory_space<vmem>>[vector<16xi32>, vector<16xi32>], vector<16xf32>,
      %mul3A_1273 = arith.constant 16 : i32
      %mul3A_1274 = arith.muli %scan3A_1237, %mul3A_1273 : i32
      %add3A_1275 = arith.constant 2560 : i32
      %add3A_1276 = arith.addi %add3A_1275, %mul3A_1274 : i32
      %swap3A = arith.index_cast %add3A_1276 : i32 to index
      %swap3A_1277 = tpu.vector_load %arg10[%swap3A] {strides = array<i32>} : memref<3200xf32, #tpu.memory_space<vmem>>, vector<16xf32>,
      tpu.vector_store %arg10[%swap3A], %gather3A_1272 {strides = array<i32>} : memref<3200xf32, #tpu.memory_space<vmem>>, vector<16xf32>,
      %mul3A_1278 = arith.constant 0 : i32
      %mul3A_1279 = vector.broadcast %mul3A_1278 : i32 to vector<16xi32>
      %mul3A_1280 = arith.muli %iota3A, %mul3A_1279 : vector<16xi32>
      %add3A_1281 = arith.constant 2 : i32
      %add3A_1282 = vector.broadcast %add3A_1281 : i32 to vector<16xi32>
      %add3A_1283 = arith.addi %mul3A_1280, %add3A_1282 : vector<16xi32>
      %gather3A_1284 = arith.constant 2 : i32
      %gather3A_1285 = arith.constant 0 : i32
      %gather3A_1286 = arith.constant 0 : i32
      %gather3A_1287 = tpu.memref_slice %arg9[%gather3A_1284, %gather3A_1285, %gather3A_1286] : memref<3x1024x16xf32, #tpu.memory_space<vmem>> -> memref<1x1024x16xf32, #tpu.memory_space<vmem>>
      %gather3A_1288 = tpu.memref_squeeze %gather3A_1287 : memref<1x1024x16xf32, #tpu.memory_space<vmem>> -> memref<1024x16xf32, #tpu.memory_space<vmem>>
      %gather3A_1289 = tpu.vector_load_idx %gather3A_1288[%min3A_1252, %add3A_1283] : memref<1024x16xf32, #tpu.memory_space<vmem>>[vector<16xi32>, vector<16xi32>], vector<16xf32>,
      %mul3A_1290 = arith.constant 0 : i32
      %mul3A_1291 = vector.broadcast %mul3A_1290 : i32 to vector<16xi32>
      %mul3A_1292 = arith.muli %iota3A, %mul3A_1291 : vector<16xi32>
      %add3A_1293 = arith.constant 0 : i32
      %add3A_1294 = vector.broadcast %add3A_1293 : i32 to vector<16xi32>
      %add3A_1295 = arith.addi %mul3A_1292, %add3A_1294 : vector<16xi32>
      tpu.vector_store_idx %arg11[%add3A_1244, %add3A_1295], %gather3A_1289 : memref<3200x3xf32, #tpu.memory_space<vmem>>[vector<16xi32>, vector<16xi32>], vector<16xf32>,
      %mul3A_1296 = arith.constant 0 : i32
      %mul3A_1297 = vector.broadcast %mul3A_1296 : i32 to vector<16xi32>
      %mul3A_1298 = arith.muli %iota3A, %mul3A_1297 : vector<16xi32>
      %add3A_1299 = arith.constant 3 : i32
      %add3A_1300 = vector.broadcast %add3A_1299 : i32 to vector<16xi32>
      %add3A_1301 = arith.addi %mul3A_1298, %add3A_1300 : vector<16xi32>
      %gather3A_1302 = arith.constant 2 : i32
      %gather3A_1303 = arith.constant 0 : i32
      %gather3A_1304 = arith.constant 0 : i32
      %gather3A_1305 = tpu.memref_slice %arg9[%gather3A_1302, %gather3A_1303, %gather3A_1304] : memref<3x1024x16xf32, #tpu.memory_space<vmem>> -> memref<1x1024x16xf32, #tpu.memory_space<vmem>>
      %gather3A_1306 = tpu.memref_squeeze %gather3A_1305 : memref<1x1024x16xf32, #tpu.memory_space<vmem>> -> memref<1024x16xf32, #tpu.memory_space<vmem>>
      %gather3A_1307 = tpu.vector_load_idx %gather3A_1306[%min3A_1252, %add3A_1301] : memref<1024x16xf32, #tpu.memory_space<vmem>>[vector<16xi32>, vector<16xi32>], vector<16xf32>,
      %mul3A_1308 = arith.constant 0 : i32
      %mul3A_1309 = vector.broadcast %mul3A_1308 : i32 to vector<16xi32>
      %mul3A_1310 = arith.muli %iota3A, %mul3A_1309 : vector<16xi32>
      %add3A_1311 = arith.constant 1 : i32
      %add3A_1312 = vector.broadcast %add3A_1311 : i32 to vector<16xi32>
      %add3A_1313 = arith.addi %mul3A_1310, %add3A_1312 : vector<16xi32>
      tpu.vector_store_idx %arg11[%add3A_1244, %add3A_1313], %gather3A_1307 : memref<3200x3xf32, #tpu.memory_space<vmem>>[vector<16xi32>, vector<16xi32>], vector<16xf32>,
      %mul3A_1314 = arith.constant 0 : i32
      %mul3A_1315 = vector.broadcast %mul3A_1314 : i32 to vector<16xi32>
      %mul3A_1316 = arith.muli %iota3A, %mul3A_1315 : vector<16xi32>
      %add3A_1317 = arith.constant 4 : i32
      %add3A_1318 = vector.broadcast %add3A_1317 : i32 to vector<16xi32>
      %add3A_1319 = arith.addi %mul3A_1316, %add3A_1318 : vector<16xi32>
      %gather3A_1320 = arith.constant 2 : i32
      %gather3A_1321 = arith.constant 0 : i32
      %gather3A_1322 = arith.constant 0 : i32
      %gather3A_1323 = tpu.memref_slice %arg9[%gather3A_1320, %gather3A_1321, %gather3A_1322] : memref<3x1024x16xf32, #tpu.memory_space<vmem>> -> memref<1x1024x16xf32, #tpu.memory_space<vmem>>
      %gather3A_1324 = tpu.memref_squeeze %gather3A_1323 : memref<1x1024x16xf32, #tpu.memory_space<vmem>> -> memref<1024x16xf32, #tpu.memory_space<vmem>>
      %gather3A_1325 = tpu.vector_load_idx %gather3A_1324[%min3A_1252, %add3A_1319] : memref<1024x16xf32, #tpu.memory_space<vmem>>[vector<16xi32>, vector<16xi32>], vector<16xf32>,
      %mul3A_1326 = arith.constant 0 : i32
      %mul3A_1327 = vector.broadcast %mul3A_1326 : i32 to vector<16xi32>
      %mul3A_1328 = arith.muli %iota3A, %mul3A_1327 : vector<16xi32>
      %add3A_1329 = arith.constant 2 : i32
      %add3A_1330 = vector.broadcast %add3A_1329 : i32 to vector<16xi32>
      %add3A_1331 = arith.addi %mul3A_1328, %add3A_1330 : vector<16xi32>
      tpu.vector_store_idx %arg11[%add3A_1244, %add3A_1331], %gather3A_1325 : memref<3200x3xf32, #tpu.memory_space<vmem>>[vector<16xi32>, vector<16xi32>], vector<16xf32>,
    }
    %scan3A_1070 = arith.constant 8 : i32
    %add3A_1071 = arith.constant 2944 : i32
    %add3A_1072 = arith.addi %mul3A_2, %add3A_1071 : i32
    %mul3A_1073 = arith.constant 8 : i32
    %mul3A_1074 = arith.muli %add3A_1072, %mul3A_1073 : i32
    %min3A_1075 = arith.constant 798976 : i32
    %min3A_1076 = arith.minsi %mul3A_1074, %min3A_1075 : i32
    %dma_start3A_1077 = arith.constant 2 : i32
    %dma_start3A_1078 = arith.constant 0 : i32
    %dma_start3A_1079 = arith.constant 0 : i32
    %dma_start3A_1080 = tpu.memref_slice %arg9[%dma_start3A_1077, %dma_start3A_1078, %dma_start3A_1079] : memref<3x1024x16xf32, #tpu.memory_space<vmem>> -> memref<1x1024x16xf32, #tpu.memory_space<vmem>>
    %dma_start3A_1081 = tpu.memref_squeeze %dma_start3A_1080 : memref<1x1024x16xf32, #tpu.memory_space<vmem>> -> memref<1024x16xf32, #tpu.memory_space<vmem>>
    %dma_start3A_1082 = arith.constant 0 : i32
    %dma_start3A_1083 = tpu.memref_slice %arg2[%min3A_1076, %dma_start3A_1082] : memref<800000x16xf32, #tpu.memory_space<hbm>> -> memref<1024x16xf32, #tpu.memory_space<hbm>>
    %dma_start3A_1084 = arith.constant 0 : i32
    %dma_start3A_1085 = arith.constant 0 : i32
    %dma_start3A_1086 = tpu.memref_slice %arg9[%dma_start3A_1077, %dma_start3A_1084, %dma_start3A_1085] : memref<3x1024x16xf32, #tpu.memory_space<vmem>> -> memref<1x1024x16xf32, #tpu.memory_space<vmem>>
    %dma_start3A_1087 = tpu.memref_squeeze %dma_start3A_1086 : memref<1x1024x16xf32, #tpu.memory_space<vmem>> -> memref<1024x16xf32, #tpu.memory_space<vmem>>
    %dma_start3A_1088 = arith.constant 0 : i32
    %dma_start3A_1089 = tpu.memref_slice %arg2[%min3A_1076, %dma_start3A_1088] : memref<800000x16xf32, #tpu.memory_space<hbm>> -> memref<1024x16xf32, #tpu.memory_space<hbm>>
    tpu.enqueue_dma source(%dma_start3A_1089 : memref<1024x16xf32, #tpu.memory_space<hbm>>) target(%dma_start3A_1087 : memref<1024x16xf32, #tpu.memory_space<vmem>>) target_semaphore(%arg14 : memref<!tpu.dma_semaphore, #tpu.memory_space<semaphore_mem>>)
    %dma_wait3A_1090 = arith.constant 0 : i32
    %dma_wait3A_1091 = arith.constant 0 : i32
    %dma_wait3A_1092 = arith.constant 0 : i32
    %dma_wait3A_1093 = tpu.memref_slice %arg9[%dma_wait3A_1090, %dma_wait3A_1091, %dma_wait3A_1092] : memref<3x1024x16xf32, #tpu.memory_space<vmem>> -> memref<1x1024x16xf32, #tpu.memory_space<vmem>>
    %dma_wait3A_1094 = tpu.memref_squeeze %dma_wait3A_1093 : memref<1x1024x16xf32, #tpu.memory_space<vmem>> -> memref<1024x16xf32, #tpu.memory_space<vmem>>
    %dma_wait3A_1095 = arith.constant 0 : i32
    %dma_wait3A_1096 = tpu.memref_slice %arg2[%min3A_978, %dma_wait3A_1095] : memref<800000x16xf32, #tpu.memory_space<hbm>> -> memref<1024x16xf32, #tpu.memory_space<hbm>>
    %dma_wait3A_1097 = arith.constant 0 : i32
    %dma_wait3A_1098 = arith.constant 0 : i32
    %dma_wait3A_1099 = tpu.memref_slice %arg9[%dma_wait3A_1090, %dma_wait3A_1097, %dma_wait3A_1098] : memref<3x1024x16xf32, #tpu.memory_space<vmem>> -> memref<1x1024x16xf32, #tpu.memory_space<vmem>>
    %dma_wait3A_1100 = tpu.memref_squeeze %dma_wait3A_1099 : memref<1x1024x16xf32, #tpu.memory_space<vmem>> -> memref<1024x16xf32, #tpu.memory_space<vmem>>
    %dma_wait3A_1101 = arith.constant 0 : i32
    %dma_wait3A_1102 = tpu.memref_slice %arg2[%min3A_978, %dma_wait3A_1101] : memref<800000x16xf32, #tpu.memory_space<hbm>> -> memref<1024x16xf32, #tpu.memory_space<hbm>>
    tpu.wait_dma2 semaphore(%arg12 : memref<!tpu.dma_semaphore, #tpu.memory_space<semaphore_mem>>) src(%dma_wait3A_1102 : memref<1024x16xf32, #tpu.memory_space<hbm>>) dst(%dma_wait3A_1100 : memref<1024x16xf32, #tpu.memory_space<vmem>>)
    %add3A_1103 = arith.constant 2688 : i32
    %add3A_1104 = arith.addi %mul3A_2, %add3A_1103 : i32
    %mul3A_1105 = arith.constant 8 : i32
    %mul3A_1106 = arith.muli %add3A_1104, %mul3A_1105 : i32
    %add3A_1107 = arith.constant 2688 : i32
    %add3A_1108 = arith.addi %mul3A_2, %add3A_1107 : i32
    %mul3A_1109 = arith.constant 8 : i32
    %mul3A_1110 = arith.muli %add3A_1108, %mul3A_1109 : i32
    %min3A_1111 = arith.constant 798976 : i32
    %min3A_1112 = arith.minsi %mul3A_1110, %min3A_1111 : i32
    %sub3A_1113 = arith.subi %mul3A_1106, %min3A_1112 : i32
    %scan3A_1114 = arith.constant 0 : i32
    %scan3A_1115 = arith.constant 0 : i32
    %scan3A_1116 = arith.constant 8 : i32
    %scan3A_1117 = arith.addi %scan3A_1115, %scan3A_1116 : i32
    %scan3A_1118 = arith.constant 1 : i32
    scf.for %scan3A_1237 = %scan3A_1115 to %scan3A_1117 step %scan3A_1118  : i32 {
      %iota3A = tpu.iota {dimensions = array<i32: 0>} : vector<16xi32>
      %mul3A_1238 = arith.constant 16 : i32
      %mul3A_1239 = arith.muli %scan3A_1237, %mul3A_1238 : i32
      %add3A_1240 = vector.broadcast %mul3A_1239 : i32 to vector<16xi32>
      %add3A_1241 = arith.addi %add3A_1240, %iota3A : vector<16xi32>
      %add3A_1242 = arith.constant 2688 : i32
      %add3A_1243 = vector.broadcast %add3A_1242 : i32 to vector<16xi32>
      %add3A_1244 = arith.addi %add3A_1243, %add3A_1241 : vector<16xi32>
      %mul3A_1245 = arith.constant 8 : i32
      %mul3A_1246 = vector.broadcast %mul3A_1245 : i32 to vector<16xi32>
      %mul3A_1247 = arith.muli %add3A_1241, %mul3A_1246 : vector<16xi32>
      %add3A_1248 = vector.broadcast %sub3A_1113 : i32 to vector<16xi32>
      %add3A_1249 = arith.addi %mul3A_1247, %add3A_1248 : vector<16xi32>
      %min3A_1250 = arith.constant 1016 : i32
      %min3A_1251 = vector.broadcast %min3A_1250 : i32 to vector<16xi32>
      %min3A_1252 = arith.minsi %add3A_1249, %min3A_1251 : vector<16xi32>
      %mul3A_1253 = arith.constant 16 : i32
      %mul3A_1254 = arith.muli %scan3A_1237, %mul3A_1253 : i32
      %add3A_1255 = arith.constant 2688 : i32
      %add3A_1256 = arith.addi %add3A_1255, %mul3A_1254 : i32
      %get3A = arith.index_cast %add3A_1256 : i32 to index
      %get3A_1257 = tpu.vector_load %arg7[%get3A] {strides = array<i32>} : memref<3200xi32, #tpu.memory_space<vmem>>, vector<16xi32>,
      %jit3A = arith.constant 0 : i32
      %jit3A_1258 = arith.constant 63 : i32
      %max3A = vector.broadcast %jit3A : i32 to vector<16xi32>
      %max3A_1259 = arith.maxsi %max3A, %get3A_1257 : vector<16xi32>
      %min3A_1260 = vector.broadcast %jit3A_1258 : i32 to vector<16xi32>
      %min3A_1261 = arith.minsi %min3A_1260, %max3A_1259 : vector<16xi32>
      %gather3A = tpu.vector_load_idx %arg8[%min3A_1261] : memref<128xi32, #tpu.memory_space<vmem>>[vector<16xi32>], vector<16xi32>,
      %shift_right_arithmetic3A = arith.constant 4 : i32
      %shift_right_arithmetic3A_1262 = vector.broadcast %shift_right_arithmetic3A : i32 to vector<16xi32>
      %shift_right_arithmetic3A_1263 = arith.shrsi %gather3A, %shift_right_arithmetic3A_1262 : vector<16xi32>
      %add3A_1264 = arith.addi %min3A_1252, %shift_right_arithmetic3A_1263 : vector<16xi32>
      %and3A = arith.constant 15 : i32
      %and3A_1265 = vector.broadcast %and3A : i32 to vector<16xi32>
      %and3A_1266 = arith.andi %gather3A, %and3A_1265 : vector<16xi32>
      %gather3A_1267 = arith.constant 0 : i32
      %gather3A_1268 = arith.constant 0 : i32
      %gather3A_1269 = arith.constant 0 : i32
      %gather3A_1270 = tpu.memref_slice %arg9[%gather3A_1267, %gather3A_1268, %gather3A_1269] : memref<3x1024x16xf32, #tpu.memory_space<vmem>> -> memref<1x1024x16xf32, #tpu.memory_space<vmem>>
      %gather3A_1271 = tpu.memref_squeeze %gather3A_1270 : memref<1x1024x16xf32, #tpu.memory_space<vmem>> -> memref<1024x16xf32, #tpu.memory_space<vmem>>
      %gather3A_1272 = tpu.vector_load_idx %gather3A_1271[%add3A_1264, %and3A_1266] : memref<1024x16xf32, #tpu.memory_space<vmem>>[vector<16xi32>, vector<16xi32>], vector<16xf32>,
      %mul3A_1273 = arith.constant 16 : i32
      %mul3A_1274 = arith.muli %scan3A_1237, %mul3A_1273 : i32
      %add3A_1275 = arith.constant 2688 : i32
      %add3A_1276 = arith.addi %add3A_1275, %mul3A_1274 : i32
      %swap3A = arith.index_cast %add3A_1276 : i32 to index
      %swap3A_1277 = tpu.vector_load %arg10[%swap3A] {strides = array<i32>} : memref<3200xf32, #tpu.memory_space<vmem>>, vector<16xf32>,
      tpu.vector_store %arg10[%swap3A], %gather3A_1272 {strides = array<i32>} : memref<3200xf32, #tpu.memory_space<vmem>>, vector<16xf32>,
      %mul3A_1278 = arith.constant 0 : i32
      %mul3A_1279 = vector.broadcast %mul3A_1278 : i32 to vector<16xi32>
      %mul3A_1280 = arith.muli %iota3A, %mul3A_1279 : vector<16xi32>
      %add3A_1281 = arith.constant 2 : i32
      %add3A_1282 = vector.broadcast %add3A_1281 : i32 to vector<16xi32>
      %add3A_1283 = arith.addi %mul3A_1280, %add3A_1282 : vector<16xi32>
      %gather3A_1284 = arith.constant 0 : i32
      %gather3A_1285 = arith.constant 0 : i32
      %gather3A_1286 = arith.constant 0 : i32
      %gather3A_1287 = tpu.memref_slice %arg9[%gather3A_1284, %gather3A_1285, %gather3A_1286] : memref<3x1024x16xf32, #tpu.memory_space<vmem>> -> memref<1x1024x16xf32, #tpu.memory_space<vmem>>
      %gather3A_1288 = tpu.memref_squeeze %gather3A_1287 : memref<1x1024x16xf32, #tpu.memory_space<vmem>> -> memref<1024x16xf32, #tpu.memory_space<vmem>>
      %gather3A_1289 = tpu.vector_load_idx %gather3A_1288[%min3A_1252, %add3A_1283] : memref<1024x16xf32, #tpu.memory_space<vmem>>[vector<16xi32>, vector<16xi32>], vector<16xf32>,
      %mul3A_1290 = arith.constant 0 : i32
      %mul3A_1291 = vector.broadcast %mul3A_1290 : i32 to vector<16xi32>
      %mul3A_1292 = arith.muli %iota3A, %mul3A_1291 : vector<16xi32>
      %add3A_1293 = arith.constant 0 : i32
      %add3A_1294 = vector.broadcast %add3A_1293 : i32 to vector<16xi32>
      %add3A_1295 = arith.addi %mul3A_1292, %add3A_1294 : vector<16xi32>
      tpu.vector_store_idx %arg11[%add3A_1244, %add3A_1295], %gather3A_1289 : memref<3200x3xf32, #tpu.memory_space<vmem>>[vector<16xi32>, vector<16xi32>], vector<16xf32>,
      %mul3A_1296 = arith.constant 0 : i32
      %mul3A_1297 = vector.broadcast %mul3A_1296 : i32 to vector<16xi32>
      %mul3A_1298 = arith.muli %iota3A, %mul3A_1297 : vector<16xi32>
      %add3A_1299 = arith.constant 3 : i32
      %add3A_1300 = vector.broadcast %add3A_1299 : i32 to vector<16xi32>
      %add3A_1301 = arith.addi %mul3A_1298, %add3A_1300 : vector<16xi32>
      %gather3A_1302 = arith.constant 0 : i32
      %gather3A_1303 = arith.constant 0 : i32
      %gather3A_1304 = arith.constant 0 : i32
      %gather3A_1305 = tpu.memref_slice %arg9[%gather3A_1302, %gather3A_1303, %gather3A_1304] : memref<3x1024x16xf32, #tpu.memory_space<vmem>> -> memref<1x1024x16xf32, #tpu.memory_space<vmem>>
      %gather3A_1306 = tpu.memref_squeeze %gather3A_1305 : memref<1x1024x16xf32, #tpu.memory_space<vmem>> -> memref<1024x16xf32, #tpu.memory_space<vmem>>
      %gather3A_1307 = tpu.vector_load_idx %gather3A_1306[%min3A_1252, %add3A_1301] : memref<1024x16xf32, #tpu.memory_space<vmem>>[vector<16xi32>, vector<16xi32>], vector<16xf32>,
      %mul3A_1308 = arith.constant 0 : i32
      %mul3A_1309 = vector.broadcast %mul3A_1308 : i32 to vector<16xi32>
      %mul3A_1310 = arith.muli %iota3A, %mul3A_1309 : vector<16xi32>
      %add3A_1311 = arith.constant 1 : i32
      %add3A_1312 = vector.broadcast %add3A_1311 : i32 to vector<16xi32>
      %add3A_1313 = arith.addi %mul3A_1310, %add3A_1312 : vector<16xi32>
      tpu.vector_store_idx %arg11[%add3A_1244, %add3A_1313], %gather3A_1307 : memref<3200x3xf32, #tpu.memory_space<vmem>>[vector<16xi32>, vector<16xi32>], vector<16xf32>,
      %mul3A_1314 = arith.constant 0 : i32
      %mul3A_1315 = vector.broadcast %mul3A_1314 : i32 to vector<16xi32>
      %mul3A_1316 = arith.muli %iota3A, %mul3A_1315 : vector<16xi32>
      %add3A_1317 = arith.constant 4 : i32
      %add3A_1318 = vector.broadcast %add3A_1317 : i32 to vector<16xi32>
      %add3A_1319 = arith.addi %mul3A_1316, %add3A_1318 : vector<16xi32>
      %gather3A_1320 = arith.constant 0 : i32
      %gather3A_1321 = arith.constant 0 : i32
      %gather3A_1322 = arith.constant 0 : i32
      %gather3A_1323 = tpu.memref_slice %arg9[%gather3A_1320, %gather3A_1321, %gather3A_1322] : memref<3x1024x16xf32, #tpu.memory_space<vmem>> -> memref<1x1024x16xf32, #tpu.memory_space<vmem>>
      %gather3A_1324 = tpu.memref_squeeze %gather3A_1323 : memref<1x1024x16xf32, #tpu.memory_space<vmem>> -> memref<1024x16xf32, #tpu.memory_space<vmem>>
      %gather3A_1325 = tpu.vector_load_idx %gather3A_1324[%min3A_1252, %add3A_1319] : memref<1024x16xf32, #tpu.memory_space<vmem>>[vector<16xi32>, vector<16xi32>], vector<16xf32>,
      %mul3A_1326 = arith.constant 0 : i32
      %mul3A_1327 = vector.broadcast %mul3A_1326 : i32 to vector<16xi32>
      %mul3A_1328 = arith.muli %iota3A, %mul3A_1327 : vector<16xi32>
      %add3A_1329 = arith.constant 2 : i32
      %add3A_1330 = vector.broadcast %add3A_1329 : i32 to vector<16xi32>
      %add3A_1331 = arith.addi %mul3A_1328, %add3A_1330 : vector<16xi32>
      tpu.vector_store_idx %arg11[%add3A_1244, %add3A_1331], %gather3A_1325 : memref<3200x3xf32, #tpu.memory_space<vmem>>[vector<16xi32>, vector<16xi32>], vector<16xf32>,
    }
    %scan3A_1119 = arith.constant 8 : i32
    %add3A_1120 = arith.constant 3072 : i32
    %add3A_1121 = arith.addi %mul3A_2, %add3A_1120 : i32
    %mul3A_1122 = arith.constant 8 : i32
    %mul3A_1123 = arith.muli %add3A_1121, %mul3A_1122 : i32
    %min3A_1124 = arith.constant 798976 : i32
    %min3A_1125 = arith.minsi %mul3A_1123, %min3A_1124 : i32
    %dma_start3A_1126 = arith.constant 0 : i32
    %dma_start3A_1127 = arith.constant 0 : i32
    %dma_start3A_1128 = arith.constant 0 : i32
    %dma_start3A_1129 = tpu.memref_slice %arg9[%dma_start3A_1126, %dma_start3A_1127, %dma_start3A_1128] : memref<3x1024x16xf32, #tpu.memory_space<vmem>> -> memref<1x1024x16xf32, #tpu.memory_space<vmem>>
    %dma_start3A_1130 = tpu.memref_squeeze %dma_start3A_1129 : memref<1x1024x16xf32, #tpu.memory_space<vmem>> -> memref<1024x16xf32, #tpu.memory_space<vmem>>
    %dma_start3A_1131 = arith.constant 0 : i32
    %dma_start3A_1132 = tpu.memref_slice %arg2[%min3A_1125, %dma_start3A_1131] : memref<800000x16xf32, #tpu.memory_space<hbm>> -> memref<1024x16xf32, #tpu.memory_space<hbm>>
    %dma_start3A_1133 = arith.constant 0 : i32
    %dma_start3A_1134 = arith.constant 0 : i32
    %dma_start3A_1135 = tpu.memref_slice %arg9[%dma_start3A_1126, %dma_start3A_1133, %dma_start3A_1134] : memref<3x1024x16xf32, #tpu.memory_space<vmem>> -> memref<1x1024x16xf32, #tpu.memory_space<vmem>>
    %dma_start3A_1136 = tpu.memref_squeeze %dma_start3A_1135 : memref<1x1024x16xf32, #tpu.memory_space<vmem>> -> memref<1024x16xf32, #tpu.memory_space<vmem>>
    %dma_start3A_1137 = arith.constant 0 : i32
    %dma_start3A_1138 = tpu.memref_slice %arg2[%min3A_1125, %dma_start3A_1137] : memref<800000x16xf32, #tpu.memory_space<hbm>> -> memref<1024x16xf32, #tpu.memory_space<hbm>>
    tpu.enqueue_dma source(%dma_start3A_1138 : memref<1024x16xf32, #tpu.memory_space<hbm>>) target(%dma_start3A_1136 : memref<1024x16xf32, #tpu.memory_space<vmem>>) target_semaphore(%arg12 : memref<!tpu.dma_semaphore, #tpu.memory_space<semaphore_mem>>)
    %dma_wait3A_1139 = arith.constant 1 : i32
    %dma_wait3A_1140 = arith.constant 0 : i32
    %dma_wait3A_1141 = arith.constant 0 : i32
    %dma_wait3A_1142 = tpu.memref_slice %arg9[%dma_wait3A_1139, %dma_wait3A_1140, %dma_wait3A_1141] : memref<3x1024x16xf32, #tpu.memory_space<vmem>> -> memref<1x1024x16xf32, #tpu.memory_space<vmem>>
    %dma_wait3A_1143 = tpu.memref_squeeze %dma_wait3A_1142 : memref<1x1024x16xf32, #tpu.memory_space<vmem>> -> memref<1024x16xf32, #tpu.memory_space<vmem>>
    %dma_wait3A_1144 = arith.constant 0 : i32
    %dma_wait3A_1145 = tpu.memref_slice %arg2[%min3A_1027, %dma_wait3A_1144] : memref<800000x16xf32, #tpu.memory_space<hbm>> -> memref<1024x16xf32, #tpu.memory_space<hbm>>
    %dma_wait3A_1146 = arith.constant 0 : i32
    %dma_wait3A_1147 = arith.constant 0 : i32
    %dma_wait3A_1148 = tpu.memref_slice %arg9[%dma_wait3A_1139, %dma_wait3A_1146, %dma_wait3A_1147] : memref<3x1024x16xf32, #tpu.memory_space<vmem>> -> memref<1x1024x16xf32, #tpu.memory_space<vmem>>
    %dma_wait3A_1149 = tpu.memref_squeeze %dma_wait3A_1148 : memref<1x1024x16xf32, #tpu.memory_space<vmem>> -> memref<1024x16xf32, #tpu.memory_space<vmem>>
    %dma_wait3A_1150 = arith.constant 0 : i32
    %dma_wait3A_1151 = tpu.memref_slice %arg2[%min3A_1027, %dma_wait3A_1150] : memref<800000x16xf32, #tpu.memory_space<hbm>> -> memref<1024x16xf32, #tpu.memory_space<hbm>>
    tpu.wait_dma2 semaphore(%arg13 : memref<!tpu.dma_semaphore, #tpu.memory_space<semaphore_mem>>) src(%dma_wait3A_1151 : memref<1024x16xf32, #tpu.memory_space<hbm>>) dst(%dma_wait3A_1149 : memref<1024x16xf32, #tpu.memory_space<vmem>>)
    %add3A_1152 = arith.constant 2816 : i32
    %add3A_1153 = arith.addi %mul3A_2, %add3A_1152 : i32
    %mul3A_1154 = arith.constant 8 : i32
    %mul3A_1155 = arith.muli %add3A_1153, %mul3A_1154 : i32
    %add3A_1156 = arith.constant 2816 : i32
    %add3A_1157 = arith.addi %mul3A_2, %add3A_1156 : i32
    %mul3A_1158 = arith.constant 8 : i32
    %mul3A_1159 = arith.muli %add3A_1157, %mul3A_1158 : i32
    %min3A_1160 = arith.constant 798976 : i32
    %min3A_1161 = arith.minsi %mul3A_1159, %min3A_1160 : i32
    %sub3A_1162 = arith.subi %mul3A_1155, %min3A_1161 : i32
    %scan3A_1163 = arith.constant 0 : i32
    %scan3A_1164 = arith.constant 0 : i32
    %scan3A_1165 = arith.constant 8 : i32
    %scan3A_1166 = arith.addi %scan3A_1164, %scan3A_1165 : i32
    %scan3A_1167 = arith.constant 1 : i32
    scf.for %scan3A_1237 = %scan3A_1164 to %scan3A_1166 step %scan3A_1167  : i32 {
      %iota3A = tpu.iota {dimensions = array<i32: 0>} : vector<16xi32>
      %mul3A_1238 = arith.constant 16 : i32
      %mul3A_1239 = arith.muli %scan3A_1237, %mul3A_1238 : i32
      %add3A_1240 = vector.broadcast %mul3A_1239 : i32 to vector<16xi32>
      %add3A_1241 = arith.addi %add3A_1240, %iota3A : vector<16xi32>
      %add3A_1242 = arith.constant 2816 : i32
      %add3A_1243 = vector.broadcast %add3A_1242 : i32 to vector<16xi32>
      %add3A_1244 = arith.addi %add3A_1243, %add3A_1241 : vector<16xi32>
      %mul3A_1245 = arith.constant 8 : i32
      %mul3A_1246 = vector.broadcast %mul3A_1245 : i32 to vector<16xi32>
      %mul3A_1247 = arith.muli %add3A_1241, %mul3A_1246 : vector<16xi32>
      %add3A_1248 = vector.broadcast %sub3A_1162 : i32 to vector<16xi32>
      %add3A_1249 = arith.addi %mul3A_1247, %add3A_1248 : vector<16xi32>
      %min3A_1250 = arith.constant 1016 : i32
      %min3A_1251 = vector.broadcast %min3A_1250 : i32 to vector<16xi32>
      %min3A_1252 = arith.minsi %add3A_1249, %min3A_1251 : vector<16xi32>
      %mul3A_1253 = arith.constant 16 : i32
      %mul3A_1254 = arith.muli %scan3A_1237, %mul3A_1253 : i32
      %add3A_1255 = arith.constant 2816 : i32
      %add3A_1256 = arith.addi %add3A_1255, %mul3A_1254 : i32
      %get3A = arith.index_cast %add3A_1256 : i32 to index
      %get3A_1257 = tpu.vector_load %arg7[%get3A] {strides = array<i32>} : memref<3200xi32, #tpu.memory_space<vmem>>, vector<16xi32>,
      %jit3A = arith.constant 0 : i32
      %jit3A_1258 = arith.constant 63 : i32
      %max3A = vector.broadcast %jit3A : i32 to vector<16xi32>
      %max3A_1259 = arith.maxsi %max3A, %get3A_1257 : vector<16xi32>
      %min3A_1260 = vector.broadcast %jit3A_1258 : i32 to vector<16xi32>
      %min3A_1261 = arith.minsi %min3A_1260, %max3A_1259 : vector<16xi32>
      %gather3A = tpu.vector_load_idx %arg8[%min3A_1261] : memref<128xi32, #tpu.memory_space<vmem>>[vector<16xi32>], vector<16xi32>,
      %shift_right_arithmetic3A = arith.constant 4 : i32
      %shift_right_arithmetic3A_1262 = vector.broadcast %shift_right_arithmetic3A : i32 to vector<16xi32>
      %shift_right_arithmetic3A_1263 = arith.shrsi %gather3A, %shift_right_arithmetic3A_1262 : vector<16xi32>
      %add3A_1264 = arith.addi %min3A_1252, %shift_right_arithmetic3A_1263 : vector<16xi32>
      %and3A = arith.constant 15 : i32
      %and3A_1265 = vector.broadcast %and3A : i32 to vector<16xi32>
      %and3A_1266 = arith.andi %gather3A, %and3A_1265 : vector<16xi32>
      %gather3A_1267 = arith.constant 1 : i32
      %gather3A_1268 = arith.constant 0 : i32
      %gather3A_1269 = arith.constant 0 : i32
      %gather3A_1270 = tpu.memref_slice %arg9[%gather3A_1267, %gather3A_1268, %gather3A_1269] : memref<3x1024x16xf32, #tpu.memory_space<vmem>> -> memref<1x1024x16xf32, #tpu.memory_space<vmem>>
      %gather3A_1271 = tpu.memref_squeeze %gather3A_1270 : memref<1x1024x16xf32, #tpu.memory_space<vmem>> -> memref<1024x16xf32, #tpu.memory_space<vmem>>
      %gather3A_1272 = tpu.vector_load_idx %gather3A_1271[%add3A_1264, %and3A_1266] : memref<1024x16xf32, #tpu.memory_space<vmem>>[vector<16xi32>, vector<16xi32>], vector<16xf32>,
      %mul3A_1273 = arith.constant 16 : i32
      %mul3A_1274 = arith.muli %scan3A_1237, %mul3A_1273 : i32
      %add3A_1275 = arith.constant 2816 : i32
      %add3A_1276 = arith.addi %add3A_1275, %mul3A_1274 : i32
      %swap3A = arith.index_cast %add3A_1276 : i32 to index
      %swap3A_1277 = tpu.vector_load %arg10[%swap3A] {strides = array<i32>} : memref<3200xf32, #tpu.memory_space<vmem>>, vector<16xf32>,
      tpu.vector_store %arg10[%swap3A], %gather3A_1272 {strides = array<i32>} : memref<3200xf32, #tpu.memory_space<vmem>>, vector<16xf32>,
      %mul3A_1278 = arith.constant 0 : i32
      %mul3A_1279 = vector.broadcast %mul3A_1278 : i32 to vector<16xi32>
      %mul3A_1280 = arith.muli %iota3A, %mul3A_1279 : vector<16xi32>
      %add3A_1281 = arith.constant 2 : i32
      %add3A_1282 = vector.broadcast %add3A_1281 : i32 to vector<16xi32>
      %add3A_1283 = arith.addi %mul3A_1280, %add3A_1282 : vector<16xi32>
      %gather3A_1284 = arith.constant 1 : i32
      %gather3A_1285 = arith.constant 0 : i32
      %gather3A_1286 = arith.constant 0 : i32
      %gather3A_1287 = tpu.memref_slice %arg9[%gather3A_1284, %gather3A_1285, %gather3A_1286] : memref<3x1024x16xf32, #tpu.memory_space<vmem>> -> memref<1x1024x16xf32, #tpu.memory_space<vmem>>
      %gather3A_1288 = tpu.memref_squeeze %gather3A_1287 : memref<1x1024x16xf32, #tpu.memory_space<vmem>> -> memref<1024x16xf32, #tpu.memory_space<vmem>>
      %gather3A_1289 = tpu.vector_load_idx %gather3A_1288[%min3A_1252, %add3A_1283] : memref<1024x16xf32, #tpu.memory_space<vmem>>[vector<16xi32>, vector<16xi32>], vector<16xf32>,
      %mul3A_1290 = arith.constant 0 : i32
      %mul3A_1291 = vector.broadcast %mul3A_1290 : i32 to vector<16xi32>
      %mul3A_1292 = arith.muli %iota3A, %mul3A_1291 : vector<16xi32>
      %add3A_1293 = arith.constant 0 : i32
      %add3A_1294 = vector.broadcast %add3A_1293 : i32 to vector<16xi32>
      %add3A_1295 = arith.addi %mul3A_1292, %add3A_1294 : vector<16xi32>
      tpu.vector_store_idx %arg11[%add3A_1244, %add3A_1295], %gather3A_1289 : memref<3200x3xf32, #tpu.memory_space<vmem>>[vector<16xi32>, vector<16xi32>], vector<16xf32>,
      %mul3A_1296 = arith.constant 0 : i32
      %mul3A_1297 = vector.broadcast %mul3A_1296 : i32 to vector<16xi32>
      %mul3A_1298 = arith.muli %iota3A, %mul3A_1297 : vector<16xi32>
      %add3A_1299 = arith.constant 3 : i32
      %add3A_1300 = vector.broadcast %add3A_1299 : i32 to vector<16xi32>
      %add3A_1301 = arith.addi %mul3A_1298, %add3A_1300 : vector<16xi32>
      %gather3A_1302 = arith.constant 1 : i32
      %gather3A_1303 = arith.constant 0 : i32
      %gather3A_1304 = arith.constant 0 : i32
      %gather3A_1305 = tpu.memref_slice %arg9[%gather3A_1302, %gather3A_1303, %gather3A_1304] : memref<3x1024x16xf32, #tpu.memory_space<vmem>> -> memref<1x1024x16xf32, #tpu.memory_space<vmem>>
      %gather3A_1306 = tpu.memref_squeeze %gather3A_1305 : memref<1x1024x16xf32, #tpu.memory_space<vmem>> -> memref<1024x16xf32, #tpu.memory_space<vmem>>
      %gather3A_1307 = tpu.vector_load_idx %gather3A_1306[%min3A_1252, %add3A_1301] : memref<1024x16xf32, #tpu.memory_space<vmem>>[vector<16xi32>, vector<16xi32>], vector<16xf32>,
      %mul3A_1308 = arith.constant 0 : i32
      %mul3A_1309 = vector.broadcast %mul3A_1308 : i32 to vector<16xi32>
      %mul3A_1310 = arith.muli %iota3A, %mul3A_1309 : vector<16xi32>
      %add3A_1311 = arith.constant 1 : i32
      %add3A_1312 = vector.broadcast %add3A_1311 : i32 to vector<16xi32>
      %add3A_1313 = arith.addi %mul3A_1310, %add3A_1312 : vector<16xi32>
      tpu.vector_store_idx %arg11[%add3A_1244, %add3A_1313], %gather3A_1307 : memref<3200x3xf32, #tpu.memory_space<vmem>>[vector<16xi32>, vector<16xi32>], vector<16xf32>,
      %mul3A_1314 = arith.constant 0 : i32
      %mul3A_1315 = vector.broadcast %mul3A_1314 : i32 to vector<16xi32>
      %mul3A_1316 = arith.muli %iota3A, %mul3A_1315 : vector<16xi32>
      %add3A_1317 = arith.constant 4 : i32
      %add3A_1318 = vector.broadcast %add3A_1317 : i32 to vector<16xi32>
      %add3A_1319 = arith.addi %mul3A_1316, %add3A_1318 : vector<16xi32>
      %gather3A_1320 = arith.constant 1 : i32
      %gather3A_1321 = arith.constant 0 : i32
      %gather3A_1322 = arith.constant 0 : i32
      %gather3A_1323 = tpu.memref_slice %arg9[%gather3A_1320, %gather3A_1321, %gather3A_1322] : memref<3x1024x16xf32, #tpu.memory_space<vmem>> -> memref<1x1024x16xf32, #tpu.memory_space<vmem>>
      %gather3A_1324 = tpu.memref_squeeze %gather3A_1323 : memref<1x1024x16xf32, #tpu.memory_space<vmem>> -> memref<1024x16xf32, #tpu.memory_space<vmem>>
      %gather3A_1325 = tpu.vector_load_idx %gather3A_1324[%min3A_1252, %add3A_1319] : memref<1024x16xf32, #tpu.memory_space<vmem>>[vector<16xi32>, vector<16xi32>], vector<16xf32>,
      %mul3A_1326 = arith.constant 0 : i32
      %mul3A_1327 = vector.broadcast %mul3A_1326 : i32 to vector<16xi32>
      %mul3A_1328 = arith.muli %iota3A, %mul3A_1327 : vector<16xi32>
      %add3A_1329 = arith.constant 2 : i32
      %add3A_1330 = vector.broadcast %add3A_1329 : i32 to vector<16xi32>
      %add3A_1331 = arith.addi %mul3A_1328, %add3A_1330 : vector<16xi32>
      tpu.vector_store_idx %arg11[%add3A_1244, %add3A_1331], %gather3A_1325 : memref<3200x3xf32, #tpu.memory_space<vmem>>[vector<16xi32>, vector<16xi32>], vector<16xf32>,
    }
    %scan3A_1168 = arith.constant 8 : i32
    %dma_wait3A_1169 = arith.constant 2 : i32
    %dma_wait3A_1170 = arith.constant 0 : i32
    %dma_wait3A_1171 = arith.constant 0 : i32
    %dma_wait3A_1172 = tpu.memref_slice %arg9[%dma_wait3A_1169, %dma_wait3A_1170, %dma_wait3A_1171] : memref<3x1024x16xf32, #tpu.memory_space<vmem>> -> memref<1x1024x16xf32, #tpu.memory_space<vmem>>
    %dma_wait3A_1173 = tpu.memref_squeeze %dma_wait3A_1172 : memref<1x1024x16xf32, #tpu.memory_space<vmem>> -> memref<1024x16xf32, #tpu.memory_space<vmem>>
    %dma_wait3A_1174 = arith.constant 0 : i32
    %dma_wait3A_1175 = tpu.memref_slice %arg2[%min3A_1076, %dma_wait3A_1174] : memref<800000x16xf32, #tpu.memory_space<hbm>> -> memref<1024x16xf32, #tpu.memory_space<hbm>>
    %dma_wait3A_1176 = arith.constant 0 : i32
    %dma_wait3A_1177 = arith.constant 0 : i32
    %dma_wait3A_1178 = tpu.memref_slice %arg9[%dma_wait3A_1169, %dma_wait3A_1176, %dma_wait3A_1177] : memref<3x1024x16xf32, #tpu.memory_space<vmem>> -> memref<1x1024x16xf32, #tpu.memory_space<vmem>>
    %dma_wait3A_1179 = tpu.memref_squeeze %dma_wait3A_1178 : memref<1x1024x16xf32, #tpu.memory_space<vmem>> -> memref<1024x16xf32, #tpu.memory_space<vmem>>
    %dma_wait3A_1180 = arith.constant 0 : i32
    %dma_wait3A_1181 = tpu.memref_slice %arg2[%min3A_1076, %dma_wait3A_1180] : memref<800000x16xf32, #tpu.memory_space<hbm>> -> memref<1024x16xf32, #tpu.memory_space<hbm>>
    tpu.wait_dma2 semaphore(%arg14 : memref<!tpu.dma_semaphore, #tpu.memory_space<semaphore_mem>>) src(%dma_wait3A_1181 : memref<1024x16xf32, #tpu.memory_space<hbm>>) dst(%dma_wait3A_1179 : memref<1024x16xf32, #tpu.memory_space<vmem>>)
    %add3A_1182 = arith.constant 2944 : i32
    %add3A_1183 = arith.addi %mul3A_2, %add3A_1182 : i32
    %mul3A_1184 = arith.constant 8 : i32
    %mul3A_1185 = arith.muli %add3A_1183, %mul3A_1184 : i32
    %add3A_1186 = arith.constant 2944 : i32
    %add3A_1187 = arith.addi %mul3A_2, %add3A_1186 : i32
    %mul3A_1188 = arith.constant 8 : i32
    %mul3A_1189 = arith.muli %add3A_1187, %mul3A_1188 : i32
    %min3A_1190 = arith.constant 798976 : i32
    %min3A_1191 = arith.minsi %mul3A_1189, %min3A_1190 : i32
    %sub3A_1192 = arith.subi %mul3A_1185, %min3A_1191 : i32
    %scan3A_1193 = arith.constant 0 : i32
    %scan3A_1194 = arith.constant 0 : i32
    %scan3A_1195 = arith.constant 8 : i32
    %scan3A_1196 = arith.addi %scan3A_1194, %scan3A_1195 : i32
    %scan3A_1197 = arith.constant 1 : i32
    scf.for %scan3A_1237 = %scan3A_1194 to %scan3A_1196 step %scan3A_1197  : i32 {
      %iota3A = tpu.iota {dimensions = array<i32: 0>} : vector<16xi32>
      %mul3A_1238 = arith.constant 16 : i32
      %mul3A_1239 = arith.muli %scan3A_1237, %mul3A_1238 : i32
      %add3A_1240 = vector.broadcast %mul3A_1239 : i32 to vector<16xi32>
      %add3A_1241 = arith.addi %add3A_1240, %iota3A : vector<16xi32>
      %add3A_1242 = arith.constant 2944 : i32
      %add3A_1243 = vector.broadcast %add3A_1242 : i32 to vector<16xi32>
      %add3A_1244 = arith.addi %add3A_1243, %add3A_1241 : vector<16xi32>
      %mul3A_1245 = arith.constant 8 : i32
      %mul3A_1246 = vector.broadcast %mul3A_1245 : i32 to vector<16xi32>
      %mul3A_1247 = arith.muli %add3A_1241, %mul3A_1246 : vector<16xi32>
      %add3A_1248 = vector.broadcast %sub3A_1192 : i32 to vector<16xi32>
      %add3A_1249 = arith.addi %mul3A_1247, %add3A_1248 : vector<16xi32>
      %min3A_1250 = arith.constant 1016 : i32
      %min3A_1251 = vector.broadcast %min3A_1250 : i32 to vector<16xi32>
      %min3A_1252 = arith.minsi %add3A_1249, %min3A_1251 : vector<16xi32>
      %mul3A_1253 = arith.constant 16 : i32
      %mul3A_1254 = arith.muli %scan3A_1237, %mul3A_1253 : i32
      %add3A_1255 = arith.constant 2944 : i32
      %add3A_1256 = arith.addi %add3A_1255, %mul3A_1254 : i32
      %get3A = arith.index_cast %add3A_1256 : i32 to index
      %get3A_1257 = tpu.vector_load %arg7[%get3A] {strides = array<i32>} : memref<3200xi32, #tpu.memory_space<vmem>>, vector<16xi32>,
      %jit3A = arith.constant 0 : i32
      %jit3A_1258 = arith.constant 63 : i32
      %max3A = vector.broadcast %jit3A : i32 to vector<16xi32>
      %max3A_1259 = arith.maxsi %max3A, %get3A_1257 : vector<16xi32>
      %min3A_1260 = vector.broadcast %jit3A_1258 : i32 to vector<16xi32>
      %min3A_1261 = arith.minsi %min3A_1260, %max3A_1259 : vector<16xi32>
      %gather3A = tpu.vector_load_idx %arg8[%min3A_1261] : memref<128xi32, #tpu.memory_space<vmem>>[vector<16xi32>], vector<16xi32>,
      %shift_right_arithmetic3A = arith.constant 4 : i32
      %shift_right_arithmetic3A_1262 = vector.broadcast %shift_right_arithmetic3A : i32 to vector<16xi32>
      %shift_right_arithmetic3A_1263 = arith.shrsi %gather3A, %shift_right_arithmetic3A_1262 : vector<16xi32>
      %add3A_1264 = arith.addi %min3A_1252, %shift_right_arithmetic3A_1263 : vector<16xi32>
      %and3A = arith.constant 15 : i32
      %and3A_1265 = vector.broadcast %and3A : i32 to vector<16xi32>
      %and3A_1266 = arith.andi %gather3A, %and3A_1265 : vector<16xi32>
      %gather3A_1267 = arith.constant 2 : i32
      %gather3A_1268 = arith.constant 0 : i32
      %gather3A_1269 = arith.constant 0 : i32
      %gather3A_1270 = tpu.memref_slice %arg9[%gather3A_1267, %gather3A_1268, %gather3A_1269] : memref<3x1024x16xf32, #tpu.memory_space<vmem>> -> memref<1x1024x16xf32, #tpu.memory_space<vmem>>
      %gather3A_1271 = tpu.memref_squeeze %gather3A_1270 : memref<1x1024x16xf32, #tpu.memory_space<vmem>> -> memref<1024x16xf32, #tpu.memory_space<vmem>>
      %gather3A_1272 = tpu.vector_load_idx %gather3A_1271[%add3A_1264, %and3A_1266] : memref<1024x16xf32, #tpu.memory_space<vmem>>[vector<16xi32>, vector<16xi32>], vector<16xf32>,
      %mul3A_1273 = arith.constant 16 : i32
      %mul3A_1274 = arith.muli %scan3A_1237, %mul3A_1273 : i32
      %add3A_1275 = arith.constant 2944 : i32
      %add3A_1276 = arith.addi %add3A_1275, %mul3A_1274 : i32
      %swap3A = arith.index_cast %add3A_1276 : i32 to index
      %swap3A_1277 = tpu.vector_load %arg10[%swap3A] {strides = array<i32>} : memref<3200xf32, #tpu.memory_space<vmem>>, vector<16xf32>,
      tpu.vector_store %arg10[%swap3A], %gather3A_1272 {strides = array<i32>} : memref<3200xf32, #tpu.memory_space<vmem>>, vector<16xf32>,
      %mul3A_1278 = arith.constant 0 : i32
      %mul3A_1279 = vector.broadcast %mul3A_1278 : i32 to vector<16xi32>
      %mul3A_1280 = arith.muli %iota3A, %mul3A_1279 : vector<16xi32>
      %add3A_1281 = arith.constant 2 : i32
      %add3A_1282 = vector.broadcast %add3A_1281 : i32 to vector<16xi32>
      %add3A_1283 = arith.addi %mul3A_1280, %add3A_1282 : vector<16xi32>
      %gather3A_1284 = arith.constant 2 : i32
      %gather3A_1285 = arith.constant 0 : i32
      %gather3A_1286 = arith.constant 0 : i32
      %gather3A_1287 = tpu.memref_slice %arg9[%gather3A_1284, %gather3A_1285, %gather3A_1286] : memref<3x1024x16xf32, #tpu.memory_space<vmem>> -> memref<1x1024x16xf32, #tpu.memory_space<vmem>>
      %gather3A_1288 = tpu.memref_squeeze %gather3A_1287 : memref<1x1024x16xf32, #tpu.memory_space<vmem>> -> memref<1024x16xf32, #tpu.memory_space<vmem>>
      %gather3A_1289 = tpu.vector_load_idx %gather3A_1288[%min3A_1252, %add3A_1283] : memref<1024x16xf32, #tpu.memory_space<vmem>>[vector<16xi32>, vector<16xi32>], vector<16xf32>,
      %mul3A_1290 = arith.constant 0 : i32
      %mul3A_1291 = vector.broadcast %mul3A_1290 : i32 to vector<16xi32>
      %mul3A_1292 = arith.muli %iota3A, %mul3A_1291 : vector<16xi32>
      %add3A_1293 = arith.constant 0 : i32
      %add3A_1294 = vector.broadcast %add3A_1293 : i32 to vector<16xi32>
      %add3A_1295 = arith.addi %mul3A_1292, %add3A_1294 : vector<16xi32>
      tpu.vector_store_idx %arg11[%add3A_1244, %add3A_1295], %gather3A_1289 : memref<3200x3xf32, #tpu.memory_space<vmem>>[vector<16xi32>, vector<16xi32>], vector<16xf32>,
      %mul3A_1296 = arith.constant 0 : i32
      %mul3A_1297 = vector.broadcast %mul3A_1296 : i32 to vector<16xi32>
      %mul3A_1298 = arith.muli %iota3A, %mul3A_1297 : vector<16xi32>
      %add3A_1299 = arith.constant 3 : i32
      %add3A_1300 = vector.broadcast %add3A_1299 : i32 to vector<16xi32>
      %add3A_1301 = arith.addi %mul3A_1298, %add3A_1300 : vector<16xi32>
      %gather3A_1302 = arith.constant 2 : i32
      %gather3A_1303 = arith.constant 0 : i32
      %gather3A_1304 = arith.constant 0 : i32
      %gather3A_1305 = tpu.memref_slice %arg9[%gather3A_1302, %gather3A_1303, %gather3A_1304] : memref<3x1024x16xf32, #tpu.memory_space<vmem>> -> memref<1x1024x16xf32, #tpu.memory_space<vmem>>
      %gather3A_1306 = tpu.memref_squeeze %gather3A_1305 : memref<1x1024x16xf32, #tpu.memory_space<vmem>> -> memref<1024x16xf32, #tpu.memory_space<vmem>>
      %gather3A_1307 = tpu.vector_load_idx %gather3A_1306[%min3A_1252, %add3A_1301] : memref<1024x16xf32, #tpu.memory_space<vmem>>[vector<16xi32>, vector<16xi32>], vector<16xf32>,
      %mul3A_1308 = arith.constant 0 : i32
      %mul3A_1309 = vector.broadcast %mul3A_1308 : i32 to vector<16xi32>
      %mul3A_1310 = arith.muli %iota3A, %mul3A_1309 : vector<16xi32>
      %add3A_1311 = arith.constant 1 : i32
      %add3A_1312 = vector.broadcast %add3A_1311 : i32 to vector<16xi32>
      %add3A_1313 = arith.addi %mul3A_1310, %add3A_1312 : vector<16xi32>
      tpu.vector_store_idx %arg11[%add3A_1244, %add3A_1313], %gather3A_1307 : memref<3200x3xf32, #tpu.memory_space<vmem>>[vector<16xi32>, vector<16xi32>], vector<16xf32>,
      %mul3A_1314 = arith.constant 0 : i32
      %mul3A_1315 = vector.broadcast %mul3A_1314 : i32 to vector<16xi32>
      %mul3A_1316 = arith.muli %iota3A, %mul3A_1315 : vector<16xi32>
      %add3A_1317 = arith.constant 4 : i32
      %add3A_1318 = vector.broadcast %add3A_1317 : i32 to vector<16xi32>
      %add3A_1319 = arith.addi %mul3A_1316, %add3A_1318 : vector<16xi32>
      %gather3A_1320 = arith.constant 2 : i32
      %gather3A_1321 = arith.constant 0 : i32
      %gather3A_1322 = arith.constant 0 : i32
      %gather3A_1323 = tpu.memref_slice %arg9[%gather3A_1320, %gather3A_1321, %gather3A_1322] : memref<3x1024x16xf32, #tpu.memory_space<vmem>> -> memref<1x1024x16xf32, #tpu.memory_space<vmem>>
      %gather3A_1324 = tpu.memref_squeeze %gather3A_1323 : memref<1x1024x16xf32, #tpu.memory_space<vmem>> -> memref<1024x16xf32, #tpu.memory_space<vmem>>
      %gather3A_1325 = tpu.vector_load_idx %gather3A_1324[%min3A_1252, %add3A_1319] : memref<1024x16xf32, #tpu.memory_space<vmem>>[vector<16xi32>, vector<16xi32>], vector<16xf32>,
      %mul3A_1326 = arith.constant 0 : i32
      %mul3A_1327 = vector.broadcast %mul3A_1326 : i32 to vector<16xi32>
      %mul3A_1328 = arith.muli %iota3A, %mul3A_1327 : vector<16xi32>
      %add3A_1329 = arith.constant 2 : i32
      %add3A_1330 = vector.broadcast %add3A_1329 : i32 to vector<16xi32>
      %add3A_1331 = arith.addi %mul3A_1328, %add3A_1330 : vector<16xi32>
      tpu.vector_store_idx %arg11[%add3A_1244, %add3A_1331], %gather3A_1325 : memref<3200x3xf32, #tpu.memory_space<vmem>>[vector<16xi32>, vector<16xi32>], vector<16xf32>,
    }
    %scan3A_1198 = arith.constant 8 : i32
    %dma_wait3A_1199 = arith.constant 0 : i32
    %dma_wait3A_1200 = arith.constant 0 : i32
    %dma_wait3A_1201 = arith.constant 0 : i32
    %dma_wait3A_1202 = tpu.memref_slice %arg9[%dma_wait3A_1199, %dma_wait3A_1200, %dma_wait3A_1201] : memref<3x1024x16xf32, #tpu.memory_space<vmem>> -> memref<1x1024x16xf32, #tpu.memory_space<vmem>>
    %dma_wait3A_1203 = tpu.memref_squeeze %dma_wait3A_1202 : memref<1x1024x16xf32, #tpu.memory_space<vmem>> -> memref<1024x16xf32, #tpu.memory_space<vmem>>
    %dma_wait3A_1204 = arith.constant 0 : i32
    %dma_wait3A_1205 = tpu.memref_slice %arg2[%min3A_1125, %dma_wait3A_1204] : memref<800000x16xf32, #tpu.memory_space<hbm>> -> memref<1024x16xf32, #tpu.memory_space<hbm>>
    %dma_wait3A_1206 = arith.constant 0 : i32
    %dma_wait3A_1207 = arith.constant 0 : i32
    %dma_wait3A_1208 = tpu.memref_slice %arg9[%dma_wait3A_1199, %dma_wait3A_1206, %dma_wait3A_1207] : memref<3x1024x16xf32, #tpu.memory_space<vmem>> -> memref<1x1024x16xf32, #tpu.memory_space<vmem>>
    %dma_wait3A_1209 = tpu.memref_squeeze %dma_wait3A_1208 : memref<1x1024x16xf32, #tpu.memory_space<vmem>> -> memref<1024x16xf32, #tpu.memory_space<vmem>>
    %dma_wait3A_1210 = arith.constant 0 : i32
    %dma_wait3A_1211 = tpu.memref_slice %arg2[%min3A_1125, %dma_wait3A_1210] : memref<800000x16xf32, #tpu.memory_space<hbm>> -> memref<1024x16xf32, #tpu.memory_space<hbm>>
    tpu.wait_dma2 semaphore(%arg12 : memref<!tpu.dma_semaphore, #tpu.memory_space<semaphore_mem>>) src(%dma_wait3A_1211 : memref<1024x16xf32, #tpu.memory_space<hbm>>) dst(%dma_wait3A_1209 : memref<1024x16xf32, #tpu.memory_space<vmem>>)
    %add3A_1212 = arith.constant 3072 : i32
    %add3A_1213 = arith.addi %mul3A_2, %add3A_1212 : i32
    %mul3A_1214 = arith.constant 8 : i32
    %mul3A_1215 = arith.muli %add3A_1213, %mul3A_1214 : i32
    %add3A_1216 = arith.constant 3072 : i32
    %add3A_1217 = arith.addi %mul3A_2, %add3A_1216 : i32
    %mul3A_1218 = arith.constant 8 : i32
    %mul3A_1219 = arith.muli %add3A_1217, %mul3A_1218 : i32
    %min3A_1220 = arith.constant 798976 : i32
    %min3A_1221 = arith.minsi %mul3A_1219, %min3A_1220 : i32
    %sub3A_1222 = arith.subi %mul3A_1215, %min3A_1221 : i32
    %scan3A_1223 = arith.constant 0 : i32
    %scan3A_1224 = arith.constant 0 : i32
    %scan3A_1225 = arith.constant 8 : i32
    %scan3A_1226 = arith.addi %scan3A_1224, %scan3A_1225 : i32
    %scan3A_1227 = arith.constant 1 : i32
    scf.for %scan3A_1237 = %scan3A_1224 to %scan3A_1226 step %scan3A_1227  : i32 {
      %iota3A = tpu.iota {dimensions = array<i32: 0>} : vector<16xi32>
      %mul3A_1238 = arith.constant 16 : i32
      %mul3A_1239 = arith.muli %scan3A_1237, %mul3A_1238 : i32
      %add3A_1240 = vector.broadcast %mul3A_1239 : i32 to vector<16xi32>
      %add3A_1241 = arith.addi %add3A_1240, %iota3A : vector<16xi32>
      %add3A_1242 = arith.constant 3072 : i32
      %add3A_1243 = vector.broadcast %add3A_1242 : i32 to vector<16xi32>
      %add3A_1244 = arith.addi %add3A_1243, %add3A_1241 : vector<16xi32>
      %mul3A_1245 = arith.constant 8 : i32
      %mul3A_1246 = vector.broadcast %mul3A_1245 : i32 to vector<16xi32>
      %mul3A_1247 = arith.muli %add3A_1241, %mul3A_1246 : vector<16xi32>
      %add3A_1248 = vector.broadcast %sub3A_1222 : i32 to vector<16xi32>
      %add3A_1249 = arith.addi %mul3A_1247, %add3A_1248 : vector<16xi32>
      %min3A_1250 = arith.constant 1016 : i32
      %min3A_1251 = vector.broadcast %min3A_1250 : i32 to vector<16xi32>
      %min3A_1252 = arith.minsi %add3A_1249, %min3A_1251 : vector<16xi32>
      %mul3A_1253 = arith.constant 16 : i32
      %mul3A_1254 = arith.muli %scan3A_1237, %mul3A_1253 : i32
      %add3A_1255 = arith.constant 3072 : i32
      %add3A_1256 = arith.addi %add3A_1255, %mul3A_1254 : i32
      %get3A = arith.index_cast %add3A_1256 : i32 to index
      %get3A_1257 = tpu.vector_load %arg7[%get3A] {strides = array<i32>} : memref<3200xi32, #tpu.memory_space<vmem>>, vector<16xi32>,
      %jit3A = arith.constant 0 : i32
      %jit3A_1258 = arith.constant 63 : i32
      %max3A = vector.broadcast %jit3A : i32 to vector<16xi32>
      %max3A_1259 = arith.maxsi %max3A, %get3A_1257 : vector<16xi32>
      %min3A_1260 = vector.broadcast %jit3A_1258 : i32 to vector<16xi32>
      %min3A_1261 = arith.minsi %min3A_1260, %max3A_1259 : vector<16xi32>
      %gather3A = tpu.vector_load_idx %arg8[%min3A_1261] : memref<128xi32, #tpu.memory_space<vmem>>[vector<16xi32>], vector<16xi32>,
      %shift_right_arithmetic3A = arith.constant 4 : i32
      %shift_right_arithmetic3A_1262 = vector.broadcast %shift_right_arithmetic3A : i32 to vector<16xi32>
      %shift_right_arithmetic3A_1263 = arith.shrsi %gather3A, %shift_right_arithmetic3A_1262 : vector<16xi32>
      %add3A_1264 = arith.addi %min3A_1252, %shift_right_arithmetic3A_1263 : vector<16xi32>
      %and3A = arith.constant 15 : i32
      %and3A_1265 = vector.broadcast %and3A : i32 to vector<16xi32>
      %and3A_1266 = arith.andi %gather3A, %and3A_1265 : vector<16xi32>
      %gather3A_1267 = arith.constant 0 : i32
      %gather3A_1268 = arith.constant 0 : i32
      %gather3A_1269 = arith.constant 0 : i32
      %gather3A_1270 = tpu.memref_slice %arg9[%gather3A_1267, %gather3A_1268, %gather3A_1269] : memref<3x1024x16xf32, #tpu.memory_space<vmem>> -> memref<1x1024x16xf32, #tpu.memory_space<vmem>>
      %gather3A_1271 = tpu.memref_squeeze %gather3A_1270 : memref<1x1024x16xf32, #tpu.memory_space<vmem>> -> memref<1024x16xf32, #tpu.memory_space<vmem>>
      %gather3A_1272 = tpu.vector_load_idx %gather3A_1271[%add3A_1264, %and3A_1266] : memref<1024x16xf32, #tpu.memory_space<vmem>>[vector<16xi32>, vector<16xi32>], vector<16xf32>,
      %mul3A_1273 = arith.constant 16 : i32
      %mul3A_1274 = arith.muli %scan3A_1237, %mul3A_1273 : i32
      %add3A_1275 = arith.constant 3072 : i32
      %add3A_1276 = arith.addi %add3A_1275, %mul3A_1274 : i32
      %swap3A = arith.index_cast %add3A_1276 : i32 to index
      %swap3A_1277 = tpu.vector_load %arg10[%swap3A] {strides = array<i32>} : memref<3200xf32, #tpu.memory_space<vmem>>, vector<16xf32>,
      tpu.vector_store %arg10[%swap3A], %gather3A_1272 {strides = array<i32>} : memref<3200xf32, #tpu.memory_space<vmem>>, vector<16xf32>,
      %mul3A_1278 = arith.constant 0 : i32
      %mul3A_1279 = vector.broadcast %mul3A_1278 : i32 to vector<16xi32>
      %mul3A_1280 = arith.muli %iota3A, %mul3A_1279 : vector<16xi32>
      %add3A_1281 = arith.constant 2 : i32
      %add3A_1282 = vector.broadcast %add3A_1281 : i32 to vector<16xi32>
      %add3A_1283 = arith.addi %mul3A_1280, %add3A_1282 : vector<16xi32>
      %gather3A_1284 = arith.constant 0 : i32
      %gather3A_1285 = arith.constant 0 : i32
      %gather3A_1286 = arith.constant 0 : i32
      %gather3A_1287 = tpu.memref_slice %arg9[%gather3A_1284, %gather3A_1285, %gather3A_1286] : memref<3x1024x16xf32, #tpu.memory_space<vmem>> -> memref<1x1024x16xf32, #tpu.memory_space<vmem>>
      %gather3A_1288 = tpu.memref_squeeze %gather3A_1287 : memref<1x1024x16xf32, #tpu.memory_space<vmem>> -> memref<1024x16xf32, #tpu.memory_space<vmem>>
      %gather3A_1289 = tpu.vector_load_idx %gather3A_1288[%min3A_1252, %add3A_1283] : memref<1024x16xf32, #tpu.memory_space<vmem>>[vector<16xi32>, vector<16xi32>], vector<16xf32>,
      %mul3A_1290 = arith.constant 0 : i32
      %mul3A_1291 = vector.broadcast %mul3A_1290 : i32 to vector<16xi32>
      %mul3A_1292 = arith.muli %iota3A, %mul3A_1291 : vector<16xi32>
      %add3A_1293 = arith.constant 0 : i32
      %add3A_1294 = vector.broadcast %add3A_1293 : i32 to vector<16xi32>
      %add3A_1295 = arith.addi %mul3A_1292, %add3A_1294 : vector<16xi32>
      tpu.vector_store_idx %arg11[%add3A_1244, %add3A_1295], %gather3A_1289 : memref<3200x3xf32, #tpu.memory_space<vmem>>[vector<16xi32>, vector<16xi32>], vector<16xf32>,
      %mul3A_1296 = arith.constant 0 : i32
      %mul3A_1297 = vector.broadcast %mul3A_1296 : i32 to vector<16xi32>
      %mul3A_1298 = arith.muli %iota3A, %mul3A_1297 : vector<16xi32>
      %add3A_1299 = arith.constant 3 : i32
      %add3A_1300 = vector.broadcast %add3A_1299 : i32 to vector<16xi32>
      %add3A_1301 = arith.addi %mul3A_1298, %add3A_1300 : vector<16xi32>
      %gather3A_1302 = arith.constant 0 : i32
      %gather3A_1303 = arith.constant 0 : i32
      %gather3A_1304 = arith.constant 0 : i32
      %gather3A_1305 = tpu.memref_slice %arg9[%gather3A_1302, %gather3A_1303, %gather3A_1304] : memref<3x1024x16xf32, #tpu.memory_space<vmem>> -> memref<1x1024x16xf32, #tpu.memory_space<vmem>>
      %gather3A_1306 = tpu.memref_squeeze %gather3A_1305 : memref<1x1024x16xf32, #tpu.memory_space<vmem>> -> memref<1024x16xf32, #tpu.memory_space<vmem>>
      %gather3A_1307 = tpu.vector_load_idx %gather3A_1306[%min3A_1252, %add3A_1301] : memref<1024x16xf32, #tpu.memory_space<vmem>>[vector<16xi32>, vector<16xi32>], vector<16xf32>,
      %mul3A_1308 = arith.constant 0 : i32
      %mul3A_1309 = vector.broadcast %mul3A_1308 : i32 to vector<16xi32>
      %mul3A_1310 = arith.muli %iota3A, %mul3A_1309 : vector<16xi32>
      %add3A_1311 = arith.constant 1 : i32
      %add3A_1312 = vector.broadcast %add3A_1311 : i32 to vector<16xi32>
      %add3A_1313 = arith.addi %mul3A_1310, %add3A_1312 : vector<16xi32>
      tpu.vector_store_idx %arg11[%add3A_1244, %add3A_1313], %gather3A_1307 : memref<3200x3xf32, #tpu.memory_space<vmem>>[vector<16xi32>, vector<16xi32>], vector<16xf32>,
      %mul3A_1314 = arith.constant 0 : i32
      %mul3A_1315 = vector.broadcast %mul3A_1314 : i32 to vector<16xi32>
      %mul3A_1316 = arith.muli %iota3A, %mul3A_1315 : vector<16xi32>
      %add3A_1317 = arith.constant 4 : i32
      %add3A_1318 = vector.broadcast %add3A_1317 : i32 to vector<16xi32>
      %add3A_1319 = arith.addi %mul3A_1316, %add3A_1318 : vector<16xi32>
      %gather3A_1320 = arith.constant 0 : i32
      %gather3A_1321 = arith.constant 0 : i32
      %gather3A_1322 = arith.constant 0 : i32
      %gather3A_1323 = tpu.memref_slice %arg9[%gather3A_1320, %gather3A_1321, %gather3A_1322] : memref<3x1024x16xf32, #tpu.memory_space<vmem>> -> memref<1x1024x16xf32, #tpu.memory_space<vmem>>
      %gather3A_1324 = tpu.memref_squeeze %gather3A_1323 : memref<1x1024x16xf32, #tpu.memory_space<vmem>> -> memref<1024x16xf32, #tpu.memory_space<vmem>>
      %gather3A_1325 = tpu.vector_load_idx %gather3A_1324[%min3A_1252, %add3A_1319] : memref<1024x16xf32, #tpu.memory_space<vmem>>[vector<16xi32>, vector<16xi32>], vector<16xf32>,
      %mul3A_1326 = arith.constant 0 : i32
      %mul3A_1327 = vector.broadcast %mul3A_1326 : i32 to vector<16xi32>
      %mul3A_1328 = arith.muli %iota3A, %mul3A_1327 : vector<16xi32>
      %add3A_1329 = arith.constant 2 : i32
      %add3A_1330 = vector.broadcast %add3A_1329 : i32 to vector<16xi32>
      %add3A_1331 = arith.addi %mul3A_1328, %add3A_1330 : vector<16xi32>
      tpu.vector_store_idx %arg11[%add3A_1244, %add3A_1331], %gather3A_1325 : memref<3200x3xf32, #tpu.memory_space<vmem>>[vector<16xi32>, vector<16xi32>], vector<16xf32>,
    }
    %scan3A_1228 = arith.constant 8 : i32
    %not3A_1229 = arith.constant true
    %not3A_1230 = arith.xori %eq3A_3, %not3A_1229 : i1
    %convert_element_type3A_1231 = arith.extui %not3A_1230 : i1 to i32
    %cond3A_1232 = arith.constant 0 : i32
    %cond3A_1233 = arith.cmpi ne, %convert_element_type3A_1231, %cond3A_1232 : i32
    scf.if %cond3A_1233 {
      "tpu.region"() ({
        %run_scoped3A = tpu.sem_alloc : memref<!tpu.dma_semaphore, #tpu.memory_space<semaphore_mem>>
        %dma_start3A_1237 = tpu.memref_slice %arg5[%mul3A_2] : memref<100000xf32, #tpu.memory_space<hbm>> -> memref<3200xf32, #tpu.memory_space<hbm>>
        %dma_start3A_1238 = tpu.memref_slice %arg5[%mul3A_2] : memref<100000xf32, #tpu.memory_space<hbm>> -> memref<3200xf32, #tpu.memory_space<hbm>>
        tpu.enqueue_dma source(%arg10 : memref<3200xf32, #tpu.memory_space<vmem>>) target(%dma_start3A_1238 : memref<3200xf32, #tpu.memory_space<hbm>>) target_semaphore(%run_scoped3A : memref<!tpu.dma_semaphore, #tpu.memory_space<semaphore_mem>>)
        %dma_wait3A_1239 = tpu.memref_slice %arg5[%mul3A_2] : memref<100000xf32, #tpu.memory_space<hbm>> -> memref<3200xf32, #tpu.memory_space<hbm>>
        %dma_wait3A_1240 = tpu.memref_slice %arg5[%mul3A_2] : memref<100000xf32, #tpu.memory_space<hbm>> -> memref<3200xf32, #tpu.memory_space<hbm>>
        tpu.wait_dma2 semaphore(%run_scoped3A : memref<!tpu.dma_semaphore, #tpu.memory_space<semaphore_mem>>) src(%arg10 : memref<3200xf32, #tpu.memory_space<vmem>>) dst(%dma_wait3A_1240 : memref<3200xf32, #tpu.memory_space<hbm>>)
        tpu.yield
      }) : () -> ()
      "tpu.region"() ({
        %run_scoped3A = tpu.sem_alloc : memref<!tpu.dma_semaphore, #tpu.memory_space<semaphore_mem>>
        %dma_start3A_1237 = arith.constant 0 : i32
        %dma_start3A_1238 = tpu.memref_slice %arg6[%mul3A_2, %dma_start3A_1237] : memref<100000x3xf32, #tpu.memory_space<hbm>> -> memref<3200x3xf32, #tpu.memory_space<hbm>>
        %dma_start3A_1239 = arith.constant 0 : i32
        %dma_start3A_1240 = tpu.memref_slice %arg6[%mul3A_2, %dma_start3A_1239] : memref<100000x3xf32, #tpu.memory_space<hbm>> -> memref<3200x3xf32, #tpu.memory_space<hbm>>
        tpu.enqueue_dma source(%arg11 : memref<3200x3xf32, #tpu.memory_space<vmem>>) target(%dma_start3A_1240 : memref<3200x3xf32, #tpu.memory_space<hbm>>) target_semaphore(%run_scoped3A : memref<!tpu.dma_semaphore, #tpu.memory_space<semaphore_mem>>)
        %dma_wait3A_1241 = arith.constant 0 : i32
        %dma_wait3A_1242 = tpu.memref_slice %arg6[%mul3A_2, %dma_wait3A_1241] : memref<100000x3xf32, #tpu.memory_space<hbm>> -> memref<3200x3xf32, #tpu.memory_space<hbm>>
        %dma_wait3A_1243 = arith.constant 0 : i32
        %dma_wait3A_1244 = tpu.memref_slice %arg6[%mul3A_2, %dma_wait3A_1243] : memref<100000x3xf32, #tpu.memory_space<hbm>> -> memref<3200x3xf32, #tpu.memory_space<hbm>>
        tpu.wait_dma2 semaphore(%run_scoped3A : memref<!tpu.dma_semaphore, #tpu.memory_space<semaphore_mem>>) src(%arg11 : memref<3200x3xf32, #tpu.memory_space<vmem>>) dst(%dma_wait3A_1244 : memref<3200x3xf32, #tpu.memory_space<hbm>>)
        tpu.yield
      }) : () -> ()
    } else {
    }
    %convert_element_type3A_1234 = arith.extui %eq3A_3 : i1 to i32
    %cond3A_1235 = arith.constant 0 : i32
    %cond3A_1236 = arith.cmpi ne, %convert_element_type3A_1234, %cond3A_1235 : i32
    scf.if %cond3A_1236 {
      "tpu.region"() ({
        %run_scoped3A = tpu.sem_alloc : memref<!tpu.dma_semaphore, #tpu.memory_space<semaphore_mem>>
        %dma_start3A_1237 = arith.constant 0 : i32
        %dma_start3A_1238 = tpu.memref_slice %arg10[%dma_start3A_1237] : memref<3200xf32, #tpu.memory_space<vmem>> -> memref<800xf32, #tpu.memory_space<vmem>>
        %dma_start3A_1239 = tpu.memref_slice %arg5[%mul3A_2] : memref<100000xf32, #tpu.memory_space<hbm>> -> memref<800xf32, #tpu.memory_space<hbm>>
        %dma_start3A_1240 = tpu.memref_slice %arg5[%mul3A_2] : memref<100000xf32, #tpu.memory_space<hbm>> -> memref<800xf32, #tpu.memory_space<hbm>>
        %dma_start3A_1241 = arith.constant 0 : i32
        %dma_start3A_1242 = tpu.memref_slice %arg10[%dma_start3A_1241] : memref<3200xf32, #tpu.memory_space<vmem>> -> memref<800xf32, #tpu.memory_space<vmem>>
        tpu.enqueue_dma source(%dma_start3A_1242 : memref<800xf32, #tpu.memory_space<vmem>>) target(%dma_start3A_1240 : memref<800xf32, #tpu.memory_space<hbm>>) target_semaphore(%run_scoped3A : memref<!tpu.dma_semaphore, #tpu.memory_space<semaphore_mem>>)
        %dma_wait3A_1243 = arith.constant 0 : i32
        %dma_wait3A_1244 = tpu.memref_slice %arg10[%dma_wait3A_1243] : memref<3200xf32, #tpu.memory_space<vmem>> -> memref<800xf32, #tpu.memory_space<vmem>>
        %dma_wait3A_1245 = tpu.memref_slice %arg5[%mul3A_2] : memref<100000xf32, #tpu.memory_space<hbm>> -> memref<800xf32, #tpu.memory_space<hbm>>
        %dma_wait3A_1246 = tpu.memref_slice %arg5[%mul3A_2] : memref<100000xf32, #tpu.memory_space<hbm>> -> memref<800xf32, #tpu.memory_space<hbm>>
        %dma_wait3A_1247 = arith.constant 0 : i32
        %dma_wait3A_1248 = tpu.memref_slice %arg10[%dma_wait3A_1247] : memref<3200xf32, #tpu.memory_space<vmem>> -> memref<800xf32, #tpu.memory_space<vmem>>
        tpu.wait_dma2 semaphore(%run_scoped3A : memref<!tpu.dma_semaphore, #tpu.memory_space<semaphore_mem>>) src(%dma_wait3A_1248 : memref<800xf32, #tpu.memory_space<vmem>>) dst(%dma_wait3A_1246 : memref<800xf32, #tpu.memory_space<hbm>>)
        tpu.yield
      }) : () -> ()
      "tpu.region"() ({
        %run_scoped3A = tpu.sem_alloc : memref<!tpu.dma_semaphore, #tpu.memory_space<semaphore_mem>>
        %dma_start3A_1237 = arith.constant 0 : i32
        %dma_start3A_1238 = arith.constant 0 : i32
        %dma_start3A_1239 = tpu.memref_slice %arg11[%dma_start3A_1237, %dma_start3A_1238] : memref<3200x3xf32, #tpu.memory_space<vmem>> -> memref<800x3xf32, #tpu.memory_space<vmem>>
        %dma_start3A_1240 = arith.constant 0 : i32
        %dma_start3A_1241 = tpu.memref_slice %arg6[%mul3A_2, %dma_start3A_1240] : memref<100000x3xf32, #tpu.memory_space<hbm>> -> memref<800x3xf32, #tpu.memory_space<hbm>>
        %dma_start3A_1242 = arith.constant 0 : i32
        %dma_start3A_1243 = tpu.memref_slice %arg6[%mul3A_2, %dma_start3A_1242] : memref<100000x3xf32, #tpu.memory_space<hbm>> -> memref<800x3xf32, #tpu.memory_space<hbm>>
        %dma_start3A_1244 = arith.constant 0 : i32
        %dma_start3A_1245 = arith.constant 0 : i32
        %dma_start3A_1246 = tpu.memref_slice %arg11[%dma_start3A_1244, %dma_start3A_1245] : memref<3200x3xf32, #tpu.memory_space<vmem>> -> memref<800x3xf32, #tpu.memory_space<vmem>>
        tpu.enqueue_dma source(%dma_start3A_1246 : memref<800x3xf32, #tpu.memory_space<vmem>>) target(%dma_start3A_1243 : memref<800x3xf32, #tpu.memory_space<hbm>>) target_semaphore(%run_scoped3A : memref<!tpu.dma_semaphore, #tpu.memory_space<semaphore_mem>>)
        %dma_wait3A_1247 = arith.constant 0 : i32
        %dma_wait3A_1248 = arith.constant 0 : i32
        %dma_wait3A_1249 = tpu.memref_slice %arg11[%dma_wait3A_1247, %dma_wait3A_1248] : memref<3200x3xf32, #tpu.memory_space<vmem>> -> memref<800x3xf32, #tpu.memory_space<vmem>>
        %dma_wait3A_1250 = arith.constant 0 : i32
        %dma_wait3A_1251 = tpu.memref_slice %arg6[%mul3A_2, %dma_wait3A_1250] : memref<100000x3xf32, #tpu.memory_space<hbm>> -> memref<800x3xf32, #tpu.memory_space<hbm>>
        %dma_wait3A_1252 = arith.constant 0 : i32
        %dma_wait3A_1253 = tpu.memref_slice %arg6[%mul3A_2, %dma_wait3A_1252] : memref<100000x3xf32, #tpu.memory_space<hbm>> -> memref<800x3xf32, #tpu.memory_space<hbm>>
        %dma_wait3A_1254 = arith.constant 0 : i32
        %dma_wait3A_1255 = arith.constant 0 : i32
        %dma_wait3A_1256 = tpu.memref_slice %arg11[%dma_wait3A_1254, %dma_wait3A_1255] : memref<3200x3xf32, #tpu.memory_space<vmem>> -> memref<800x3xf32, #tpu.memory_space<vmem>>
        tpu.wait_dma2 semaphore(%run_scoped3A : memref<!tpu.dma_semaphore, #tpu.memory_space<semaphore_mem>>) src(%dma_wait3A_1256 : memref<800x3xf32, #tpu.memory_space<vmem>>) dst(%dma_wait3A_1253 : memref<800x3xf32, #tpu.memory_space<hbm>>)
        tpu.yield
      }) : () -> ()
    } else {
    }
    return
  }
}

</mosaic_0001>

<sc_bundles>
// kernel: kernel.3.cloned.1.call-start
scs
__scs_entry_jumppad:
0x0: {  	(pc) =	sbr.rel $0x88, $3  }
0x1: {  	(tag) =	ssettag $0x0;
	lr =	simm.s32 $0x1  }
0x2: {  	[smem:$0x3F9E] =	sst lr;
	_ =	strace $0xD0000000  }
0x3: {  	_ = 	snop  }
0x4: {  	_ = 	snop  }
0x5: {  	_ = 	snop  }
0x6: {  	_ = 	snop  }
0x7: {  	_ = 	snop  }
__scs_overlays_trampoline_lowered:
0x8: {  	[smem:$0x3FAD] =	sst s0  }
0x9: {  	[smem:$0x3FAE] =	sst s1  }
0xa: {  	[smem:$0x3FAF] =	sst s2  }
0xb: {  	[smem:$0x3FB0] =	sst s3  }
0xc: {  	[smem:$0x3FB1] =	sst s4  }
0xd: {  	[smem:$0x3FB2] =	sst s5  }
0xe: {  	[smem:$0x3FB3] =	sst s6  }
0xf: {  	[smem:$0x3FB4] =	sst s7  }
0x10: {  	[smem:$0x3FB5] =	sst s8  }
0x11: {  	[smem:$0x3FB6] =	sst s9;
	s0 =	simm.s32 @!p0 $0x0  }
0x12: {  	s1 =	sld [smem:$0x3F9C];
	s0 =	simm.s32 @p0 $0x1  }
0x13: {  	[smem:$0x3FB7] =	sst s0;
	s0 =	simm.s32 @!p1 $0x0  }
0x14: {  	s2 =	sld [smem:$0x3F9B];
	s0 =	simm.s32 @p1 $0x1  }
0x15: {  	[smem:$0x3FB8] =	sst s0;
	s0 =	simm.s32 @!p2 $0x0  }
0x16: {  	s3 =	sld [smem:$0x3FDB];
	s0 =	simm.s32 @p2 $0x1  }
0x17: {  	s4 =	simm.s32 $0x1BF5;
	[smem:$0x3FBA] =	sst s0  }
0x18: {  	s0 =	sld [smem:$0x3F9D];
	_ =	swait.ge [sflag:s4], $0x0  }
0x19: {  	s7 =	sld [smem:$0x3F9E]  }
0x1a: {  	s8 =	sadd.s32 $0xFFFFE003, lr  }
0x1b: {  	s9 =	sadd.s32 $0xFFFFFEF7, lr;
	s5 =	simm.s32 $0xFFFFFFFF;
	p2 =	slt.u32 s8, $0xFFFFF086  }
0x1c: {  	p1 =	slt.u32 s9, $0xF7A;
	s5 =	simm.s32 @!p2 $0x0  }
0x1d: {  	s5 =	simm.s32 @p1 $0x1;
	p0 =	seq.s32 s7, s2  }
0x1e: {  	s7 =	smul.u32 @!p0 $0xF7A, s2;
	p2 =	seq.s32 @!p0 s5, $0x0  }
0x1f: {  	s9 =	smul.u32 $0xF7A, s1;
	s8 =	simm.s32 @!p0 $0x1BF5;
	p2 =	por !p2, p0  }
0x20: {  	[sflag:s8] =	ssyncset.s32 @!p0 $0xFFFFF086;
	s6 =	sadd.s32 @!p0 s3, s7;
	s7 =	simm.s32 @!p0 $0x108  }
0x21: {  	s3 =	sadd.s32 s3, s9;
	s6 =	sadd.s32 @!p0 $0x88, s6;
	s7 =	simm.s32 @p2 $0x1082  }
0x22: {  	[simem:s7], [sflag:s8] =	dma.local @!p0 [hbm:s6], $0xF7A  }
0x23: {  	s9 =	sor.u32 $0xD0000000, s2;
	s6 =	simm.s32 $0x108;
	_ =	swait.ge @!p0 [sflag:s8], $0x0  }
0x24: {  	s3 =	sadd.s32 $0x88, s3;
	s6 =	simm.s32 @!p1 $0x1082;
	[sflag:s4] =	ssyncset.s32 $0xFFFFF086  }
0x25: {  	[simem:s6], [sflag:s4] =	dma.local [hbm:s3], $0xF7A  }
0x26: {  	[smem:$0x3F9E] =	sst s1;
	(tag) =	ssettag s2;
	_ =	strace s9  }
0x27: {  	s1 =	sld [smem:$0x3FAE]  }
0x28: {  	s2 =	sld [smem:$0x3FAF]  }
0x29: {  	s4 =	sld [smem:$0x3FB1]  }
0x2a: {  	p0 =	seq.s32 s5, $0x0;
	s5 =	sld [smem:$0x3FB2]  }
0x2b: {  	s6 =	sld [smem:$0x3FB3]  }
0x2c: {  	s7 =	sld [smem:$0x3FB4]  }
0x2d: {  	s3 =	simm.s32 $0x108;
	s8 =	sld [smem:$0x3FB5]  }
0x2e: {  	s3 =	simm.s32 @!p0 $0x1082;
	s9 =	sld [smem:$0x3FB6]  }
0x2f: {  	lr =	sadd.s32 s0, s3;
	s0 =	sld [smem:$0x3FAD]  }
0x30: {  	s3 =	sld [smem:$0x3FB0]  }
0x31: {  	[smem:$0x3FB9] =	sst s10  }
0x32: {  	s10 =	sld [smem:$0x3FB7];
	_ =	sdelay $0x3  }
0x33: {  	p0 =	seq.s32 s10, $0x1;
	s10 =	sld [smem:$0x3FB9];
	_ =	sdelay $0x3  }
0x34: {  	[smem:$0x3FB9] =	sst s10  }
0x35: {  	s10 =	sld [smem:$0x3FB8];
	_ =	sdelay $0x3  }
0x36: {  	p1 =	seq.s32 s10, $0x1;
	s10 =	sld [smem:$0x3FB9];
	_ =	sdelay $0x3  }
0x37: {  	[smem:$0x3FB9] =	sst s10  }
0x38: {  	s10 =	sld [smem:$0x3FBA]  }
0x39: {  	_ = 	snop;
	(pc) =	sbr.ind lr, $3  }
0x3a: {  	_ = 	snop  }
0x3b: {  	_ = 	snop  }
0x3c: {  	p2 =	seq.s32 s10, $0x1;
	s10 =	sld [smem:$0x3FB9]  }
0x3d: {  	_ =	shalt  }
0x3e: {  	_ =	shalt  }
0x3f: {  	_ =	shalt  }
0x40: {  	_ =	shalt  }
0x41: {  	_ =	shalt  }
0x42: {  	_ =	shalt  }
0x43: {  	_ =	shalt  }
0x44: {  	_ =	shalt  }
0x45: {  	_ =	shalt  }
0x46: {  	_ =	shalt  }
0x47: {  	_ =	shalt  }
0x48: {  	_ =	shalt  }
0x49: {  	_ =	shalt  }
0x4a: {  	_ =	shalt  }
0x4b: {  	_ =	shalt  }
0x4c: {  	_ =	shalt  }
0x4d: {  	_ =	shalt  }
0x4e: {  	_ =	shalt  }
0x4f: {  	_ =	shalt  }
0x50: {  	_ =	shalt  }
0x51: {  	_ =	shalt  }
0x52: {  	_ =	shalt  }
0x53: {  	_ =	shalt  }
0x54: {  	_ =	shalt  }
0x55: {  	_ =	shalt  }
0x56: {  	_ =	shalt  }
0x57: {  	_ =	shalt  }
0x58: {  	_ =	shalt  }
0x59: {  	_ =	shalt  }
0x5a: {  	_ =	shalt  }
0x5b: {  	_ =	shalt  }
0x5c: {  	_ =	shalt  }
0x5d: {  	_ =	shalt  }
0x5e: {  	_ =	shalt  }
0x5f: {  	_ =	shalt  }
0x60: {  	_ =	shalt  }
0x61: {  	_ =	shalt  }
0x62: {  	_ =	shalt  }
0x63: {  	_ =	shalt  }
0x64: {  	_ =	shalt  }
0x65: {  	_ =	shalt  }
0x66: {  	_ =	shalt  }
0x67: {  	_ =	shalt  }
0x68: {  	_ =	shalt  }
0x69: {  	_ =	shalt  }
0x6a: {  	_ =	shalt  }
0x6b: {  	_ =	shalt  }
0x6c: {  	_ =	shalt  }
0x6d: {  	_ =	shalt  }
0x6e: {  	_ =	shalt  }
0x6f: {  	_ =	shalt  }
0x70: {  	_ =	shalt  }
0x71: {  	_ =	shalt  }
0x72: {  	_ =	shalt  }
0x73: {  	_ =	shalt  }
0x74: {  	_ =	shalt  }
0x75: {  	_ =	shalt  }
0x76: {  	_ =	shalt  }
0x77: {  	_ =	shalt  }
0x78: {  	_ =	shalt  }
0x79: {  	_ =	shalt  }
0x7a: {  	_ =	shalt  }
0x7b: {  	_ =	shalt  }
0x7c: {  	_ =	shalt  }
0x7d: {  	_ =	shalt  }
0x7e: {  	_ =	shalt  }
0x7f: {  	_ =	shalt  }
0x80: {  	_ =	shalt  }
0x81: {  	_ =	shalt  }
0x82: {  	_ =	shalt  }
0x83: {  	_ =	shalt  }
0x84: {  	_ =	shalt  }
0x85: {  	_ =	shalt  }
0x86: {  	_ =	shalt  }
0x87: {  	_ =	shalt  }
.Lfunc_end0:
.L_simem_size_0:
called_computation_lowered:
.L_overlay_start_0:
0x88: {  	s2 =	sld [smem:$0x3FD9]  }
0x89: {  	s3 =	sld [smem:$0x3FFE];
	_ =	sdelay $0x1  }
0x8a: {  	s1 =	srdreg.scid  }
0x8b: {  	s0 =	sand.u32 $0x1, s1  }
0x8c: {  	s14 =	sshll.u32 s0, $0xA;
	s2 =	sadd.s32 s3, s2  }
0x8d: {  	s2 =	sadd.s32 s2, s14  }
0x8e: {  	[smem:$0x3FC5] =	sst s2  }
0x8f: {  	_ = 	snop  }
0x90: {  	s2 =	sld [smem:$0x3FD0];
	_ =	sdelay $0x1  }
0x91: {  	s15 =	sld [smem:$0x3FC9]  }
0x92: {  	s5 =	simm.s32 $0xA;
	s6 =	simm.s32 $0x10;
	s4 =	sld [smem:$0x3FC8]  }
0x93: {  	[smem:s6], [sflag:s5] =	dma.local [hbm:s2], $0x1  }
0x94: {  	_ =	swait.eq [sflag:s5], $0x1  }
0x95: {  	[sflag:s5] =	ssyncset.done $0x0  }
0x96: {  	s16 =	sld [smem:$0x10];
	[sflag:s5] =	ssyncadd.s32 $0xFFFFFFFF  }
0x97: {  	s17 =	sld [smem:$0x11];
	(tm) =	ssettm $0x1  }
0x98: {  	s18 =	sld [smem:$0x3FFB];
	_ =	sdelay $0x3  }
0x99: {  	_ =	strace s18  }
0x9a: {  	s6 =	sld [smem:$0x3FFC];
	_ =	sdelay $0x3  }
0x9b: {  	_ =	strace s6  }
0x9c: {  	s6 =	sld [smem:$0x3FFD];
	_ =	sdelay $0x3  }
0x9d: {  	_ =	strace s6  }
0x9e: {  	_ =	strace $0x8FFFFFFF  }
0x9f: {  	s19 =	sld [smem:$0x3FDB];
	_ =	sdelay $0x1  }
0xa0: {  	s7 =	simm.s32 $_scs_section_size  }
0xa1: {  	s8 =	simm.s32 $_size__tile_overlayer_lowered;
	s9 =	simm.s32 $_tile_overlayer_lowered  }
0xa2: {  	s22 =	simm.s32 $0x1BFF;
	s21 =	sshll.u32 s9, $0x1;
	s6 =	sadd.s32 s7, s19  }
0xa3: {  	s10 =	simm.s32 $0x0;
	s20 =	sshll.u32 s8, $0x1;
	s8 =	sadd.s32 s21, s6  }
0xa4: {  	[timem:s10], [sflag:s22] =	dma.local [hbm:s8], s20  }
0xa5: {  	_ =	swait.ge [sflag:s22], s20  }
0xa6: {  	s7 =	ssub.s32 $0x0, s20;
	[sflag:s22] =	ssyncset.done $0x0  }
0xa7: {  	[sflag:s22] =	ssyncadd.s32 s7;
	_ =	sdelay $0x1  }
0xa8: {  	s23 =	simm.s32 $0x1B8B  }
0xa9: {  	_ =	swait.ge [sflag:s23], $0x1  }
0xaa: {  	[sflag:s23] =	ssyncset.done $0x0  }
0xab: {  	s25 =	simm.s32 $0x1B8E;
	s24 =	sld [smem:$0x3FFE];
	[sflag:s23] =	ssyncadd.s32 $0xFFFFFFFF  }
0xac: {  	s26 =	simm.s32 $execute0_lowered;
	[smem:$0x3FD2] =	sst s25  }
0xad: {  	s8 =	sshll.u32 s26, $0x1;
	_ =	strace $0x80000046;
	[dreg:$0x1] =	wrdreg $0xFFFFFFFF  }
0xae: {  	s28 =	simm.s32 $_size_execute0_lowered;
	s6 =	sadd.s32 s6, s8;
	[dreg:$0x0] =	wrdreg $0x0  }
0xaf: {  	s8 =	sshll.u32 s28, $0x1;
	[dreg:$0x2] =	wrdreg s6  }
0xb0: {  	[dreg:$0x3] =	wrdreg s8  }
0xb1: {  	[dreg:$0x4] =	wrdreg $0xC0  }
0xb2: {  	_ =	task [dreg:s10], $0x5FFFF  }
0xb3: {  	[dreg:$0x1] =	wrdreg $0xFFFFFFFF  }
0xb4: {  	[dreg:$0x0] =	wrdreg $0x60  }
0xb5: {  	[dreg:$0x2] =	wrdreg s15  }
0xb6: {  	[dreg:$0x3] =	wrdreg s4  }
0xb7: {  	[dreg:$0x4] =	wrdreg s16  }
0xb8: {  	[dreg:$0x5] =	wrdreg s17  }
0xb9: {  	[dreg:$0x6] =	wrdreg s24  }
0xba: {  	[dreg:$0x7] =	wrdreg $0x9  }
0xbb: {  	_ =	task.clear_ibuf [dreg:s10], $0x8FFFF;
	_ =	strace $0x90000046  }
0xbc: {  	s29 =	simm.s32 $0x9;
	_ =	strace $0x80000048  }
0xbd: {  	_ =	swait.ge [sflag:s29], $0x1  }
0xbe: {  	[sflag:s29] =	ssyncadd.s32 $0xFFFFFFFF  }
0xbf: {  	_ =	strace $0x90000048  }
0xc0: {  	_ =	sfence  }
0xc1: {  	s30 =	sld [smem:$0x0];
	_ =	sdelay $0x2  }
0xc2: {  	s31 =	sshll.u32 s1, $0xD;
	s1 =	sshrl.u32 s1, $0x2  }
0xc3: {  	s3 =	sand.u32 $0x4000, s31;
	s1 =	sadd.s32 s1, s30  }
0xc4: {  	s0 =	sor.u32 s3, s0;
	s1 =	sshll.u32 s1, $0x11  }
0xc5: {  	s0 =	sor.u32 s1, s0  }
0xc6: {  	s0 =	sadd.s32 $0x8F2B, s0  }
0xc7: {  	[sflag:s0] =	ssyncadd.remote.s32 $0x1  }
0xc8: {  	_ =	sfence.sel $0xFFFF  }
0xc9: {  	[dreg:$0x0] =	wrdreg $0xFFFFFFFF;
	(pc) =	sbr.abs _section_cstart, $3  }
0xca: {  	[dreg:$0x1] =	wrdreg $0xFFFFFFFF  }
0xcb: {  	_ =	task.clear_ibuf [dreg:s10], $0x2FFFF;
	_ =	strace $0x9FFFFFFF  }
0xcc: {  	(tm) =	ssettm $0x7FFFFFFF  }
0xcd: {  	_ =	shalt  }
tec
execute0_lowered:
.L_overlay_start_1:
0x0: {  	(tag) =	ssettag $0x1  }
0x1: {  	s0 =	srdreg.scid;
	s1 =	stileid.u32  }
0x2: {  	s0 =	sand.u32 $0x1, s0;
	s1 =	sshll.u32 s1, $0x1  }
0x3: {  	s4 =	rddreg [dreg:$0x0];
	s3 =	sor.u32 s0, s1  }
0x4: {  	s1 =	simm.s32 $0x0;
	s0 =	ssub.s32 $0x2, s0;
	s5 =	smul.u32 $0x6400, s3  }
0x5: {  	s2 =	sshrl.u32 s0, $0x1;
	s6 =	smul.u32 $0xC800, s3;
	[smem:$0x7FF] =	sst s1  }
0x6: {  	p0 =	seq.s32 s3, $0x1F;
	s0 =	ssub.s32 s0, s2;
	s7 =	sadd.s32 $0x1800, s5  }
0x7: {  	[dreg:$0x15] =	wrdreg s0;
	s2 =	sadd.s32 s4, s6;
	s9 =	sadd.s32 $0x1C00, s5  }
0x8: {  	s11 =	sadd.s32 $0x2000, s5;
	s13 =	sadd.s32 $0x2400, s5;
	s16 =	sadd.s32 $0x2800, s5  }
0x9: {  	s17 =	sadd.s32 $0x2C00, s5;
	s18 =	sadd.s32 $0x3000, s5;
	s19 =	sadd.s32 $0x3400, s5  }
0xa: {  	s8 =	smin.u32 s7, $0xC3100;
	s10 =	smin.u32 s9, $0xC3100;
	s12 =	smin.u32 s11, $0xC3100  }
0xb: {  	s14 =	smin.u32 s13, $0xC3100;
	s6 =	smin.u32 s16, $0xC3100;
	s20 =	sshll.u32 s8, $0x1  }
0xc: {  	s22 =	sshll.u32 s10, $0x1;
	s31 =	ssub.s32 s7, s8;
	s7 =	ssub.s32 s9, s10  }
0xd: {  	s24 =	sshll.u32 s12, $0x1;
	s9 =	ssub.s32 s13, s14;
	v1 =	vmov s7;
	s7 =	rddreg [dreg:$0x3]  }
0xe: {  	s15 =	sshll.u32 s14, $0x1;
	s21 =	sadd.s32 s4, s20;
	v3 =	vmov s9;
	s9 =	rddreg [dreg:$0x4]  }
0xf: {  	s8 =	ssub.s32 s11, s12;
	s23 =	sadd.s32 s4, s22;
	[dreg:$0x6] =	wrdreg s21  }
0x10: {  	s10 =	ssub.s32 s16, s6;
	s25 =	sadd.s32 s4, s24;
	[dreg:$0x7] =	wrdreg s23  }
0x11: {  	s26 =	sadd.s32 s4, s15;
	v4 =	vmov s10;
	s10 =	simm.s32 $0x1;
	[dreg:$0x8] =	wrdreg s25  }
0x12: {  	[dreg:$0x9] =	wrdreg s26;
	s21 =	sshll.u32 s6, $0x1;
	s23 =	smin.u32 s17, $0xC3100  }
0x13: {  	s25 =	smin.u32 s18, $0xC3100;
	s26 =	smin.u32 s19, $0xC3100;
	s22 =	sadd.s32 s4, s21  }
0x14: {  	s24 =	sshll.u32 s23, $0x1;
	s20 =	sshll.u32 s25, $0x1;
	s6 =	sshll.u32 s26, $0x1  }
0x15: {  	s11 =	ssub.s32 s17, s23;
	s13 =	ssub.s32 s18, s25;
	s14 =	ssub.s32 s19, s26  }
0x16: {  	[dreg:$0xa] =	wrdreg s22;
	s16 =	sadd.s32 s4, s24;
	s20 =	sadd.s32 s4, s20  }
0x17: {  	s21 =	sadd.s32 s4, s6;
	s22 =	sadd.s32 $0x3800, s5;
	[dreg:$0xb] =	wrdreg s16  }
0x18: {  	s24 =	sadd.s32 $0x3C00, s5;
	s6 =	sadd.s32 $0x4000, s5;
	[dreg:$0xc] =	wrdreg s20  }
0x19: {  	v5 =	vmov s11;
	v6 =	vmov s13;
	s11 =	simm.s32 $0xD980;
	s13 =	simm.s32 $0x3;
	[dreg:$0xd] =	wrdreg s21  }
0x1a: {  	s23 =	smin.u32 s22, $0xC3100;
	s25 =	smin.u32 s24, $0xC3100;
	s19 =	smin.u32 s6, $0xC3100  }
0x1b: {  	s20 =	sadd.s32 $0x4400, s5;
	s12 =	ssub.s32 s22, s23;
	s15 =	sshll.u32 s23, $0x1  }
0x1c: {  	s22 =	ssub.s32 s24, s25;
	s26 =	sshll.u32 s25, $0x1;
	s16 =	ssub.s32 s6, s19  }
0x1d: {  	s23 =	smin.u32 s20, $0xC3100;
	s24 =	sadd.s32 $0x4800, s5;
	s6 =	sadd.s32 $0x4C00, s5  }
0x1e: {  	s15 =	sadd.s32 s4, s15;
	s18 =	sadd.s32 s4, s26;
	s17 =	ssub.s32 s20, s23  }
0x1f: {  	s25 =	smin.u32 s24, $0xC3100;
	s20 =	smin.u32 s6, $0xC3100;
	[dreg:$0xe] =	wrdreg s15  }
0x20: {  	v8 =	vmov s12;
	s12 =	simm.s32 $0x2;
	[dreg:$0xf] =	wrdreg s18;
	s15 =	sshll.u32 s19, $0x1  }
0x21: {  	s26 =	sshll.u32 s25, $0x1;
	s29 =	ssub.s32 s6, s20;
	s21 =	sadd.s32 s4, s15  }
0x22: {  	s15 =	sshll.u32 s23, $0x1;
	s23 =	ssub.s32 s24, s25;
	s18 =	sadd.s32 s4, s26  }
0x23: {  	s26 =	sadd.s32 $0x5400, s5;
	v13 =	vmov s29;
	s29 =	sadd.s32 $0x3070, s7;
	[dreg:$0x10] =	wrdreg s21  }
0x24: {  	s15 =	sadd.s32 s4, s15;
	[dreg:$0x12] =	wrdreg s18;
	s21 =	sadd.s32 $0x5000, s5  }
0x25: {  	s0 =	smin.u32 s26, $0xC3100;
	[dreg:$0x11] =	wrdreg s15;
	s15 =	sshll.u32 s20, $0x1  }
0x26: {  	s25 =	smin.u32 s21, $0xC3100;
	s6 =	ssub.s32 s26, s0;
	s18 =	sshll.u32 s0, $0x1  }
0x27: {  	s0 =	rddreg [dreg:$0x1];
	s24 =	sadd.s32 s4, s15;
	s30 =	ssub.s32 s21, s25  }
0x28: {  	s15 =	sshll.u32 s25, $0x1;
	s18 =	sadd.s32 s4, s18;
	s25 =	sadd.s32 $0x5C00, s5  }
0x29: {  	v16 =	vmov s6;
	s6 =	simm.s32 $0x4;
	[dreg:$0x13] =	wrdreg s24;
	s24 =	sadd.s32 $0x5800, s5  }
0x2a: {  	s20 =	sadd.s32 s4, s15;
	s5 =	sadd.s32 $0x6000, s5;
	s26 =	smin.u32 s25, $0xC3100  }
0x2b: {  	v14 =	vmov s30;
	s30 =	sadd.s32 $0x18B80, s9;
	[dreg:$0x14] =	wrdreg s20;
	s15 =	smin.u32 s24, $0xC3100  }
0x2c: {  	v2 =	vmov s8;
	s28 =	smin.u32 s5, $0xC3100;
	s20 =	sshll.u32 s26, $0x1;
	s8 =	ssub.s32 s25, s26  }
0x2d: {  	v15 =	vlaneseq.u32;
	s25 =	sadd.s32 $0x3070, s0;
	s21 =	sshll.u32 s15, $0x1;
	s20 =	sadd.s32 s4, s20  }
0x2e: {  	v15 =	vmul.u32 $0x8, v15;
	s5 =	ssub.s32 s5, s28;
	_ =	strace $0x80000047;
	v18 =	vmov s8;
	s8 =	simm.s32 $0x4D00  }
0x2f: {  	v12 =	vmov s23;
	s19 =	sadd.s32 s4, s21;
	s21 =	sshll.u32 s28, $0x1;
	s23 =	rddreg [dreg:$0x15]  }
0x30: {  	v20 =	vor.u32 $0x400, v15;
	v21 =	vor.u32 $0x800, v15;
	v22 =	vor.u32 $0xC00, v15;
	s21 =	sadd.s32 s4, s21;
	s4 =	ssub.s32 s24, s15;
	s24 =	smul.u32 $0xC80, s3  }
0x31: {  	v23 =	vor.u32 $0x1000, v15;
	v0 =	vmov s31;
	v19 =	vmov s5;
	s5 =	simm.s32 $0xC80;
	s31 =	smax.u32 s23, $0x1;
	s23 =	sadd.s32 $0x800, s2  }
0x32: {  	v24 =	vor.u32 $0x1400, v15;
	v7 =	vmov s14;
	s3 =	sadd.s32 $0x2000, s2;
	v17 =	vmov s4;
	s4 =	sadd.s32 $0x2800, s2;
	s14 =	sshrl.u32 s24, $0x3  }
0x33: {  	v25 =	vor.u32 $0x1800, v15;
	v26 =	vor.u32 $0x1C00, v15;
	v9 =	vmov s22;
	s22 =	sadd.s32 s24, s9;
	s9 =	simm.s32 $0x8D00;
	s24 =	sadd.s32 s0, s14  }
0x34: {  	v27 =	vor.u32 $0x2000, v15;
	v28 =	vor.u32 $0x2400, v15;
	v29 =	vor.u32 $0x2800, v15;
	s26 =	sadd.s32 s7, s14;
	s28 =	sadd.s32 $0x800, s22;
	s0 =	sadd.s32 $0x1000, s2  }
0x35: {  	v30 =	vor.u32 $0x2C00, v15;
	v10 =	vmov s16;
	v11 =	vmov s17;
	s22 =	sadd.s32 $0x1800, s2;
	s7 =	simm.s32 $0xD00;
	s14 =	simm.s32 $0x0  }
.LBB2_1:
0x36: {  	s15 =	rddreg [dreg:$0x2]  }
0x37: {  	[tilespmem:s5], [sflag:$0x4] =	stream.linear.gather [hbm4b:s15+s1], $0x80, $0x38;
	[tilespmem:$0x13D80] =	vst v63  }
0x38: {  	_ =	swait.ge [sflag:s6], $0x80  }
0x39: {  	[sflag:s6] =	ssyncset.done $0x0  }
0x3a: {  	s15 =	simm.s32 @p0 $0x0;
	[sflag:s6] =	ssyncadd.s32 $0xFFFFFF80  }
0x3b: {  	[tilespmem:s15], [sflag:$0x4] =	stream.linear.gather @p0 [hbm4b:s25+s15], $0x320, $0x38;
	[tilespmem:$0x13D80] =	vst v63  }
0x3c: {  	s15 =	simm.s32 @p0 $0x4  }
0x3d: {  	_ =	swait.ge @p0 [sflag:s15], $0x320  }
0x3e: {  	[sflag:s15] =	ssyncset.done @p0 $0x0  }
0x3f: {  	[sflag:s15] =	ssyncadd.s32 @p0 $0xFFFFFCE0;
	s15 =	simm.s32 @!p0 $0x0  }
0x40: {  	[tilespmem:s15], [sflag:$0x4] =	stream.linear.gather @!p0 [hbm4b:s24+s15], $0xC80, $0x38;
	[tilespmem:$0x13D80] =	vst v63  }
0x41: {  	s15 =	simm.s32 @!p0 $0x4  }
0x42: {  	_ =	swait.ge @!p0 [sflag:s15], $0xC80  }
0x43: {  	[sflag:s15] =	ssyncset.done @!p0 $0x0  }
0x44: {  	[sflag:s15] =	ssyncadd.s32 @!p0 $0xFFFFF380  }
0x45: {  	[tilespmem:s7], [sflag:$0x1] =	stream.linear.gather [hbm4b:s2+s1], $0x4000, $0x38;
	[tilespmem:$0x13D80] =	vst v63  }
0x46: {  	_ = 	snop  }
0x47: {  	[tilespmem:s8], [sflag:$0x2] =	stream.linear.gather [hbm4b:s23+s1], $0x4000, $0x38;
	[tilespmem:$0x13D80] =	vst v63  }
0x48: {  	_ = 	snop  }
0x49: {  	[tilespmem:s9], [sflag:$0x3] =	stream.linear.gather [hbm4b:s0+s1], $0x4000, $0x38;
	[tilespmem:$0x13D80] =	vst v63  }
0x4a: {  	_ =	swait.ge [sflag:s10], $0x4000  }
0x4b: {  	s16 =	simm.s32 $0x0;
	[sflag:s10] =	ssyncset.done $0x0  }
0x4c: {  	s17 =	simm.s32 $0x0;
	s15 =	simm.s32 $0xCD00;
	[sflag:s10] =	ssyncadd.s32 $0xFFFFC000  }
.LBB2_2:
0x4d: {  	v31 =	vld [tilespmem:s16+$0x0];
	_ =	sdelay $0x4  }
0x4e: {  	vm0 =	vgt.s32 v31, $0x0  }
0x4f: {  	v31 =	vnsel vm0, $0x0, v31  }
0x50: {  	v31 =	vmin.u32 v31, $0x3F;
	_ =	sdelay $0x4  }
0x51: {  	v32 =	vmov s17;
	v31 =	vld.idx.msk [tilespmem:v31+s5+$0x0], $0xffff  }
0x52: {  	v32 =	vshll.u32 v32, $0x3  }
0x53: {  	v32 =	vor.u32 v15, v32  }
0x54: {  	v33 =	vmin.u32 v32, $0x3F8  }
0x55: {  	v33 =	vshll.u32 v33, $0x4  }
0x56: {  	v31 =	vadd.s32 v33, v31;
	_ =	sdelay $0x4  }
0x57: {  	v31 =	vld.idx.msk [tilespmem:v31+s7+$0x0], $0xffff  }
0x58: {  	v34 =	vor.u32 $0x2, v33;
	_ =	sdelay $0x3  }
0x59: {  	[tilespmem:s15+$0x0] =	vst v31  }
0x5a: {  	v31 =	vld.idx.msk [tilespmem:v34+s7+$0x0], $0xffff  }
0x5b: {  	v62 =	vor.u32 $0x3, v33;
	_ =	sdelay $0x3  }
0x5c: {  	[tilespmem:v32+s11+$0x0] =	vst.idx.msk $0xffff, v31  }
0x5d: {  	v63 =	vor.u32 $0x1, v32;
	v31 =	vld.idx.msk [tilespmem:v62+s7+$0x0], $0xffff  }
0x5e: {  	v33 =	vor.u32 $0x4, v33;
	_ =	sdelay $0x3  }
0x5f: {  	[tilespmem:v63+s11+$0x0] =	vst.idx.msk $0xffff, v31  }
0x60: {  	p1 =	sne.s32 s17, $0x70;
	v32 =	vor.u32 $0x2, v32;
	v31 =	vld.idx.msk [tilespmem:v33+s7+$0x0], $0xffff  }
.Ltmp0:
0x61: {  	_ = 	snop;
	(pc) =	sbr.rel @p1 .LBB2_2-.Ltmp0, $2  }
0x62: {  	_ =	sdelay $0x2  }
0x63: {  	s16 =	sadd.s32 $0x10, s16;
	s17 =	sadd.s32 $0x10, s17;
	s15 =	sadd.s32 $0x10, s15;
	[tilespmem:v32+s11+$0x0] =	vst.idx.msk $0xffff, v31  }
0x64: {  	s15 =	simm.s32 $0x0  }
0x65: {  	[tilespmem:s7], [sflag:$0x1] =	stream.linear.gather [hbm4b:s22+s15], $0x4000, $0x38;
	[tilespmem:$0x13D80] =	vst v63  }
0x66: {  	_ =	swait.ge [sflag:s12], $0x4000  }
0x67: {  	[sflag:s12] =	ssyncset.done $0x0  }
0x68: {  	s16 =	simm.s32 $0xCD80;
	s17 =	simm.s32 $0x80;
	[sflag:s12] =	ssyncadd.s32 $0xFFFFC000  }
.LBB2_4:
0x69: {  	v31 =	vld [tilespmem:s17+$0x0];
	_ =	sdelay $0x4  }
0x6a: {  	vm0 =	vgt.s32 v31, $0x0  }
0x6b: {  	v31 =	vnsel vm0, $0x0, v31  }
0x6c: {  	v31 =	vmin.u32 v31, $0x3F;
	_ =	sdelay $0x4  }
0x6d: {  	v32 =	vmov s15;
	v31 =	vld.idx.msk [tilespmem:v31+s5+$0x0], $0xffff  }
0x6e: {  	v32 =	vshll.u32 v32, $0x3  }
0x6f: {  	v33 =	vor.u32 v15, v32  }
0x70: {  	v33 =	vmin.u32 v33, $0x3F8  }
0x71: {  	v33 =	vshll.u32 v33, $0x4  }
0x72: {  	v31 =	vadd.s32 v33, v31;
	_ =	sdelay $0x4  }
0x73: {  	v31 =	vld.idx.msk [tilespmem:v31+s8+$0x0], $0xffff  }
0x74: {  	v34 =	vor.u32 $0x2, v33;
	_ =	sdelay $0x3  }
0x75: {  	[tilespmem:s16+$0x0] =	vst v31  }
0x76: {  	v32 =	vor.u32 v20, v32;
	v31 =	vld.idx.msk [tilespmem:v34+s8+$0x0], $0xffff  }
0x77: {  	v62 =	vor.u32 $0x3, v33;
	_ =	sdelay $0x3  }
0x78: {  	[tilespmem:v32+s11+$0x0] =	vst.idx.msk $0xffff, v31  }
0x79: {  	v63 =	vor.u32 $0x1, v32;
	v31 =	vld.idx.msk [tilespmem:v62+s8+$0x0], $0xffff  }
0x7a: {  	v33 =	vor.u32 $0x4, v33;
	_ =	sdelay $0x3  }
0x7b: {  	[tilespmem:v63+s11+$0x0] =	vst.idx.msk $0xffff, v31  }
0x7c: {  	p1 =	sne.s32 s15, $0x70;
	v32 =	vor.u32 $0x2, v32;
	v31 =	vld.idx.msk [tilespmem:v33+s8+$0x0], $0xffff  }
.Ltmp1:
0x7d: {  	_ = 	snop;
	(pc) =	sbr.rel @p1 .LBB2_4-.Ltmp1, $2  }
0x7e: {  	_ =	sdelay $0x2  }
0x7f: {  	s17 =	sadd.s32 $0x10, s17;
	s15 =	sadd.s32 $0x10, s15;
	s16 =	sadd.s32 $0x10, s16;
	[tilespmem:v32+s11+$0x0] =	vst.idx.msk $0xffff, v31  }
0x80: {  	s15 =	simm.s32 $0x0  }
0x81: {  	[tilespmem:s8], [sflag:$0x2] =	stream.linear.gather [hbm4b:s3+s15], $0x4000, $0x38;
	[tilespmem:$0x13D80] =	vst v63  }
0x82: {  	_ =	swait.ge [sflag:s13], $0x4000  }
0x83: {  	[sflag:s13] =	ssyncset.done $0x0  }
0x84: {  	s16 =	simm.s32 $0xCE00;
	s17 =	simm.s32 $0x100;
	[sflag:s13] =	ssyncadd.s32 $0xFFFFC000  }
.LBB2_6:
0x85: {  	v31 =	vld [tilespmem:s17+$0x0];
	_ =	sdelay $0x4  }
0x86: {  	vm0 =	vgt.s32 v31, $0x0  }
0x87: {  	v31 =	vnsel vm0, $0x0, v31  }
0x88: {  	v31 =	vmin.u32 v31, $0x3F;
	_ =	sdelay $0x4  }
0x89: {  	v32 =	vmov s15;
	v31 =	vld.idx.msk [tilespmem:v31+s5+$0x0], $0xffff  }
0x8a: {  	v32 =	vshll.u32 v32, $0x3  }
0x8b: {  	v33 =	vor.u32 v15, v32  }
0x8c: {  	v33 =	vmin.u32 v33, $0x3F8  }
0x8d: {  	v33 =	vshll.u32 v33, $0x4  }
0x8e: {  	v31 =	vadd.s32 v33, v31;
	_ =	sdelay $0x4  }
0x8f: {  	v31 =	vld.idx.msk [tilespmem:v31+s9+$0x0], $0xffff  }
0x90: {  	v34 =	vor.u32 $0x2, v33;
	_ =	sdelay $0x3  }
0x91: {  	[tilespmem:s16+$0x0] =	vst v31  }
0x92: {  	v32 =	vor.u32 v21, v32;
	v31 =	vld.idx.msk [tilespmem:v34+s9+$0x0], $0xffff  }
0x93: {  	v62 =	vor.u32 $0x3, v33;
	_ =	sdelay $0x3  }
0x94: {  	[tilespmem:v32+s11+$0x0] =	vst.idx.msk $0xffff, v31  }
0x95: {  	v63 =	vor.u32 $0x1, v32;
	v31 =	vld.idx.msk [tilespmem:v62+s9+$0x0], $0xffff  }
0x96: {  	v33 =	vor.u32 $0x4, v33;
	_ =	sdelay $0x3  }
0x97: {  	[tilespmem:v63+s11+$0x0] =	vst.idx.msk $0xffff, v31  }
0x98: {  	p1 =	sne.s32 s15, $0x70;
	v32 =	vor.u32 $0x2, v32;
	v31 =	vld.idx.msk [tilespmem:v33+s9+$0x0], $0xffff  }
.Ltmp2:
0x99: {  	_ = 	snop;
	(pc) =	sbr.rel @p1 .LBB2_6-.Ltmp2, $2  }
0x9a: {  	_ =	sdelay $0x2  }
0x9b: {  	s17 =	sadd.s32 $0x10, s17;
	s15 =	sadd.s32 $0x10, s15;
	s16 =	sadd.s32 $0x10, s16;
	[tilespmem:v32+s11+$0x0] =	vst.idx.msk $0xffff, v31  }
0x9c: {  	s15 =	simm.s32 $0x0  }
0x9d: {  	[tilespmem:s9], [sflag:$0x3] =	stream.linear.gather [hbm4b:s4+s15], $0x4000, $0x38;
	[tilespmem:$0x13D80] =	vst v63  }
0x9e: {  	_ =	swait.ge [sflag:s10], $0x4000  }
0x9f: {  	[sflag:s10] =	ssyncset.done $0x0  }
0xa0: {  	s16 =	simm.s32 $0xCE80;
	s17 =	simm.s32 $0x180;
	[sflag:s10] =	ssyncadd.s32 $0xFFFFC000  }
.LBB2_8:
0xa1: {  	v31 =	vld [tilespmem:s17+$0x0];
	_ =	sdelay $0x4  }
0xa2: {  	vm0 =	vgt.s32 v31, $0x0  }
0xa3: {  	v31 =	vnsel vm0, $0x0, v31  }
0xa4: {  	v31 =	vmin.u32 v31, $0x3F;
	_ =	sdelay $0x4  }
0xa5: {  	v32 =	vmov s15;
	v31 =	vld.idx.msk [tilespmem:v31+s5+$0x0], $0xffff  }
0xa6: {  	v32 =	vshll.u32 v32, $0x3  }
0xa7: {  	v33 =	vor.u32 v15, v32  }
0xa8: {  	v33 =	vmin.u32 v33, $0x3F8  }
0xa9: {  	v33 =	vshll.u32 v33, $0x4  }
0xaa: {  	v31 =	vadd.s32 v33, v31;
	_ =	sdelay $0x4  }
0xab: {  	v31 =	vld.idx.msk [tilespmem:v31+s7+$0x0], $0xffff  }
0xac: {  	v34 =	vor.u32 $0x2, v33;
	_ =	sdelay $0x3  }
0xad: {  	[tilespmem:s16+$0x0] =	vst v31  }
0xae: {  	v32 =	vor.u32 v22, v32;
	v31 =	vld.idx.msk [tilespmem:v34+s7+$0x0], $0xffff  }
0xaf: {  	v62 =	vor.u32 $0x3, v33;
	_ =	sdelay $0x3  }
0xb0: {  	[tilespmem:v32+s11+$0x0] =	vst.idx.msk $0xffff, v31  }
0xb1: {  	v63 =	vor.u32 $0x1, v32;
	v31 =	vld.idx.msk [tilespmem:v62+s7+$0x0], $0xffff  }
0xb2: {  	v33 =	vor.u32 $0x4, v33;
	_ =	sdelay $0x3  }
0xb3: {  	[tilespmem:v63+s11+$0x0] =	vst.idx.msk $0xffff, v31  }
0xb4: {  	p1 =	sne.s32 s15, $0x70;
	v32 =	vor.u32 $0x2, v32;
	v31 =	vld.idx.msk [tilespmem:v33+s7+$0x0], $0xffff  }
.Ltmp3:
0xb5: {  	_ = 	snop;
	(pc) =	sbr.rel @p1 .LBB2_8-.Ltmp3, $2  }
0xb6: {  	_ =	sdelay $0x2  }
0xb7: {  	s17 =	sadd.s32 $0x10, s17;
	s15 =	sadd.s32 $0x10, s15;
	s16 =	sadd.s32 $0x10, s16;
	[tilespmem:v32+s11+$0x0] =	vst.idx.msk $0xffff, v31  }
0xb8: {  	s15 =	simm.s32 $0x0;
	s16 =	rddreg [dreg:$0x6]  }
0xb9: {  	[tilespmem:s7], [sflag:$0x1] =	stream.linear.gather [hbm4b:s16+s15], $0x4000, $0x38;
	[tilespmem:$0x13D80] =	vst v63  }
0xba: {  	_ =	swait.ge [sflag:s12], $0x4000  }
0xbb: {  	[sflag:s12] =	ssyncset.done $0x0  }
0xbc: {  	s17 =	simm.s32 $0x200;
	s16 =	simm.s32 $0xCF00;
	[sflag:s12] =	ssyncadd.s32 $0xFFFFC000  }
.LBB2_10:
0xbd: {  	v31 =	vld [tilespmem:s17+$0x0];
	_ =	sdelay $0x4  }
0xbe: {  	vm0 =	vgt.s32 v31, $0x0  }
0xbf: {  	v31 =	vnsel vm0, $0x0, v31  }
0xc0: {  	v31 =	vmin.u32 v31, $0x3F;
	_ =	sdelay $0x4  }
0xc1: {  	v32 =	vmov s15;
	v31 =	vld.idx.msk [tilespmem:v31+s5+$0x0], $0xffff  }
0xc2: {  	v32 =	vshll.u32 v32, $0x3  }
0xc3: {  	v33 =	vor.u32 v15, v32  }
0xc4: {  	v33 =	vmin.u32 v33, $0x3F8  }
0xc5: {  	v33 =	vshll.u32 v33, $0x4  }
0xc6: {  	v31 =	vadd.s32 v33, v31;
	_ =	sdelay $0x4  }
0xc7: {  	v31 =	vld.idx.msk [tilespmem:v31+s8+$0x0], $0xffff  }
0xc8: {  	v34 =	vor.u32 $0x2, v33;
	_ =	sdelay $0x3  }
0xc9: {  	[tilespmem:s16+$0x0] =	vst v31  }
0xca: {  	v32 =	vor.u32 v23, v32;
	v31 =	vld.idx.msk [tilespmem:v34+s8+$0x0], $0xffff  }
0xcb: {  	v62 =	vor.u32 $0x3, v33;
	_ =	sdelay $0x3  }
0xcc: {  	[tilespmem:v32+s11+$0x0] =	vst.idx.msk $0xffff, v31  }
0xcd: {  	v63 =	vor.u32 $0x1, v32;
	v31 =	vld.idx.msk [tilespmem:v62+s8+$0x0], $0xffff  }
0xce: {  	v33 =	vor.u32 $0x4, v33;
	_ =	sdelay $0x3  }
0xcf: {  	[tilespmem:v63+s11+$0x0] =	vst.idx.msk $0xffff, v31  }
0xd0: {  	p1 =	sne.s32 s15, $0x70;
	v32 =	vor.u32 $0x2, v32;
	v31 =	vld.idx.msk [tilespmem:v33+s8+$0x0], $0xffff  }
.Ltmp4:
0xd1: {  	_ = 	snop;
	(pc) =	sbr.rel @p1 .LBB2_10-.Ltmp4, $2  }
0xd2: {  	_ =	sdelay $0x2  }
0xd3: {  	s17 =	sadd.s32 $0x10, s17;
	s15 =	sadd.s32 $0x10, s15;
	s16 =	sadd.s32 $0x10, s16;
	[tilespmem:v32+s11+$0x0] =	vst.idx.msk $0xffff, v31  }
0xd4: {  	s15 =	simm.s32 $0x0;
	s16 =	rddreg [dreg:$0x7]  }
0xd5: {  	[tilespmem:s8], [sflag:$0x2] =	stream.linear.gather [hbm4b:s16+s15], $0x4000, $0x38;
	[tilespmem:$0x13D80] =	vst v63  }
0xd6: {  	_ =	swait.ge [sflag:s13], $0x4000  }
0xd7: {  	[sflag:s13] =	ssyncset.done $0x0  }
0xd8: {  	s17 =	simm.s32 $0x280;
	s16 =	simm.s32 $0xCF80;
	[sflag:s13] =	ssyncadd.s32 $0xFFFFC000  }
.LBB2_12:
0xd9: {  	v31 =	vld [tilespmem:s17+$0x0];
	_ =	sdelay $0x4  }
0xda: {  	vm0 =	vgt.s32 v31, $0x0  }
0xdb: {  	v31 =	vnsel vm0, $0x0, v31  }
0xdc: {  	v31 =	vmin.u32 v31, $0x3F;
	_ =	sdelay $0x4  }
0xdd: {  	v32 =	vmov s15;
	v31 =	vld.idx.msk [tilespmem:v31+s5+$0x0], $0xffff  }
0xde: {  	v32 =	vshll.u32 v32, $0x3  }
0xdf: {  	v33 =	vor.u32 v15, v32  }
0xe0: {  	v33 =	vmin.u32 v33, $0x3F8  }
0xe1: {  	v33 =	vshll.u32 v33, $0x4  }
0xe2: {  	v31 =	vadd.s32 v33, v31;
	_ =	sdelay $0x4  }
0xe3: {  	v31 =	vld.idx.msk [tilespmem:v31+s9+$0x0], $0xffff  }
0xe4: {  	v34 =	vor.u32 $0x2, v33;
	_ =	sdelay $0x3  }
0xe5: {  	[tilespmem:s16+$0x0] =	vst v31  }
0xe6: {  	v32 =	vor.u32 v24, v32;
	v31 =	vld.idx.msk [tilespmem:v34+s9+$0x0], $0xffff  }
0xe7: {  	v62 =	vor.u32 $0x3, v33;
	_ =	sdelay $0x3  }
0xe8: {  	[tilespmem:v32+s11+$0x0] =	vst.idx.msk $0xffff, v31  }
0xe9: {  	v63 =	vor.u32 $0x1, v32;
	v31 =	vld.idx.msk [tilespmem:v62+s9+$0x0], $0xffff  }
0xea: {  	v33 =	vor.u32 $0x4, v33;
	_ =	sdelay $0x3  }
0xeb: {  	[tilespmem:v63+s11+$0x0] =	vst.idx.msk $0xffff, v31  }
0xec: {  	p1 =	sne.s32 s15, $0x70;
	v32 =	vor.u32 $0x2, v32;
	v31 =	vld.idx.msk [tilespmem:v33+s9+$0x0], $0xffff  }
.Ltmp5:
0xed: {  	_ = 	snop;
	(pc) =	sbr.rel @p1 .LBB2_12-.Ltmp5, $2  }
0xee: {  	_ =	sdelay $0x2  }
0xef: {  	s17 =	sadd.s32 $0x10, s17;
	s15 =	sadd.s32 $0x10, s15;
	s16 =	sadd.s32 $0x10, s16;
	[tilespmem:v32+s11+$0x0] =	vst.idx.msk $0xffff, v31  }
0xf0: {  	s15 =	simm.s32 $0x0;
	s16 =	rddreg [dreg:$0x8]  }
0xf1: {  	[tilespmem:s9], [sflag:$0x3] =	stream.linear.gather [hbm4b:s16+s15], $0x4000, $0x38;
	[tilespmem:$0x13D80] =	vst v63  }
0xf2: {  	_ =	swait.ge [sflag:s10], $0x4000  }
0xf3: {  	[sflag:s10] =	ssyncset.done $0x0  }
0xf4: {  	s17 =	simm.s32 $0x300;
	s16 =	simm.s32 $0xD000;
	[sflag:s10] =	ssyncadd.s32 $0xFFFFC000  }
.LBB2_14:
0xf5: {  	v31 =	vld [tilespmem:s17+$0x0];
	_ =	sdelay $0x4  }
0xf6: {  	vm0 =	vgt.s32 v31, $0x0  }
0xf7: {  	v31 =	vnsel vm0, $0x0, v31  }
0xf8: {  	v31 =	vmin.u32 v31, $0x3F;
	_ =	sdelay $0x2  }
0xf9: {  	v32 =	vmov s15  }
0xfa: {  	v32 =	vshll.u32 v32, $0x3  }
0xfb: {  	v33 =	vor.u32 v15, v32;
	v31 =	vld.idx.msk [tilespmem:v31+s5+$0x0], $0xffff  }
0xfc: {  	v33 =	vadd.s32 v0, v33  }
0xfd: {  	vm15 =	vlt.s32 v33, $0x3F8  }
0xfe: {  	v33 =	vnsel vm15, $0x3F8, v33  }
0xff: {  	v33 =	vshll.u32 v33, $0x4  }
0x100: {  	v31 =	vadd.s32 v33, v31;
	_ =	sdelay $0x4  }
0x101: {  	v31 =	vld.idx.msk [tilespmem:v31+s7+$0x0], $0xffff  }
0x102: {  	v34 =	vor.u32 $0x2, v33;
	_ =	sdelay $0x3  }
0x103: {  	[tilespmem:s16+$0x0] =	vst v31  }
0x104: {  	v32 =	vor.u32 v25, v32;
	v31 =	vld.idx.msk [tilespmem:v34+s7+$0x0], $0xffff  }
0x105: {  	v62 =	vor.u32 $0x3, v33;
	_ =	sdelay $0x3  }
0x106: {  	[tilespmem:v32+s11+$0x0] =	vst.idx.msk $0xffff, v31  }
0x107: {  	v63 =	vor.u32 $0x1, v32;
	v31 =	vld.idx.msk [tilespmem:v62+s7+$0x0], $0xffff  }
0x108: {  	v33 =	vor.u32 $0x4, v33;
	_ =	sdelay $0x3  }
0x109: {  	[tilespmem:v63+s11+$0x0] =	vst.idx.msk $0xffff, v31  }
0x10a: {  	p1 =	sne.s32 s15, $0x70;
	v32 =	vor.u32 $0x2, v32;
	v31 =	vld.idx.msk [tilespmem:v33+s7+$0x0], $0xffff  }
.Ltmp6:
0x10b: {  	_ = 	snop;
	(pc) =	sbr.rel @p1 .LBB2_14-.Ltmp6, $2  }
0x10c: {  	_ =	sdelay $0x2  }
0x10d: {  	s17 =	sadd.s32 $0x10, s17;
	s15 =	sadd.s32 $0x10, s15;
	s16 =	sadd.s32 $0x10, s16;
	[tilespmem:v32+s11+$0x0] =	vst.idx.msk $0xffff, v31  }
0x10e: {  	s15 =	simm.s32 $0x0;
	s16 =	rddreg [dreg:$0x9]  }
0x10f: {  	[tilespmem:s7], [sflag:$0x1] =	stream.linear.gather [hbm4b:s16+s15], $0x4000, $0x38;
	[tilespmem:$0x13D80] =	vst v63  }
0x110: {  	_ =	swait.ge [sflag:s12], $0x4000  }
0x111: {  	[sflag:s12] =	ssyncset.done $0x0  }
0x112: {  	s17 =	simm.s32 $0x380;
	s16 =	simm.s32 $0xD080;
	[sflag:s12] =	ssyncadd.s32 $0xFFFFC000  }
.LBB2_16:
0x113: {  	v31 =	vld [tilespmem:s17+$0x0];
	_ =	sdelay $0x4  }
0x114: {  	vm0 =	vgt.s32 v31, $0x0  }
0x115: {  	v31 =	vnsel vm0, $0x0, v31  }
0x116: {  	v31 =	vmin.u32 v31, $0x3F;
	_ =	sdelay $0x2  }
0x117: {  	v32 =	vmov s15  }
0x118: {  	v32 =	vshll.u32 v32, $0x3  }
0x119: {  	v33 =	vor.u32 v15, v32;
	v31 =	vld.idx.msk [tilespmem:v31+s5+$0x0], $0xffff  }
0x11a: {  	v33 =	vadd.s32 v1, v33  }
0x11b: {  	vm15 =	vlt.s32 v33, $0x3F8  }
0x11c: {  	v33 =	vnsel vm15, $0x3F8, v33  }
0x11d: {  	v33 =	vshll.u32 v33, $0x4  }
0x11e: {  	v31 =	vadd.s32 v33, v31;
	_ =	sdelay $0x4  }
0x11f: {  	v31 =	vld.idx.msk [tilespmem:v31+s8+$0x0], $0xffff  }
0x120: {  	v34 =	vor.u32 $0x2, v33;
	_ =	sdelay $0x3  }
0x121: {  	[tilespmem:s16+$0x0] =	vst v31  }
0x122: {  	v32 =	vor.u32 v26, v32;
	v31 =	vld.idx.msk [tilespmem:v34+s8+$0x0], $0xffff  }
0x123: {  	v62 =	vor.u32 $0x3, v33;
	_ =	sdelay $0x3  }
0x124: {  	[tilespmem:v32+s11+$0x0] =	vst.idx.msk $0xffff, v31  }
0x125: {  	v63 =	vor.u32 $0x1, v32;
	v31 =	vld.idx.msk [tilespmem:v62+s8+$0x0], $0xffff  }
0x126: {  	v33 =	vor.u32 $0x4, v33;
	_ =	sdelay $0x3  }
0x127: {  	[tilespmem:v63+s11+$0x0] =	vst.idx.msk $0xffff, v31  }
0x128: {  	p1 =	sne.s32 s15, $0x70;
	v32 =	vor.u32 $0x2, v32;
	v31 =	vld.idx.msk [tilespmem:v33+s8+$0x0], $0xffff  }
.Ltmp7:
0x129: {  	_ = 	snop;
	(pc) =	sbr.rel @p1 .LBB2_16-.Ltmp7, $2  }
0x12a: {  	_ =	sdelay $0x2  }
0x12b: {  	s17 =	sadd.s32 $0x10, s17;
	s15 =	sadd.s32 $0x10, s15;
	s16 =	sadd.s32 $0x10, s16;
	[tilespmem:v32+s11+$0x0] =	vst.idx.msk $0xffff, v31  }
0x12c: {  	s15 =	simm.s32 $0x0;
	s16 =	rddreg [dreg:$0xa]  }
0x12d: {  	[tilespmem:s8], [sflag:$0x2] =	stream.linear.gather [hbm4b:s16+s15], $0x4000, $0x38;
	[tilespmem:$0x13D80] =	vst v63  }
0x12e: {  	_ =	swait.ge [sflag:s13], $0x4000  }
0x12f: {  	[sflag:s13] =	ssyncset.done $0x0  }
0x130: {  	s17 =	simm.s32 $0x400;
	s16 =	simm.s32 $0xD100;
	[sflag:s13] =	ssyncadd.s32 $0xFFFFC000  }
.LBB2_18:
0x131: {  	v31 =	vld [tilespmem:s17+$0x0];
	_ =	sdelay $0x4  }
0x132: {  	vm0 =	vgt.s32 v31, $0x0  }
0x133: {  	v31 =	vnsel vm0, $0x0, v31  }
0x134: {  	v31 =	vmin.u32 v31, $0x3F;
	_ =	sdelay $0x2  }
0x135: {  	v32 =	vmov s15  }
0x136: {  	v32 =	vshll.u32 v32, $0x3  }
0x137: {  	v33 =	vor.u32 v15, v32;
	v31 =	vld.idx.msk [tilespmem:v31+s5+$0x0], $0xffff  }
0x138: {  	v33 =	vadd.s32 v2, v33  }
0x139: {  	vm15 =	vlt.s32 v33, $0x3F8  }
0x13a: {  	v33 =	vnsel vm15, $0x3F8, v33  }
0x13b: {  	v33 =	vshll.u32 v33, $0x4  }
0x13c: {  	v31 =	vadd.s32 v33, v31;
	_ =	sdelay $0x4  }
0x13d: {  	v31 =	vld.idx.msk [tilespmem:v31+s9+$0x0], $0xffff  }
0x13e: {  	v34 =	vor.u32 $0x2, v33;
	_ =	sdelay $0x3  }
0x13f: {  	[tilespmem:s16+$0x0] =	vst v31  }
0x140: {  	v32 =	vor.u32 v27, v32;
	v31 =	vld.idx.msk [tilespmem:v34+s9+$0x0], $0xffff  }
0x141: {  	v62 =	vor.u32 $0x3, v33;
	_ =	sdelay $0x3  }
0x142: {  	[tilespmem:v32+s11+$0x0] =	vst.idx.msk $0xffff, v31  }
0x143: {  	v63 =	vor.u32 $0x1, v32;
	v31 =	vld.idx.msk [tilespmem:v62+s9+$0x0], $0xffff  }
0x144: {  	v33 =	vor.u32 $0x4, v33;
	_ =	sdelay $0x3  }
0x145: {  	[tilespmem:v63+s11+$0x0] =	vst.idx.msk $0xffff, v31  }
0x146: {  	p1 =	sne.s32 s15, $0x70;
	v32 =	vor.u32 $0x2, v32;
	v31 =	vld.idx.msk [tilespmem:v33+s9+$0x0], $0xffff  }
.Ltmp8:
0x147: {  	_ = 	snop;
	(pc) =	sbr.rel @p1 .LBB2_18-.Ltmp8, $2  }
0x148: {  	_ =	sdelay $0x2  }
0x149: {  	s17 =	sadd.s32 $0x10, s17;
	s15 =	sadd.s32 $0x10, s15;
	s16 =	sadd.s32 $0x10, s16;
	[tilespmem:v32+s11+$0x0] =	vst.idx.msk $0xffff, v31  }
0x14a: {  	s15 =	simm.s32 $0x0;
	s16 =	rddreg [dreg:$0xb]  }
0x14b: {  	[tilespmem:s9], [sflag:$0x3] =	stream.linear.gather [hbm4b:s16+s15], $0x4000, $0x38;
	[tilespmem:$0x13D80] =	vst v63  }
0x14c: {  	_ =	swait.ge [sflag:s10], $0x4000  }
0x14d: {  	[sflag:s10] =	ssyncset.done $0x0  }
0x14e: {  	s17 =	simm.s32 $0x480;
	s16 =	simm.s32 $0xD180;
	[sflag:s10] =	ssyncadd.s32 $0xFFFFC000  }
.LBB2_20:
0x14f: {  	v31 =	vld [tilespmem:s17+$0x0];
	_ =	sdelay $0x4  }
0x150: {  	vm0 =	vgt.s32 v31, $0x0  }
0x151: {  	v31 =	vnsel vm0, $0x0, v31  }
0x152: {  	v31 =	vmin.u32 v31, $0x3F;
	_ =	sdelay $0x2  }
0x153: {  	v32 =	vmov s15  }
0x154: {  	v32 =	vshll.u32 v32, $0x3  }
0x155: {  	v33 =	vor.u32 v15, v32;
	v31 =	vld.idx.msk [tilespmem:v31+s5+$0x0], $0xffff  }
0x156: {  	v33 =	vadd.s32 v3, v33  }
0x157: {  	vm15 =	vlt.s32 v33, $0x3F8  }
0x158: {  	v33 =	vnsel vm15, $0x3F8, v33  }
0x159: {  	v33 =	vshll.u32 v33, $0x4  }
0x15a: {  	v31 =	vadd.s32 v33, v31;
	_ =	sdelay $0x4  }
0x15b: {  	v31 =	vld.idx.msk [tilespmem:v31+s7+$0x0], $0xffff  }
0x15c: {  	v34 =	vor.u32 $0x2, v33;
	_ =	sdelay $0x3  }
0x15d: {  	[tilespmem:s16+$0x0] =	vst v31  }
0x15e: {  	v32 =	vor.u32 v28, v32;
	v31 =	vld.idx.msk [tilespmem:v34+s7+$0x0], $0xffff  }
0x15f: {  	v62 =	vor.u32 $0x3, v33;
	_ =	sdelay $0x3  }
0x160: {  	[tilespmem:v32+s11+$0x0] =	vst.idx.msk $0xffff, v31  }
0x161: {  	v63 =	vor.u32 $0x1, v32;
	v31 =	vld.idx.msk [tilespmem:v62+s7+$0x0], $0xffff  }
0x162: {  	v33 =	vor.u32 $0x4, v33;
	_ =	sdelay $0x3  }
0x163: {  	[tilespmem:v63+s11+$0x0] =	vst.idx.msk $0xffff, v31  }
0x164: {  	p1 =	sne.s32 s15, $0x70;
	v32 =	vor.u32 $0x2, v32;
	v31 =	vld.idx.msk [tilespmem:v33+s7+$0x0], $0xffff  }
.Ltmp9:
0x165: {  	_ = 	snop;
	(pc) =	sbr.rel @p1 .LBB2_20-.Ltmp9, $2  }
0x166: {  	_ =	sdelay $0x2  }
0x167: {  	s17 =	sadd.s32 $0x10, s17;
	s15 =	sadd.s32 $0x10, s15;
	s16 =	sadd.s32 $0x10, s16;
	[tilespmem:v32+s11+$0x0] =	vst.idx.msk $0xffff, v31  }
0x168: {  	s15 =	simm.s32 $0x0;
	s16 =	rddreg [dreg:$0xc]  }
0x169: {  	[tilespmem:s7], [sflag:$0x1] =	stream.linear.gather [hbm4b:s16+s15], $0x4000, $0x38;
	[tilespmem:$0x13D80] =	vst v63  }
0x16a: {  	_ =	swait.ge [sflag:s12], $0x4000  }
0x16b: {  	[sflag:s12] =	ssyncset.done $0x0  }
0x16c: {  	s17 =	simm.s32 $0x500;
	s16 =	simm.s32 $0xD200;
	[sflag:s12] =	ssyncadd.s32 $0xFFFFC000  }
.LBB2_22:
0x16d: {  	v31 =	vld [tilespmem:s17+$0x0];
	_ =	sdelay $0x4  }
0x16e: {  	vm0 =	vgt.s32 v31, $0x0  }
0x16f: {  	v31 =	vnsel vm0, $0x0, v31  }
0x170: {  	v31 =	vmin.u32 v31, $0x3F;
	_ =	sdelay $0x2  }
0x171: {  	v32 =	vmov s15  }
0x172: {  	v32 =	vshll.u32 v32, $0x3  }
0x173: {  	v33 =	vor.u32 v15, v32;
	v31 =	vld.idx.msk [tilespmem:v31+s5+$0x0], $0xffff  }
0x174: {  	v33 =	vadd.s32 v4, v33  }
0x175: {  	vm15 =	vlt.s32 v33, $0x3F8  }
0x176: {  	v33 =	vnsel vm15, $0x3F8, v33  }
0x177: {  	v33 =	vshll.u32 v33, $0x4  }
0x178: {  	v31 =	vadd.s32 v33, v31;
	_ =	sdelay $0x4  }
0x179: {  	v31 =	vld.idx.msk [tilespmem:v31+s8+$0x0], $0xffff  }
0x17a: {  	v34 =	vor.u32 $0x2, v33;
	_ =	sdelay $0x3  }
0x17b: {  	[tilespmem:s16+$0x0] =	vst v31  }
0x17c: {  	v32 =	vor.u32 v29, v32;
	v31 =	vld.idx.msk [tilespmem:v34+s8+$0x0], $0xffff  }
0x17d: {  	v62 =	vor.u32 $0x3, v33;
	_ =	sdelay $0x3  }
0x17e: {  	[tilespmem:v32+s11+$0x0] =	vst.idx.msk $0xffff, v31  }
0x17f: {  	v63 =	vor.u32 $0x1, v32;
	v31 =	vld.idx.msk [tilespmem:v62+s8+$0x0], $0xffff  }
0x180: {  	v33 =	vor.u32 $0x4, v33;
	_ =	sdelay $0x3  }
0x181: {  	[tilespmem:v63+s11+$0x0] =	vst.idx.msk $0xffff, v31  }
0x182: {  	p1 =	sne.s32 s15, $0x70;
	v32 =	vor.u32 $0x2, v32;
	v31 =	vld.idx.msk [tilespmem:v33+s8+$0x0], $0xffff  }
.Ltmp10:
0x183: {  	_ = 	snop;
	(pc) =	sbr.rel @p1 .LBB2_22-.Ltmp10, $2  }
0x184: {  	_ =	sdelay $0x2  }
0x185: {  	s17 =	sadd.s32 $0x10, s17;
	s15 =	sadd.s32 $0x10, s15;
	s16 =	sadd.s32 $0x10, s16;
	[tilespmem:v32+s11+$0x0] =	vst.idx.msk $0xffff, v31  }
0x186: {  	s15 =	simm.s32 $0x0;
	s16 =	rddreg [dreg:$0xd]  }
0x187: {  	[tilespmem:s8], [sflag:$0x2] =	stream.linear.gather [hbm4b:s16+s15], $0x4000, $0x38;
	[tilespmem:$0x13D80] =	vst v63  }
0x188: {  	_ =	swait.ge [sflag:s13], $0x4000  }
0x189: {  	[sflag:s13] =	ssyncset.done $0x0  }
0x18a: {  	s17 =	simm.s32 $0x580;
	s16 =	simm.s32 $0xD280;
	[sflag:s13] =	ssyncadd.s32 $0xFFFFC000  }
.LBB2_24:
0x18b: {  	v31 =	vld [tilespmem:s17+$0x0];
	_ =	sdelay $0x4  }
0x18c: {  	vm0 =	vgt.s32 v31, $0x0  }
0x18d: {  	v31 =	vnsel vm0, $0x0, v31  }
0x18e: {  	v31 =	vmin.u32 v31, $0x3F;
	_ =	sdelay $0x2  }
0x18f: {  	v32 =	vmov s15  }
0x190: {  	v32 =	vshll.u32 v32, $0x3  }
0x191: {  	v33 =	vor.u32 v15, v32;
	v31 =	vld.idx.msk [tilespmem:v31+s5+$0x0], $0xffff  }
0x192: {  	v33 =	vadd.s32 v5, v33  }
0x193: {  	vm15 =	vlt.s32 v33, $0x3F8  }
0x194: {  	v33 =	vnsel vm15, $0x3F8, v33  }
0x195: {  	v33 =	vshll.u32 v33, $0x4  }
0x196: {  	v31 =	vadd.s32 v33, v31;
	_ =	sdelay $0x4  }
0x197: {  	v31 =	vld.idx.msk [tilespmem:v31+s9+$0x0], $0xffff  }
0x198: {  	v34 =	vor.u32 $0x2, v33;
	_ =	sdelay $0x3  }
0x199: {  	[tilespmem:s16+$0x0] =	vst v31  }
0x19a: {  	v32 =	vor.u32 v30, v32;
	v31 =	vld.idx.msk [tilespmem:v34+s9+$0x0], $0xffff  }
0x19b: {  	v62 =	vor.u32 $0x3, v33;
	_ =	sdelay $0x3  }
0x19c: {  	[tilespmem:v32+s11+$0x0] =	vst.idx.msk $0xffff, v31  }
0x19d: {  	v63 =	vor.u32 $0x1, v32;
	v31 =	vld.idx.msk [tilespmem:v62+s9+$0x0], $0xffff  }
0x19e: {  	v33 =	vor.u32 $0x4, v33;
	_ =	sdelay $0x3  }
0x19f: {  	[tilespmem:v63+s11+$0x0] =	vst.idx.msk $0xffff, v31  }
0x1a0: {  	p1 =	sne.s32 s15, $0x70;
	v32 =	vor.u32 $0x2, v32;
	v31 =	vld.idx.msk [tilespmem:v33+s9+$0x0], $0xffff  }
.Ltmp11:
0x1a1: {  	_ = 	snop;
	(pc) =	sbr.rel @p1 .LBB2_24-.Ltmp11, $2  }
0x1a2: {  	_ =	sdelay $0x2  }
0x1a3: {  	s17 =	sadd.s32 $0x10, s17;
	s15 =	sadd.s32 $0x10, s15;
	s16 =	sadd.s32 $0x10, s16;
	[tilespmem:v32+s11+$0x0] =	vst.idx.msk $0xffff, v31  }
0x1a4: {  	s15 =	simm.s32 $0x0;
	s16 =	rddreg [dreg:$0xe]  }
0x1a5: {  	[tilespmem:s9], [sflag:$0x3] =	stream.linear.gather [hbm4b:s16+s15], $0x4000, $0x38;
	[tilespmem:$0x13D80] =	vst v63  }
0x1a6: {  	_ =	swait.ge [sflag:s10], $0x4000  }
0x1a7: {  	[sflag:s10] =	ssyncset.done $0x0  }
0x1a8: {  	s17 =	simm.s32 $0x600;
	s16 =	simm.s32 $0xD300;
	[sflag:s10] =	ssyncadd.s32 $0xFFFFC000  }
.LBB2_26:
0x1a9: {  	v31 =	vld [tilespmem:s17+$0x0];
	_ =	sdelay $0x4  }
0x1aa: {  	vm0 =	vgt.s32 v31, $0x0  }
0x1ab: {  	v31 =	vnsel vm0, $0x0, v31  }
0x1ac: {  	v31 =	vmin.u32 v31, $0x3F;
	_ =	sdelay $0x2  }
0x1ad: {  	v32 =	vmov s15  }
0x1ae: {  	v32 =	vshll.u32 v32, $0x3  }
0x1af: {  	v33 =	vor.u32 v15, v32;
	v31 =	vld.idx.msk [tilespmem:v31+s5+$0x0], $0xffff  }
0x1b0: {  	v33 =	vadd.s32 v6, v33  }
0x1b1: {  	vm15 =	vlt.s32 v33, $0x3F8  }
0x1b2: {  	v33 =	vnsel vm15, $0x3F8, v33  }
0x1b3: {  	v33 =	vshll.u32 v33, $0x4  }
0x1b4: {  	v31 =	vadd.s32 v33, v31;
	_ =	sdelay $0x4  }
0x1b5: {  	v31 =	vld.idx.msk [tilespmem:v31+s7+$0x0], $0xffff  }
0x1b6: {  	v34 =	vor.u32 $0x2, v33;
	_ =	sdelay $0x3  }
0x1b7: {  	[tilespmem:s16+$0x0] =	vst v31;
	v31 =	vor.u32 $0x3000, v15  }
0x1b8: {  	v34 =	vld.idx.msk [tilespmem:v34+s7+$0x0], $0xffff;
	v31 =	vor.u32 v31, v32  }
0x1b9: {  	v62 =	vor.u32 $0x3, v33;
	_ =	sdelay $0x3  }
0x1ba: {  	[tilespmem:v31+s11+$0x0] =	vst.idx.msk $0xffff, v34  }
0x1bb: {  	v63 =	vor.u32 $0x1, v31;
	v32 =	vld.idx.msk [tilespmem:v62+s7+$0x0], $0xffff  }
0x1bc: {  	v33 =	vor.u32 $0x4, v33;
	_ =	sdelay $0x3  }
0x1bd: {  	[tilespmem:v63+s11+$0x0] =	vst.idx.msk $0xffff, v32  }
0x1be: {  	p1 =	sne.s32 s15, $0x70;
	v31 =	vor.u32 $0x2, v31;
	v32 =	vld.idx.msk [tilespmem:v33+s7+$0x0], $0xffff  }
.Ltmp12:
0x1bf: {  	_ = 	snop;
	(pc) =	sbr.rel @p1 .LBB2_26-.Ltmp12, $2  }
0x1c0: {  	_ =	sdelay $0x2  }
0x1c1: {  	s17 =	sadd.s32 $0x10, s17;
	s15 =	sadd.s32 $0x10, s15;
	s16 =	sadd.s32 $0x10, s16;
	[tilespmem:v31+s11+$0x0] =	vst.idx.msk $0xffff, v32  }
0x1c2: {  	s15 =	simm.s32 $0x0;
	s16 =	rddreg [dreg:$0xf]  }
0x1c3: {  	[tilespmem:s7], [sflag:$0x1] =	stream.linear.gather [hbm4b:s16+s15], $0x4000, $0x38;
	[tilespmem:$0x13D80] =	vst v63  }
0x1c4: {  	_ =	swait.ge [sflag:s12], $0x4000  }
0x1c5: {  	[sflag:s12] =	ssyncset.done $0x0  }
0x1c6: {  	s17 =	simm.s32 $0x680;
	s16 =	simm.s32 $0xD380;
	[sflag:s12] =	ssyncadd.s32 $0xFFFFC000  }
.LBB2_28:
0x1c7: {  	v31 =	vld [tilespmem:s17+$0x0];
	_ =	sdelay $0x4  }
0x1c8: {  	vm0 =	vgt.s32 v31, $0x0  }
0x1c9: {  	v31 =	vnsel vm0, $0x0, v31  }
0x1ca: {  	v31 =	vmin.u32 v31, $0x3F;
	_ =	sdelay $0x2  }
0x1cb: {  	v32 =	vmov s15  }
0x1cc: {  	v32 =	vshll.u32 v32, $0x3  }
0x1cd: {  	v33 =	vor.u32 v15, v32;
	v31 =	vld.idx.msk [tilespmem:v31+s5+$0x0], $0xffff  }
0x1ce: {  	v33 =	vadd.s32 v7, v33  }
0x1cf: {  	vm15 =	vlt.s32 v33, $0x3F8  }
0x1d0: {  	v33 =	vnsel vm15, $0x3F8, v33  }
0x1d1: {  	v33 =	vshll.u32 v33, $0x4  }
0x1d2: {  	v31 =	vadd.s32 v33, v31;
	_ =	sdelay $0x4  }
0x1d3: {  	v31 =	vld.idx.msk [tilespmem:v31+s8+$0x0], $0xffff  }
0x1d4: {  	v34 =	vor.u32 $0x2, v33;
	_ =	sdelay $0x3  }
0x1d5: {  	[tilespmem:s16+$0x0] =	vst v31;
	v31 =	vor.u32 $0x3400, v15  }
0x1d6: {  	v34 =	vld.idx.msk [tilespmem:v34+s8+$0x0], $0xffff;
	v31 =	vor.u32 v31, v32  }
0x1d7: {  	v62 =	vor.u32 $0x3, v33;
	_ =	sdelay $0x3  }
0x1d8: {  	[tilespmem:v31+s11+$0x0] =	vst.idx.msk $0xffff, v34  }
0x1d9: {  	v63 =	vor.u32 $0x1, v31;
	v32 =	vld.idx.msk [tilespmem:v62+s8+$0x0], $0xffff  }
0x1da: {  	v33 =	vor.u32 $0x4, v33;
	_ =	sdelay $0x3  }
0x1db: {  	[tilespmem:v63+s11+$0x0] =	vst.idx.msk $0xffff, v32  }
0x1dc: {  	p1 =	sne.s32 s15, $0x70;
	v31 =	vor.u32 $0x2, v31;
	v32 =	vld.idx.msk [tilespmem:v33+s8+$0x0], $0xffff  }
.Ltmp13:
0x1dd: {  	_ = 	snop;
	(pc) =	sbr.rel @p1 .LBB2_28-.Ltmp13, $2  }
0x1de: {  	_ =	sdelay $0x2  }
0x1df: {  	s17 =	sadd.s32 $0x10, s17;
	s15 =	sadd.s32 $0x10, s15;
	s16 =	sadd.s32 $0x10, s16;
	[tilespmem:v31+s11+$0x0] =	vst.idx.msk $0xffff, v32  }
0x1e0: {  	s15 =	simm.s32 $0x0;
	s16 =	rddreg [dreg:$0x10]  }
0x1e1: {  	[tilespmem:s8], [sflag:$0x2] =	stream.linear.gather [hbm4b:s16+s15], $0x4000, $0x38;
	[tilespmem:$0x13D80] =	vst v63  }
0x1e2: {  	_ =	swait.ge [sflag:s13], $0x4000  }
0x1e3: {  	[sflag:s13] =	ssyncset.done $0x0  }
0x1e4: {  	s17 =	simm.s32 $0x700;
	s16 =	simm.s32 $0xD400;
	[sflag:s13] =	ssyncadd.s32 $0xFFFFC000  }
.LBB2_30:
0x1e5: {  	v31 =	vld [tilespmem:s17+$0x0];
	_ =	sdelay $0x4  }
0x1e6: {  	vm0 =	vgt.s32 v31, $0x0  }
0x1e7: {  	v31 =	vnsel vm0, $0x0, v31  }
0x1e8: {  	v31 =	vmin.u32 v31, $0x3F;
	_ =	sdelay $0x2  }
0x1e9: {  	v32 =	vmov s15  }
0x1ea: {  	v32 =	vshll.u32 v32, $0x3  }
0x1eb: {  	v33 =	vor.u32 v15, v32;
	v31 =	vld.idx.msk [tilespmem:v31+s5+$0x0], $0xffff  }
0x1ec: {  	v33 =	vadd.s32 v8, v33  }
0x1ed: {  	vm15 =	vlt.s32 v33, $0x3F8  }
0x1ee: {  	v33 =	vnsel vm15, $0x3F8, v33  }
0x1ef: {  	v33 =	vshll.u32 v33, $0x4  }
0x1f0: {  	v31 =	vadd.s32 v33, v31;
	_ =	sdelay $0x4  }
0x1f1: {  	v31 =	vld.idx.msk [tilespmem:v31+s9+$0x0], $0xffff  }
0x1f2: {  	v34 =	vor.u32 $0x2, v33;
	_ =	sdelay $0x3  }
0x1f3: {  	[tilespmem:s16+$0x0] =	vst v31;
	v31 =	vor.u32 $0x3800, v15  }
0x1f4: {  	v34 =	vld.idx.msk [tilespmem:v34+s9+$0x0], $0xffff;
	v31 =	vor.u32 v31, v32  }
0x1f5: {  	v62 =	vor.u32 $0x3, v33;
	_ =	sdelay $0x3  }
0x1f6: {  	[tilespmem:v31+s11+$0x0] =	vst.idx.msk $0xffff, v34  }
0x1f7: {  	v63 =	vor.u32 $0x1, v31;
	v32 =	vld.idx.msk [tilespmem:v62+s9+$0x0], $0xffff  }
0x1f8: {  	v33 =	vor.u32 $0x4, v33;
	_ =	sdelay $0x3  }
0x1f9: {  	[tilespmem:v63+s11+$0x0] =	vst.idx.msk $0xffff, v32  }
0x1fa: {  	p1 =	sne.s32 s15, $0x70;
	v31 =	vor.u32 $0x2, v31;
	v32 =	vld.idx.msk [tilespmem:v33+s9+$0x0], $0xffff  }
.Ltmp14:
0x1fb: {  	_ = 	snop;
	(pc) =	sbr.rel @p1 .LBB2_30-.Ltmp14, $2  }
0x1fc: {  	_ =	sdelay $0x2  }
0x1fd: {  	s17 =	sadd.s32 $0x10, s17;
	s15 =	sadd.s32 $0x10, s15;
	s16 =	sadd.s32 $0x10, s16;
	[tilespmem:v31+s11+$0x0] =	vst.idx.msk $0xffff, v32  }
0x1fe: {  	s15 =	simm.s32 $0x0;
	s16 =	rddreg [dreg:$0x11]  }
0x1ff: {  	[tilespmem:s9], [sflag:$0x3] =	stream.linear.gather [hbm4b:s16+s15], $0x4000, $0x38;
	[tilespmem:$0x13D80] =	vst v63  }
0x200: {  	_ =	swait.ge [sflag:s10], $0x4000  }
0x201: {  	[sflag:s10] =	ssyncset.done $0x0  }
0x202: {  	s17 =	simm.s32 $0x780;
	s16 =	simm.s32 $0xD480;
	[sflag:s10] =	ssyncadd.s32 $0xFFFFC000  }
.LBB2_32:
0x203: {  	v31 =	vld [tilespmem:s17+$0x0];
	_ =	sdelay $0x4  }
0x204: {  	vm0 =	vgt.s32 v31, $0x0  }
0x205: {  	v31 =	vnsel vm0, $0x0, v31  }
0x206: {  	v31 =	vmin.u32 v31, $0x3F;
	_ =	sdelay $0x2  }
0x207: {  	v32 =	vmov s15  }
0x208: {  	v32 =	vshll.u32 v32, $0x3  }
0x209: {  	v33 =	vor.u32 v15, v32;
	v31 =	vld.idx.msk [tilespmem:v31+s5+$0x0], $0xffff  }
0x20a: {  	v33 =	vadd.s32 v9, v33  }
0x20b: {  	vm15 =	vlt.s32 v33, $0x3F8  }
0x20c: {  	v33 =	vnsel vm15, $0x3F8, v33  }
0x20d: {  	v33 =	vshll.u32 v33, $0x4  }
0x20e: {  	v31 =	vadd.s32 v33, v31;
	_ =	sdelay $0x4  }
0x20f: {  	v31 =	vld.idx.msk [tilespmem:v31+s7+$0x0], $0xffff  }
0x210: {  	v34 =	vor.u32 $0x2, v33;
	_ =	sdelay $0x3  }
0x211: {  	[tilespmem:s16+$0x0] =	vst v31;
	v31 =	vor.u32 $0x3C00, v15  }
0x212: {  	v34 =	vld.idx.msk [tilespmem:v34+s7+$0x0], $0xffff;
	v31 =	vor.u32 v31, v32  }
0x213: {  	v62 =	vor.u32 $0x3, v33;
	_ =	sdelay $0x3  }
0x214: {  	[tilespmem:v31+s11+$0x0] =	vst.idx.msk $0xffff, v34  }
0x215: {  	v63 =	vor.u32 $0x1, v31;
	v32 =	vld.idx.msk [tilespmem:v62+s7+$0x0], $0xffff  }
0x216: {  	v33 =	vor.u32 $0x4, v33;
	_ =	sdelay $0x3  }
0x217: {  	[tilespmem:v63+s11+$0x0] =	vst.idx.msk $0xffff, v32  }
0x218: {  	p1 =	sne.s32 s15, $0x70;
	v31 =	vor.u32 $0x2, v31;
	v32 =	vld.idx.msk [tilespmem:v33+s7+$0x0], $0xffff  }
.Ltmp15:
0x219: {  	_ = 	snop;
	(pc) =	sbr.rel @p1 .LBB2_32-.Ltmp15, $2  }
0x21a: {  	_ =	sdelay $0x2  }
0x21b: {  	s17 =	sadd.s32 $0x10, s17;
	s15 =	sadd.s32 $0x10, s15;
	s16 =	sadd.s32 $0x10, s16;
	[tilespmem:v31+s11+$0x0] =	vst.idx.msk $0xffff, v32  }
0x21c: {  	s15 =	simm.s32 $0x0;
	s16 =	rddreg [dreg:$0x12]  }
0x21d: {  	[tilespmem:s7], [sflag:$0x1] =	stream.linear.gather [hbm4b:s16+s15], $0x4000, $0x38;
	[tilespmem:$0x13D80] =	vst v63  }
0x21e: {  	_ =	swait.ge [sflag:s12], $0x4000  }
0x21f: {  	[sflag:s12] =	ssyncset.done $0x0  }
0x220: {  	s17 =	simm.s32 $0x800;
	s16 =	simm.s32 $0xD500;
	[sflag:s12] =	ssyncadd.s32 $0xFFFFC000  }
.LBB2_34:
0x221: {  	v31 =	vld [tilespmem:s17+$0x0];
	_ =	sdelay $0x4  }
0x222: {  	vm0 =	vgt.s32 v31, $0x0  }
0x223: {  	v31 =	vnsel vm0, $0x0, v31  }
0x224: {  	v31 =	vmin.u32 v31, $0x3F;
	_ =	sdelay $0x2  }
0x225: {  	v32 =	vmov s15  }
0x226: {  	v32 =	vshll.u32 v32, $0x3  }
0x227: {  	v33 =	vor.u32 v15, v32;
	v31 =	vld.idx.msk [tilespmem:v31+s5+$0x0], $0xffff  }
0x228: {  	v33 =	vadd.s32 v10, v33  }
0x229: {  	vm15 =	vlt.s32 v33, $0x3F8  }
0x22a: {  	v33 =	vnsel vm15, $0x3F8, v33  }
0x22b: {  	v33 =	vshll.u32 v33, $0x4  }
0x22c: {  	v31 =	vadd.s32 v33, v31;
	_ =	sdelay $0x4  }
0x22d: {  	v31 =	vld.idx.msk [tilespmem:v31+s8+$0x0], $0xffff  }
0x22e: {  	v34 =	vor.u32 $0x2, v33;
	_ =	sdelay $0x3  }
0x22f: {  	[tilespmem:s16+$0x0] =	vst v31;
	v31 =	vor.u32 $0x4000, v15  }
0x230: {  	v34 =	vld.idx.msk [tilespmem:v34+s8+$0x0], $0xffff;
	v31 =	vor.u32 v31, v32  }
0x231: {  	v62 =	vor.u32 $0x3, v33;
	_ =	sdelay $0x3  }
0x232: {  	[tilespmem:v31+s11+$0x0] =	vst.idx.msk $0xffff, v34  }
0x233: {  	v63 =	vor.u32 $0x1, v31;
	v32 =	vld.idx.msk [tilespmem:v62+s8+$0x0], $0xffff  }
0x234: {  	v33 =	vor.u32 $0x4, v33;
	_ =	sdelay $0x3  }
0x235: {  	[tilespmem:v63+s11+$0x0] =	vst.idx.msk $0xffff, v32  }
0x236: {  	p1 =	sne.s32 s15, $0x70;
	v31 =	vor.u32 $0x2, v31;
	v32 =	vld.idx.msk [tilespmem:v33+s8+$0x0], $0xffff  }
.Ltmp16:
0x237: {  	_ = 	snop;
	(pc) =	sbr.rel @p1 .LBB2_34-.Ltmp16, $2  }
0x238: {  	_ =	sdelay $0x2  }
0x239: {  	s17 =	sadd.s32 $0x10, s17;
	s15 =	sadd.s32 $0x10, s15;
	s16 =	sadd.s32 $0x10, s16;
	[tilespmem:v31+s11+$0x0] =	vst.idx.msk $0xffff, v32  }
0x23a: {  	s15 =	simm.s32 $0x0;
	s16 =	rddreg [dreg:$0x13]  }
0x23b: {  	[tilespmem:s8], [sflag:$0x2] =	stream.linear.gather [hbm4b:s16+s15], $0x4000, $0x38;
	[tilespmem:$0x13D80] =	vst v63  }
0x23c: {  	_ =	swait.ge [sflag:s13], $0x4000  }
0x23d: {  	[sflag:s13] =	ssyncset.done $0x0  }
0x23e: {  	s17 =	simm.s32 $0x880;
	s16 =	simm.s32 $0xD580;
	[sflag:s13] =	ssyncadd.s32 $0xFFFFC000  }
.LBB2_36:
0x23f: {  	v31 =	vld [tilespmem:s17+$0x0];
	_ =	sdelay $0x4  }
0x240: {  	vm0 =	vgt.s32 v31, $0x0  }
0x241: {  	v31 =	vnsel vm0, $0x0, v31  }
0x242: {  	v31 =	vmin.u32 v31, $0x3F;
	_ =	sdelay $0x2  }
0x243: {  	v32 =	vmov s15  }
0x244: {  	v32 =	vshll.u32 v32, $0x3  }
0x245: {  	v33 =	vor.u32 v15, v32;
	v31 =	vld.idx.msk [tilespmem:v31+s5+$0x0], $0xffff  }
0x246: {  	v33 =	vadd.s32 v11, v33  }
0x247: {  	vm15 =	vlt.s32 v33, $0x3F8  }
0x248: {  	v33 =	vnsel vm15, $0x3F8, v33  }
0x249: {  	v33 =	vshll.u32 v33, $0x4  }
0x24a: {  	v31 =	vadd.s32 v33, v31;
	_ =	sdelay $0x4  }
0x24b: {  	v31 =	vld.idx.msk [tilespmem:v31+s9+$0x0], $0xffff  }
0x24c: {  	v34 =	vor.u32 $0x2, v33;
	_ =	sdelay $0x3  }
0x24d: {  	[tilespmem:s16+$0x0] =	vst v31;
	v31 =	vor.u32 $0x4400, v15  }
0x24e: {  	v34 =	vld.idx.msk [tilespmem:v34+s9+$0x0], $0xffff;
	v31 =	vor.u32 v31, v32  }
0x24f: {  	v62 =	vor.u32 $0x3, v33;
	_ =	sdelay $0x3  }
0x250: {  	[tilespmem:v31+s11+$0x0] =	vst.idx.msk $0xffff, v34  }
0x251: {  	v63 =	vor.u32 $0x1, v31;
	v32 =	vld.idx.msk [tilespmem:v62+s9+$0x0], $0xffff  }
0x252: {  	v33 =	vor.u32 $0x4, v33;
	_ =	sdelay $0x3  }
0x253: {  	[tilespmem:v63+s11+$0x0] =	vst.idx.msk $0xffff, v32  }
0x254: {  	p1 =	sne.s32 s15, $0x70;
	v31 =	vor.u32 $0x2, v31;
	v32 =	vld.idx.msk [tilespmem:v33+s9+$0x0], $0xffff  }
.Ltmp17:
0x255: {  	_ = 	snop;
	(pc) =	sbr.rel @p1 .LBB2_36-.Ltmp17, $2  }
0x256: {  	_ =	sdelay $0x2  }
0x257: {  	s17 =	sadd.s32 $0x10, s17;
	s15 =	sadd.s32 $0x10, s15;
	s16 =	sadd.s32 $0x10, s16;
	[tilespmem:v31+s11+$0x0] =	vst.idx.msk $0xffff, v32  }
0x258: {  	s15 =	simm.s32 $0x0;
	s16 =	rddreg [dreg:$0x14]  }
0x259: {  	[tilespmem:s9], [sflag:$0x3] =	stream.linear.gather [hbm4b:s16+s15], $0x4000, $0x38;
	[tilespmem:$0x13D80] =	vst v63  }
0x25a: {  	_ =	swait.ge [sflag:s10], $0x4000  }
0x25b: {  	[sflag:s10] =	ssyncset.done $0x0  }
0x25c: {  	s17 =	simm.s32 $0x900;
	s16 =	simm.s32 $0xD600;
	[sflag:s10] =	ssyncadd.s32 $0xFFFFC000  }
.LBB2_38:
0x25d: {  	v31 =	vld [tilespmem:s17+$0x0];
	_ =	sdelay $0x4  }
0x25e: {  	vm0 =	vgt.s32 v31, $0x0  }
0x25f: {  	v31 =	vnsel vm0, $0x0, v31  }
0x260: {  	v31 =	vmin.u32 v31, $0x3F;
	_ =	sdelay $0x2  }
0x261: {  	v32 =	vmov s15  }
0x262: {  	v32 =	vshll.u32 v32, $0x3  }
0x263: {  	v33 =	vor.u32 v15, v32;
	v31 =	vld.idx.msk [tilespmem:v31+s5+$0x0], $0xffff  }
0x264: {  	v33 =	vadd.s32 v12, v33  }
0x265: {  	vm15 =	vlt.s32 v33, $0x3F8  }
0x266: {  	v33 =	vnsel vm15, $0x3F8, v33  }
0x267: {  	v33 =	vshll.u32 v33, $0x4  }
0x268: {  	v31 =	vadd.s32 v33, v31;
	_ =	sdelay $0x4  }
0x269: {  	v31 =	vld.idx.msk [tilespmem:v31+s7+$0x0], $0xffff  }
0x26a: {  	v34 =	vor.u32 $0x2, v33;
	_ =	sdelay $0x3  }
0x26b: {  	[tilespmem:s16+$0x0] =	vst v31;
	v31 =	vor.u32 $0x4800, v15  }
0x26c: {  	v34 =	vld.idx.msk [tilespmem:v34+s7+$0x0], $0xffff;
	v31 =	vor.u32 v31, v32  }
0x26d: {  	v62 =	vor.u32 $0x3, v33;
	_ =	sdelay $0x3  }
0x26e: {  	[tilespmem:v31+s11+$0x0] =	vst.idx.msk $0xffff, v34  }
0x26f: {  	v63 =	vor.u32 $0x1, v31;
	v32 =	vld.idx.msk [tilespmem:v62+s7+$0x0], $0xffff  }
0x270: {  	v33 =	vor.u32 $0x4, v33;
	_ =	sdelay $0x3  }
0x271: {  	[tilespmem:v63+s11+$0x0] =	vst.idx.msk $0xffff, v32  }
0x272: {  	p1 =	sne.s32 s15, $0x70;
	v31 =	vor.u32 $0x2, v31;
	v32 =	vld.idx.msk [tilespmem:v33+s7+$0x0], $0xffff  }
.Ltmp18:
0x273: {  	_ = 	snop;
	(pc) =	sbr.rel @p1 .LBB2_38-.Ltmp18, $2  }
0x274: {  	_ =	sdelay $0x2  }
0x275: {  	s17 =	sadd.s32 $0x10, s17;
	s15 =	sadd.s32 $0x10, s15;
	s16 =	sadd.s32 $0x10, s16;
	[tilespmem:v31+s11+$0x0] =	vst.idx.msk $0xffff, v32  }
0x276: {  	s15 =	simm.s32 $0x0  }
0x277: {  	[tilespmem:s7], [sflag:$0x1] =	stream.linear.gather [hbm4b:s18+s15], $0x4000, $0x38;
	[tilespmem:$0x13D80] =	vst v63  }
0x278: {  	_ =	swait.ge [sflag:s12], $0x4000  }
0x279: {  	[sflag:s12] =	ssyncset.done $0x0  }
0x27a: {  	s16 =	simm.s32 $0xD680;
	s17 =	simm.s32 $0x980;
	[sflag:s12] =	ssyncadd.s32 $0xFFFFC000  }
.LBB2_40:
0x27b: {  	v31 =	vld [tilespmem:s17+$0x0];
	_ =	sdelay $0x4  }
0x27c: {  	vm0 =	vgt.s32 v31, $0x0  }
0x27d: {  	v31 =	vnsel vm0, $0x0, v31  }
0x27e: {  	v31 =	vmin.u32 v31, $0x3F;
	_ =	sdelay $0x2  }
0x27f: {  	v32 =	vmov s15  }
0x280: {  	v32 =	vshll.u32 v32, $0x3  }
0x281: {  	v33 =	vor.u32 v15, v32;
	v31 =	vld.idx.msk [tilespmem:v31+s5+$0x0], $0xffff  }
0x282: {  	v33 =	vadd.s32 v13, v33  }
0x283: {  	vm15 =	vlt.s32 v33, $0x3F8  }
0x284: {  	v33 =	vnsel vm15, $0x3F8, v33  }
0x285: {  	v33 =	vshll.u32 v33, $0x4  }
0x286: {  	v31 =	vadd.s32 v33, v31;
	_ =	sdelay $0x4  }
0x287: {  	v31 =	vld.idx.msk [tilespmem:v31+s8+$0x0], $0xffff  }
0x288: {  	v34 =	vor.u32 $0x2, v33;
	_ =	sdelay $0x3  }
0x289: {  	[tilespmem:s16+$0x0] =	vst v31;
	v31 =	vor.u32 $0x4C00, v15  }
0x28a: {  	v34 =	vld.idx.msk [tilespmem:v34+s8+$0x0], $0xffff;
	v31 =	vor.u32 v31, v32  }
0x28b: {  	v62 =	vor.u32 $0x3, v33;
	_ =	sdelay $0x3  }
0x28c: {  	[tilespmem:v31+s11+$0x0] =	vst.idx.msk $0xffff, v34  }
0x28d: {  	v63 =	vor.u32 $0x1, v31;
	v32 =	vld.idx.msk [tilespmem:v62+s8+$0x0], $0xffff  }
0x28e: {  	v33 =	vor.u32 $0x4, v33;
	_ =	sdelay $0x3  }
0x28f: {  	[tilespmem:v63+s11+$0x0] =	vst.idx.msk $0xffff, v32  }
0x290: {  	p1 =	sne.s32 s15, $0x70;
	v31 =	vor.u32 $0x2, v31;
	v32 =	vld.idx.msk [tilespmem:v33+s8+$0x0], $0xffff  }
.Ltmp19:
0x291: {  	_ = 	snop;
	(pc) =	sbr.rel @p1 .LBB2_40-.Ltmp19, $2  }
0x292: {  	_ =	sdelay $0x2  }
0x293: {  	s17 =	sadd.s32 $0x10, s17;
	s15 =	sadd.s32 $0x10, s15;
	s16 =	sadd.s32 $0x10, s16;
	[tilespmem:v31+s11+$0x0] =	vst.idx.msk $0xffff, v32  }
0x294: {  	s15 =	simm.s32 $0x0  }
0x295: {  	[tilespmem:s8], [sflag:$0x2] =	stream.linear.gather [hbm4b:s19+s15], $0x4000, $0x38;
	[tilespmem:$0x13D80] =	vst v63  }
0x296: {  	_ =	swait.ge [sflag:s13], $0x4000  }
0x297: {  	[sflag:s13] =	ssyncset.done $0x0  }
0x298: {  	s16 =	simm.s32 $0xD700;
	s17 =	simm.s32 $0xA00;
	[sflag:s13] =	ssyncadd.s32 $0xFFFFC000  }
.LBB2_42:
0x299: {  	v31 =	vld [tilespmem:s17+$0x0];
	_ =	sdelay $0x4  }
0x29a: {  	vm0 =	vgt.s32 v31, $0x0  }
0x29b: {  	v31 =	vnsel vm0, $0x0, v31  }
0x29c: {  	v31 =	vmin.u32 v31, $0x3F;
	_ =	sdelay $0x2  }
0x29d: {  	v32 =	vmov s15  }
0x29e: {  	v32 =	vshll.u32 v32, $0x3  }
0x29f: {  	v33 =	vor.u32 v15, v32;
	v31 =	vld.idx.msk [tilespmem:v31+s5+$0x0], $0xffff  }
0x2a0: {  	v33 =	vadd.s32 v14, v33  }
0x2a1: {  	vm15 =	vlt.s32 v33, $0x3F8  }
0x2a2: {  	v33 =	vnsel vm15, $0x3F8, v33  }
0x2a3: {  	v33 =	vshll.u32 v33, $0x4  }
0x2a4: {  	v31 =	vadd.s32 v33, v31;
	_ =	sdelay $0x4  }
0x2a5: {  	v31 =	vld.idx.msk [tilespmem:v31+s9+$0x0], $0xffff  }
0x2a6: {  	v34 =	vor.u32 $0x2, v33;
	_ =	sdelay $0x3  }
0x2a7: {  	[tilespmem:s16+$0x0] =	vst v31;
	v31 =	vor.u32 $0x5000, v15  }
0x2a8: {  	v34 =	vld.idx.msk [tilespmem:v34+s9+$0x0], $0xffff;
	v31 =	vor.u32 v31, v32  }
0x2a9: {  	v62 =	vor.u32 $0x3, v33;
	_ =	sdelay $0x3  }
0x2aa: {  	[tilespmem:v31+s11+$0x0] =	vst.idx.msk $0xffff, v34  }
0x2ab: {  	v63 =	vor.u32 $0x1, v31;
	v32 =	vld.idx.msk [tilespmem:v62+s9+$0x0], $0xffff  }
0x2ac: {  	v33 =	vor.u32 $0x4, v33;
	_ =	sdelay $0x3  }
0x2ad: {  	[tilespmem:v63+s11+$0x0] =	vst.idx.msk $0xffff, v32  }
0x2ae: {  	p1 =	sne.s32 s15, $0x70;
	v31 =	vor.u32 $0x2, v31;
	v32 =	vld.idx.msk [tilespmem:v33+s9+$0x0], $0xffff  }
.Ltmp20:
0x2af: {  	_ = 	snop;
	(pc) =	sbr.rel @p1 .LBB2_42-.Ltmp20, $2  }
0x2b0: {  	_ =	sdelay $0x2  }
0x2b1: {  	s17 =	sadd.s32 $0x10, s17;
	s15 =	sadd.s32 $0x10, s15;
	s16 =	sadd.s32 $0x10, s16;
	[tilespmem:v31+s11+$0x0] =	vst.idx.msk $0xffff, v32  }
0x2b2: {  	s15 =	simm.s32 $0x0  }
0x2b3: {  	[tilespmem:s9], [sflag:$0x3] =	stream.linear.gather [hbm4b:s20+s15], $0x4000, $0x38;
	[tilespmem:$0x13D80] =	vst v63  }
0x2b4: {  	_ =	swait.ge [sflag:s10], $0x4000  }
0x2b5: {  	[sflag:s10] =	ssyncset.done $0x0  }
0x2b6: {  	s16 =	simm.s32 $0xD780;
	s17 =	simm.s32 $0xA80;
	[sflag:s10] =	ssyncadd.s32 $0xFFFFC000  }
.LBB2_44:
0x2b7: {  	v31 =	vld [tilespmem:s17+$0x0];
	_ =	sdelay $0x4  }
0x2b8: {  	vm0 =	vgt.s32 v31, $0x0  }
0x2b9: {  	v31 =	vnsel vm0, $0x0, v31  }
0x2ba: {  	v31 =	vmin.u32 v31, $0x3F;
	_ =	sdelay $0x2  }
0x2bb: {  	v32 =	vmov s15  }
0x2bc: {  	v32 =	vshll.u32 v32, $0x3  }
0x2bd: {  	v33 =	vor.u32 v15, v32;
	v31 =	vld.idx.msk [tilespmem:v31+s5+$0x0], $0xffff  }
0x2be: {  	v33 =	vadd.s32 v16, v33  }
0x2bf: {  	vm15 =	vlt.s32 v33, $0x3F8  }
0x2c0: {  	v33 =	vnsel vm15, $0x3F8, v33  }
0x2c1: {  	v33 =	vshll.u32 v33, $0x4  }
0x2c2: {  	v31 =	vadd.s32 v33, v31;
	_ =	sdelay $0x4  }
0x2c3: {  	v31 =	vld.idx.msk [tilespmem:v31+s7+$0x0], $0xffff  }
0x2c4: {  	v34 =	vor.u32 $0x2, v33;
	_ =	sdelay $0x3  }
0x2c5: {  	[tilespmem:s16+$0x0] =	vst v31;
	v31 =	vor.u32 $0x5400, v15  }
0x2c6: {  	v34 =	vld.idx.msk [tilespmem:v34+s7+$0x0], $0xffff;
	v31 =	vor.u32 v31, v32  }
0x2c7: {  	v62 =	vor.u32 $0x3, v33;
	_ =	sdelay $0x3  }
0x2c8: {  	[tilespmem:v31+s11+$0x0] =	vst.idx.msk $0xffff, v34  }
0x2c9: {  	v63 =	vor.u32 $0x1, v31;
	v32 =	vld.idx.msk [tilespmem:v62+s7+$0x0], $0xffff  }
0x2ca: {  	v33 =	vor.u32 $0x4, v33;
	_ =	sdelay $0x3  }
0x2cb: {  	[tilespmem:v63+s11+$0x0] =	vst.idx.msk $0xffff, v32  }
0x2cc: {  	p1 =	sne.s32 s15, $0x70;
	v31 =	vor.u32 $0x2, v31;
	v32 =	vld.idx.msk [tilespmem:v33+s7+$0x0], $0xffff  }
.Ltmp21:
0x2cd: {  	_ = 	snop;
	(pc) =	sbr.rel @p1 .LBB2_44-.Ltmp21, $2  }
0x2ce: {  	_ =	sdelay $0x2  }
0x2cf: {  	s17 =	sadd.s32 $0x10, s17;
	s15 =	sadd.s32 $0x10, s15;
	s16 =	sadd.s32 $0x10, s16;
	[tilespmem:v31+s11+$0x0] =	vst.idx.msk $0xffff, v32  }
0x2d0: {  	s15 =	simm.s32 $0x0  }
0x2d1: {  	[tilespmem:s7], [sflag:$0x1] =	stream.linear.gather [hbm4b:s21+s15], $0x4000, $0x38;
	[tilespmem:$0x13D80] =	vst v63  }
0x2d2: {  	_ =	swait.ge [sflag:s12], $0x4000  }
0x2d3: {  	[sflag:s12] =	ssyncset.done $0x0  }
0x2d4: {  	s16 =	simm.s32 $0xD800;
	s17 =	simm.s32 $0xB00;
	[sflag:s12] =	ssyncadd.s32 $0xFFFFC000  }
.LBB2_46:
0x2d5: {  	v31 =	vld [tilespmem:s17+$0x0];
	_ =	sdelay $0x4  }
0x2d6: {  	vm0 =	vgt.s32 v31, $0x0  }
0x2d7: {  	v31 =	vnsel vm0, $0x0, v31  }
0x2d8: {  	v31 =	vmin.u32 v31, $0x3F;
	_ =	sdelay $0x2  }
0x2d9: {  	v32 =	vmov s15  }
0x2da: {  	v32 =	vshll.u32 v32, $0x3  }
0x2db: {  	v33 =	vor.u32 v15, v32;
	v31 =	vld.idx.msk [tilespmem:v31+s5+$0x0], $0xffff  }
0x2dc: {  	v33 =	vadd.s32 v17, v33  }
0x2dd: {  	vm15 =	vlt.s32 v33, $0x3F8  }
0x2de: {  	v33 =	vnsel vm15, $0x3F8, v33  }
0x2df: {  	v33 =	vshll.u32 v33, $0x4  }
0x2e0: {  	v31 =	vadd.s32 v33, v31;
	_ =	sdelay $0x4  }
0x2e1: {  	v31 =	vld.idx.msk [tilespmem:v31+s8+$0x0], $0xffff  }
0x2e2: {  	v34 =	vor.u32 $0x2, v33;
	_ =	sdelay $0x3  }
0x2e3: {  	[tilespmem:s16+$0x0] =	vst v31;
	v31 =	vor.u32 $0x5800, v15  }
0x2e4: {  	v34 =	vld.idx.msk [tilespmem:v34+s8+$0x0], $0xffff;
	v31 =	vor.u32 v31, v32  }
0x2e5: {  	v62 =	vor.u32 $0x3, v33;
	_ =	sdelay $0x3  }
0x2e6: {  	[tilespmem:v31+s11+$0x0] =	vst.idx.msk $0xffff, v34  }
0x2e7: {  	v63 =	vor.u32 $0x1, v31;
	v32 =	vld.idx.msk [tilespmem:v62+s8+$0x0], $0xffff  }
0x2e8: {  	v33 =	vor.u32 $0x4, v33;
	_ =	sdelay $0x3  }
0x2e9: {  	[tilespmem:v63+s11+$0x0] =	vst.idx.msk $0xffff, v32  }
0x2ea: {  	p1 =	sne.s32 s15, $0x70;
	v31 =	vor.u32 $0x2, v31;
	v32 =	vld.idx.msk [tilespmem:v33+s8+$0x0], $0xffff  }
.Ltmp22:
0x2eb: {  	_ = 	snop;
	(pc) =	sbr.rel @p1 .LBB2_46-.Ltmp22, $2  }
0x2ec: {  	_ =	sdelay $0x2  }
0x2ed: {  	s17 =	sadd.s32 $0x10, s17;
	s15 =	sadd.s32 $0x10, s15;
	s16 =	sadd.s32 $0x10, s16;
	[tilespmem:v31+s11+$0x0] =	vst.idx.msk $0xffff, v32  }
0x2ee: {  	_ =	swait.ge [sflag:s13], $0x4000  }
0x2ef: {  	s15 =	simm.s32 $0x0;
	[sflag:s13] =	ssyncset.done $0x0  }
0x2f0: {  	s16 =	simm.s32 $0xD880;
	s17 =	simm.s32 $0xB80;
	[sflag:s13] =	ssyncadd.s32 $0xFFFFC000  }
.LBB2_48:
0x2f1: {  	v31 =	vld [tilespmem:s17+$0x0];
	_ =	sdelay $0x4  }
0x2f2: {  	vm0 =	vgt.s32 v31, $0x0  }
0x2f3: {  	v31 =	vnsel vm0, $0x0, v31  }
0x2f4: {  	v31 =	vmin.u32 v31, $0x3F;
	_ =	sdelay $0x2  }
0x2f5: {  	v32 =	vmov s15  }
0x2f6: {  	v32 =	vshll.u32 v32, $0x3  }
0x2f7: {  	v33 =	vor.u32 v15, v32;
	v31 =	vld.idx.msk [tilespmem:v31+s5+$0x0], $0xffff  }
0x2f8: {  	v33 =	vadd.s32 v18, v33  }
0x2f9: {  	vm15 =	vlt.s32 v33, $0x3F8  }
0x2fa: {  	v33 =	vnsel vm15, $0x3F8, v33  }
0x2fb: {  	v33 =	vshll.u32 v33, $0x4  }
0x2fc: {  	v31 =	vadd.s32 v33, v31;
	_ =	sdelay $0x4  }
0x2fd: {  	v31 =	vld.idx.msk [tilespmem:v31+s9+$0x0], $0xffff  }
0x2fe: {  	v34 =	vor.u32 $0x2, v33;
	_ =	sdelay $0x3  }
0x2ff: {  	[tilespmem:s16+$0x0] =	vst v31;
	v31 =	vor.u32 $0x5C00, v15  }
0x300: {  	v34 =	vld.idx.msk [tilespmem:v34+s9+$0x0], $0xffff;
	v31 =	vor.u32 v31, v32  }
0x301: {  	v62 =	vor.u32 $0x3, v33;
	_ =	sdelay $0x3  }
0x302: {  	[tilespmem:v31+s11+$0x0] =	vst.idx.msk $0xffff, v34  }
0x303: {  	v63 =	vor.u32 $0x1, v31;
	v32 =	vld.idx.msk [tilespmem:v62+s9+$0x0], $0xffff  }
0x304: {  	v33 =	vor.u32 $0x4, v33;
	_ =	sdelay $0x3  }
0x305: {  	[tilespmem:v63+s11+$0x0] =	vst.idx.msk $0xffff, v32  }
0x306: {  	p1 =	sne.s32 s15, $0x70;
	v31 =	vor.u32 $0x2, v31;
	v32 =	vld.idx.msk [tilespmem:v33+s9+$0x0], $0xffff  }
.Ltmp23:
0x307: {  	_ = 	snop;
	(pc) =	sbr.rel @p1 .LBB2_48-.Ltmp23, $2  }
0x308: {  	_ =	sdelay $0x2  }
0x309: {  	s17 =	sadd.s32 $0x10, s17;
	s15 =	sadd.s32 $0x10, s15;
	s16 =	sadd.s32 $0x10, s16;
	[tilespmem:v31+s11+$0x0] =	vst.idx.msk $0xffff, v32  }
0x30a: {  	_ =	swait.ge [sflag:s10], $0x4000  }
0x30b: {  	s15 =	simm.s32 $0x0;
	[sflag:s10] =	ssyncset.done $0x0  }
0x30c: {  	s16 =	simm.s32 $0xD900;
	s17 =	simm.s32 $0xC00;
	[sflag:s10] =	ssyncadd.s32 $0xFFFFC000  }
.LBB2_50:
0x30d: {  	v31 =	vld [tilespmem:s17+$0x0];
	_ =	sdelay $0x4  }
0x30e: {  	vm0 =	vgt.s32 v31, $0x0  }
0x30f: {  	v31 =	vnsel vm0, $0x0, v31  }
0x310: {  	v31 =	vmin.u32 v31, $0x3F;
	_ =	sdelay $0x2  }
0x311: {  	v32 =	vmov s15  }
0x312: {  	v32 =	vshll.u32 v32, $0x3  }
0x313: {  	v33 =	vor.u32 v15, v32;
	v31 =	vld.idx.msk [tilespmem:v31+s5+$0x0], $0xffff  }
0x314: {  	v33 =	vadd.s32 v19, v33  }
0x315: {  	vm15 =	vlt.s32 v33, $0x3F8  }
0x316: {  	v33 =	vnsel vm15, $0x3F8, v33  }
0x317: {  	v33 =	vshll.u32 v33, $0x4  }
0x318: {  	v31 =	vadd.s32 v33, v31;
	_ =	sdelay $0x4  }
0x319: {  	v31 =	vld.idx.msk [tilespmem:v31+s7+$0x0], $0xffff  }
0x31a: {  	v34 =	vor.u32 $0x2, v33;
	_ =	sdelay $0x3  }
0x31b: {  	[tilespmem:s16+$0x0] =	vst v31;
	v31 =	vor.u32 $0x6000, v15  }
0x31c: {  	v34 =	vld.idx.msk [tilespmem:v34+s7+$0x0], $0xffff;
	v31 =	vor.u32 v31, v32  }
0x31d: {  	v62 =	vor.u32 $0x3, v33;
	_ =	sdelay $0x3  }
0x31e: {  	[tilespmem:v31+s11+$0x0] =	vst.idx.msk $0xffff, v34  }
0x31f: {  	v63 =	vor.u32 $0x1, v31;
	v32 =	vld.idx.msk [tilespmem:v62+s7+$0x0], $0xffff  }
0x320: {  	v33 =	vor.u32 $0x4, v33;
	_ =	sdelay $0x3  }
0x321: {  	[tilespmem:v63+s11+$0x0] =	vst.idx.msk $0xffff, v32  }
0x322: {  	p1 =	sne.s32 s15, $0x70;
	v31 =	vor.u32 $0x2, v31;
	v32 =	vld.idx.msk [tilespmem:v33+s7+$0x0], $0xffff  }
.Ltmp24:
0x323: {  	_ = 	snop;
	(pc) =	sbr.rel @p1 .LBB2_50-.Ltmp24, $2  }
0x324: {  	_ =	sdelay $0x2  }
0x325: {  	s17 =	sadd.s32 $0x10, s17;
	s15 =	sadd.s32 $0x10, s15;
	s16 =	sadd.s32 $0x10, s16;
	[tilespmem:v31+s11+$0x0] =	vst.idx.msk $0xffff, v32  }
0x326: {  	s15 =	simm.s32 @p0 $0x0;
	s16 =	simm.s32 @p0 $0xCD00  }
0x327: {  	[hbm4b:s29+s15] =	stream.linear.scatter @p0 [tilespmem:s16], [sflag:$0x4], $0x320, $0x38;
	[tilespmem:$0x13D80] =	vst v63  }
0x328: {  	s16 =	simm.s32 @p0 $0x4  }
0x329: {  	_ =	swait.ge @p0 [sflag:s16], $0x320  }
0x32a: {  	[sflag:s16] =	ssyncset.done @p0 $0x0  }
0x32b: {  	s17 =	simm.s32 @p0 $0xD980;
	[sflag:s16] =	ssyncadd.s32 @p0 $0xFFFFFCE0  }
0x32c: {  	[hbm4b:s30+s15] =	stream.linear.scatter @p0 [tilespmem:s17], [sflag:$0x4], $0x1900, $0x38;
	[tilespmem:$0x13D80] =	vst v63  }
0x32d: {  	_ =	swait.ge @p0 [sflag:s16], $0x1900  }
0x32e: {  	[sflag:s16] =	ssyncset.done @p0 $0x0  }
0x32f: {  	s15 =	simm.s32 @!p0 $0x0;
	[sflag:s16] =	ssyncadd.s32 @p0 $0xFFFFE700;
	s16 =	simm.s32 @!p0 $0xCD00  }
0x330: {  	[hbm4b:s26+s15] =	stream.linear.scatter @!p0 [tilespmem:s16], [sflag:$0x4], $0xC80, $0x38;
	[tilespmem:$0x13D80] =	vst v63  }
0x331: {  	s16 =	simm.s32 @!p0 $0x4  }
0x332: {  	s14 =	sadd.s32 $0x1, s14;
	_ =	swait.ge @!p0 [sflag:s16], $0xC80  }
0x333: {  	p1 =	sne.s32 s14, s31;
	[sflag:s16] =	ssyncset.done @!p0 $0x0  }
.Ltmp25:
0x334: {  	s17 =	simm.s32 @!p0 $0xD980;
	[sflag:s16] =	ssyncadd.s32 @!p0 $0xFFFFF380;
	(pc) =	sbr.rel @p1 .LBB2_1-.Ltmp25, $4  }
0x335: {  	[hbm4b:s28+s15] =	stream.linear.scatter @!p0 [tilespmem:s17], [sflag:$0x4], $0x6400, $0x38;
	[tilespmem:$0x13D80] =	vst v63  }
0x336: {  	_ =	swait.ge @!p0 [sflag:s16], $0x6400  }
0x337: {  	[sflag:s16] =	ssyncset.done @!p0 $0x0  }
0x338: {  	[sflag:s16] =	ssyncadd.s32 @!p0 $0xFFFF9C00  }
0x339: {  	_ =	sfence.sel $0x180000  }
0x33a: {  	[bflag:$0x0] =	sbarrier.arrive $0xFFFF  }
0x33b: {  	_ =	strace $0x90000047  }
0x33c: {  	s0 =	stileid.u32;
	[bflag:$0x2] =	sbarrier.arrive $0xFFFF  }
0x33d: {  	p0 =	sne.s32 s0, $0x0;
	s0 =	rddreg [dreg:$0x5]  }
0x33e: {  	s0 =	sadd.s32 @!p0 $0x100000, s0  }
0x33f: {  	[sflag:s0] =	ssyncadd.tile.s32 @!p0 $0x1;
	_ =	shalt  }
.Lfunc_end2:
_tile_overlayer_lowered:
.L_overlay_start_2:
0x340: {  	(tag) =	ssettag $0x2  }
0x341: {  	s0 =	rddreg [dreg:$0x0];
	s2 =	stileid.u32  }
0x342: {  	s1 =	rddreg [dreg:$0x1];
	p0 =	sne.s32 s2, $0x0  }
0x343: {  	s3 =	rddreg [dreg:$0x2];
	[bflag:$0x3] =	sbarrier.arrive $0xFFFF;
	s2 =	simm.s32 @!p0 $0x1C04  }
0x344: {  	[timem:s3], [sflag:s2] =	dma.local @!p0 [hbm:s0], s1  }
0x345: {  	s0 =	simm.s32 @!p0 $0x4  }
0x346: {  	_ =	swait.ge @!p0 [sflag:s0], s1  }
0x347: {  	s1 =	ssub.s32 @!p0 $0x0, s1;
	[sflag:s0] =	ssyncset.done @!p0 $0x0  }
0x348: {  	[sflag:s0] =	ssyncadd.s32 @!p0 s1  }
0x349: {  	[bflag:$0x3] =	sbarrier.arrive $0xFFFF  }
0x34a: {  	_ =	shalt  }

</sc_bundles>
